<compile_context>
chip_gen: v7x
topology: tpu7x:2x2x1
jax: 0.10.2.dev20260603
libtpu: 0.0.44.dev20260713+nightly
codegen_flags: <defaults>
</compile_context>

<pallas_src>
import functools

import jax
import jax.numpy as jnp
from jax import lax
from jax.experimental import pallas as pl
from jax.experimental.pallas import tpu as pltpu
from jax.experimental.pallas import tpu_sc as plsc

N = 10000
NP = 10240
E = 320000
D = 128
DE = 16

NC = 2
NS = 16
NW = NC * NS
EPW = E // NW
CH = 40
NCHUNK = EPW // CH
ROWS_PER_SUB = NP // NS
ZROWS = 32



def _p_body(x_ref, w_ref, o_ref):
    o_ref[...] = jnp.dot(x_ref[...], w_ref[...],
                         preferred_element_type=jnp.float32)


def _q_body(e_ref, w_ref, b_ref, o_ref):
    o_ref[...] = lax.dot_general(
        e_ref[...], w_ref[...],
        dimension_numbers=(((0,), (0,)), ((), ())),
        preferred_element_type=jnp.float32) + b_ref[...]


def _edge_out_body(e_ref, dep_ref, o_ref):
    o_ref[...] = e_ref[...]


def _upd_body(x_ref, agg_ref, w1_ref, w2_ref, b_ref, o_ref):
    agg = agg_ref[0] + agg_ref[1]
    o_ref[...] = (
        jnp.dot(x_ref[...], w1_ref[...], preferred_element_type=jnp.float32)
        + jnp.dot(agg, w2_ref[...], preferred_element_type=jnp.float32)
        + b_ref[...]
    )


def _compute_p(node_latents, w1):
    blk = 2000
    return pl.pallas_call(
        _p_body,
        grid=(N // blk,),
        in_specs=[
            pl.BlockSpec((blk, D), lambda i: (i, 0)),
            pl.BlockSpec((D, D), lambda i: (0, 0)),
        ],
        out_specs=pl.BlockSpec((blk, D), lambda i: (i, 0)),
        out_shape=jax.ShapeDtypeStruct((NP, D), jnp.float32),
    )(node_latents, w1)


def _compute_q(edge_latents, w2, b_msg):
    blk = 16000
    return pl.pallas_call(
        _q_body,
        grid=(E // blk,),
        in_specs=[
            pl.BlockSpec((DE, blk), lambda i: (0, i)),
            pl.BlockSpec((DE, D), lambda i: (0, 0)),
            pl.BlockSpec((1, D), lambda i: (0, 0)),
        ],
        out_specs=pl.BlockSpec((blk, D), lambda i: (i, 0)),
        out_shape=jax.ShapeDtypeStruct((E, D), jnp.float32),
    )(edge_latents.T.astype(jnp.bfloat16), w2.astype(jnp.bfloat16),
      b_msg.reshape(1, D))


def _edge_passthrough(edge_latents, agg_partials):
    blk = 16000
    return pl.pallas_call(
        _edge_out_body,
        grid=(E // blk,),
        in_specs=[
            pl.BlockSpec((blk, DE), lambda i: (i, 0)),
            pl.BlockSpec((1, 8, D), lambda i: (0, 0, 0)),
        ],
        out_specs=pl.BlockSpec((blk, DE), lambda i: (i, 0)),
        out_shape=jax.ShapeDtypeStruct((E, DE), jnp.float32),
    )(edge_latents, agg_partials)


def _compute_update(node_latents, agg_partials, wu1, wu2, b_upd):
    blk = 2000
    return pl.pallas_call(
        _upd_body,
        grid=(N // blk,),
        in_specs=[
            pl.BlockSpec((blk, D), lambda i: (i, 0)),
            pl.BlockSpec((NC, blk, D), lambda i: (0, i, 0)),
            pl.BlockSpec((D, D), lambda i: (0, 0)),
            pl.BlockSpec((D, D), lambda i: (0, 0)),
            pl.BlockSpec((1, D), lambda i: (0, 0)),
        ],
        out_specs=pl.BlockSpec((blk, D), lambda i: (i, 0)),
        out_shape=jax.ShapeDtypeStruct((N, D), jnp.float32),
    )(node_latents, agg_partials, wu1, wu2, b_upd.reshape(1, D))



NSLOT = 4


def _sc_body(p_hbm, q_hbm, send_hbm, recv_hbm, out_hbm, *refs):
    sidxs = refs[0:NSLOT]
    ridxs = refs[NSLOT:2 * NSLOT]
    prows = refs[2 * NSLOT:3 * NSLOT]
    qrows = refs[3 * NSLOT:4 * NSLOT]
    zbuf = refs[4 * NSLOT]
    agg_sh = refs[4 * NSLOT + 1]
    semi = refs[4 * NSLOT + 2:4 * NSLOT + 2 + NSLOT]
    semj = refs[4 * NSLOT + 2 + NSLOT:4 * NSLOT + 2 + 2 * NSLOT]
    semg = refs[4 * NSLOT + 2 + 2 * NSLOT:4 * NSLOT + 2 + 3 * NSLOT]
    semq = refs[4 * NSLOT + 2 + 3 * NSLOT:4 * NSLOT + 2 + 4 * NSLOT]

    cid = lax.axis_index("c")
    sid = lax.axis_index("s")
    wid = cid * NS + sid

    def zero_body(t, _):
        i = t // 8
        j = (t % 8) * 16
        zbuf[i, pl.ds(j, 16)] = jnp.zeros((16,), jnp.float32)
        return _
    lax.fori_loop(0, ZROWS * 8, zero_body, None)
    base_row = sid * ROWS_PER_SUB
    for r in range(ROWS_PER_SUB // ZROWS):
        pltpu.sync_copy(zbuf, agg_sh.at[pl.ds(base_row + r * ZROWS, ZROWS)])
    plsc.subcore_barrier()

    def issue_idx(c, s):
        off = wid * EPW + c * CH
        pltpu.async_copy(send_hbm.at[pl.ds(off, CH)], sidxs[s], semi[s])
        pltpu.async_copy(recv_hbm.at[pl.ds(off, CH)], ridxs[s], semj[s])

    def issue_data(c, s):
        off = wid * EPW + c * CH
        pltpu.make_async_copy(send_hbm.at[pl.ds(off, CH)], sidxs[s],
                              semi[s]).wait()
        pltpu.async_copy(p_hbm.at[sidxs[s]], prows[s], semg[s])
        pltpu.async_copy(q_hbm.at[pl.ds(off, CH)], qrows[s], semq[s])

    def step(c, s):
        off = wid * EPW + c * CH
        pltpu.make_async_copy(p_hbm.at[sidxs[s]], prows[s], semg[s]).wait()
        pltpu.make_async_copy(q_hbm.at[pl.ds(off, CH)], qrows[s],
                              semq[s]).wait()

        def comp(i, _):
            for j in range(8):
                sl = pl.ds(j * 16, 16)
                prows[s][i, sl] = jnp.maximum(prows[s][i, sl] + qrows[s][i, sl],
                                              0.0)
            return _
        lax.fori_loop(0, CH, comp, None)
        pltpu.make_async_copy(recv_hbm.at[pl.ds(off, CH)], ridxs[s],
                              semj[s]).wait()
        pltpu.sync_copy(prows[s], agg_sh.at[ridxs[s]], add=True)

    for c in range(NSLOT):
        issue_idx(c, c)
    issue_data(0, 0)
    issue_data(1, 1)

    nmain = (NCHUNK - NSLOT - 1) // NSLOT

    def loop_body(kk, _):
        b = kk * NSLOT
        for s in range(NSLOT):
            c = b + s
            step(c, s)
            issue_idx(c + NSLOT, s)
            issue_data(c + 2, (s + 2) % NSLOT)
        return _
    lax.fori_loop(0, nmain, loop_body, None)

    for c in range(nmain * NSLOT, NCHUNK):
        s = c % NSLOT
        step(c, s)
        if c + NSLOT < NCHUNK:
            issue_idx(c + NSLOT, s)
        if c + 2 < NCHUNK:
            issue_data(c + 2, (c + 2) % NSLOT)

    plsc.subcore_barrier()

    for r in range(ROWS_PER_SUB // ZROWS):
        row = base_row + r * ZROWS
        pltpu.sync_copy(agg_sh.at[pl.ds(row, ZROWS)], zbuf)
        pltpu.sync_copy(zbuf, out_hbm.at[cid, pl.ds(row, ZROWS)])


def _sc_aggregate(p, q, senders, receivers):
    mesh = plsc.VectorSubcoreMesh(core_axis_name="c", subcore_axis_name="s")
    scratch = (
        [pltpu.VMEM((CH,), jnp.int32) for _ in range(2 * NSLOT)]
        + [pltpu.VMEM((CH, D), jnp.float32) for _ in range(2 * NSLOT)]
        + [pltpu.VMEM((ZROWS, D), jnp.float32),
           pltpu.VMEM_SHARED((NP, D), jnp.float32)]
        + [pltpu.SemaphoreType.DMA for _ in range(4 * NSLOT)]
    )
    kern = functools.partial(
        pl.kernel,
        mesh=mesh,
        out_type=jax.ShapeDtypeStruct((NC, NP, D), jnp.float32),
        scratch_types=scratch,
    )(_sc_body)
    return kern(p, q, senders, receivers)



@jax.jit
def kernel(node_latents, edge_latents, edge_index, W_msg, b_msg, W_upd, b_upd):
    w1 = W_msg[:D]
    w2 = W_msg[D:]
    wu1 = W_upd[:D]
    wu2 = W_upd[D:]

    p = _compute_p(node_latents, w1)
    q = _compute_q(edge_latents, w2, b_msg)
    agg_partials = _sc_aggregate(p, q, edge_index[0], edge_index[1])
    new_node_latents = _compute_update(node_latents, agg_partials, wu1, wu2,
                                       b_upd)
    return (new_node_latents, edge_latents)

# --- scband reference (transcript-rebuilt; emitter-appended) ---
"""Pipeline reference for scband-message-passing-jax-51874615001132 (READ-ONLY COPY).

The authoritative reference and input builder live on the scoring server;
editing this copy changes nothing except your own understanding.
"""

import jax, jax.numpy as jnp
import numpy as np

N = 10000
E = 320000
D = 128   # node latent dim (d_feat)
DE = 16   # edge latent dim (d_edge)


def setup_inputs(seed: int = 0) -> dict:
    key = jax.random.key(seed)
    k1, k2, k3, k4, k5 = jax.random.split(key, 5)
    node_latents = jax.random.normal(k1, (N, D), dtype=jnp.float32)
    edge_latents = jax.random.normal(k2, (E, DE), dtype=jnp.float32)
    edge_index = jax.random.randint(k3, (2, E), 0, N, dtype=jnp.int32)
    # learned parameters for the concrete message / update MLPs
    W_msg = jax.random.normal(k4, (D + DE, D), dtype=jnp.float32) * 0.02
    b_msg = jnp.zeros((D,), dtype=jnp.float32)
    W_upd = jax.random.normal(k5, (2 * D, D), dtype=jnp.float32) * 0.02
    b_upd = jnp.zeros((D,), dtype=jnp.float32)
    return {
        "node_latents": node_latents,
        "edge_latents": edge_latents,
        "edge_index": edge_index,
        "W_msg": W_msg,
        "b_msg": b_msg,
        "W_upd": W_upd,
        "b_upd": b_upd,
    }


def reference(node_latents, edge_latents, edge_index, W_msg, b_msg, W_upd, b_upd):
    # propagate()
    scale = 1
    senders = edge_index[0]
    node_latents_j = node_latents.at[senders].get()            # gather
    edge_inputs = jnp.hstack((node_latents_j / scale, edge_latents))
    # message(): linear + relu on concatenated edge inputs
    new_edge_latents = jax.nn.relu(edge_inputs @ W_msg + b_msg)
    # aggregate(): segment_sum over receiver indices
    receivers_index = edge_index[1]
    receivers_count = node_latents.shape[0]
    aggregated_edge_latents = jax.ops.segment_sum(
        new_edge_latents, receivers_index, num_segments=receivers_count
    )
    # update(): linear over [node_latents, aggregated]
    new_node_latents = (
        jnp.concatenate([node_latents, aggregated_edge_latents], axis=1) @ W_upd + b_upd
    )
    return (new_node_latents, edge_latents)

if __name__ == "__main__":
    import jax
    _d = setup_inputs()
    print(jax.jit(kernel)(*tuple(_d.values())))

</pallas_src>

<mosaic_0001>
#map = affine_map<(d0, d1) -> (0, 0)>
#map1 = affine_map<(d0, d1) -> (0)>
#map2 = affine_map<(d0, d1) -> (0, 0, 0)>
module attributes {stable_mosaic.version = 14 : i64} {
  func.func @_sc_body(%arg0: i32, %arg1: i32, %arg2: memref<10240x128xf32, #tpu.memory_space<hbm>>, %arg3: memref<320000x128xf32, #tpu.memory_space<hbm>>, %arg4: memref<320000xi32, #tpu.memory_space<hbm>>, %arg5: memref<320000xi32, #tpu.memory_space<hbm>>, %arg6: memref<2x10240x128xf32, #tpu.memory_space<hbm>>, %arg7: memref<40xi32, #tpu.memory_space<vmem>>, %arg8: memref<40xi32, #tpu.memory_space<vmem>>, %arg9: memref<40xi32, #tpu.memory_space<vmem>>, %arg10: memref<40xi32, #tpu.memory_space<vmem>>, %arg11: memref<40xi32, #tpu.memory_space<vmem>>, %arg12: memref<40xi32, #tpu.memory_space<vmem>>, %arg13: memref<40xi32, #tpu.memory_space<vmem>>, %arg14: memref<40xi32, #tpu.memory_space<vmem>>, %arg15: memref<40x128xf32, #tpu.memory_space<vmem>>, %arg16: memref<40x128xf32, #tpu.memory_space<vmem>>, %arg17: memref<40x128xf32, #tpu.memory_space<vmem>>, %arg18: memref<40x128xf32, #tpu.memory_space<vmem>>, %arg19: memref<40x128xf32, #tpu.memory_space<vmem>>, %arg20: memref<40x128xf32, #tpu.memory_space<vmem>>, %arg21: memref<40x128xf32, #tpu.memory_space<vmem>>, %arg22: memref<40x128xf32, #tpu.memory_space<vmem>>, %arg23: memref<32x128xf32, #tpu.memory_space<vmem>>, %arg24: memref<10240x128xf32, #tpu.memory_space<vmem_shared>>, %arg25: memref<!tpu.dma_semaphore, #tpu.memory_space<semaphore_mem>>, %arg26: memref<!tpu.dma_semaphore, #tpu.memory_space<semaphore_mem>>, %arg27: memref<!tpu.dma_semaphore, #tpu.memory_space<semaphore_mem>>, %arg28: memref<!tpu.dma_semaphore, #tpu.memory_space<semaphore_mem>>, %arg29: memref<!tpu.dma_semaphore, #tpu.memory_space<semaphore_mem>>, %arg30: memref<!tpu.dma_semaphore, #tpu.memory_space<semaphore_mem>>, %arg31: memref<!tpu.dma_semaphore, #tpu.memory_space<semaphore_mem>>, %arg32: memref<!tpu.dma_semaphore, #tpu.memory_space<semaphore_mem>>, %arg33: memref<!tpu.dma_semaphore, #tpu.memory_space<semaphore_mem>>, %arg34: memref<!tpu.dma_semaphore, #tpu.memory_space<semaphore_mem>>, %arg35: memref<!tpu.dma_semaphore, #tpu.memory_space<semaphore_mem>>, %arg36: memref<!tpu.dma_semaphore, #tpu.memory_space<semaphore_mem>>, %arg37: memref<!tpu.dma_semaphore, #tpu.memory_space<semaphore_mem>>, %arg38: memref<!tpu.dma_semaphore, #tpu.memory_space<semaphore_mem>>, %arg39: memref<!tpu.dma_semaphore, #tpu.memory_space<semaphore_mem>>, %arg40: memref<!tpu.dma_semaphore, #tpu.memory_space<semaphore_mem>>) attributes {dimension_semantics = [#tpu.dimension_semantics<core_parallel>, #tpu.dimension_semantics<subcore_parallel>], iteration_bounds = array<i64: 2, 16>, scalar_prefetch = 0 : i64, scratch_operands = 34 : i64, tpu.core_type = #tpu.core_type<sc_vector_subcore>, window_params = [{transform_indices = #map}, {transform_indices = #map}, {transform_indices = #map1}, {transform_indices = #map1}, {transform_indices = #map2}]} {
    %mul3A = arith.constant 16 : i32
    %mul3A_0 = arith.muli %arg0, %mul3A : i32
    %add3A = arith.addi %mul3A_0, %arg1 : i32
    %scan3A = arith.constant 0 : i32
    %scan3A_1 = arith.constant 256 : i32
    %scan3A_2 = arith.addi %scan3A, %scan3A_1 : i32
    %scan3A_3 = arith.constant 1 : i32
    scf.for %scan3A_325 = %scan3A to %scan3A_2 step %scan3A_3  : i32 {
      %jit3A = arith.constant 8 : i32
      %div3A = arith.divsi %scan3A_325, %jit3A : i32
      %sign3A = arith.constant 0 : i32
      %sign3A_326 = arith.cmpi sgt, %scan3A_325, %sign3A : i32
      %sign3A_327 = arith.extui %sign3A_326 : i1 to i32
      %sign3A_328 = arith.constant 0 : i32
      %sign3A_329 = arith.cmpi slt, %scan3A_325, %sign3A_328 : i32
      %sign3A_330 = arith.extui %sign3A_329 : i1 to i32
      %sign3A_331 = arith.subi %sign3A_327, %sign3A_330 : i32
      %sign3A_332 = arith.constant 0 : i32
      %sign3A_333 = arith.cmpi sgt, %jit3A, %sign3A_332 : i32
      %sign3A_334 = arith.extui %sign3A_333 : i1 to i32
      %sign3A_335 = arith.constant 0 : i32
      %sign3A_336 = arith.cmpi slt, %jit3A, %sign3A_335 : i32
      %sign3A_337 = arith.extui %sign3A_336 : i1 to i32
      %sign3A_338 = arith.subi %sign3A_334, %sign3A_337 : i32
      %ne3A = arith.cmpi ne, %sign3A_331, %sign3A_338 : i32
      %rem3A = arith.remsi %scan3A_325, %jit3A : i32
      %ne3A_339 = arith.constant 0 : i32
      %ne3A_340 = arith.cmpi ne, %rem3A, %ne3A_339 : i32
      %and3A = arith.andi %ne3A, %ne3A_340 : i1
      %sub3A = arith.constant 1 : i32
      %sub3A_341 = arith.subi %div3A, %sub3A : i32
      %select_n3A = arith.select %and3A, %sub3A_341, %div3A : i32
      %jit3A_342 = arith.constant 8 : i32
      %eq3A = arith.constant 0 : i32
      %eq3A_343 = arith.cmpi eq, %jit3A_342, %eq3A : i32
      %jit3A_344 = arith.constant 1 : i32
      %select_n3A_345 = arith.select %eq3A_343, %jit3A_344, %jit3A_342 : i32
      %rem3A_346 = arith.remsi %scan3A_325, %select_n3A_345 : i32
      %ne3A_347 = arith.constant 0 : i32
      %ne3A_348 = arith.cmpi ne, %rem3A_346, %ne3A_347 : i32
      %lt3A = arith.constant 0 : i32
      %lt3A_349 = arith.cmpi slt, %rem3A_346, %lt3A : i32
      %lt3A_350 = arith.constant 0 : i32
      %lt3A_351 = arith.cmpi slt, %select_n3A_345, %lt3A_350 : i32
      %ne3A_352 = arith.xori %lt3A_349, %lt3A_351 : i1
      %and3A_353 = arith.andi %ne3A_352, %ne3A_348 : i1
      %add3A_354 = arith.addi %rem3A_346, %select_n3A_345 : i32
      %select_n3A_355 = arith.select %and3A_353, %add3A_354, %rem3A_346 : i32
      %mul3A_356 = arith.constant 16 : i32
      %mul3A_357 = arith.muli %select_n3A_355, %mul3A_356 : i32
      %broadcast_in_dim3A = arith.constant 0.000000e+00 : f32
      %broadcast_in_dim3A_358 = vector.broadcast %broadcast_in_dim3A : f32 to vector<16xf32>
      %swap3A = arith.index_cast %select_n3A : i32 to index
      %swap3A_359 = arith.index_cast %mul3A_357 : i32 to index
      %swap3A_360 = tpu.vector_load %arg23[%swap3A, %swap3A_359] {strides = array<i32>} : memref<32x128xf32, #tpu.memory_space<vmem>>, vector<1x16xf32>,
      %swap3A_361 = vector.shape_cast %swap3A_360 : vector<1x16xf32> to vector<16xf32>
      %swap3A_362 = vector.shape_cast %broadcast_in_dim3A_358 : vector<16xf32> to vector<1x16xf32>
      tpu.vector_store %arg23[%swap3A, %swap3A_359], %swap3A_362 {strides = array<i32>} : memref<32x128xf32, #tpu.memory_space<vmem>>, vector<1x16xf32>,
    }
    %scan3A_4 = arith.constant 256 : i32
    %mul3A_5 = arith.constant 640 : i32
    %mul3A_6 = arith.muli %arg1, %mul3A_5 : i32
    %add3A_7 = arith.constant 0 : i32
    %add3A_8 = arith.addi %mul3A_6, %add3A_7 : i32
    "tpu.region"() ({
      %run_scoped3A = tpu.sem_alloc : memref<!tpu.dma_semaphore, #tpu.memory_space<semaphore_mem>>
      %dma_start3A_325 = arith.constant 0 : i32
      %dma_start3A_326 = tpu.memref_slice %arg24[%add3A_8, %dma_start3A_325] : memref<10240x128xf32, #tpu.memory_space<vmem_shared>> -> memref<32x128xf32, #tpu.memory_space<vmem_shared>>
      %dma_start3A_327 = arith.constant 0 : i32
      %dma_start3A_328 = tpu.memref_slice %arg24[%add3A_8, %dma_start3A_327] : memref<10240x128xf32, #tpu.memory_space<vmem_shared>> -> memref<32x128xf32, #tpu.memory_space<vmem_shared>>
      tpu.enqueue_dma source(%arg23 : memref<32x128xf32, #tpu.memory_space<vmem>>) target(%dma_start3A_328 : memref<32x128xf32, #tpu.memory_space<vmem_shared>>) target_semaphore(%run_scoped3A : memref<!tpu.dma_semaphore, #tpu.memory_space<semaphore_mem>>)
      %dma_wait3A_329 = arith.constant 0 : i32
      %dma_wait3A_330 = tpu.memref_slice %arg24[%add3A_8, %dma_wait3A_329] : memref<10240x128xf32, #tpu.memory_space<vmem_shared>> -> memref<32x128xf32, #tpu.memory_space<vmem_shared>>
      %dma_wait3A_331 = arith.constant 0 : i32
      %dma_wait3A_332 = tpu.memref_slice %arg24[%add3A_8, %dma_wait3A_331] : memref<10240x128xf32, #tpu.memory_space<vmem_shared>> -> memref<32x128xf32, #tpu.memory_space<vmem_shared>>
      tpu.wait_dma2 semaphore(%run_scoped3A : memref<!tpu.dma_semaphore, #tpu.memory_space<semaphore_mem>>) src(%arg23 : memref<32x128xf32, #tpu.memory_space<vmem>>) dst(%dma_wait3A_332 : memref<32x128xf32, #tpu.memory_space<vmem_shared>>)
      tpu.yield
    }) : () -> ()
    %add3A_9 = arith.constant 32 : i32
    %add3A_10 = arith.addi %mul3A_6, %add3A_9 : i32
    "tpu.region"() ({
      %run_scoped3A = tpu.sem_alloc : memref<!tpu.dma_semaphore, #tpu.memory_space<semaphore_mem>>
      %dma_start3A_325 = arith.constant 0 : i32
      %dma_start3A_326 = tpu.memref_slice %arg24[%add3A_10, %dma_start3A_325] : memref<10240x128xf32, #tpu.memory_space<vmem_shared>> -> memref<32x128xf32, #tpu.memory_space<vmem_shared>>
      %dma_start3A_327 = arith.constant 0 : i32
      %dma_start3A_328 = tpu.memref_slice %arg24[%add3A_10, %dma_start3A_327] : memref<10240x128xf32, #tpu.memory_space<vmem_shared>> -> memref<32x128xf32, #tpu.memory_space<vmem_shared>>
      tpu.enqueue_dma source(%arg23 : memref<32x128xf32, #tpu.memory_space<vmem>>) target(%dma_start3A_328 : memref<32x128xf32, #tpu.memory_space<vmem_shared>>) target_semaphore(%run_scoped3A : memref<!tpu.dma_semaphore, #tpu.memory_space<semaphore_mem>>)
      %dma_wait3A_329 = arith.constant 0 : i32
      %dma_wait3A_330 = tpu.memref_slice %arg24[%add3A_10, %dma_wait3A_329] : memref<10240x128xf32, #tpu.memory_space<vmem_shared>> -> memref<32x128xf32, #tpu.memory_space<vmem_shared>>
      %dma_wait3A_331 = arith.constant 0 : i32
      %dma_wait3A_332 = tpu.memref_slice %arg24[%add3A_10, %dma_wait3A_331] : memref<10240x128xf32, #tpu.memory_space<vmem_shared>> -> memref<32x128xf32, #tpu.memory_space<vmem_shared>>
      tpu.wait_dma2 semaphore(%run_scoped3A : memref<!tpu.dma_semaphore, #tpu.memory_space<semaphore_mem>>) src(%arg23 : memref<32x128xf32, #tpu.memory_space<vmem>>) dst(%dma_wait3A_332 : memref<32x128xf32, #tpu.memory_space<vmem_shared>>)
      tpu.yield
    }) : () -> ()
    %add3A_11 = arith.constant 64 : i32
    %add3A_12 = arith.addi %mul3A_6, %add3A_11 : i32
    "tpu.region"() ({
      %run_scoped3A = tpu.sem_alloc : memref<!tpu.dma_semaphore, #tpu.memory_space<semaphore_mem>>
      %dma_start3A_325 = arith.constant 0 : i32
      %dma_start3A_326 = tpu.memref_slice %arg24[%add3A_12, %dma_start3A_325] : memref<10240x128xf32, #tpu.memory_space<vmem_shared>> -> memref<32x128xf32, #tpu.memory_space<vmem_shared>>
      %dma_start3A_327 = arith.constant 0 : i32
      %dma_start3A_328 = tpu.memref_slice %arg24[%add3A_12, %dma_start3A_327] : memref<10240x128xf32, #tpu.memory_space<vmem_shared>> -> memref<32x128xf32, #tpu.memory_space<vmem_shared>>
      tpu.enqueue_dma source(%arg23 : memref<32x128xf32, #tpu.memory_space<vmem>>) target(%dma_start3A_328 : memref<32x128xf32, #tpu.memory_space<vmem_shared>>) target_semaphore(%run_scoped3A : memref<!tpu.dma_semaphore, #tpu.memory_space<semaphore_mem>>)
      %dma_wait3A_329 = arith.constant 0 : i32
      %dma_wait3A_330 = tpu.memref_slice %arg24[%add3A_12, %dma_wait3A_329] : memref<10240x128xf32, #tpu.memory_space<vmem_shared>> -> memref<32x128xf32, #tpu.memory_space<vmem_shared>>
      %dma_wait3A_331 = arith.constant 0 : i32
      %dma_wait3A_332 = tpu.memref_slice %arg24[%add3A_12, %dma_wait3A_331] : memref<10240x128xf32, #tpu.memory_space<vmem_shared>> -> memref<32x128xf32, #tpu.memory_space<vmem_shared>>
      tpu.wait_dma2 semaphore(%run_scoped3A : memref<!tpu.dma_semaphore, #tpu.memory_space<semaphore_mem>>) src(%arg23 : memref<32x128xf32, #tpu.memory_space<vmem>>) dst(%dma_wait3A_332 : memref<32x128xf32, #tpu.memory_space<vmem_shared>>)
      tpu.yield
    }) : () -> ()
    %add3A_13 = arith.constant 96 : i32
    %add3A_14 = arith.addi %mul3A_6, %add3A_13 : i32
    "tpu.region"() ({
      %run_scoped3A = tpu.sem_alloc : memref<!tpu.dma_semaphore, #tpu.memory_space<semaphore_mem>>
      %dma_start3A_325 = arith.constant 0 : i32
      %dma_start3A_326 = tpu.memref_slice %arg24[%add3A_14, %dma_start3A_325] : memref<10240x128xf32, #tpu.memory_space<vmem_shared>> -> memref<32x128xf32, #tpu.memory_space<vmem_shared>>
      %dma_start3A_327 = arith.constant 0 : i32
      %dma_start3A_328 = tpu.memref_slice %arg24[%add3A_14, %dma_start3A_327] : memref<10240x128xf32, #tpu.memory_space<vmem_shared>> -> memref<32x128xf32, #tpu.memory_space<vmem_shared>>
      tpu.enqueue_dma source(%arg23 : memref<32x128xf32, #tpu.memory_space<vmem>>) target(%dma_start3A_328 : memref<32x128xf32, #tpu.memory_space<vmem_shared>>) target_semaphore(%run_scoped3A : memref<!tpu.dma_semaphore, #tpu.memory_space<semaphore_mem>>)
      %dma_wait3A_329 = arith.constant 0 : i32
      %dma_wait3A_330 = tpu.memref_slice %arg24[%add3A_14, %dma_wait3A_329] : memref<10240x128xf32, #tpu.memory_space<vmem_shared>> -> memref<32x128xf32, #tpu.memory_space<vmem_shared>>
      %dma_wait3A_331 = arith.constant 0 : i32
      %dma_wait3A_332 = tpu.memref_slice %arg24[%add3A_14, %dma_wait3A_331] : memref<10240x128xf32, #tpu.memory_space<vmem_shared>> -> memref<32x128xf32, #tpu.memory_space<vmem_shared>>
      tpu.wait_dma2 semaphore(%run_scoped3A : memref<!tpu.dma_semaphore, #tpu.memory_space<semaphore_mem>>) src(%arg23 : memref<32x128xf32, #tpu.memory_space<vmem>>) dst(%dma_wait3A_332 : memref<32x128xf32, #tpu.memory_space<vmem_shared>>)
      tpu.yield
    }) : () -> ()
    %add3A_15 = arith.constant 128 : i32
    %add3A_16 = arith.addi %mul3A_6, %add3A_15 : i32
    "tpu.region"() ({
      %run_scoped3A = tpu.sem_alloc : memref<!tpu.dma_semaphore, #tpu.memory_space<semaphore_mem>>
      %dma_start3A_325 = arith.constant 0 : i32
      %dma_start3A_326 = tpu.memref_slice %arg24[%add3A_16, %dma_start3A_325] : memref<10240x128xf32, #tpu.memory_space<vmem_shared>> -> memref<32x128xf32, #tpu.memory_space<vmem_shared>>
      %dma_start3A_327 = arith.constant 0 : i32
      %dma_start3A_328 = tpu.memref_slice %arg24[%add3A_16, %dma_start3A_327] : memref<10240x128xf32, #tpu.memory_space<vmem_shared>> -> memref<32x128xf32, #tpu.memory_space<vmem_shared>>
      tpu.enqueue_dma source(%arg23 : memref<32x128xf32, #tpu.memory_space<vmem>>) target(%dma_start3A_328 : memref<32x128xf32, #tpu.memory_space<vmem_shared>>) target_semaphore(%run_scoped3A : memref<!tpu.dma_semaphore, #tpu.memory_space<semaphore_mem>>)
      %dma_wait3A_329 = arith.constant 0 : i32
      %dma_wait3A_330 = tpu.memref_slice %arg24[%add3A_16, %dma_wait3A_329] : memref<10240x128xf32, #tpu.memory_space<vmem_shared>> -> memref<32x128xf32, #tpu.memory_space<vmem_shared>>
      %dma_wait3A_331 = arith.constant 0 : i32
      %dma_wait3A_332 = tpu.memref_slice %arg24[%add3A_16, %dma_wait3A_331] : memref<10240x128xf32, #tpu.memory_space<vmem_shared>> -> memref<32x128xf32, #tpu.memory_space<vmem_shared>>
      tpu.wait_dma2 semaphore(%run_scoped3A : memref<!tpu.dma_semaphore, #tpu.memory_space<semaphore_mem>>) src(%arg23 : memref<32x128xf32, #tpu.memory_space<vmem>>) dst(%dma_wait3A_332 : memref<32x128xf32, #tpu.memory_space<vmem_shared>>)
      tpu.yield
    }) : () -> ()
    %add3A_17 = arith.constant 160 : i32
    %add3A_18 = arith.addi %mul3A_6, %add3A_17 : i32
    "tpu.region"() ({
      %run_scoped3A = tpu.sem_alloc : memref<!tpu.dma_semaphore, #tpu.memory_space<semaphore_mem>>
      %dma_start3A_325 = arith.constant 0 : i32
      %dma_start3A_326 = tpu.memref_slice %arg24[%add3A_18, %dma_start3A_325] : memref<10240x128xf32, #tpu.memory_space<vmem_shared>> -> memref<32x128xf32, #tpu.memory_space<vmem_shared>>
      %dma_start3A_327 = arith.constant 0 : i32
      %dma_start3A_328 = tpu.memref_slice %arg24[%add3A_18, %dma_start3A_327] : memref<10240x128xf32, #tpu.memory_space<vmem_shared>> -> memref<32x128xf32, #tpu.memory_space<vmem_shared>>
      tpu.enqueue_dma source(%arg23 : memref<32x128xf32, #tpu.memory_space<vmem>>) target(%dma_start3A_328 : memref<32x128xf32, #tpu.memory_space<vmem_shared>>) target_semaphore(%run_scoped3A : memref<!tpu.dma_semaphore, #tpu.memory_space<semaphore_mem>>)
      %dma_wait3A_329 = arith.constant 0 : i32
      %dma_wait3A_330 = tpu.memref_slice %arg24[%add3A_18, %dma_wait3A_329] : memref<10240x128xf32, #tpu.memory_space<vmem_shared>> -> memref<32x128xf32, #tpu.memory_space<vmem_shared>>
      %dma_wait3A_331 = arith.constant 0 : i32
      %dma_wait3A_332 = tpu.memref_slice %arg24[%add3A_18, %dma_wait3A_331] : memref<10240x128xf32, #tpu.memory_space<vmem_shared>> -> memref<32x128xf32, #tpu.memory_space<vmem_shared>>
      tpu.wait_dma2 semaphore(%run_scoped3A : memref<!tpu.dma_semaphore, #tpu.memory_space<semaphore_mem>>) src(%arg23 : memref<32x128xf32, #tpu.memory_space<vmem>>) dst(%dma_wait3A_332 : memref<32x128xf32, #tpu.memory_space<vmem_shared>>)
      tpu.yield
    }) : () -> ()
    %add3A_19 = arith.constant 192 : i32
    %add3A_20 = arith.addi %mul3A_6, %add3A_19 : i32
    "tpu.region"() ({
      %run_scoped3A = tpu.sem_alloc : memref<!tpu.dma_semaphore, #tpu.memory_space<semaphore_mem>>
      %dma_start3A_325 = arith.constant 0 : i32
      %dma_start3A_326 = tpu.memref_slice %arg24[%add3A_20, %dma_start3A_325] : memref<10240x128xf32, #tpu.memory_space<vmem_shared>> -> memref<32x128xf32, #tpu.memory_space<vmem_shared>>
      %dma_start3A_327 = arith.constant 0 : i32
      %dma_start3A_328 = tpu.memref_slice %arg24[%add3A_20, %dma_start3A_327] : memref<10240x128xf32, #tpu.memory_space<vmem_shared>> -> memref<32x128xf32, #tpu.memory_space<vmem_shared>>
      tpu.enqueue_dma source(%arg23 : memref<32x128xf32, #tpu.memory_space<vmem>>) target(%dma_start3A_328 : memref<32x128xf32, #tpu.memory_space<vmem_shared>>) target_semaphore(%run_scoped3A : memref<!tpu.dma_semaphore, #tpu.memory_space<semaphore_mem>>)
      %dma_wait3A_329 = arith.constant 0 : i32
      %dma_wait3A_330 = tpu.memref_slice %arg24[%add3A_20, %dma_wait3A_329] : memref<10240x128xf32, #tpu.memory_space<vmem_shared>> -> memref<32x128xf32, #tpu.memory_space<vmem_shared>>
      %dma_wait3A_331 = arith.constant 0 : i32
      %dma_wait3A_332 = tpu.memref_slice %arg24[%add3A_20, %dma_wait3A_331] : memref<10240x128xf32, #tpu.memory_space<vmem_shared>> -> memref<32x128xf32, #tpu.memory_space<vmem_shared>>
      tpu.wait_dma2 semaphore(%run_scoped3A : memref<!tpu.dma_semaphore, #tpu.memory_space<semaphore_mem>>) src(%arg23 : memref<32x128xf32, #tpu.memory_space<vmem>>) dst(%dma_wait3A_332 : memref<32x128xf32, #tpu.memory_space<vmem_shared>>)
      tpu.yield
    }) : () -> ()
    %add3A_21 = arith.constant 224 : i32
    %add3A_22 = arith.addi %mul3A_6, %add3A_21 : i32
    "tpu.region"() ({
      %run_scoped3A = tpu.sem_alloc : memref<!tpu.dma_semaphore, #tpu.memory_space<semaphore_mem>>
      %dma_start3A_325 = arith.constant 0 : i32
      %dma_start3A_326 = tpu.memref_slice %arg24[%add3A_22, %dma_start3A_325] : memref<10240x128xf32, #tpu.memory_space<vmem_shared>> -> memref<32x128xf32, #tpu.memory_space<vmem_shared>>
      %dma_start3A_327 = arith.constant 0 : i32
      %dma_start3A_328 = tpu.memref_slice %arg24[%add3A_22, %dma_start3A_327] : memref<10240x128xf32, #tpu.memory_space<vmem_shared>> -> memref<32x128xf32, #tpu.memory_space<vmem_shared>>
      tpu.enqueue_dma source(%arg23 : memref<32x128xf32, #tpu.memory_space<vmem>>) target(%dma_start3A_328 : memref<32x128xf32, #tpu.memory_space<vmem_shared>>) target_semaphore(%run_scoped3A : memref<!tpu.dma_semaphore, #tpu.memory_space<semaphore_mem>>)
      %dma_wait3A_329 = arith.constant 0 : i32
      %dma_wait3A_330 = tpu.memref_slice %arg24[%add3A_22, %dma_wait3A_329] : memref<10240x128xf32, #tpu.memory_space<vmem_shared>> -> memref<32x128xf32, #tpu.memory_space<vmem_shared>>
      %dma_wait3A_331 = arith.constant 0 : i32
      %dma_wait3A_332 = tpu.memref_slice %arg24[%add3A_22, %dma_wait3A_331] : memref<10240x128xf32, #tpu.memory_space<vmem_shared>> -> memref<32x128xf32, #tpu.memory_space<vmem_shared>>
      tpu.wait_dma2 semaphore(%run_scoped3A : memref<!tpu.dma_semaphore, #tpu.memory_space<semaphore_mem>>) src(%arg23 : memref<32x128xf32, #tpu.memory_space<vmem>>) dst(%dma_wait3A_332 : memref<32x128xf32, #tpu.memory_space<vmem_shared>>)
      tpu.yield
    }) : () -> ()
    %add3A_23 = arith.constant 256 : i32
    %add3A_24 = arith.addi %mul3A_6, %add3A_23 : i32
    "tpu.region"() ({
      %run_scoped3A = tpu.sem_alloc : memref<!tpu.dma_semaphore, #tpu.memory_space<semaphore_mem>>
      %dma_start3A_325 = arith.constant 0 : i32
      %dma_start3A_326 = tpu.memref_slice %arg24[%add3A_24, %dma_start3A_325] : memref<10240x128xf32, #tpu.memory_space<vmem_shared>> -> memref<32x128xf32, #tpu.memory_space<vmem_shared>>
      %dma_start3A_327 = arith.constant 0 : i32
      %dma_start3A_328 = tpu.memref_slice %arg24[%add3A_24, %dma_start3A_327] : memref<10240x128xf32, #tpu.memory_space<vmem_shared>> -> memref<32x128xf32, #tpu.memory_space<vmem_shared>>
      tpu.enqueue_dma source(%arg23 : memref<32x128xf32, #tpu.memory_space<vmem>>) target(%dma_start3A_328 : memref<32x128xf32, #tpu.memory_space<vmem_shared>>) target_semaphore(%run_scoped3A : memref<!tpu.dma_semaphore, #tpu.memory_space<semaphore_mem>>)
      %dma_wait3A_329 = arith.constant 0 : i32
      %dma_wait3A_330 = tpu.memref_slice %arg24[%add3A_24, %dma_wait3A_329] : memref<10240x128xf32, #tpu.memory_space<vmem_shared>> -> memref<32x128xf32, #tpu.memory_space<vmem_shared>>
      %dma_wait3A_331 = arith.constant 0 : i32
      %dma_wait3A_332 = tpu.memref_slice %arg24[%add3A_24, %dma_wait3A_331] : memref<10240x128xf32, #tpu.memory_space<vmem_shared>> -> memref<32x128xf32, #tpu.memory_space<vmem_shared>>
      tpu.wait_dma2 semaphore(%run_scoped3A : memref<!tpu.dma_semaphore, #tpu.memory_space<semaphore_mem>>) src(%arg23 : memref<32x128xf32, #tpu.memory_space<vmem>>) dst(%dma_wait3A_332 : memref<32x128xf32, #tpu.memory_space<vmem_shared>>)
      tpu.yield
    }) : () -> ()
    %add3A_25 = arith.constant 288 : i32
    %add3A_26 = arith.addi %mul3A_6, %add3A_25 : i32
    "tpu.region"() ({
      %run_scoped3A = tpu.sem_alloc : memref<!tpu.dma_semaphore, #tpu.memory_space<semaphore_mem>>
      %dma_start3A_325 = arith.constant 0 : i32
      %dma_start3A_326 = tpu.memref_slice %arg24[%add3A_26, %dma_start3A_325] : memref<10240x128xf32, #tpu.memory_space<vmem_shared>> -> memref<32x128xf32, #tpu.memory_space<vmem_shared>>
      %dma_start3A_327 = arith.constant 0 : i32
      %dma_start3A_328 = tpu.memref_slice %arg24[%add3A_26, %dma_start3A_327] : memref<10240x128xf32, #tpu.memory_space<vmem_shared>> -> memref<32x128xf32, #tpu.memory_space<vmem_shared>>
      tpu.enqueue_dma source(%arg23 : memref<32x128xf32, #tpu.memory_space<vmem>>) target(%dma_start3A_328 : memref<32x128xf32, #tpu.memory_space<vmem_shared>>) target_semaphore(%run_scoped3A : memref<!tpu.dma_semaphore, #tpu.memory_space<semaphore_mem>>)
      %dma_wait3A_329 = arith.constant 0 : i32
      %dma_wait3A_330 = tpu.memref_slice %arg24[%add3A_26, %dma_wait3A_329] : memref<10240x128xf32, #tpu.memory_space<vmem_shared>> -> memref<32x128xf32, #tpu.memory_space<vmem_shared>>
      %dma_wait3A_331 = arith.constant 0 : i32
      %dma_wait3A_332 = tpu.memref_slice %arg24[%add3A_26, %dma_wait3A_331] : memref<10240x128xf32, #tpu.memory_space<vmem_shared>> -> memref<32x128xf32, #tpu.memory_space<vmem_shared>>
      tpu.wait_dma2 semaphore(%run_scoped3A : memref<!tpu.dma_semaphore, #tpu.memory_space<semaphore_mem>>) src(%arg23 : memref<32x128xf32, #tpu.memory_space<vmem>>) dst(%dma_wait3A_332 : memref<32x128xf32, #tpu.memory_space<vmem_shared>>)
      tpu.yield
    }) : () -> ()
    %add3A_27 = arith.constant 320 : i32
    %add3A_28 = arith.addi %mul3A_6, %add3A_27 : i32
    "tpu.region"() ({
      %run_scoped3A = tpu.sem_alloc : memref<!tpu.dma_semaphore, #tpu.memory_space<semaphore_mem>>
      %dma_start3A_325 = arith.constant 0 : i32
      %dma_start3A_326 = tpu.memref_slice %arg24[%add3A_28, %dma_start3A_325] : memref<10240x128xf32, #tpu.memory_space<vmem_shared>> -> memref<32x128xf32, #tpu.memory_space<vmem_shared>>
      %dma_start3A_327 = arith.constant 0 : i32
      %dma_start3A_328 = tpu.memref_slice %arg24[%add3A_28, %dma_start3A_327] : memref<10240x128xf32, #tpu.memory_space<vmem_shared>> -> memref<32x128xf32, #tpu.memory_space<vmem_shared>>
      tpu.enqueue_dma source(%arg23 : memref<32x128xf32, #tpu.memory_space<vmem>>) target(%dma_start3A_328 : memref<32x128xf32, #tpu.memory_space<vmem_shared>>) target_semaphore(%run_scoped3A : memref<!tpu.dma_semaphore, #tpu.memory_space<semaphore_mem>>)
      %dma_wait3A_329 = arith.constant 0 : i32
      %dma_wait3A_330 = tpu.memref_slice %arg24[%add3A_28, %dma_wait3A_329] : memref<10240x128xf32, #tpu.memory_space<vmem_shared>> -> memref<32x128xf32, #tpu.memory_space<vmem_shared>>
      %dma_wait3A_331 = arith.constant 0 : i32
      %dma_wait3A_332 = tpu.memref_slice %arg24[%add3A_28, %dma_wait3A_331] : memref<10240x128xf32, #tpu.memory_space<vmem_shared>> -> memref<32x128xf32, #tpu.memory_space<vmem_shared>>
      tpu.wait_dma2 semaphore(%run_scoped3A : memref<!tpu.dma_semaphore, #tpu.memory_space<semaphore_mem>>) src(%arg23 : memref<32x128xf32, #tpu.memory_space<vmem>>) dst(%dma_wait3A_332 : memref<32x128xf32, #tpu.memory_space<vmem_shared>>)
      tpu.yield
    }) : () -> ()
    %add3A_29 = arith.constant 352 : i32
    %add3A_30 = arith.addi %mul3A_6, %add3A_29 : i32
    "tpu.region"() ({
      %run_scoped3A = tpu.sem_alloc : memref<!tpu.dma_semaphore, #tpu.memory_space<semaphore_mem>>
      %dma_start3A_325 = arith.constant 0 : i32
      %dma_start3A_326 = tpu.memref_slice %arg24[%add3A_30, %dma_start3A_325] : memref<10240x128xf32, #tpu.memory_space<vmem_shared>> -> memref<32x128xf32, #tpu.memory_space<vmem_shared>>
      %dma_start3A_327 = arith.constant 0 : i32
      %dma_start3A_328 = tpu.memref_slice %arg24[%add3A_30, %dma_start3A_327] : memref<10240x128xf32, #tpu.memory_space<vmem_shared>> -> memref<32x128xf32, #tpu.memory_space<vmem_shared>>
      tpu.enqueue_dma source(%arg23 : memref<32x128xf32, #tpu.memory_space<vmem>>) target(%dma_start3A_328 : memref<32x128xf32, #tpu.memory_space<vmem_shared>>) target_semaphore(%run_scoped3A : memref<!tpu.dma_semaphore, #tpu.memory_space<semaphore_mem>>)
      %dma_wait3A_329 = arith.constant 0 : i32
      %dma_wait3A_330 = tpu.memref_slice %arg24[%add3A_30, %dma_wait3A_329] : memref<10240x128xf32, #tpu.memory_space<vmem_shared>> -> memref<32x128xf32, #tpu.memory_space<vmem_shared>>
      %dma_wait3A_331 = arith.constant 0 : i32
      %dma_wait3A_332 = tpu.memref_slice %arg24[%add3A_30, %dma_wait3A_331] : memref<10240x128xf32, #tpu.memory_space<vmem_shared>> -> memref<32x128xf32, #tpu.memory_space<vmem_shared>>
      tpu.wait_dma2 semaphore(%run_scoped3A : memref<!tpu.dma_semaphore, #tpu.memory_space<semaphore_mem>>) src(%arg23 : memref<32x128xf32, #tpu.memory_space<vmem>>) dst(%dma_wait3A_332 : memref<32x128xf32, #tpu.memory_space<vmem_shared>>)
      tpu.yield
    }) : () -> ()
    %add3A_31 = arith.constant 384 : i32
    %add3A_32 = arith.addi %mul3A_6, %add3A_31 : i32
    "tpu.region"() ({
      %run_scoped3A = tpu.sem_alloc : memref<!tpu.dma_semaphore, #tpu.memory_space<semaphore_mem>>
      %dma_start3A_325 = arith.constant 0 : i32
      %dma_start3A_326 = tpu.memref_slice %arg24[%add3A_32, %dma_start3A_325] : memref<10240x128xf32, #tpu.memory_space<vmem_shared>> -> memref<32x128xf32, #tpu.memory_space<vmem_shared>>
      %dma_start3A_327 = arith.constant 0 : i32
      %dma_start3A_328 = tpu.memref_slice %arg24[%add3A_32, %dma_start3A_327] : memref<10240x128xf32, #tpu.memory_space<vmem_shared>> -> memref<32x128xf32, #tpu.memory_space<vmem_shared>>
      tpu.enqueue_dma source(%arg23 : memref<32x128xf32, #tpu.memory_space<vmem>>) target(%dma_start3A_328 : memref<32x128xf32, #tpu.memory_space<vmem_shared>>) target_semaphore(%run_scoped3A : memref<!tpu.dma_semaphore, #tpu.memory_space<semaphore_mem>>)
      %dma_wait3A_329 = arith.constant 0 : i32
      %dma_wait3A_330 = tpu.memref_slice %arg24[%add3A_32, %dma_wait3A_329] : memref<10240x128xf32, #tpu.memory_space<vmem_shared>> -> memref<32x128xf32, #tpu.memory_space<vmem_shared>>
      %dma_wait3A_331 = arith.constant 0 : i32
      %dma_wait3A_332 = tpu.memref_slice %arg24[%add3A_32, %dma_wait3A_331] : memref<10240x128xf32, #tpu.memory_space<vmem_shared>> -> memref<32x128xf32, #tpu.memory_space<vmem_shared>>
      tpu.wait_dma2 semaphore(%run_scoped3A : memref<!tpu.dma_semaphore, #tpu.memory_space<semaphore_mem>>) src(%arg23 : memref<32x128xf32, #tpu.memory_space<vmem>>) dst(%dma_wait3A_332 : memref<32x128xf32, #tpu.memory_space<vmem_shared>>)
      tpu.yield
    }) : () -> ()
    %add3A_33 = arith.constant 416 : i32
    %add3A_34 = arith.addi %mul3A_6, %add3A_33 : i32
    "tpu.region"() ({
      %run_scoped3A = tpu.sem_alloc : memref<!tpu.dma_semaphore, #tpu.memory_space<semaphore_mem>>
      %dma_start3A_325 = arith.constant 0 : i32
      %dma_start3A_326 = tpu.memref_slice %arg24[%add3A_34, %dma_start3A_325] : memref<10240x128xf32, #tpu.memory_space<vmem_shared>> -> memref<32x128xf32, #tpu.memory_space<vmem_shared>>
      %dma_start3A_327 = arith.constant 0 : i32
      %dma_start3A_328 = tpu.memref_slice %arg24[%add3A_34, %dma_start3A_327] : memref<10240x128xf32, #tpu.memory_space<vmem_shared>> -> memref<32x128xf32, #tpu.memory_space<vmem_shared>>
      tpu.enqueue_dma source(%arg23 : memref<32x128xf32, #tpu.memory_space<vmem>>) target(%dma_start3A_328 : memref<32x128xf32, #tpu.memory_space<vmem_shared>>) target_semaphore(%run_scoped3A : memref<!tpu.dma_semaphore, #tpu.memory_space<semaphore_mem>>)
      %dma_wait3A_329 = arith.constant 0 : i32
      %dma_wait3A_330 = tpu.memref_slice %arg24[%add3A_34, %dma_wait3A_329] : memref<10240x128xf32, #tpu.memory_space<vmem_shared>> -> memref<32x128xf32, #tpu.memory_space<vmem_shared>>
      %dma_wait3A_331 = arith.constant 0 : i32
      %dma_wait3A_332 = tpu.memref_slice %arg24[%add3A_34, %dma_wait3A_331] : memref<10240x128xf32, #tpu.memory_space<vmem_shared>> -> memref<32x128xf32, #tpu.memory_space<vmem_shared>>
      tpu.wait_dma2 semaphore(%run_scoped3A : memref<!tpu.dma_semaphore, #tpu.memory_space<semaphore_mem>>) src(%arg23 : memref<32x128xf32, #tpu.memory_space<vmem>>) dst(%dma_wait3A_332 : memref<32x128xf32, #tpu.memory_space<vmem_shared>>)
      tpu.yield
    }) : () -> ()
    %add3A_35 = arith.constant 448 : i32
    %add3A_36 = arith.addi %mul3A_6, %add3A_35 : i32
    "tpu.region"() ({
      %run_scoped3A = tpu.sem_alloc : memref<!tpu.dma_semaphore, #tpu.memory_space<semaphore_mem>>
      %dma_start3A_325 = arith.constant 0 : i32
      %dma_start3A_326 = tpu.memref_slice %arg24[%add3A_36, %dma_start3A_325] : memref<10240x128xf32, #tpu.memory_space<vmem_shared>> -> memref<32x128xf32, #tpu.memory_space<vmem_shared>>
      %dma_start3A_327 = arith.constant 0 : i32
      %dma_start3A_328 = tpu.memref_slice %arg24[%add3A_36, %dma_start3A_327] : memref<10240x128xf32, #tpu.memory_space<vmem_shared>> -> memref<32x128xf32, #tpu.memory_space<vmem_shared>>
      tpu.enqueue_dma source(%arg23 : memref<32x128xf32, #tpu.memory_space<vmem>>) target(%dma_start3A_328 : memref<32x128xf32, #tpu.memory_space<vmem_shared>>) target_semaphore(%run_scoped3A : memref<!tpu.dma_semaphore, #tpu.memory_space<semaphore_mem>>)
      %dma_wait3A_329 = arith.constant 0 : i32
      %dma_wait3A_330 = tpu.memref_slice %arg24[%add3A_36, %dma_wait3A_329] : memref<10240x128xf32, #tpu.memory_space<vmem_shared>> -> memref<32x128xf32, #tpu.memory_space<vmem_shared>>
      %dma_wait3A_331 = arith.constant 0 : i32
      %dma_wait3A_332 = tpu.memref_slice %arg24[%add3A_36, %dma_wait3A_331] : memref<10240x128xf32, #tpu.memory_space<vmem_shared>> -> memref<32x128xf32, #tpu.memory_space<vmem_shared>>
      tpu.wait_dma2 semaphore(%run_scoped3A : memref<!tpu.dma_semaphore, #tpu.memory_space<semaphore_mem>>) src(%arg23 : memref<32x128xf32, #tpu.memory_space<vmem>>) dst(%dma_wait3A_332 : memref<32x128xf32, #tpu.memory_space<vmem_shared>>)
      tpu.yield
    }) : () -> ()
    %add3A_37 = arith.constant 480 : i32
    %add3A_38 = arith.addi %mul3A_6, %add3A_37 : i32
    "tpu.region"() ({
      %run_scoped3A = tpu.sem_alloc : memref<!tpu.dma_semaphore, #tpu.memory_space<semaphore_mem>>
      %dma_start3A_325 = arith.constant 0 : i32
      %dma_start3A_326 = tpu.memref_slice %arg24[%add3A_38, %dma_start3A_325] : memref<10240x128xf32, #tpu.memory_space<vmem_shared>> -> memref<32x128xf32, #tpu.memory_space<vmem_shared>>
      %dma_start3A_327 = arith.constant 0 : i32
      %dma_start3A_328 = tpu.memref_slice %arg24[%add3A_38, %dma_start3A_327] : memref<10240x128xf32, #tpu.memory_space<vmem_shared>> -> memref<32x128xf32, #tpu.memory_space<vmem_shared>>
      tpu.enqueue_dma source(%arg23 : memref<32x128xf32, #tpu.memory_space<vmem>>) target(%dma_start3A_328 : memref<32x128xf32, #tpu.memory_space<vmem_shared>>) target_semaphore(%run_scoped3A : memref<!tpu.dma_semaphore, #tpu.memory_space<semaphore_mem>>)
      %dma_wait3A_329 = arith.constant 0 : i32
      %dma_wait3A_330 = tpu.memref_slice %arg24[%add3A_38, %dma_wait3A_329] : memref<10240x128xf32, #tpu.memory_space<vmem_shared>> -> memref<32x128xf32, #tpu.memory_space<vmem_shared>>
      %dma_wait3A_331 = arith.constant 0 : i32
      %dma_wait3A_332 = tpu.memref_slice %arg24[%add3A_38, %dma_wait3A_331] : memref<10240x128xf32, #tpu.memory_space<vmem_shared>> -> memref<32x128xf32, #tpu.memory_space<vmem_shared>>
      tpu.wait_dma2 semaphore(%run_scoped3A : memref<!tpu.dma_semaphore, #tpu.memory_space<semaphore_mem>>) src(%arg23 : memref<32x128xf32, #tpu.memory_space<vmem>>) dst(%dma_wait3A_332 : memref<32x128xf32, #tpu.memory_space<vmem_shared>>)
      tpu.yield
    }) : () -> ()
    %add3A_39 = arith.constant 512 : i32
    %add3A_40 = arith.addi %mul3A_6, %add3A_39 : i32
    "tpu.region"() ({
      %run_scoped3A = tpu.sem_alloc : memref<!tpu.dma_semaphore, #tpu.memory_space<semaphore_mem>>
      %dma_start3A_325 = arith.constant 0 : i32
      %dma_start3A_326 = tpu.memref_slice %arg24[%add3A_40, %dma_start3A_325] : memref<10240x128xf32, #tpu.memory_space<vmem_shared>> -> memref<32x128xf32, #tpu.memory_space<vmem_shared>>
      %dma_start3A_327 = arith.constant 0 : i32
      %dma_start3A_328 = tpu.memref_slice %arg24[%add3A_40, %dma_start3A_327] : memref<10240x128xf32, #tpu.memory_space<vmem_shared>> -> memref<32x128xf32, #tpu.memory_space<vmem_shared>>
      tpu.enqueue_dma source(%arg23 : memref<32x128xf32, #tpu.memory_space<vmem>>) target(%dma_start3A_328 : memref<32x128xf32, #tpu.memory_space<vmem_shared>>) target_semaphore(%run_scoped3A : memref<!tpu.dma_semaphore, #tpu.memory_space<semaphore_mem>>)
      %dma_wait3A_329 = arith.constant 0 : i32
      %dma_wait3A_330 = tpu.memref_slice %arg24[%add3A_40, %dma_wait3A_329] : memref<10240x128xf32, #tpu.memory_space<vmem_shared>> -> memref<32x128xf32, #tpu.memory_space<vmem_shared>>
      %dma_wait3A_331 = arith.constant 0 : i32
      %dma_wait3A_332 = tpu.memref_slice %arg24[%add3A_40, %dma_wait3A_331] : memref<10240x128xf32, #tpu.memory_space<vmem_shared>> -> memref<32x128xf32, #tpu.memory_space<vmem_shared>>
      tpu.wait_dma2 semaphore(%run_scoped3A : memref<!tpu.dma_semaphore, #tpu.memory_space<semaphore_mem>>) src(%arg23 : memref<32x128xf32, #tpu.memory_space<vmem>>) dst(%dma_wait3A_332 : memref<32x128xf32, #tpu.memory_space<vmem_shared>>)
      tpu.yield
    }) : () -> ()
    %add3A_41 = arith.constant 544 : i32
    %add3A_42 = arith.addi %mul3A_6, %add3A_41 : i32
    "tpu.region"() ({
      %run_scoped3A = tpu.sem_alloc : memref<!tpu.dma_semaphore, #tpu.memory_space<semaphore_mem>>
      %dma_start3A_325 = arith.constant 0 : i32
      %dma_start3A_326 = tpu.memref_slice %arg24[%add3A_42, %dma_start3A_325] : memref<10240x128xf32, #tpu.memory_space<vmem_shared>> -> memref<32x128xf32, #tpu.memory_space<vmem_shared>>
      %dma_start3A_327 = arith.constant 0 : i32
      %dma_start3A_328 = tpu.memref_slice %arg24[%add3A_42, %dma_start3A_327] : memref<10240x128xf32, #tpu.memory_space<vmem_shared>> -> memref<32x128xf32, #tpu.memory_space<vmem_shared>>
      tpu.enqueue_dma source(%arg23 : memref<32x128xf32, #tpu.memory_space<vmem>>) target(%dma_start3A_328 : memref<32x128xf32, #tpu.memory_space<vmem_shared>>) target_semaphore(%run_scoped3A : memref<!tpu.dma_semaphore, #tpu.memory_space<semaphore_mem>>)
      %dma_wait3A_329 = arith.constant 0 : i32
      %dma_wait3A_330 = tpu.memref_slice %arg24[%add3A_42, %dma_wait3A_329] : memref<10240x128xf32, #tpu.memory_space<vmem_shared>> -> memref<32x128xf32, #tpu.memory_space<vmem_shared>>
      %dma_wait3A_331 = arith.constant 0 : i32
      %dma_wait3A_332 = tpu.memref_slice %arg24[%add3A_42, %dma_wait3A_331] : memref<10240x128xf32, #tpu.memory_space<vmem_shared>> -> memref<32x128xf32, #tpu.memory_space<vmem_shared>>
      tpu.wait_dma2 semaphore(%run_scoped3A : memref<!tpu.dma_semaphore, #tpu.memory_space<semaphore_mem>>) src(%arg23 : memref<32x128xf32, #tpu.memory_space<vmem>>) dst(%dma_wait3A_332 : memref<32x128xf32, #tpu.memory_space<vmem_shared>>)
      tpu.yield
    }) : () -> ()
    %add3A_43 = arith.constant 576 : i32
    %add3A_44 = arith.addi %mul3A_6, %add3A_43 : i32
    "tpu.region"() ({
      %run_scoped3A = tpu.sem_alloc : memref<!tpu.dma_semaphore, #tpu.memory_space<semaphore_mem>>
      %dma_start3A_325 = arith.constant 0 : i32
      %dma_start3A_326 = tpu.memref_slice %arg24[%add3A_44, %dma_start3A_325] : memref<10240x128xf32, #tpu.memory_space<vmem_shared>> -> memref<32x128xf32, #tpu.memory_space<vmem_shared>>
      %dma_start3A_327 = arith.constant 0 : i32
      %dma_start3A_328 = tpu.memref_slice %arg24[%add3A_44, %dma_start3A_327] : memref<10240x128xf32, #tpu.memory_space<vmem_shared>> -> memref<32x128xf32, #tpu.memory_space<vmem_shared>>
      tpu.enqueue_dma source(%arg23 : memref<32x128xf32, #tpu.memory_space<vmem>>) target(%dma_start3A_328 : memref<32x128xf32, #tpu.memory_space<vmem_shared>>) target_semaphore(%run_scoped3A : memref<!tpu.dma_semaphore, #tpu.memory_space<semaphore_mem>>)
      %dma_wait3A_329 = arith.constant 0 : i32
      %dma_wait3A_330 = tpu.memref_slice %arg24[%add3A_44, %dma_wait3A_329] : memref<10240x128xf32, #tpu.memory_space<vmem_shared>> -> memref<32x128xf32, #tpu.memory_space<vmem_shared>>
      %dma_wait3A_331 = arith.constant 0 : i32
      %dma_wait3A_332 = tpu.memref_slice %arg24[%add3A_44, %dma_wait3A_331] : memref<10240x128xf32, #tpu.memory_space<vmem_shared>> -> memref<32x128xf32, #tpu.memory_space<vmem_shared>>
      tpu.wait_dma2 semaphore(%run_scoped3A : memref<!tpu.dma_semaphore, #tpu.memory_space<semaphore_mem>>) src(%arg23 : memref<32x128xf32, #tpu.memory_space<vmem>>) dst(%dma_wait3A_332 : memref<32x128xf32, #tpu.memory_space<vmem_shared>>)
      tpu.yield
    }) : () -> ()
    %add3A_45 = arith.constant 608 : i32
    %add3A_46 = arith.addi %mul3A_6, %add3A_45 : i32
    "tpu.region"() ({
      %run_scoped3A = tpu.sem_alloc : memref<!tpu.dma_semaphore, #tpu.memory_space<semaphore_mem>>
      %dma_start3A_325 = arith.constant 0 : i32
      %dma_start3A_326 = tpu.memref_slice %arg24[%add3A_46, %dma_start3A_325] : memref<10240x128xf32, #tpu.memory_space<vmem_shared>> -> memref<32x128xf32, #tpu.memory_space<vmem_shared>>
      %dma_start3A_327 = arith.constant 0 : i32
      %dma_start3A_328 = tpu.memref_slice %arg24[%add3A_46, %dma_start3A_327] : memref<10240x128xf32, #tpu.memory_space<vmem_shared>> -> memref<32x128xf32, #tpu.memory_space<vmem_shared>>
      tpu.enqueue_dma source(%arg23 : memref<32x128xf32, #tpu.memory_space<vmem>>) target(%dma_start3A_328 : memref<32x128xf32, #tpu.memory_space<vmem_shared>>) target_semaphore(%run_scoped3A : memref<!tpu.dma_semaphore, #tpu.memory_space<semaphore_mem>>)
      %dma_wait3A_329 = arith.constant 0 : i32
      %dma_wait3A_330 = tpu.memref_slice %arg24[%add3A_46, %dma_wait3A_329] : memref<10240x128xf32, #tpu.memory_space<vmem_shared>> -> memref<32x128xf32, #tpu.memory_space<vmem_shared>>
      %dma_wait3A_331 = arith.constant 0 : i32
      %dma_wait3A_332 = tpu.memref_slice %arg24[%add3A_46, %dma_wait3A_331] : memref<10240x128xf32, #tpu.memory_space<vmem_shared>> -> memref<32x128xf32, #tpu.memory_space<vmem_shared>>
      tpu.wait_dma2 semaphore(%run_scoped3A : memref<!tpu.dma_semaphore, #tpu.memory_space<semaphore_mem>>) src(%arg23 : memref<32x128xf32, #tpu.memory_space<vmem>>) dst(%dma_wait3A_332 : memref<32x128xf32, #tpu.memory_space<vmem_shared>>)
      tpu.yield
    }) : () -> ()
    %barrier3A = arith.constant 0 : index
    tpu.barrier barrier_id(%barrier3A)
    %mul3A_47 = arith.constant 10000 : i32
    %mul3A_48 = arith.muli %add3A, %mul3A_47 : i32
    %add3A_49 = arith.constant 0 : i32
    %add3A_50 = arith.addi %mul3A_48, %add3A_49 : i32
    %dma_start3A = tpu.memref_slice %arg4[%add3A_50] : memref<320000xi32, #tpu.memory_space<hbm>> -> memref<40xi32, #tpu.memory_space<hbm>>
    %dma_start3A_51 = tpu.memref_slice %arg4[%add3A_50] : memref<320000xi32, #tpu.memory_space<hbm>> -> memref<40xi32, #tpu.memory_space<hbm>>
    tpu.enqueue_dma source(%dma_start3A_51 : memref<40xi32, #tpu.memory_space<hbm>>) target(%arg7 : memref<40xi32, #tpu.memory_space<vmem>>) target_semaphore(%arg25 : memref<!tpu.dma_semaphore, #tpu.memory_space<semaphore_mem>>)
    %dma_start3A_52 = tpu.memref_slice %arg5[%add3A_50] : memref<320000xi32, #tpu.memory_space<hbm>> -> memref<40xi32, #tpu.memory_space<hbm>>
    %dma_start3A_53 = tpu.memref_slice %arg5[%add3A_50] : memref<320000xi32, #tpu.memory_space<hbm>> -> memref<40xi32, #tpu.memory_space<hbm>>
    tpu.enqueue_dma source(%dma_start3A_53 : memref<40xi32, #tpu.memory_space<hbm>>) target(%arg11 : memref<40xi32, #tpu.memory_space<vmem>>) target_semaphore(%arg29 : memref<!tpu.dma_semaphore, #tpu.memory_space<semaphore_mem>>)
    %mul3A_54 = arith.constant 10000 : i32
    %mul3A_55 = arith.muli %add3A, %mul3A_54 : i32
    %add3A_56 = arith.constant 40 : i32
    %add3A_57 = arith.addi %mul3A_55, %add3A_56 : i32
    %dma_start3A_58 = tpu.memref_slice %arg4[%add3A_57] : memref<320000xi32, #tpu.memory_space<hbm>> -> memref<40xi32, #tpu.memory_space<hbm>>
    %dma_start3A_59 = tpu.memref_slice %arg4[%add3A_57] : memref<320000xi32, #tpu.memory_space<hbm>> -> memref<40xi32, #tpu.memory_space<hbm>>
    tpu.enqueue_dma source(%dma_start3A_59 : memref<40xi32, #tpu.memory_space<hbm>>) target(%arg8 : memref<40xi32, #tpu.memory_space<vmem>>) target_semaphore(%arg26 : memref<!tpu.dma_semaphore, #tpu.memory_space<semaphore_mem>>)
    %dma_start3A_60 = tpu.memref_slice %arg5[%add3A_57] : memref<320000xi32, #tpu.memory_space<hbm>> -> memref<40xi32, #tpu.memory_space<hbm>>
    %dma_start3A_61 = tpu.memref_slice %arg5[%add3A_57] : memref<320000xi32, #tpu.memory_space<hbm>> -> memref<40xi32, #tpu.memory_space<hbm>>
    tpu.enqueue_dma source(%dma_start3A_61 : memref<40xi32, #tpu.memory_space<hbm>>) target(%arg12 : memref<40xi32, #tpu.memory_space<vmem>>) target_semaphore(%arg30 : memref<!tpu.dma_semaphore, #tpu.memory_space<semaphore_mem>>)
    %mul3A_62 = arith.constant 10000 : i32
    %mul3A_63 = arith.muli %add3A, %mul3A_62 : i32
    %add3A_64 = arith.constant 80 : i32
    %add3A_65 = arith.addi %mul3A_63, %add3A_64 : i32
    %dma_start3A_66 = tpu.memref_slice %arg4[%add3A_65] : memref<320000xi32, #tpu.memory_space<hbm>> -> memref<40xi32, #tpu.memory_space<hbm>>
    %dma_start3A_67 = tpu.memref_slice %arg4[%add3A_65] : memref<320000xi32, #tpu.memory_space<hbm>> -> memref<40xi32, #tpu.memory_space<hbm>>
    tpu.enqueue_dma source(%dma_start3A_67 : memref<40xi32, #tpu.memory_space<hbm>>) target(%arg9 : memref<40xi32, #tpu.memory_space<vmem>>) target_semaphore(%arg27 : memref<!tpu.dma_semaphore, #tpu.memory_space<semaphore_mem>>)
    %dma_start3A_68 = tpu.memref_slice %arg5[%add3A_65] : memref<320000xi32, #tpu.memory_space<hbm>> -> memref<40xi32, #tpu.memory_space<hbm>>
    %dma_start3A_69 = tpu.memref_slice %arg5[%add3A_65] : memref<320000xi32, #tpu.memory_space<hbm>> -> memref<40xi32, #tpu.memory_space<hbm>>
    tpu.enqueue_dma source(%dma_start3A_69 : memref<40xi32, #tpu.memory_space<hbm>>) target(%arg13 : memref<40xi32, #tpu.memory_space<vmem>>) target_semaphore(%arg31 : memref<!tpu.dma_semaphore, #tpu.memory_space<semaphore_mem>>)
    %mul3A_70 = arith.constant 10000 : i32
    %mul3A_71 = arith.muli %add3A, %mul3A_70 : i32
    %add3A_72 = arith.constant 120 : i32
    %add3A_73 = arith.addi %mul3A_71, %add3A_72 : i32
    %dma_start3A_74 = tpu.memref_slice %arg4[%add3A_73] : memref<320000xi32, #tpu.memory_space<hbm>> -> memref<40xi32, #tpu.memory_space<hbm>>
    %dma_start3A_75 = tpu.memref_slice %arg4[%add3A_73] : memref<320000xi32, #tpu.memory_space<hbm>> -> memref<40xi32, #tpu.memory_space<hbm>>
    tpu.enqueue_dma source(%dma_start3A_75 : memref<40xi32, #tpu.memory_space<hbm>>) target(%arg10 : memref<40xi32, #tpu.memory_space<vmem>>) target_semaphore(%arg28 : memref<!tpu.dma_semaphore, #tpu.memory_space<semaphore_mem>>)
    %dma_start3A_76 = tpu.memref_slice %arg5[%add3A_73] : memref<320000xi32, #tpu.memory_space<hbm>> -> memref<40xi32, #tpu.memory_space<hbm>>
    %dma_start3A_77 = tpu.memref_slice %arg5[%add3A_73] : memref<320000xi32, #tpu.memory_space<hbm>> -> memref<40xi32, #tpu.memory_space<hbm>>
    tpu.enqueue_dma source(%dma_start3A_77 : memref<40xi32, #tpu.memory_space<hbm>>) target(%arg14 : memref<40xi32, #tpu.memory_space<vmem>>) target_semaphore(%arg32 : memref<!tpu.dma_semaphore, #tpu.memory_space<semaphore_mem>>)
    %mul3A_78 = arith.constant 10000 : i32
    %mul3A_79 = arith.muli %add3A, %mul3A_78 : i32
    %add3A_80 = arith.constant 0 : i32
    %add3A_81 = arith.addi %mul3A_79, %add3A_80 : i32
    %dma_wait3A = tpu.memref_slice %arg4[%add3A_81] : memref<320000xi32, #tpu.memory_space<hbm>> -> memref<40xi32, #tpu.memory_space<hbm>>
    %dma_wait3A_82 = tpu.memref_slice %arg4[%add3A_81] : memref<320000xi32, #tpu.memory_space<hbm>> -> memref<40xi32, #tpu.memory_space<hbm>>
    tpu.wait_dma2 semaphore(%arg25 : memref<!tpu.dma_semaphore, #tpu.memory_space<semaphore_mem>>) src(%dma_wait3A_82 : memref<40xi32, #tpu.memory_space<hbm>>) dst(%arg7 : memref<40xi32, #tpu.memory_space<vmem>>)
    %dma_start3A_83 = arith.constant 0 : i32
    %dma_start3A_84 = arith.constant 0 : i32
    %dma_start3A_85 = tpu.memref_slice %arg2[%dma_start3A_83, %dma_start3A_84] : memref<10240x128xf32, #tpu.memory_space<hbm>> -> memref<10240x128xf32, #tpu.memory_space<hbm>>
    tpu.enqueue_indirect_dma source(%dma_start3A_85 : memref<10240x128xf32, #tpu.memory_space<hbm>>) target(%arg15 : memref<40x128xf32, #tpu.memory_space<vmem>>) offsets(%arg7 : memref<40xi32, #tpu.memory_space<vmem>>) semaphore(%arg33 : memref<!tpu.dma_semaphore, #tpu.memory_space<semaphore_mem>>)
    %dma_start3A_86 = arith.constant 0 : i32
    %dma_start3A_87 = tpu.memref_slice %arg3[%add3A_81, %dma_start3A_86] : memref<320000x128xf32, #tpu.memory_space<hbm>> -> memref<40x128xf32, #tpu.memory_space<hbm>>
    %dma_start3A_88 = arith.constant 0 : i32
    %dma_start3A_89 = tpu.memref_slice %arg3[%add3A_81, %dma_start3A_88] : memref<320000x128xf32, #tpu.memory_space<hbm>> -> memref<40x128xf32, #tpu.memory_space<hbm>>
    tpu.enqueue_dma source(%dma_start3A_89 : memref<40x128xf32, #tpu.memory_space<hbm>>) target(%arg19 : memref<40x128xf32, #tpu.memory_space<vmem>>) target_semaphore(%arg37 : memref<!tpu.dma_semaphore, #tpu.memory_space<semaphore_mem>>)
    %mul3A_90 = arith.constant 10000 : i32
    %mul3A_91 = arith.muli %add3A, %mul3A_90 : i32
    %add3A_92 = arith.constant 40 : i32
    %add3A_93 = arith.addi %mul3A_91, %add3A_92 : i32
    %dma_wait3A_94 = tpu.memref_slice %arg4[%add3A_93] : memref<320000xi32, #tpu.memory_space<hbm>> -> memref<40xi32, #tpu.memory_space<hbm>>
    %dma_wait3A_95 = tpu.memref_slice %arg4[%add3A_93] : memref<320000xi32, #tpu.memory_space<hbm>> -> memref<40xi32, #tpu.memory_space<hbm>>
    tpu.wait_dma2 semaphore(%arg26 : memref<!tpu.dma_semaphore, #tpu.memory_space<semaphore_mem>>) src(%dma_wait3A_95 : memref<40xi32, #tpu.memory_space<hbm>>) dst(%arg8 : memref<40xi32, #tpu.memory_space<vmem>>)
    %dma_start3A_96 = arith.constant 0 : i32
    %dma_start3A_97 = arith.constant 0 : i32
    %dma_start3A_98 = tpu.memref_slice %arg2[%dma_start3A_96, %dma_start3A_97] : memref<10240x128xf32, #tpu.memory_space<hbm>> -> memref<10240x128xf32, #tpu.memory_space<hbm>>
    tpu.enqueue_indirect_dma source(%dma_start3A_98 : memref<10240x128xf32, #tpu.memory_space<hbm>>) target(%arg16 : memref<40x128xf32, #tpu.memory_space<vmem>>) offsets(%arg8 : memref<40xi32, #tpu.memory_space<vmem>>) semaphore(%arg34 : memref<!tpu.dma_semaphore, #tpu.memory_space<semaphore_mem>>)
    %dma_start3A_99 = arith.constant 0 : i32
    %dma_start3A_100 = tpu.memref_slice %arg3[%add3A_93, %dma_start3A_99] : memref<320000x128xf32, #tpu.memory_space<hbm>> -> memref<40x128xf32, #tpu.memory_space<hbm>>
    %dma_start3A_101 = arith.constant 0 : i32
    %dma_start3A_102 = tpu.memref_slice %arg3[%add3A_93, %dma_start3A_101] : memref<320000x128xf32, #tpu.memory_space<hbm>> -> memref<40x128xf32, #tpu.memory_space<hbm>>
    tpu.enqueue_dma source(%dma_start3A_102 : memref<40x128xf32, #tpu.memory_space<hbm>>) target(%arg20 : memref<40x128xf32, #tpu.memory_space<vmem>>) target_semaphore(%arg38 : memref<!tpu.dma_semaphore, #tpu.memory_space<semaphore_mem>>)
    %scan3A_103 = arith.constant 0 : i32
    %scan3A_104 = arith.constant 61 : i32
    %scan3A_105 = arith.addi %scan3A_103, %scan3A_104 : i32
    %scan3A_106 = arith.constant 1 : i32
    scf.for %scan3A_325 = %scan3A_103 to %scan3A_105 step %scan3A_106  : i32 {
      %mul3A_326 = arith.constant 4 : i32
      %mul3A_327 = arith.muli %scan3A_325, %mul3A_326 : i32
      %add3A_328 = arith.constant 0 : i32
      %add3A_329 = arith.addi %mul3A_327, %add3A_328 : i32
      %mul3A_330 = arith.constant 10000 : i32
      %mul3A_331 = arith.muli %add3A, %mul3A_330 : i32
      %mul3A_332 = arith.constant 40 : i32
      %mul3A_333 = arith.muli %add3A_329, %mul3A_332 : i32
      %add3A_334 = arith.addi %mul3A_331, %mul3A_333 : i32
      %dma_wait3A_335 = arith.constant 0 : i32
      %dma_wait3A_336 = arith.constant 0 : i32
      %dma_wait3A_337 = tpu.memref_slice %arg2[%dma_wait3A_335, %dma_wait3A_336] : memref<10240x128xf32, #tpu.memory_space<hbm>> -> memref<10240x128xf32, #tpu.memory_space<hbm>>
      tpu.wait_indirect_dma semaphore(%arg33 : memref<!tpu.dma_semaphore, #tpu.memory_space<semaphore_mem>>) src(%dma_wait3A_337 : memref<10240x128xf32, #tpu.memory_space<hbm>>) dst(%arg15 : memref<40x128xf32, #tpu.memory_space<vmem>>)
      %dma_wait3A_338 = arith.constant 0 : i32
      %dma_wait3A_339 = tpu.memref_slice %arg3[%add3A_334, %dma_wait3A_338] : memref<320000x128xf32, #tpu.memory_space<hbm>> -> memref<40x128xf32, #tpu.memory_space<hbm>>
      %dma_wait3A_340 = arith.constant 0 : i32
      %dma_wait3A_341 = tpu.memref_slice %arg3[%add3A_334, %dma_wait3A_340] : memref<320000x128xf32, #tpu.memory_space<hbm>> -> memref<40x128xf32, #tpu.memory_space<hbm>>
      tpu.wait_dma2 semaphore(%arg37 : memref<!tpu.dma_semaphore, #tpu.memory_space<semaphore_mem>>) src(%dma_wait3A_341 : memref<40x128xf32, #tpu.memory_space<hbm>>) dst(%arg19 : memref<40x128xf32, #tpu.memory_space<vmem>>)
      %scan3A_342 = arith.constant 0 : i32
      %scan3A_343 = arith.constant 40 : i32
      %scan3A_344 = arith.addi %scan3A_342, %scan3A_343 : i32
      %scan3A_345 = arith.constant 1 : i32
      scf.for %scan3A_520 = %scan3A_342 to %scan3A_344 step %scan3A_345  : i32 {
        %get3A = arith.index_cast %scan3A_520 : i32 to index
        %get3A_521 = arith.constant 0 : index
        %get3A_522 = tpu.vector_load %arg15[%get3A, %get3A_521] {strides = array<i32>} : memref<40x128xf32, #tpu.memory_space<vmem>>, vector<1x16xf32>,
        %get3A_523 = vector.shape_cast %get3A_522 : vector<1x16xf32> to vector<16xf32>
        %get3A_524 = arith.index_cast %scan3A_520 : i32 to index
        %get3A_525 = arith.constant 0 : index
        %get3A_526 = tpu.vector_load %arg19[%get3A_524, %get3A_525] {strides = array<i32>} : memref<40x128xf32, #tpu.memory_space<vmem>>, vector<1x16xf32>,
        %get3A_527 = vector.shape_cast %get3A_526 : vector<1x16xf32> to vector<16xf32>
        %add3A_528 = arith.addf %get3A_523, %get3A_527 : vector<16xf32>
        %max3A = arith.constant 0.000000e+00 : f32
        %max3A_529 = vector.broadcast %max3A : f32 to vector<16xf32>
        %max3A_530 = arith.maximumf %add3A_528, %max3A_529 : vector<16xf32>
        %swap3A = arith.index_cast %scan3A_520 : i32 to index
        %swap3A_531 = arith.constant 0 : index
        %swap3A_532 = tpu.vector_load %arg15[%swap3A, %swap3A_531] {strides = array<i32>} : memref<40x128xf32, #tpu.memory_space<vmem>>, vector<1x16xf32>,
        %swap3A_533 = vector.shape_cast %swap3A_532 : vector<1x16xf32> to vector<16xf32>
        %swap3A_534 = vector.shape_cast %max3A_530 : vector<16xf32> to vector<1x16xf32>
        tpu.vector_store %arg15[%swap3A, %swap3A_531], %swap3A_534 {strides = array<i32>} : memref<40x128xf32, #tpu.memory_space<vmem>>, vector<1x16xf32>,
        %get3A_535 = arith.index_cast %scan3A_520 : i32 to index
        %get3A_536 = arith.constant 16 : index
        %get3A_537 = tpu.vector_load %arg15[%get3A_535, %get3A_536] {strides = array<i32>} : memref<40x128xf32, #tpu.memory_space<vmem>>, vector<1x16xf32>,
        %get3A_538 = vector.shape_cast %get3A_537 : vector<1x16xf32> to vector<16xf32>
        %get3A_539 = arith.index_cast %scan3A_520 : i32 to index
        %get3A_540 = arith.constant 16 : index
        %get3A_541 = tpu.vector_load %arg19[%get3A_539, %get3A_540] {strides = array<i32>} : memref<40x128xf32, #tpu.memory_space<vmem>>, vector<1x16xf32>,
        %get3A_542 = vector.shape_cast %get3A_541 : vector<1x16xf32> to vector<16xf32>
        %add3A_543 = arith.addf %get3A_538, %get3A_542 : vector<16xf32>
        %max3A_544 = arith.constant 0.000000e+00 : f32
        %max3A_545 = vector.broadcast %max3A_544 : f32 to vector<16xf32>
        %max3A_546 = arith.maximumf %add3A_543, %max3A_545 : vector<16xf32>
        %swap3A_547 = arith.index_cast %scan3A_520 : i32 to index
        %swap3A_548 = arith.constant 16 : index
        %swap3A_549 = tpu.vector_load %arg15[%swap3A_547, %swap3A_548] {strides = array<i32>} : memref<40x128xf32, #tpu.memory_space<vmem>>, vector<1x16xf32>,
        %swap3A_550 = vector.shape_cast %swap3A_549 : vector<1x16xf32> to vector<16xf32>
        %swap3A_551 = vector.shape_cast %max3A_546 : vector<16xf32> to vector<1x16xf32>
        tpu.vector_store %arg15[%swap3A_547, %swap3A_548], %swap3A_551 {strides = array<i32>} : memref<40x128xf32, #tpu.memory_space<vmem>>, vector<1x16xf32>,
        %get3A_552 = arith.index_cast %scan3A_520 : i32 to index
        %get3A_553 = arith.constant 32 : index
        %get3A_554 = tpu.vector_load %arg15[%get3A_552, %get3A_553] {strides = array<i32>} : memref<40x128xf32, #tpu.memory_space<vmem>>, vector<1x16xf32>,
        %get3A_555 = vector.shape_cast %get3A_554 : vector<1x16xf32> to vector<16xf32>
        %get3A_556 = arith.index_cast %scan3A_520 : i32 to index
        %get3A_557 = arith.constant 32 : index
        %get3A_558 = tpu.vector_load %arg19[%get3A_556, %get3A_557] {strides = array<i32>} : memref<40x128xf32, #tpu.memory_space<vmem>>, vector<1x16xf32>,
        %get3A_559 = vector.shape_cast %get3A_558 : vector<1x16xf32> to vector<16xf32>
        %add3A_560 = arith.addf %get3A_555, %get3A_559 : vector<16xf32>
        %max3A_561 = arith.constant 0.000000e+00 : f32
        %max3A_562 = vector.broadcast %max3A_561 : f32 to vector<16xf32>
        %max3A_563 = arith.maximumf %add3A_560, %max3A_562 : vector<16xf32>
        %swap3A_564 = arith.index_cast %scan3A_520 : i32 to index
        %swap3A_565 = arith.constant 32 : index
        %swap3A_566 = tpu.vector_load %arg15[%swap3A_564, %swap3A_565] {strides = array<i32>} : memref<40x128xf32, #tpu.memory_space<vmem>>, vector<1x16xf32>,
        %swap3A_567 = vector.shape_cast %swap3A_566 : vector<1x16xf32> to vector<16xf32>
        %swap3A_568 = vector.shape_cast %max3A_563 : vector<16xf32> to vector<1x16xf32>
        tpu.vector_store %arg15[%swap3A_564, %swap3A_565], %swap3A_568 {strides = array<i32>} : memref<40x128xf32, #tpu.memory_space<vmem>>, vector<1x16xf32>,
        %get3A_569 = arith.index_cast %scan3A_520 : i32 to index
        %get3A_570 = arith.constant 48 : index
        %get3A_571 = tpu.vector_load %arg15[%get3A_569, %get3A_570] {strides = array<i32>} : memref<40x128xf32, #tpu.memory_space<vmem>>, vector<1x16xf32>,
        %get3A_572 = vector.shape_cast %get3A_571 : vector<1x16xf32> to vector<16xf32>
        %get3A_573 = arith.index_cast %scan3A_520 : i32 to index
        %get3A_574 = arith.constant 48 : index
        %get3A_575 = tpu.vector_load %arg19[%get3A_573, %get3A_574] {strides = array<i32>} : memref<40x128xf32, #tpu.memory_space<vmem>>, vector<1x16xf32>,
        %get3A_576 = vector.shape_cast %get3A_575 : vector<1x16xf32> to vector<16xf32>
        %add3A_577 = arith.addf %get3A_572, %get3A_576 : vector<16xf32>
        %max3A_578 = arith.constant 0.000000e+00 : f32
        %max3A_579 = vector.broadcast %max3A_578 : f32 to vector<16xf32>
        %max3A_580 = arith.maximumf %add3A_577, %max3A_579 : vector<16xf32>
        %swap3A_581 = arith.index_cast %scan3A_520 : i32 to index
        %swap3A_582 = arith.constant 48 : index
        %swap3A_583 = tpu.vector_load %arg15[%swap3A_581, %swap3A_582] {strides = array<i32>} : memref<40x128xf32, #tpu.memory_space<vmem>>, vector<1x16xf32>,
        %swap3A_584 = vector.shape_cast %swap3A_583 : vector<1x16xf32> to vector<16xf32>
        %swap3A_585 = vector.shape_cast %max3A_580 : vector<16xf32> to vector<1x16xf32>
        tpu.vector_store %arg15[%swap3A_581, %swap3A_582], %swap3A_585 {strides = array<i32>} : memref<40x128xf32, #tpu.memory_space<vmem>>, vector<1x16xf32>,
        %get3A_586 = arith.index_cast %scan3A_520 : i32 to index
        %get3A_587 = arith.constant 64 : index
        %get3A_588 = tpu.vector_load %arg15[%get3A_586, %get3A_587] {strides = array<i32>} : memref<40x128xf32, #tpu.memory_space<vmem>>, vector<1x16xf32>,
        %get3A_589 = vector.shape_cast %get3A_588 : vector<1x16xf32> to vector<16xf32>
        %get3A_590 = arith.index_cast %scan3A_520 : i32 to index
        %get3A_591 = arith.constant 64 : index
        %get3A_592 = tpu.vector_load %arg19[%get3A_590, %get3A_591] {strides = array<i32>} : memref<40x128xf32, #tpu.memory_space<vmem>>, vector<1x16xf32>,
        %get3A_593 = vector.shape_cast %get3A_592 : vector<1x16xf32> to vector<16xf32>
        %add3A_594 = arith.addf %get3A_589, %get3A_593 : vector<16xf32>
        %max3A_595 = arith.constant 0.000000e+00 : f32
        %max3A_596 = vector.broadcast %max3A_595 : f32 to vector<16xf32>
        %max3A_597 = arith.maximumf %add3A_594, %max3A_596 : vector<16xf32>
        %swap3A_598 = arith.index_cast %scan3A_520 : i32 to index
        %swap3A_599 = arith.constant 64 : index
        %swap3A_600 = tpu.vector_load %arg15[%swap3A_598, %swap3A_599] {strides = array<i32>} : memref<40x128xf32, #tpu.memory_space<vmem>>, vector<1x16xf32>,
        %swap3A_601 = vector.shape_cast %swap3A_600 : vector<1x16xf32> to vector<16xf32>
        %swap3A_602 = vector.shape_cast %max3A_597 : vector<16xf32> to vector<1x16xf32>
        tpu.vector_store %arg15[%swap3A_598, %swap3A_599], %swap3A_602 {strides = array<i32>} : memref<40x128xf32, #tpu.memory_space<vmem>>, vector<1x16xf32>,
        %get3A_603 = arith.index_cast %scan3A_520 : i32 to index
        %get3A_604 = arith.constant 80 : index
        %get3A_605 = tpu.vector_load %arg15[%get3A_603, %get3A_604] {strides = array<i32>} : memref<40x128xf32, #tpu.memory_space<vmem>>, vector<1x16xf32>,
        %get3A_606 = vector.shape_cast %get3A_605 : vector<1x16xf32> to vector<16xf32>
        %get3A_607 = arith.index_cast %scan3A_520 : i32 to index
        %get3A_608 = arith.constant 80 : index
        %get3A_609 = tpu.vector_load %arg19[%get3A_607, %get3A_608] {strides = array<i32>} : memref<40x128xf32, #tpu.memory_space<vmem>>, vector<1x16xf32>,
        %get3A_610 = vector.shape_cast %get3A_609 : vector<1x16xf32> to vector<16xf32>
        %add3A_611 = arith.addf %get3A_606, %get3A_610 : vector<16xf32>
        %max3A_612 = arith.constant 0.000000e+00 : f32
        %max3A_613 = vector.broadcast %max3A_612 : f32 to vector<16xf32>
        %max3A_614 = arith.maximumf %add3A_611, %max3A_613 : vector<16xf32>
        %swap3A_615 = arith.index_cast %scan3A_520 : i32 to index
        %swap3A_616 = arith.constant 80 : index
        %swap3A_617 = tpu.vector_load %arg15[%swap3A_615, %swap3A_616] {strides = array<i32>} : memref<40x128xf32, #tpu.memory_space<vmem>>, vector<1x16xf32>,
        %swap3A_618 = vector.shape_cast %swap3A_617 : vector<1x16xf32> to vector<16xf32>
        %swap3A_619 = vector.shape_cast %max3A_614 : vector<16xf32> to vector<1x16xf32>
        tpu.vector_store %arg15[%swap3A_615, %swap3A_616], %swap3A_619 {strides = array<i32>} : memref<40x128xf32, #tpu.memory_space<vmem>>, vector<1x16xf32>,
        %get3A_620 = arith.index_cast %scan3A_520 : i32 to index
        %get3A_621 = arith.constant 96 : index
        %get3A_622 = tpu.vector_load %arg15[%get3A_620, %get3A_621] {strides = array<i32>} : memref<40x128xf32, #tpu.memory_space<vmem>>, vector<1x16xf32>,
        %get3A_623 = vector.shape_cast %get3A_622 : vector<1x16xf32> to vector<16xf32>
        %get3A_624 = arith.index_cast %scan3A_520 : i32 to index
        %get3A_625 = arith.constant 96 : index
        %get3A_626 = tpu.vector_load %arg19[%get3A_624, %get3A_625] {strides = array<i32>} : memref<40x128xf32, #tpu.memory_space<vmem>>, vector<1x16xf32>,
        %get3A_627 = vector.shape_cast %get3A_626 : vector<1x16xf32> to vector<16xf32>
        %add3A_628 = arith.addf %get3A_623, %get3A_627 : vector<16xf32>
        %max3A_629 = arith.constant 0.000000e+00 : f32
        %max3A_630 = vector.broadcast %max3A_629 : f32 to vector<16xf32>
        %max3A_631 = arith.maximumf %add3A_628, %max3A_630 : vector<16xf32>
        %swap3A_632 = arith.index_cast %scan3A_520 : i32 to index
        %swap3A_633 = arith.constant 96 : index
        %swap3A_634 = tpu.vector_load %arg15[%swap3A_632, %swap3A_633] {strides = array<i32>} : memref<40x128xf32, #tpu.memory_space<vmem>>, vector<1x16xf32>,
        %swap3A_635 = vector.shape_cast %swap3A_634 : vector<1x16xf32> to vector<16xf32>
        %swap3A_636 = vector.shape_cast %max3A_631 : vector<16xf32> to vector<1x16xf32>
        tpu.vector_store %arg15[%swap3A_632, %swap3A_633], %swap3A_636 {strides = array<i32>} : memref<40x128xf32, #tpu.memory_space<vmem>>, vector<1x16xf32>,
        %get3A_637 = arith.index_cast %scan3A_520 : i32 to index
        %get3A_638 = arith.constant 112 : index
        %get3A_639 = tpu.vector_load %arg15[%get3A_637, %get3A_638] {strides = array<i32>} : memref<40x128xf32, #tpu.memory_space<vmem>>, vector<1x16xf32>,
        %get3A_640 = vector.shape_cast %get3A_639 : vector<1x16xf32> to vector<16xf32>
        %get3A_641 = arith.index_cast %scan3A_520 : i32 to index
        %get3A_642 = arith.constant 112 : index
        %get3A_643 = tpu.vector_load %arg19[%get3A_641, %get3A_642] {strides = array<i32>} : memref<40x128xf32, #tpu.memory_space<vmem>>, vector<1x16xf32>,
        %get3A_644 = vector.shape_cast %get3A_643 : vector<1x16xf32> to vector<16xf32>
        %add3A_645 = arith.addf %get3A_640, %get3A_644 : vector<16xf32>
        %max3A_646 = arith.constant 0.000000e+00 : f32
        %max3A_647 = vector.broadcast %max3A_646 : f32 to vector<16xf32>
        %max3A_648 = arith.maximumf %add3A_645, %max3A_647 : vector<16xf32>
        %swap3A_649 = arith.index_cast %scan3A_520 : i32 to index
        %swap3A_650 = arith.constant 112 : index
        %swap3A_651 = tpu.vector_load %arg15[%swap3A_649, %swap3A_650] {strides = array<i32>} : memref<40x128xf32, #tpu.memory_space<vmem>>, vector<1x16xf32>,
        %swap3A_652 = vector.shape_cast %swap3A_651 : vector<1x16xf32> to vector<16xf32>
        %swap3A_653 = vector.shape_cast %max3A_648 : vector<16xf32> to vector<1x16xf32>
        tpu.vector_store %arg15[%swap3A_649, %swap3A_650], %swap3A_653 {strides = array<i32>} : memref<40x128xf32, #tpu.memory_space<vmem>>, vector<1x16xf32>,
      }
      %scan3A_346 = arith.constant 40 : i32
      %dma_wait3A_347 = tpu.memref_slice %arg5[%add3A_334] : memref<320000xi32, #tpu.memory_space<hbm>> -> memref<40xi32, #tpu.memory_space<hbm>>
      %dma_wait3A_348 = tpu.memref_slice %arg5[%add3A_334] : memref<320000xi32, #tpu.memory_space<hbm>> -> memref<40xi32, #tpu.memory_space<hbm>>
      tpu.wait_dma2 semaphore(%arg29 : memref<!tpu.dma_semaphore, #tpu.memory_space<semaphore_mem>>) src(%dma_wait3A_348 : memref<40xi32, #tpu.memory_space<hbm>>) dst(%arg11 : memref<40xi32, #tpu.memory_space<vmem>>)
      "tpu.region"() ({
        %run_scoped3A = tpu.sem_alloc : memref<!tpu.dma_semaphore, #tpu.memory_space<semaphore_mem>>
        %dma_start3A_520 = arith.constant 0 : i32
        %dma_start3A_521 = arith.constant 0 : i32
        %dma_start3A_522 = tpu.memref_slice %arg24[%dma_start3A_520, %dma_start3A_521] : memref<10240x128xf32, #tpu.memory_space<vmem_shared>> -> memref<10240x128xf32, #tpu.memory_space<vmem_shared>>
        tpu.enqueue_indirect_dma source(%arg15 : memref<40x128xf32, #tpu.memory_space<vmem>>) target(%dma_start3A_522 : memref<10240x128xf32, #tpu.memory_space<vmem_shared>>) offsets(%arg11 : memref<40xi32, #tpu.memory_space<vmem>>) semaphore(%run_scoped3A : memref<!tpu.dma_semaphore, #tpu.memory_space<semaphore_mem>>) {add = true}
        %dma_wait3A_523 = arith.constant 0 : i32
        %dma_wait3A_524 = arith.constant 0 : i32
        %dma_wait3A_525 = tpu.memref_slice %arg24[%dma_wait3A_523, %dma_wait3A_524] : memref<10240x128xf32, #tpu.memory_space<vmem_shared>> -> memref<10240x128xf32, #tpu.memory_space<vmem_shared>>
        tpu.wait_indirect_dma semaphore(%run_scoped3A : memref<!tpu.dma_semaphore, #tpu.memory_space<semaphore_mem>>) src(%arg15 : memref<40x128xf32, #tpu.memory_space<vmem>>) dst(%dma_wait3A_525 : memref<10240x128xf32, #tpu.memory_space<vmem_shared>>)
        tpu.yield
      }) : () -> ()
      %add3A_349 = arith.constant 4 : i32
      %add3A_350 = arith.addi %add3A_329, %add3A_349 : i32
      %mul3A_351 = arith.constant 10000 : i32
      %mul3A_352 = arith.muli %add3A, %mul3A_351 : i32
      %mul3A_353 = arith.constant 40 : i32
      %mul3A_354 = arith.muli %add3A_350, %mul3A_353 : i32
      %add3A_355 = arith.addi %mul3A_352, %mul3A_354 : i32
      %dma_start3A_356 = tpu.memref_slice %arg4[%add3A_355] : memref<320000xi32, #tpu.memory_space<hbm>> -> memref<40xi32, #tpu.memory_space<hbm>>
      %dma_start3A_357 = tpu.memref_slice %arg4[%add3A_355] : memref<320000xi32, #tpu.memory_space<hbm>> -> memref<40xi32, #tpu.memory_space<hbm>>
      tpu.enqueue_dma source(%dma_start3A_357 : memref<40xi32, #tpu.memory_space<hbm>>) target(%arg7 : memref<40xi32, #tpu.memory_space<vmem>>) target_semaphore(%arg25 : memref<!tpu.dma_semaphore, #tpu.memory_space<semaphore_mem>>)
      %dma_start3A_358 = tpu.memref_slice %arg5[%add3A_355] : memref<320000xi32, #tpu.memory_space<hbm>> -> memref<40xi32, #tpu.memory_space<hbm>>
      %dma_start3A_359 = tpu.memref_slice %arg5[%add3A_355] : memref<320000xi32, #tpu.memory_space<hbm>> -> memref<40xi32, #tpu.memory_space<hbm>>
      tpu.enqueue_dma source(%dma_start3A_359 : memref<40xi32, #tpu.memory_space<hbm>>) target(%arg11 : memref<40xi32, #tpu.memory_space<vmem>>) target_semaphore(%arg29 : memref<!tpu.dma_semaphore, #tpu.memory_space<semaphore_mem>>)
      %add3A_360 = arith.constant 2 : i32
      %add3A_361 = arith.addi %add3A_329, %add3A_360 : i32
      %mul3A_362 = arith.constant 10000 : i32
      %mul3A_363 = arith.muli %add3A, %mul3A_362 : i32
      %mul3A_364 = arith.constant 40 : i32
      %mul3A_365 = arith.muli %add3A_361, %mul3A_364 : i32
      %add3A_366 = arith.addi %mul3A_363, %mul3A_365 : i32
      %dma_wait3A_367 = tpu.memref_slice %arg4[%add3A_366] : memref<320000xi32, #tpu.memory_space<hbm>> -> memref<40xi32, #tpu.memory_space<hbm>>
      %dma_wait3A_368 = tpu.memref_slice %arg4[%add3A_366] : memref<320000xi32, #tpu.memory_space<hbm>> -> memref<40xi32, #tpu.memory_space<hbm>>
      tpu.wait_dma2 semaphore(%arg27 : memref<!tpu.dma_semaphore, #tpu.memory_space<semaphore_mem>>) src(%dma_wait3A_368 : memref<40xi32, #tpu.memory_space<hbm>>) dst(%arg9 : memref<40xi32, #tpu.memory_space<vmem>>)
      %dma_start3A_369 = arith.constant 0 : i32
      %dma_start3A_370 = arith.constant 0 : i32
      %dma_start3A_371 = tpu.memref_slice %arg2[%dma_start3A_369, %dma_start3A_370] : memref<10240x128xf32, #tpu.memory_space<hbm>> -> memref<10240x128xf32, #tpu.memory_space<hbm>>
      tpu.enqueue_indirect_dma source(%dma_start3A_371 : memref<10240x128xf32, #tpu.memory_space<hbm>>) target(%arg17 : memref<40x128xf32, #tpu.memory_space<vmem>>) offsets(%arg9 : memref<40xi32, #tpu.memory_space<vmem>>) semaphore(%arg35 : memref<!tpu.dma_semaphore, #tpu.memory_space<semaphore_mem>>)
      %dma_start3A_372 = arith.constant 0 : i32
      %dma_start3A_373 = tpu.memref_slice %arg3[%add3A_366, %dma_start3A_372] : memref<320000x128xf32, #tpu.memory_space<hbm>> -> memref<40x128xf32, #tpu.memory_space<hbm>>
      %dma_start3A_374 = arith.constant 0 : i32
      %dma_start3A_375 = tpu.memref_slice %arg3[%add3A_366, %dma_start3A_374] : memref<320000x128xf32, #tpu.memory_space<hbm>> -> memref<40x128xf32, #tpu.memory_space<hbm>>
      tpu.enqueue_dma source(%dma_start3A_375 : memref<40x128xf32, #tpu.memory_space<hbm>>) target(%arg21 : memref<40x128xf32, #tpu.memory_space<vmem>>) target_semaphore(%arg39 : memref<!tpu.dma_semaphore, #tpu.memory_space<semaphore_mem>>)
      %add3A_376 = arith.constant 1 : i32
      %add3A_377 = arith.addi %mul3A_327, %add3A_376 : i32
      %mul3A_378 = arith.constant 10000 : i32
      %mul3A_379 = arith.muli %add3A, %mul3A_378 : i32
      %mul3A_380 = arith.constant 40 : i32
      %mul3A_381 = arith.muli %add3A_377, %mul3A_380 : i32
      %add3A_382 = arith.addi %mul3A_379, %mul3A_381 : i32
      %dma_wait3A_383 = arith.constant 0 : i32
      %dma_wait3A_384 = arith.constant 0 : i32
      %dma_wait3A_385 = tpu.memref_slice %arg2[%dma_wait3A_383, %dma_wait3A_384] : memref<10240x128xf32, #tpu.memory_space<hbm>> -> memref<10240x128xf32, #tpu.memory_space<hbm>>
      tpu.wait_indirect_dma semaphore(%arg34 : memref<!tpu.dma_semaphore, #tpu.memory_space<semaphore_mem>>) src(%dma_wait3A_385 : memref<10240x128xf32, #tpu.memory_space<hbm>>) dst(%arg16 : memref<40x128xf32, #tpu.memory_space<vmem>>)
      %dma_wait3A_386 = arith.constant 0 : i32
      %dma_wait3A_387 = tpu.memref_slice %arg3[%add3A_382, %dma_wait3A_386] : memref<320000x128xf32, #tpu.memory_space<hbm>> -> memref<40x128xf32, #tpu.memory_space<hbm>>
      %dma_wait3A_388 = arith.constant 0 : i32
      %dma_wait3A_389 = tpu.memref_slice %arg3[%add3A_382, %dma_wait3A_388] : memref<320000x128xf32, #tpu.memory_space<hbm>> -> memref<40x128xf32, #tpu.memory_space<hbm>>
      tpu.wait_dma2 semaphore(%arg38 : memref<!tpu.dma_semaphore, #tpu.memory_space<semaphore_mem>>) src(%dma_wait3A_389 : memref<40x128xf32, #tpu.memory_space<hbm>>) dst(%arg20 : memref<40x128xf32, #tpu.memory_space<vmem>>)
      %scan3A_390 = arith.constant 0 : i32
      %scan3A_391 = arith.constant 40 : i32
      %scan3A_392 = arith.addi %scan3A_390, %scan3A_391 : i32
      %scan3A_393 = arith.constant 1 : i32
      scf.for %scan3A_520 = %scan3A_390 to %scan3A_392 step %scan3A_393  : i32 {
        %get3A = arith.index_cast %scan3A_520 : i32 to index
        %get3A_521 = arith.constant 0 : index
        %get3A_522 = tpu.vector_load %arg16[%get3A, %get3A_521] {strides = array<i32>} : memref<40x128xf32, #tpu.memory_space<vmem>>, vector<1x16xf32>,
        %get3A_523 = vector.shape_cast %get3A_522 : vector<1x16xf32> to vector<16xf32>
        %get3A_524 = arith.index_cast %scan3A_520 : i32 to index
        %get3A_525 = arith.constant 0 : index
        %get3A_526 = tpu.vector_load %arg20[%get3A_524, %get3A_525] {strides = array<i32>} : memref<40x128xf32, #tpu.memory_space<vmem>>, vector<1x16xf32>,
        %get3A_527 = vector.shape_cast %get3A_526 : vector<1x16xf32> to vector<16xf32>
        %add3A_528 = arith.addf %get3A_523, %get3A_527 : vector<16xf32>
        %max3A = arith.constant 0.000000e+00 : f32
        %max3A_529 = vector.broadcast %max3A : f32 to vector<16xf32>
        %max3A_530 = arith.maximumf %add3A_528, %max3A_529 : vector<16xf32>
        %swap3A = arith.index_cast %scan3A_520 : i32 to index
        %swap3A_531 = arith.constant 0 : index
        %swap3A_532 = tpu.vector_load %arg16[%swap3A, %swap3A_531] {strides = array<i32>} : memref<40x128xf32, #tpu.memory_space<vmem>>, vector<1x16xf32>,
        %swap3A_533 = vector.shape_cast %swap3A_532 : vector<1x16xf32> to vector<16xf32>
        %swap3A_534 = vector.shape_cast %max3A_530 : vector<16xf32> to vector<1x16xf32>
        tpu.vector_store %arg16[%swap3A, %swap3A_531], %swap3A_534 {strides = array<i32>} : memref<40x128xf32, #tpu.memory_space<vmem>>, vector<1x16xf32>,
        %get3A_535 = arith.index_cast %scan3A_520 : i32 to index
        %get3A_536 = arith.constant 16 : index
        %get3A_537 = tpu.vector_load %arg16[%get3A_535, %get3A_536] {strides = array<i32>} : memref<40x128xf32, #tpu.memory_space<vmem>>, vector<1x16xf32>,
        %get3A_538 = vector.shape_cast %get3A_537 : vector<1x16xf32> to vector<16xf32>
        %get3A_539 = arith.index_cast %scan3A_520 : i32 to index
        %get3A_540 = arith.constant 16 : index
        %get3A_541 = tpu.vector_load %arg20[%get3A_539, %get3A_540] {strides = array<i32>} : memref<40x128xf32, #tpu.memory_space<vmem>>, vector<1x16xf32>,
        %get3A_542 = vector.shape_cast %get3A_541 : vector<1x16xf32> to vector<16xf32>
        %add3A_543 = arith.addf %get3A_538, %get3A_542 : vector<16xf32>
        %max3A_544 = arith.constant 0.000000e+00 : f32
        %max3A_545 = vector.broadcast %max3A_544 : f32 to vector<16xf32>
        %max3A_546 = arith.maximumf %add3A_543, %max3A_545 : vector<16xf32>
        %swap3A_547 = arith.index_cast %scan3A_520 : i32 to index
        %swap3A_548 = arith.constant 16 : index
        %swap3A_549 = tpu.vector_load %arg16[%swap3A_547, %swap3A_548] {strides = array<i32>} : memref<40x128xf32, #tpu.memory_space<vmem>>, vector<1x16xf32>,
        %swap3A_550 = vector.shape_cast %swap3A_549 : vector<1x16xf32> to vector<16xf32>
        %swap3A_551 = vector.shape_cast %max3A_546 : vector<16xf32> to vector<1x16xf32>
        tpu.vector_store %arg16[%swap3A_547, %swap3A_548], %swap3A_551 {strides = array<i32>} : memref<40x128xf32, #tpu.memory_space<vmem>>, vector<1x16xf32>,
        %get3A_552 = arith.index_cast %scan3A_520 : i32 to index
        %get3A_553 = arith.constant 32 : index
        %get3A_554 = tpu.vector_load %arg16[%get3A_552, %get3A_553] {strides = array<i32>} : memref<40x128xf32, #tpu.memory_space<vmem>>, vector<1x16xf32>,
        %get3A_555 = vector.shape_cast %get3A_554 : vector<1x16xf32> to vector<16xf32>
        %get3A_556 = arith.index_cast %scan3A_520 : i32 to index
        %get3A_557 = arith.constant 32 : index
        %get3A_558 = tpu.vector_load %arg20[%get3A_556, %get3A_557] {strides = array<i32>} : memref<40x128xf32, #tpu.memory_space<vmem>>, vector<1x16xf32>,
        %get3A_559 = vector.shape_cast %get3A_558 : vector<1x16xf32> to vector<16xf32>
        %add3A_560 = arith.addf %get3A_555, %get3A_559 : vector<16xf32>
        %max3A_561 = arith.constant 0.000000e+00 : f32
        %max3A_562 = vector.broadcast %max3A_561 : f32 to vector<16xf32>
        %max3A_563 = arith.maximumf %add3A_560, %max3A_562 : vector<16xf32>
        %swap3A_564 = arith.index_cast %scan3A_520 : i32 to index
        %swap3A_565 = arith.constant 32 : index
        %swap3A_566 = tpu.vector_load %arg16[%swap3A_564, %swap3A_565] {strides = array<i32>} : memref<40x128xf32, #tpu.memory_space<vmem>>, vector<1x16xf32>,
        %swap3A_567 = vector.shape_cast %swap3A_566 : vector<1x16xf32> to vector<16xf32>
        %swap3A_568 = vector.shape_cast %max3A_563 : vector<16xf32> to vector<1x16xf32>
        tpu.vector_store %arg16[%swap3A_564, %swap3A_565], %swap3A_568 {strides = array<i32>} : memref<40x128xf32, #tpu.memory_space<vmem>>, vector<1x16xf32>,
        %get3A_569 = arith.index_cast %scan3A_520 : i32 to index
        %get3A_570 = arith.constant 48 : index
        %get3A_571 = tpu.vector_load %arg16[%get3A_569, %get3A_570] {strides = array<i32>} : memref<40x128xf32, #tpu.memory_space<vmem>>, vector<1x16xf32>,
        %get3A_572 = vector.shape_cast %get3A_571 : vector<1x16xf32> to vector<16xf32>
        %get3A_573 = arith.index_cast %scan3A_520 : i32 to index
        %get3A_574 = arith.constant 48 : index
        %get3A_575 = tpu.vector_load %arg20[%get3A_573, %get3A_574] {strides = array<i32>} : memref<40x128xf32, #tpu.memory_space<vmem>>, vector<1x16xf32>,
        %get3A_576 = vector.shape_cast %get3A_575 : vector<1x16xf32> to vector<16xf32>
        %add3A_577 = arith.addf %get3A_572, %get3A_576 : vector<16xf32>
        %max3A_578 = arith.constant 0.000000e+00 : f32
        %max3A_579 = vector.broadcast %max3A_578 : f32 to vector<16xf32>
        %max3A_580 = arith.maximumf %add3A_577, %max3A_579 : vector<16xf32>
        %swap3A_581 = arith.index_cast %scan3A_520 : i32 to index
        %swap3A_582 = arith.constant 48 : index
        %swap3A_583 = tpu.vector_load %arg16[%swap3A_581, %swap3A_582] {strides = array<i32>} : memref<40x128xf32, #tpu.memory_space<vmem>>, vector<1x16xf32>,
        %swap3A_584 = vector.shape_cast %swap3A_583 : vector<1x16xf32> to vector<16xf32>
        %swap3A_585 = vector.shape_cast %max3A_580 : vector<16xf32> to vector<1x16xf32>
        tpu.vector_store %arg16[%swap3A_581, %swap3A_582], %swap3A_585 {strides = array<i32>} : memref<40x128xf32, #tpu.memory_space<vmem>>, vector<1x16xf32>,
        %get3A_586 = arith.index_cast %scan3A_520 : i32 to index
        %get3A_587 = arith.constant 64 : index
        %get3A_588 = tpu.vector_load %arg16[%get3A_586, %get3A_587] {strides = array<i32>} : memref<40x128xf32, #tpu.memory_space<vmem>>, vector<1x16xf32>,
        %get3A_589 = vector.shape_cast %get3A_588 : vector<1x16xf32> to vector<16xf32>
        %get3A_590 = arith.index_cast %scan3A_520 : i32 to index
        %get3A_591 = arith.constant 64 : index
        %get3A_592 = tpu.vector_load %arg20[%get3A_590, %get3A_591] {strides = array<i32>} : memref<40x128xf32, #tpu.memory_space<vmem>>, vector<1x16xf32>,
        %get3A_593 = vector.shape_cast %get3A_592 : vector<1x16xf32> to vector<16xf32>
        %add3A_594 = arith.addf %get3A_589, %get3A_593 : vector<16xf32>
        %max3A_595 = arith.constant 0.000000e+00 : f32
        %max3A_596 = vector.broadcast %max3A_595 : f32 to vector<16xf32>
        %max3A_597 = arith.maximumf %add3A_594, %max3A_596 : vector<16xf32>
        %swap3A_598 = arith.index_cast %scan3A_520 : i32 to index
        %swap3A_599 = arith.constant 64 : index
        %swap3A_600 = tpu.vector_load %arg16[%swap3A_598, %swap3A_599] {strides = array<i32>} : memref<40x128xf32, #tpu.memory_space<vmem>>, vector<1x16xf32>,
        %swap3A_601 = vector.shape_cast %swap3A_600 : vector<1x16xf32> to vector<16xf32>
        %swap3A_602 = vector.shape_cast %max3A_597 : vector<16xf32> to vector<1x16xf32>
        tpu.vector_store %arg16[%swap3A_598, %swap3A_599], %swap3A_602 {strides = array<i32>} : memref<40x128xf32, #tpu.memory_space<vmem>>, vector<1x16xf32>,
        %get3A_603 = arith.index_cast %scan3A_520 : i32 to index
        %get3A_604 = arith.constant 80 : index
        %get3A_605 = tpu.vector_load %arg16[%get3A_603, %get3A_604] {strides = array<i32>} : memref<40x128xf32, #tpu.memory_space<vmem>>, vector<1x16xf32>,
        %get3A_606 = vector.shape_cast %get3A_605 : vector<1x16xf32> to vector<16xf32>
        %get3A_607 = arith.index_cast %scan3A_520 : i32 to index
        %get3A_608 = arith.constant 80 : index
        %get3A_609 = tpu.vector_load %arg20[%get3A_607, %get3A_608] {strides = array<i32>} : memref<40x128xf32, #tpu.memory_space<vmem>>, vector<1x16xf32>,
        %get3A_610 = vector.shape_cast %get3A_609 : vector<1x16xf32> to vector<16xf32>
        %add3A_611 = arith.addf %get3A_606, %get3A_610 : vector<16xf32>
        %max3A_612 = arith.constant 0.000000e+00 : f32
        %max3A_613 = vector.broadcast %max3A_612 : f32 to vector<16xf32>
        %max3A_614 = arith.maximumf %add3A_611, %max3A_613 : vector<16xf32>
        %swap3A_615 = arith.index_cast %scan3A_520 : i32 to index
        %swap3A_616 = arith.constant 80 : index
        %swap3A_617 = tpu.vector_load %arg16[%swap3A_615, %swap3A_616] {strides = array<i32>} : memref<40x128xf32, #tpu.memory_space<vmem>>, vector<1x16xf32>,
        %swap3A_618 = vector.shape_cast %swap3A_617 : vector<1x16xf32> to vector<16xf32>
        %swap3A_619 = vector.shape_cast %max3A_614 : vector<16xf32> to vector<1x16xf32>
        tpu.vector_store %arg16[%swap3A_615, %swap3A_616], %swap3A_619 {strides = array<i32>} : memref<40x128xf32, #tpu.memory_space<vmem>>, vector<1x16xf32>,
        %get3A_620 = arith.index_cast %scan3A_520 : i32 to index
        %get3A_621 = arith.constant 96 : index
        %get3A_622 = tpu.vector_load %arg16[%get3A_620, %get3A_621] {strides = array<i32>} : memref<40x128xf32, #tpu.memory_space<vmem>>, vector<1x16xf32>,
        %get3A_623 = vector.shape_cast %get3A_622 : vector<1x16xf32> to vector<16xf32>
        %get3A_624 = arith.index_cast %scan3A_520 : i32 to index
        %get3A_625 = arith.constant 96 : index
        %get3A_626 = tpu.vector_load %arg20[%get3A_624, %get3A_625] {strides = array<i32>} : memref<40x128xf32, #tpu.memory_space<vmem>>, vector<1x16xf32>,
        %get3A_627 = vector.shape_cast %get3A_626 : vector<1x16xf32> to vector<16xf32>
        %add3A_628 = arith.addf %get3A_623, %get3A_627 : vector<16xf32>
        %max3A_629 = arith.constant 0.000000e+00 : f32
        %max3A_630 = vector.broadcast %max3A_629 : f32 to vector<16xf32>
        %max3A_631 = arith.maximumf %add3A_628, %max3A_630 : vector<16xf32>
        %swap3A_632 = arith.index_cast %scan3A_520 : i32 to index
        %swap3A_633 = arith.constant 96 : index
        %swap3A_634 = tpu.vector_load %arg16[%swap3A_632, %swap3A_633] {strides = array<i32>} : memref<40x128xf32, #tpu.memory_space<vmem>>, vector<1x16xf32>,
        %swap3A_635 = vector.shape_cast %swap3A_634 : vector<1x16xf32> to vector<16xf32>
        %swap3A_636 = vector.shape_cast %max3A_631 : vector<16xf32> to vector<1x16xf32>
        tpu.vector_store %arg16[%swap3A_632, %swap3A_633], %swap3A_636 {strides = array<i32>} : memref<40x128xf32, #tpu.memory_space<vmem>>, vector<1x16xf32>,
        %get3A_637 = arith.index_cast %scan3A_520 : i32 to index
        %get3A_638 = arith.constant 112 : index
        %get3A_639 = tpu.vector_load %arg16[%get3A_637, %get3A_638] {strides = array<i32>} : memref<40x128xf32, #tpu.memory_space<vmem>>, vector<1x16xf32>,
        %get3A_640 = vector.shape_cast %get3A_639 : vector<1x16xf32> to vector<16xf32>
        %get3A_641 = arith.index_cast %scan3A_520 : i32 to index
        %get3A_642 = arith.constant 112 : index
        %get3A_643 = tpu.vector_load %arg20[%get3A_641, %get3A_642] {strides = array<i32>} : memref<40x128xf32, #tpu.memory_space<vmem>>, vector<1x16xf32>,
        %get3A_644 = vector.shape_cast %get3A_643 : vector<1x16xf32> to vector<16xf32>
        %add3A_645 = arith.addf %get3A_640, %get3A_644 : vector<16xf32>
        %max3A_646 = arith.constant 0.000000e+00 : f32
        %max3A_647 = vector.broadcast %max3A_646 : f32 to vector<16xf32>
        %max3A_648 = arith.maximumf %add3A_645, %max3A_647 : vector<16xf32>
        %swap3A_649 = arith.index_cast %scan3A_520 : i32 to index
        %swap3A_650 = arith.constant 112 : index
        %swap3A_651 = tpu.vector_load %arg16[%swap3A_649, %swap3A_650] {strides = array<i32>} : memref<40x128xf32, #tpu.memory_space<vmem>>, vector<1x16xf32>,
        %swap3A_652 = vector.shape_cast %swap3A_651 : vector<1x16xf32> to vector<16xf32>
        %swap3A_653 = vector.shape_cast %max3A_648 : vector<16xf32> to vector<1x16xf32>
        tpu.vector_store %arg16[%swap3A_649, %swap3A_650], %swap3A_653 {strides = array<i32>} : memref<40x128xf32, #tpu.memory_space<vmem>>, vector<1x16xf32>,
      }
      %scan3A_394 = arith.constant 40 : i32
      %dma_wait3A_395 = tpu.memref_slice %arg5[%add3A_382] : memref<320000xi32, #tpu.memory_space<hbm>> -> memref<40xi32, #tpu.memory_space<hbm>>
      %dma_wait3A_396 = tpu.memref_slice %arg5[%add3A_382] : memref<320000xi32, #tpu.memory_space<hbm>> -> memref<40xi32, #tpu.memory_space<hbm>>
      tpu.wait_dma2 semaphore(%arg30 : memref<!tpu.dma_semaphore, #tpu.memory_space<semaphore_mem>>) src(%dma_wait3A_396 : memref<40xi32, #tpu.memory_space<hbm>>) dst(%arg12 : memref<40xi32, #tpu.memory_space<vmem>>)
      "tpu.region"() ({
        %run_scoped3A = tpu.sem_alloc : memref<!tpu.dma_semaphore, #tpu.memory_space<semaphore_mem>>
        %dma_start3A_520 = arith.constant 0 : i32
        %dma_start3A_521 = arith.constant 0 : i32
        %dma_start3A_522 = tpu.memref_slice %arg24[%dma_start3A_520, %dma_start3A_521] : memref<10240x128xf32, #tpu.memory_space<vmem_shared>> -> memref<10240x128xf32, #tpu.memory_space<vmem_shared>>
        tpu.enqueue_indirect_dma source(%arg16 : memref<40x128xf32, #tpu.memory_space<vmem>>) target(%dma_start3A_522 : memref<10240x128xf32, #tpu.memory_space<vmem_shared>>) offsets(%arg12 : memref<40xi32, #tpu.memory_space<vmem>>) semaphore(%run_scoped3A : memref<!tpu.dma_semaphore, #tpu.memory_space<semaphore_mem>>) {add = true}
        %dma_wait3A_523 = arith.constant 0 : i32
        %dma_wait3A_524 = arith.constant 0 : i32
        %dma_wait3A_525 = tpu.memref_slice %arg24[%dma_wait3A_523, %dma_wait3A_524] : memref<10240x128xf32, #tpu.memory_space<vmem_shared>> -> memref<10240x128xf32, #tpu.memory_space<vmem_shared>>
        tpu.wait_indirect_dma semaphore(%run_scoped3A : memref<!tpu.dma_semaphore, #tpu.memory_space<semaphore_mem>>) src(%arg16 : memref<40x128xf32, #tpu.memory_space<vmem>>) dst(%dma_wait3A_525 : memref<10240x128xf32, #tpu.memory_space<vmem_shared>>)
        tpu.yield
      }) : () -> ()
      %add3A_397 = arith.constant 4 : i32
      %add3A_398 = arith.addi %add3A_377, %add3A_397 : i32
      %mul3A_399 = arith.constant 10000 : i32
      %mul3A_400 = arith.muli %add3A, %mul3A_399 : i32
      %mul3A_401 = arith.constant 40 : i32
      %mul3A_402 = arith.muli %add3A_398, %mul3A_401 : i32
      %add3A_403 = arith.addi %mul3A_400, %mul3A_402 : i32
      %dma_start3A_404 = tpu.memref_slice %arg4[%add3A_403] : memref<320000xi32, #tpu.memory_space<hbm>> -> memref<40xi32, #tpu.memory_space<hbm>>
      %dma_start3A_405 = tpu.memref_slice %arg4[%add3A_403] : memref<320000xi32, #tpu.memory_space<hbm>> -> memref<40xi32, #tpu.memory_space<hbm>>
      tpu.enqueue_dma source(%dma_start3A_405 : memref<40xi32, #tpu.memory_space<hbm>>) target(%arg8 : memref<40xi32, #tpu.memory_space<vmem>>) target_semaphore(%arg26 : memref<!tpu.dma_semaphore, #tpu.memory_space<semaphore_mem>>)
      %dma_start3A_406 = tpu.memref_slice %arg5[%add3A_403] : memref<320000xi32, #tpu.memory_space<hbm>> -> memref<40xi32, #tpu.memory_space<hbm>>
      %dma_start3A_407 = tpu.memref_slice %arg5[%add3A_403] : memref<320000xi32, #tpu.memory_space<hbm>> -> memref<40xi32, #tpu.memory_space<hbm>>
      tpu.enqueue_dma source(%dma_start3A_407 : memref<40xi32, #tpu.memory_space<hbm>>) target(%arg12 : memref<40xi32, #tpu.memory_space<vmem>>) target_semaphore(%arg30 : memref<!tpu.dma_semaphore, #tpu.memory_space<semaphore_mem>>)
      %add3A_408 = arith.constant 2 : i32
      %add3A_409 = arith.addi %add3A_377, %add3A_408 : i32
      %mul3A_410 = arith.constant 10000 : i32
      %mul3A_411 = arith.muli %add3A, %mul3A_410 : i32
      %mul3A_412 = arith.constant 40 : i32
      %mul3A_413 = arith.muli %add3A_409, %mul3A_412 : i32
      %add3A_414 = arith.addi %mul3A_411, %mul3A_413 : i32
      %dma_wait3A_415 = tpu.memref_slice %arg4[%add3A_414] : memref<320000xi32, #tpu.memory_space<hbm>> -> memref<40xi32, #tpu.memory_space<hbm>>
      %dma_wait3A_416 = tpu.memref_slice %arg4[%add3A_414] : memref<320000xi32, #tpu.memory_space<hbm>> -> memref<40xi32, #tpu.memory_space<hbm>>
      tpu.wait_dma2 semaphore(%arg28 : memref<!tpu.dma_semaphore, #tpu.memory_space<semaphore_mem>>) src(%dma_wait3A_416 : memref<40xi32, #tpu.memory_space<hbm>>) dst(%arg10 : memref<40xi32, #tpu.memory_space<vmem>>)
      %dma_start3A_417 = arith.constant 0 : i32
      %dma_start3A_418 = arith.constant 0 : i32
      %dma_start3A_419 = tpu.memref_slice %arg2[%dma_start3A_417, %dma_start3A_418] : memref<10240x128xf32, #tpu.memory_space<hbm>> -> memref<10240x128xf32, #tpu.memory_space<hbm>>
      tpu.enqueue_indirect_dma source(%dma_start3A_419 : memref<10240x128xf32, #tpu.memory_space<hbm>>) target(%arg18 : memref<40x128xf32, #tpu.memory_space<vmem>>) offsets(%arg10 : memref<40xi32, #tpu.memory_space<vmem>>) semaphore(%arg36 : memref<!tpu.dma_semaphore, #tpu.memory_space<semaphore_mem>>)
      %dma_start3A_420 = arith.constant 0 : i32
      %dma_start3A_421 = tpu.memref_slice %arg3[%add3A_414, %dma_start3A_420] : memref<320000x128xf32, #tpu.memory_space<hbm>> -> memref<40x128xf32, #tpu.memory_space<hbm>>
      %dma_start3A_422 = arith.constant 0 : i32
      %dma_start3A_423 = tpu.memref_slice %arg3[%add3A_414, %dma_start3A_422] : memref<320000x128xf32, #tpu.memory_space<hbm>> -> memref<40x128xf32, #tpu.memory_space<hbm>>
      tpu.enqueue_dma source(%dma_start3A_423 : memref<40x128xf32, #tpu.memory_space<hbm>>) target(%arg22 : memref<40x128xf32, #tpu.memory_space<vmem>>) target_semaphore(%arg40 : memref<!tpu.dma_semaphore, #tpu.memory_space<semaphore_mem>>)
      %add3A_424 = arith.constant 2 : i32
      %add3A_425 = arith.addi %mul3A_327, %add3A_424 : i32
      %mul3A_426 = arith.constant 10000 : i32
      %mul3A_427 = arith.muli %add3A, %mul3A_426 : i32
      %mul3A_428 = arith.constant 40 : i32
      %mul3A_429 = arith.muli %add3A_425, %mul3A_428 : i32
      %add3A_430 = arith.addi %mul3A_427, %mul3A_429 : i32
      %dma_wait3A_431 = arith.constant 0 : i32
      %dma_wait3A_432 = arith.constant 0 : i32
      %dma_wait3A_433 = tpu.memref_slice %arg2[%dma_wait3A_431, %dma_wait3A_432] : memref<10240x128xf32, #tpu.memory_space<hbm>> -> memref<10240x128xf32, #tpu.memory_space<hbm>>
      tpu.wait_indirect_dma semaphore(%arg35 : memref<!tpu.dma_semaphore, #tpu.memory_space<semaphore_mem>>) src(%dma_wait3A_433 : memref<10240x128xf32, #tpu.memory_space<hbm>>) dst(%arg17 : memref<40x128xf32, #tpu.memory_space<vmem>>)
      %dma_wait3A_434 = arith.constant 0 : i32
      %dma_wait3A_435 = tpu.memref_slice %arg3[%add3A_430, %dma_wait3A_434] : memref<320000x128xf32, #tpu.memory_space<hbm>> -> memref<40x128xf32, #tpu.memory_space<hbm>>
      %dma_wait3A_436 = arith.constant 0 : i32
      %dma_wait3A_437 = tpu.memref_slice %arg3[%add3A_430, %dma_wait3A_436] : memref<320000x128xf32, #tpu.memory_space<hbm>> -> memref<40x128xf32, #tpu.memory_space<hbm>>
      tpu.wait_dma2 semaphore(%arg39 : memref<!tpu.dma_semaphore, #tpu.memory_space<semaphore_mem>>) src(%dma_wait3A_437 : memref<40x128xf32, #tpu.memory_space<hbm>>) dst(%arg21 : memref<40x128xf32, #tpu.memory_space<vmem>>)
      %scan3A_438 = arith.constant 0 : i32
      %scan3A_439 = arith.constant 40 : i32
      %scan3A_440 = arith.addi %scan3A_438, %scan3A_439 : i32
      %scan3A_441 = arith.constant 1 : i32
      scf.for %scan3A_520 = %scan3A_438 to %scan3A_440 step %scan3A_441  : i32 {
        %get3A = arith.index_cast %scan3A_520 : i32 to index
        %get3A_521 = arith.constant 0 : index
        %get3A_522 = tpu.vector_load %arg17[%get3A, %get3A_521] {strides = array<i32>} : memref<40x128xf32, #tpu.memory_space<vmem>>, vector<1x16xf32>,
        %get3A_523 = vector.shape_cast %get3A_522 : vector<1x16xf32> to vector<16xf32>
        %get3A_524 = arith.index_cast %scan3A_520 : i32 to index
        %get3A_525 = arith.constant 0 : index
        %get3A_526 = tpu.vector_load %arg21[%get3A_524, %get3A_525] {strides = array<i32>} : memref<40x128xf32, #tpu.memory_space<vmem>>, vector<1x16xf32>,
        %get3A_527 = vector.shape_cast %get3A_526 : vector<1x16xf32> to vector<16xf32>
        %add3A_528 = arith.addf %get3A_523, %get3A_527 : vector<16xf32>
        %max3A = arith.constant 0.000000e+00 : f32
        %max3A_529 = vector.broadcast %max3A : f32 to vector<16xf32>
        %max3A_530 = arith.maximumf %add3A_528, %max3A_529 : vector<16xf32>
        %swap3A = arith.index_cast %scan3A_520 : i32 to index
        %swap3A_531 = arith.constant 0 : index
        %swap3A_532 = tpu.vector_load %arg17[%swap3A, %swap3A_531] {strides = array<i32>} : memref<40x128xf32, #tpu.memory_space<vmem>>, vector<1x16xf32>,
        %swap3A_533 = vector.shape_cast %swap3A_532 : vector<1x16xf32> to vector<16xf32>
        %swap3A_534 = vector.shape_cast %max3A_530 : vector<16xf32> to vector<1x16xf32>
        tpu.vector_store %arg17[%swap3A, %swap3A_531], %swap3A_534 {strides = array<i32>} : memref<40x128xf32, #tpu.memory_space<vmem>>, vector<1x16xf32>,
        %get3A_535 = arith.index_cast %scan3A_520 : i32 to index
        %get3A_536 = arith.constant 16 : index
        %get3A_537 = tpu.vector_load %arg17[%get3A_535, %get3A_536] {strides = array<i32>} : memref<40x128xf32, #tpu.memory_space<vmem>>, vector<1x16xf32>,
        %get3A_538 = vector.shape_cast %get3A_537 : vector<1x16xf32> to vector<16xf32>
        %get3A_539 = arith.index_cast %scan3A_520 : i32 to index
        %get3A_540 = arith.constant 16 : index
        %get3A_541 = tpu.vector_load %arg21[%get3A_539, %get3A_540] {strides = array<i32>} : memref<40x128xf32, #tpu.memory_space<vmem>>, vector<1x16xf32>,
        %get3A_542 = vector.shape_cast %get3A_541 : vector<1x16xf32> to vector<16xf32>
        %add3A_543 = arith.addf %get3A_538, %get3A_542 : vector<16xf32>
        %max3A_544 = arith.constant 0.000000e+00 : f32
        %max3A_545 = vector.broadcast %max3A_544 : f32 to vector<16xf32>
        %max3A_546 = arith.maximumf %add3A_543, %max3A_545 : vector<16xf32>
        %swap3A_547 = arith.index_cast %scan3A_520 : i32 to index
        %swap3A_548 = arith.constant 16 : index
        %swap3A_549 = tpu.vector_load %arg17[%swap3A_547, %swap3A_548] {strides = array<i32>} : memref<40x128xf32, #tpu.memory_space<vmem>>, vector<1x16xf32>,
        %swap3A_550 = vector.shape_cast %swap3A_549 : vector<1x16xf32> to vector<16xf32>
        %swap3A_551 = vector.shape_cast %max3A_546 : vector<16xf32> to vector<1x16xf32>
        tpu.vector_store %arg17[%swap3A_547, %swap3A_548], %swap3A_551 {strides = array<i32>} : memref<40x128xf32, #tpu.memory_space<vmem>>, vector<1x16xf32>,
        %get3A_552 = arith.index_cast %scan3A_520 : i32 to index
        %get3A_553 = arith.constant 32 : index
        %get3A_554 = tpu.vector_load %arg17[%get3A_552, %get3A_553] {strides = array<i32>} : memref<40x128xf32, #tpu.memory_space<vmem>>, vector<1x16xf32>,
        %get3A_555 = vector.shape_cast %get3A_554 : vector<1x16xf32> to vector<16xf32>
        %get3A_556 = arith.index_cast %scan3A_520 : i32 to index
        %get3A_557 = arith.constant 32 : index
        %get3A_558 = tpu.vector_load %arg21[%get3A_556, %get3A_557] {strides = array<i32>} : memref<40x128xf32, #tpu.memory_space<vmem>>, vector<1x16xf32>,
        %get3A_559 = vector.shape_cast %get3A_558 : vector<1x16xf32> to vector<16xf32>
        %add3A_560 = arith.addf %get3A_555, %get3A_559 : vector<16xf32>
        %max3A_561 = arith.constant 0.000000e+00 : f32
        %max3A_562 = vector.broadcast %max3A_561 : f32 to vector<16xf32>
        %max3A_563 = arith.maximumf %add3A_560, %max3A_562 : vector<16xf32>
        %swap3A_564 = arith.index_cast %scan3A_520 : i32 to index
        %swap3A_565 = arith.constant 32 : index
        %swap3A_566 = tpu.vector_load %arg17[%swap3A_564, %swap3A_565] {strides = array<i32>} : memref<40x128xf32, #tpu.memory_space<vmem>>, vector<1x16xf32>,
        %swap3A_567 = vector.shape_cast %swap3A_566 : vector<1x16xf32> to vector<16xf32>
        %swap3A_568 = vector.shape_cast %max3A_563 : vector<16xf32> to vector<1x16xf32>
        tpu.vector_store %arg17[%swap3A_564, %swap3A_565], %swap3A_568 {strides = array<i32>} : memref<40x128xf32, #tpu.memory_space<vmem>>, vector<1x16xf32>,
        %get3A_569 = arith.index_cast %scan3A_520 : i32 to index
        %get3A_570 = arith.constant 48 : index
        %get3A_571 = tpu.vector_load %arg17[%get3A_569, %get3A_570] {strides = array<i32>} : memref<40x128xf32, #tpu.memory_space<vmem>>, vector<1x16xf32>,
        %get3A_572 = vector.shape_cast %get3A_571 : vector<1x16xf32> to vector<16xf32>
        %get3A_573 = arith.index_cast %scan3A_520 : i32 to index
        %get3A_574 = arith.constant 48 : index
        %get3A_575 = tpu.vector_load %arg21[%get3A_573, %get3A_574] {strides = array<i32>} : memref<40x128xf32, #tpu.memory_space<vmem>>, vector<1x16xf32>,
        %get3A_576 = vector.shape_cast %get3A_575 : vector<1x16xf32> to vector<16xf32>
        %add3A_577 = arith.addf %get3A_572, %get3A_576 : vector<16xf32>
        %max3A_578 = arith.constant 0.000000e+00 : f32
        %max3A_579 = vector.broadcast %max3A_578 : f32 to vector<16xf32>
        %max3A_580 = arith.maximumf %add3A_577, %max3A_579 : vector<16xf32>
        %swap3A_581 = arith.index_cast %scan3A_520 : i32 to index
        %swap3A_582 = arith.constant 48 : index
        %swap3A_583 = tpu.vector_load %arg17[%swap3A_581, %swap3A_582] {strides = array<i32>} : memref<40x128xf32, #tpu.memory_space<vmem>>, vector<1x16xf32>,
        %swap3A_584 = vector.shape_cast %swap3A_583 : vector<1x16xf32> to vector<16xf32>
        %swap3A_585 = vector.shape_cast %max3A_580 : vector<16xf32> to vector<1x16xf32>
        tpu.vector_store %arg17[%swap3A_581, %swap3A_582], %swap3A_585 {strides = array<i32>} : memref<40x128xf32, #tpu.memory_space<vmem>>, vector<1x16xf32>,
        %get3A_586 = arith.index_cast %scan3A_520 : i32 to index
        %get3A_587 = arith.constant 64 : index
        %get3A_588 = tpu.vector_load %arg17[%get3A_586, %get3A_587] {strides = array<i32>} : memref<40x128xf32, #tpu.memory_space<vmem>>, vector<1x16xf32>,
        %get3A_589 = vector.shape_cast %get3A_588 : vector<1x16xf32> to vector<16xf32>
        %get3A_590 = arith.index_cast %scan3A_520 : i32 to index
        %get3A_591 = arith.constant 64 : index
        %get3A_592 = tpu.vector_load %arg21[%get3A_590, %get3A_591] {strides = array<i32>} : memref<40x128xf32, #tpu.memory_space<vmem>>, vector<1x16xf32>,
        %get3A_593 = vector.shape_cast %get3A_592 : vector<1x16xf32> to vector<16xf32>
        %add3A_594 = arith.addf %get3A_589, %get3A_593 : vector<16xf32>
        %max3A_595 = arith.constant 0.000000e+00 : f32
        %max3A_596 = vector.broadcast %max3A_595 : f32 to vector<16xf32>
        %max3A_597 = arith.maximumf %add3A_594, %max3A_596 : vector<16xf32>
        %swap3A_598 = arith.index_cast %scan3A_520 : i32 to index
        %swap3A_599 = arith.constant 64 : index
        %swap3A_600 = tpu.vector_load %arg17[%swap3A_598, %swap3A_599] {strides = array<i32>} : memref<40x128xf32, #tpu.memory_space<vmem>>, vector<1x16xf32>,
        %swap3A_601 = vector.shape_cast %swap3A_600 : vector<1x16xf32> to vector<16xf32>
        %swap3A_602 = vector.shape_cast %max3A_597 : vector<16xf32> to vector<1x16xf32>
        tpu.vector_store %arg17[%swap3A_598, %swap3A_599], %swap3A_602 {strides = array<i32>} : memref<40x128xf32, #tpu.memory_space<vmem>>, vector<1x16xf32>,
        %get3A_603 = arith.index_cast %scan3A_520 : i32 to index
        %get3A_604 = arith.constant 80 : index
        %get3A_605 = tpu.vector_load %arg17[%get3A_603, %get3A_604] {strides = array<i32>} : memref<40x128xf32, #tpu.memory_space<vmem>>, vector<1x16xf32>,
        %get3A_606 = vector.shape_cast %get3A_605 : vector<1x16xf32> to vector<16xf32>
        %get3A_607 = arith.index_cast %scan3A_520 : i32 to index
        %get3A_608 = arith.constant 80 : index
        %get3A_609 = tpu.vector_load %arg21[%get3A_607, %get3A_608] {strides = array<i32>} : memref<40x128xf32, #tpu.memory_space<vmem>>, vector<1x16xf32>,
        %get3A_610 = vector.shape_cast %get3A_609 : vector<1x16xf32> to vector<16xf32>
        %add3A_611 = arith.addf %get3A_606, %get3A_610 : vector<16xf32>
        %max3A_612 = arith.constant 0.000000e+00 : f32
        %max3A_613 = vector.broadcast %max3A_612 : f32 to vector<16xf32>
        %max3A_614 = arith.maximumf %add3A_611, %max3A_613 : vector<16xf32>
        %swap3A_615 = arith.index_cast %scan3A_520 : i32 to index
        %swap3A_616 = arith.constant 80 : index
        %swap3A_617 = tpu.vector_load %arg17[%swap3A_615, %swap3A_616] {strides = array<i32>} : memref<40x128xf32, #tpu.memory_space<vmem>>, vector<1x16xf32>,
        %swap3A_618 = vector.shape_cast %swap3A_617 : vector<1x16xf32> to vector<16xf32>
        %swap3A_619 = vector.shape_cast %max3A_614 : vector<16xf32> to vector<1x16xf32>
        tpu.vector_store %arg17[%swap3A_615, %swap3A_616], %swap3A_619 {strides = array<i32>} : memref<40x128xf32, #tpu.memory_space<vmem>>, vector<1x16xf32>,
        %get3A_620 = arith.index_cast %scan3A_520 : i32 to index
        %get3A_621 = arith.constant 96 : index
        %get3A_622 = tpu.vector_load %arg17[%get3A_620, %get3A_621] {strides = array<i32>} : memref<40x128xf32, #tpu.memory_space<vmem>>, vector<1x16xf32>,
        %get3A_623 = vector.shape_cast %get3A_622 : vector<1x16xf32> to vector<16xf32>
        %get3A_624 = arith.index_cast %scan3A_520 : i32 to index
        %get3A_625 = arith.constant 96 : index
        %get3A_626 = tpu.vector_load %arg21[%get3A_624, %get3A_625] {strides = array<i32>} : memref<40x128xf32, #tpu.memory_space<vmem>>, vector<1x16xf32>,
        %get3A_627 = vector.shape_cast %get3A_626 : vector<1x16xf32> to vector<16xf32>
        %add3A_628 = arith.addf %get3A_623, %get3A_627 : vector<16xf32>
        %max3A_629 = arith.constant 0.000000e+00 : f32
        %max3A_630 = vector.broadcast %max3A_629 : f32 to vector<16xf32>
        %max3A_631 = arith.maximumf %add3A_628, %max3A_630 : vector<16xf32>
        %swap3A_632 = arith.index_cast %scan3A_520 : i32 to index
        %swap3A_633 = arith.constant 96 : index
        %swap3A_634 = tpu.vector_load %arg17[%swap3A_632, %swap3A_633] {strides = array<i32>} : memref<40x128xf32, #tpu.memory_space<vmem>>, vector<1x16xf32>,
        %swap3A_635 = vector.shape_cast %swap3A_634 : vector<1x16xf32> to vector<16xf32>
        %swap3A_636 = vector.shape_cast %max3A_631 : vector<16xf32> to vector<1x16xf32>
        tpu.vector_store %arg17[%swap3A_632, %swap3A_633], %swap3A_636 {strides = array<i32>} : memref<40x128xf32, #tpu.memory_space<vmem>>, vector<1x16xf32>,
        %get3A_637 = arith.index_cast %scan3A_520 : i32 to index
        %get3A_638 = arith.constant 112 : index
        %get3A_639 = tpu.vector_load %arg17[%get3A_637, %get3A_638] {strides = array<i32>} : memref<40x128xf32, #tpu.memory_space<vmem>>, vector<1x16xf32>,
        %get3A_640 = vector.shape_cast %get3A_639 : vector<1x16xf32> to vector<16xf32>
        %get3A_641 = arith.index_cast %scan3A_520 : i32 to index
        %get3A_642 = arith.constant 112 : index
        %get3A_643 = tpu.vector_load %arg21[%get3A_641, %get3A_642] {strides = array<i32>} : memref<40x128xf32, #tpu.memory_space<vmem>>, vector<1x16xf32>,
        %get3A_644 = vector.shape_cast %get3A_643 : vector<1x16xf32> to vector<16xf32>
        %add3A_645 = arith.addf %get3A_640, %get3A_644 : vector<16xf32>
        %max3A_646 = arith.constant 0.000000e+00 : f32
        %max3A_647 = vector.broadcast %max3A_646 : f32 to vector<16xf32>
        %max3A_648 = arith.maximumf %add3A_645, %max3A_647 : vector<16xf32>
        %swap3A_649 = arith.index_cast %scan3A_520 : i32 to index
        %swap3A_650 = arith.constant 112 : index
        %swap3A_651 = tpu.vector_load %arg17[%swap3A_649, %swap3A_650] {strides = array<i32>} : memref<40x128xf32, #tpu.memory_space<vmem>>, vector<1x16xf32>,
        %swap3A_652 = vector.shape_cast %swap3A_651 : vector<1x16xf32> to vector<16xf32>
        %swap3A_653 = vector.shape_cast %max3A_648 : vector<16xf32> to vector<1x16xf32>
        tpu.vector_store %arg17[%swap3A_649, %swap3A_650], %swap3A_653 {strides = array<i32>} : memref<40x128xf32, #tpu.memory_space<vmem>>, vector<1x16xf32>,
      }
      %scan3A_442 = arith.constant 40 : i32
      %dma_wait3A_443 = tpu.memref_slice %arg5[%add3A_430] : memref<320000xi32, #tpu.memory_space<hbm>> -> memref<40xi32, #tpu.memory_space<hbm>>
      %dma_wait3A_444 = tpu.memref_slice %arg5[%add3A_430] : memref<320000xi32, #tpu.memory_space<hbm>> -> memref<40xi32, #tpu.memory_space<hbm>>
      tpu.wait_dma2 semaphore(%arg31 : memref<!tpu.dma_semaphore, #tpu.memory_space<semaphore_mem>>) src(%dma_wait3A_444 : memref<40xi32, #tpu.memory_space<hbm>>) dst(%arg13 : memref<40xi32, #tpu.memory_space<vmem>>)
      "tpu.region"() ({
        %run_scoped3A = tpu.sem_alloc : memref<!tpu.dma_semaphore, #tpu.memory_space<semaphore_mem>>
        %dma_start3A_520 = arith.constant 0 : i32
        %dma_start3A_521 = arith.constant 0 : i32
        %dma_start3A_522 = tpu.memref_slice %arg24[%dma_start3A_520, %dma_start3A_521] : memref<10240x128xf32, #tpu.memory_space<vmem_shared>> -> memref<10240x128xf32, #tpu.memory_space<vmem_shared>>
        tpu.enqueue_indirect_dma source(%arg17 : memref<40x128xf32, #tpu.memory_space<vmem>>) target(%dma_start3A_522 : memref<10240x128xf32, #tpu.memory_space<vmem_shared>>) offsets(%arg13 : memref<40xi32, #tpu.memory_space<vmem>>) semaphore(%run_scoped3A : memref<!tpu.dma_semaphore, #tpu.memory_space<semaphore_mem>>) {add = true}
        %dma_wait3A_523 = arith.constant 0 : i32
        %dma_wait3A_524 = arith.constant 0 : i32
        %dma_wait3A_525 = tpu.memref_slice %arg24[%dma_wait3A_523, %dma_wait3A_524] : memref<10240x128xf32, #tpu.memory_space<vmem_shared>> -> memref<10240x128xf32, #tpu.memory_space<vmem_shared>>
        tpu.wait_indirect_dma semaphore(%run_scoped3A : memref<!tpu.dma_semaphore, #tpu.memory_space<semaphore_mem>>) src(%arg17 : memref<40x128xf32, #tpu.memory_space<vmem>>) dst(%dma_wait3A_525 : memref<10240x128xf32, #tpu.memory_space<vmem_shared>>)
        tpu.yield
      }) : () -> ()
      %add3A_445 = arith.constant 4 : i32
      %add3A_446 = arith.addi %add3A_425, %add3A_445 : i32
      %mul3A_447 = arith.constant 10000 : i32
      %mul3A_448 = arith.muli %add3A, %mul3A_447 : i32
      %mul3A_449 = arith.constant 40 : i32
      %mul3A_450 = arith.muli %add3A_446, %mul3A_449 : i32
      %add3A_451 = arith.addi %mul3A_448, %mul3A_450 : i32
      %dma_start3A_452 = tpu.memref_slice %arg4[%add3A_451] : memref<320000xi32, #tpu.memory_space<hbm>> -> memref<40xi32, #tpu.memory_space<hbm>>
      %dma_start3A_453 = tpu.memref_slice %arg4[%add3A_451] : memref<320000xi32, #tpu.memory_space<hbm>> -> memref<40xi32, #tpu.memory_space<hbm>>
      tpu.enqueue_dma source(%dma_start3A_453 : memref<40xi32, #tpu.memory_space<hbm>>) target(%arg9 : memref<40xi32, #tpu.memory_space<vmem>>) target_semaphore(%arg27 : memref<!tpu.dma_semaphore, #tpu.memory_space<semaphore_mem>>)
      %dma_start3A_454 = tpu.memref_slice %arg5[%add3A_451] : memref<320000xi32, #tpu.memory_space<hbm>> -> memref<40xi32, #tpu.memory_space<hbm>>
      %dma_start3A_455 = tpu.memref_slice %arg5[%add3A_451] : memref<320000xi32, #tpu.memory_space<hbm>> -> memref<40xi32, #tpu.memory_space<hbm>>
      tpu.enqueue_dma source(%dma_start3A_455 : memref<40xi32, #tpu.memory_space<hbm>>) target(%arg13 : memref<40xi32, #tpu.memory_space<vmem>>) target_semaphore(%arg31 : memref<!tpu.dma_semaphore, #tpu.memory_space<semaphore_mem>>)
      %add3A_456 = arith.constant 2 : i32
      %add3A_457 = arith.addi %add3A_425, %add3A_456 : i32
      %mul3A_458 = arith.constant 10000 : i32
      %mul3A_459 = arith.muli %add3A, %mul3A_458 : i32
      %mul3A_460 = arith.constant 40 : i32
      %mul3A_461 = arith.muli %add3A_457, %mul3A_460 : i32
      %add3A_462 = arith.addi %mul3A_459, %mul3A_461 : i32
      %dma_wait3A_463 = tpu.memref_slice %arg4[%add3A_462] : memref<320000xi32, #tpu.memory_space<hbm>> -> memref<40xi32, #tpu.memory_space<hbm>>
      %dma_wait3A_464 = tpu.memref_slice %arg4[%add3A_462] : memref<320000xi32, #tpu.memory_space<hbm>> -> memref<40xi32, #tpu.memory_space<hbm>>
      tpu.wait_dma2 semaphore(%arg25 : memref<!tpu.dma_semaphore, #tpu.memory_space<semaphore_mem>>) src(%dma_wait3A_464 : memref<40xi32, #tpu.memory_space<hbm>>) dst(%arg7 : memref<40xi32, #tpu.memory_space<vmem>>)
      %dma_start3A_465 = arith.constant 0 : i32
      %dma_start3A_466 = arith.constant 0 : i32
      %dma_start3A_467 = tpu.memref_slice %arg2[%dma_start3A_465, %dma_start3A_466] : memref<10240x128xf32, #tpu.memory_space<hbm>> -> memref<10240x128xf32, #tpu.memory_space<hbm>>
      tpu.enqueue_indirect_dma source(%dma_start3A_467 : memref<10240x128xf32, #tpu.memory_space<hbm>>) target(%arg15 : memref<40x128xf32, #tpu.memory_space<vmem>>) offsets(%arg7 : memref<40xi32, #tpu.memory_space<vmem>>) semaphore(%arg33 : memref<!tpu.dma_semaphore, #tpu.memory_space<semaphore_mem>>)
      %dma_start3A_468 = arith.constant 0 : i32
      %dma_start3A_469 = tpu.memref_slice %arg3[%add3A_462, %dma_start3A_468] : memref<320000x128xf32, #tpu.memory_space<hbm>> -> memref<40x128xf32, #tpu.memory_space<hbm>>
      %dma_start3A_470 = arith.constant 0 : i32
      %dma_start3A_471 = tpu.memref_slice %arg3[%add3A_462, %dma_start3A_470] : memref<320000x128xf32, #tpu.memory_space<hbm>> -> memref<40x128xf32, #tpu.memory_space<hbm>>
      tpu.enqueue_dma source(%dma_start3A_471 : memref<40x128xf32, #tpu.memory_space<hbm>>) target(%arg19 : memref<40x128xf32, #tpu.memory_space<vmem>>) target_semaphore(%arg37 : memref<!tpu.dma_semaphore, #tpu.memory_space<semaphore_mem>>)
      %add3A_472 = arith.constant 3 : i32
      %add3A_473 = arith.addi %mul3A_327, %add3A_472 : i32
      %mul3A_474 = arith.constant 10000 : i32
      %mul3A_475 = arith.muli %add3A, %mul3A_474 : i32
      %mul3A_476 = arith.constant 40 : i32
      %mul3A_477 = arith.muli %add3A_473, %mul3A_476 : i32
      %add3A_478 = arith.addi %mul3A_475, %mul3A_477 : i32
      %dma_wait3A_479 = arith.constant 0 : i32
      %dma_wait3A_480 = arith.constant 0 : i32
      %dma_wait3A_481 = tpu.memref_slice %arg2[%dma_wait3A_479, %dma_wait3A_480] : memref<10240x128xf32, #tpu.memory_space<hbm>> -> memref<10240x128xf32, #tpu.memory_space<hbm>>
      tpu.wait_indirect_dma semaphore(%arg36 : memref<!tpu.dma_semaphore, #tpu.memory_space<semaphore_mem>>) src(%dma_wait3A_481 : memref<10240x128xf32, #tpu.memory_space<hbm>>) dst(%arg18 : memref<40x128xf32, #tpu.memory_space<vmem>>)
      %dma_wait3A_482 = arith.constant 0 : i32
      %dma_wait3A_483 = tpu.memref_slice %arg3[%add3A_478, %dma_wait3A_482] : memref<320000x128xf32, #tpu.memory_space<hbm>> -> memref<40x128xf32, #tpu.memory_space<hbm>>
      %dma_wait3A_484 = arith.constant 0 : i32
      %dma_wait3A_485 = tpu.memref_slice %arg3[%add3A_478, %dma_wait3A_484] : memref<320000x128xf32, #tpu.memory_space<hbm>> -> memref<40x128xf32, #tpu.memory_space<hbm>>
      tpu.wait_dma2 semaphore(%arg40 : memref<!tpu.dma_semaphore, #tpu.memory_space<semaphore_mem>>) src(%dma_wait3A_485 : memref<40x128xf32, #tpu.memory_space<hbm>>) dst(%arg22 : memref<40x128xf32, #tpu.memory_space<vmem>>)
      %scan3A_486 = arith.constant 0 : i32
      %scan3A_487 = arith.constant 40 : i32
      %scan3A_488 = arith.addi %scan3A_486, %scan3A_487 : i32
      %scan3A_489 = arith.constant 1 : i32
      scf.for %scan3A_520 = %scan3A_486 to %scan3A_488 step %scan3A_489  : i32 {
        %get3A = arith.index_cast %scan3A_520 : i32 to index
        %get3A_521 = arith.constant 0 : index
        %get3A_522 = tpu.vector_load %arg18[%get3A, %get3A_521] {strides = array<i32>} : memref<40x128xf32, #tpu.memory_space<vmem>>, vector<1x16xf32>,
        %get3A_523 = vector.shape_cast %get3A_522 : vector<1x16xf32> to vector<16xf32>
        %get3A_524 = arith.index_cast %scan3A_520 : i32 to index
        %get3A_525 = arith.constant 0 : index
        %get3A_526 = tpu.vector_load %arg22[%get3A_524, %get3A_525] {strides = array<i32>} : memref<40x128xf32, #tpu.memory_space<vmem>>, vector<1x16xf32>,
        %get3A_527 = vector.shape_cast %get3A_526 : vector<1x16xf32> to vector<16xf32>
        %add3A_528 = arith.addf %get3A_523, %get3A_527 : vector<16xf32>
        %max3A = arith.constant 0.000000e+00 : f32
        %max3A_529 = vector.broadcast %max3A : f32 to vector<16xf32>
        %max3A_530 = arith.maximumf %add3A_528, %max3A_529 : vector<16xf32>
        %swap3A = arith.index_cast %scan3A_520 : i32 to index
        %swap3A_531 = arith.constant 0 : index
        %swap3A_532 = tpu.vector_load %arg18[%swap3A, %swap3A_531] {strides = array<i32>} : memref<40x128xf32, #tpu.memory_space<vmem>>, vector<1x16xf32>,
        %swap3A_533 = vector.shape_cast %swap3A_532 : vector<1x16xf32> to vector<16xf32>
        %swap3A_534 = vector.shape_cast %max3A_530 : vector<16xf32> to vector<1x16xf32>
        tpu.vector_store %arg18[%swap3A, %swap3A_531], %swap3A_534 {strides = array<i32>} : memref<40x128xf32, #tpu.memory_space<vmem>>, vector<1x16xf32>,
        %get3A_535 = arith.index_cast %scan3A_520 : i32 to index
        %get3A_536 = arith.constant 16 : index
        %get3A_537 = tpu.vector_load %arg18[%get3A_535, %get3A_536] {strides = array<i32>} : memref<40x128xf32, #tpu.memory_space<vmem>>, vector<1x16xf32>,
        %get3A_538 = vector.shape_cast %get3A_537 : vector<1x16xf32> to vector<16xf32>
        %get3A_539 = arith.index_cast %scan3A_520 : i32 to index
        %get3A_540 = arith.constant 16 : index
        %get3A_541 = tpu.vector_load %arg22[%get3A_539, %get3A_540] {strides = array<i32>} : memref<40x128xf32, #tpu.memory_space<vmem>>, vector<1x16xf32>,
        %get3A_542 = vector.shape_cast %get3A_541 : vector<1x16xf32> to vector<16xf32>
        %add3A_543 = arith.addf %get3A_538, %get3A_542 : vector<16xf32>
        %max3A_544 = arith.constant 0.000000e+00 : f32
        %max3A_545 = vector.broadcast %max3A_544 : f32 to vector<16xf32>
        %max3A_546 = arith.maximumf %add3A_543, %max3A_545 : vector<16xf32>
        %swap3A_547 = arith.index_cast %scan3A_520 : i32 to index
        %swap3A_548 = arith.constant 16 : index
        %swap3A_549 = tpu.vector_load %arg18[%swap3A_547, %swap3A_548] {strides = array<i32>} : memref<40x128xf32, #tpu.memory_space<vmem>>, vector<1x16xf32>,
        %swap3A_550 = vector.shape_cast %swap3A_549 : vector<1x16xf32> to vector<16xf32>
        %swap3A_551 = vector.shape_cast %max3A_546 : vector<16xf32> to vector<1x16xf32>
        tpu.vector_store %arg18[%swap3A_547, %swap3A_548], %swap3A_551 {strides = array<i32>} : memref<40x128xf32, #tpu.memory_space<vmem>>, vector<1x16xf32>,
        %get3A_552 = arith.index_cast %scan3A_520 : i32 to index
        %get3A_553 = arith.constant 32 : index
        %get3A_554 = tpu.vector_load %arg18[%get3A_552, %get3A_553] {strides = array<i32>} : memref<40x128xf32, #tpu.memory_space<vmem>>, vector<1x16xf32>,
        %get3A_555 = vector.shape_cast %get3A_554 : vector<1x16xf32> to vector<16xf32>
        %get3A_556 = arith.index_cast %scan3A_520 : i32 to index
        %get3A_557 = arith.constant 32 : index
        %get3A_558 = tpu.vector_load %arg22[%get3A_556, %get3A_557] {strides = array<i32>} : memref<40x128xf32, #tpu.memory_space<vmem>>, vector<1x16xf32>,
        %get3A_559 = vector.shape_cast %get3A_558 : vector<1x16xf32> to vector<16xf32>
        %add3A_560 = arith.addf %get3A_555, %get3A_559 : vector<16xf32>
        %max3A_561 = arith.constant 0.000000e+00 : f32
        %max3A_562 = vector.broadcast %max3A_561 : f32 to vector<16xf32>
        %max3A_563 = arith.maximumf %add3A_560, %max3A_562 : vector<16xf32>
        %swap3A_564 = arith.index_cast %scan3A_520 : i32 to index
        %swap3A_565 = arith.constant 32 : index
        %swap3A_566 = tpu.vector_load %arg18[%swap3A_564, %swap3A_565] {strides = array<i32>} : memref<40x128xf32, #tpu.memory_space<vmem>>, vector<1x16xf32>,
        %swap3A_567 = vector.shape_cast %swap3A_566 : vector<1x16xf32> to vector<16xf32>
        %swap3A_568 = vector.shape_cast %max3A_563 : vector<16xf32> to vector<1x16xf32>
        tpu.vector_store %arg18[%swap3A_564, %swap3A_565], %swap3A_568 {strides = array<i32>} : memref<40x128xf32, #tpu.memory_space<vmem>>, vector<1x16xf32>,
        %get3A_569 = arith.index_cast %scan3A_520 : i32 to index
        %get3A_570 = arith.constant 48 : index
        %get3A_571 = tpu.vector_load %arg18[%get3A_569, %get3A_570] {strides = array<i32>} : memref<40x128xf32, #tpu.memory_space<vmem>>, vector<1x16xf32>,
        %get3A_572 = vector.shape_cast %get3A_571 : vector<1x16xf32> to vector<16xf32>
        %get3A_573 = arith.index_cast %scan3A_520 : i32 to index
        %get3A_574 = arith.constant 48 : index
        %get3A_575 = tpu.vector_load %arg22[%get3A_573, %get3A_574] {strides = array<i32>} : memref<40x128xf32, #tpu.memory_space<vmem>>, vector<1x16xf32>,
        %get3A_576 = vector.shape_cast %get3A_575 : vector<1x16xf32> to vector<16xf32>
        %add3A_577 = arith.addf %get3A_572, %get3A_576 : vector<16xf32>
        %max3A_578 = arith.constant 0.000000e+00 : f32
        %max3A_579 = vector.broadcast %max3A_578 : f32 to vector<16xf32>
        %max3A_580 = arith.maximumf %add3A_577, %max3A_579 : vector<16xf32>
        %swap3A_581 = arith.index_cast %scan3A_520 : i32 to index
        %swap3A_582 = arith.constant 48 : index
        %swap3A_583 = tpu.vector_load %arg18[%swap3A_581, %swap3A_582] {strides = array<i32>} : memref<40x128xf32, #tpu.memory_space<vmem>>, vector<1x16xf32>,
        %swap3A_584 = vector.shape_cast %swap3A_583 : vector<1x16xf32> to vector<16xf32>
        %swap3A_585 = vector.shape_cast %max3A_580 : vector<16xf32> to vector<1x16xf32>
        tpu.vector_store %arg18[%swap3A_581, %swap3A_582], %swap3A_585 {strides = array<i32>} : memref<40x128xf32, #tpu.memory_space<vmem>>, vector<1x16xf32>,
        %get3A_586 = arith.index_cast %scan3A_520 : i32 to index
        %get3A_587 = arith.constant 64 : index
        %get3A_588 = tpu.vector_load %arg18[%get3A_586, %get3A_587] {strides = array<i32>} : memref<40x128xf32, #tpu.memory_space<vmem>>, vector<1x16xf32>,
        %get3A_589 = vector.shape_cast %get3A_588 : vector<1x16xf32> to vector<16xf32>
        %get3A_590 = arith.index_cast %scan3A_520 : i32 to index
        %get3A_591 = arith.constant 64 : index
        %get3A_592 = tpu.vector_load %arg22[%get3A_590, %get3A_591] {strides = array<i32>} : memref<40x128xf32, #tpu.memory_space<vmem>>, vector<1x16xf32>,
        %get3A_593 = vector.shape_cast %get3A_592 : vector<1x16xf32> to vector<16xf32>
        %add3A_594 = arith.addf %get3A_589, %get3A_593 : vector<16xf32>
        %max3A_595 = arith.constant 0.000000e+00 : f32
        %max3A_596 = vector.broadcast %max3A_595 : f32 to vector<16xf32>
        %max3A_597 = arith.maximumf %add3A_594, %max3A_596 : vector<16xf32>
        %swap3A_598 = arith.index_cast %scan3A_520 : i32 to index
        %swap3A_599 = arith.constant 64 : index
        %swap3A_600 = tpu.vector_load %arg18[%swap3A_598, %swap3A_599] {strides = array<i32>} : memref<40x128xf32, #tpu.memory_space<vmem>>, vector<1x16xf32>,
        %swap3A_601 = vector.shape_cast %swap3A_600 : vector<1x16xf32> to vector<16xf32>
        %swap3A_602 = vector.shape_cast %max3A_597 : vector<16xf32> to vector<1x16xf32>
        tpu.vector_store %arg18[%swap3A_598, %swap3A_599], %swap3A_602 {strides = array<i32>} : memref<40x128xf32, #tpu.memory_space<vmem>>, vector<1x16xf32>,
        %get3A_603 = arith.index_cast %scan3A_520 : i32 to index
        %get3A_604 = arith.constant 80 : index
        %get3A_605 = tpu.vector_load %arg18[%get3A_603, %get3A_604] {strides = array<i32>} : memref<40x128xf32, #tpu.memory_space<vmem>>, vector<1x16xf32>,
        %get3A_606 = vector.shape_cast %get3A_605 : vector<1x16xf32> to vector<16xf32>
        %get3A_607 = arith.index_cast %scan3A_520 : i32 to index
        %get3A_608 = arith.constant 80 : index
        %get3A_609 = tpu.vector_load %arg22[%get3A_607, %get3A_608] {strides = array<i32>} : memref<40x128xf32, #tpu.memory_space<vmem>>, vector<1x16xf32>,
        %get3A_610 = vector.shape_cast %get3A_609 : vector<1x16xf32> to vector<16xf32>
        %add3A_611 = arith.addf %get3A_606, %get3A_610 : vector<16xf32>
        %max3A_612 = arith.constant 0.000000e+00 : f32
        %max3A_613 = vector.broadcast %max3A_612 : f32 to vector<16xf32>
        %max3A_614 = arith.maximumf %add3A_611, %max3A_613 : vector<16xf32>
        %swap3A_615 = arith.index_cast %scan3A_520 : i32 to index
        %swap3A_616 = arith.constant 80 : index
        %swap3A_617 = tpu.vector_load %arg18[%swap3A_615, %swap3A_616] {strides = array<i32>} : memref<40x128xf32, #tpu.memory_space<vmem>>, vector<1x16xf32>,
        %swap3A_618 = vector.shape_cast %swap3A_617 : vector<1x16xf32> to vector<16xf32>
        %swap3A_619 = vector.shape_cast %max3A_614 : vector<16xf32> to vector<1x16xf32>
        tpu.vector_store %arg18[%swap3A_615, %swap3A_616], %swap3A_619 {strides = array<i32>} : memref<40x128xf32, #tpu.memory_space<vmem>>, vector<1x16xf32>,
        %get3A_620 = arith.index_cast %scan3A_520 : i32 to index
        %get3A_621 = arith.constant 96 : index
        %get3A_622 = tpu.vector_load %arg18[%get3A_620, %get3A_621] {strides = array<i32>} : memref<40x128xf32, #tpu.memory_space<vmem>>, vector<1x16xf32>,
        %get3A_623 = vector.shape_cast %get3A_622 : vector<1x16xf32> to vector<16xf32>
        %get3A_624 = arith.index_cast %scan3A_520 : i32 to index
        %get3A_625 = arith.constant 96 : index
        %get3A_626 = tpu.vector_load %arg22[%get3A_624, %get3A_625] {strides = array<i32>} : memref<40x128xf32, #tpu.memory_space<vmem>>, vector<1x16xf32>,
        %get3A_627 = vector.shape_cast %get3A_626 : vector<1x16xf32> to vector<16xf32>
        %add3A_628 = arith.addf %get3A_623, %get3A_627 : vector<16xf32>
        %max3A_629 = arith.constant 0.000000e+00 : f32
        %max3A_630 = vector.broadcast %max3A_629 : f32 to vector<16xf32>
        %max3A_631 = arith.maximumf %add3A_628, %max3A_630 : vector<16xf32>
        %swap3A_632 = arith.index_cast %scan3A_520 : i32 to index
        %swap3A_633 = arith.constant 96 : index
        %swap3A_634 = tpu.vector_load %arg18[%swap3A_632, %swap3A_633] {strides = array<i32>} : memref<40x128xf32, #tpu.memory_space<vmem>>, vector<1x16xf32>,
        %swap3A_635 = vector.shape_cast %swap3A_634 : vector<1x16xf32> to vector<16xf32>
        %swap3A_636 = vector.shape_cast %max3A_631 : vector<16xf32> to vector<1x16xf32>
        tpu.vector_store %arg18[%swap3A_632, %swap3A_633], %swap3A_636 {strides = array<i32>} : memref<40x128xf32, #tpu.memory_space<vmem>>, vector<1x16xf32>,
        %get3A_637 = arith.index_cast %scan3A_520 : i32 to index
        %get3A_638 = arith.constant 112 : index
        %get3A_639 = tpu.vector_load %arg18[%get3A_637, %get3A_638] {strides = array<i32>} : memref<40x128xf32, #tpu.memory_space<vmem>>, vector<1x16xf32>,
        %get3A_640 = vector.shape_cast %get3A_639 : vector<1x16xf32> to vector<16xf32>
        %get3A_641 = arith.index_cast %scan3A_520 : i32 to index
        %get3A_642 = arith.constant 112 : index
        %get3A_643 = tpu.vector_load %arg22[%get3A_641, %get3A_642] {strides = array<i32>} : memref<40x128xf32, #tpu.memory_space<vmem>>, vector<1x16xf32>,
        %get3A_644 = vector.shape_cast %get3A_643 : vector<1x16xf32> to vector<16xf32>
        %add3A_645 = arith.addf %get3A_640, %get3A_644 : vector<16xf32>
        %max3A_646 = arith.constant 0.000000e+00 : f32
        %max3A_647 = vector.broadcast %max3A_646 : f32 to vector<16xf32>
        %max3A_648 = arith.maximumf %add3A_645, %max3A_647 : vector<16xf32>
        %swap3A_649 = arith.index_cast %scan3A_520 : i32 to index
        %swap3A_650 = arith.constant 112 : index
        %swap3A_651 = tpu.vector_load %arg18[%swap3A_649, %swap3A_650] {strides = array<i32>} : memref<40x128xf32, #tpu.memory_space<vmem>>, vector<1x16xf32>,
        %swap3A_652 = vector.shape_cast %swap3A_651 : vector<1x16xf32> to vector<16xf32>
        %swap3A_653 = vector.shape_cast %max3A_648 : vector<16xf32> to vector<1x16xf32>
        tpu.vector_store %arg18[%swap3A_649, %swap3A_650], %swap3A_653 {strides = array<i32>} : memref<40x128xf32, #tpu.memory_space<vmem>>, vector<1x16xf32>,
      }
      %scan3A_490 = arith.constant 40 : i32
      %dma_wait3A_491 = tpu.memref_slice %arg5[%add3A_478] : memref<320000xi32, #tpu.memory_space<hbm>> -> memref<40xi32, #tpu.memory_space<hbm>>
      %dma_wait3A_492 = tpu.memref_slice %arg5[%add3A_478] : memref<320000xi32, #tpu.memory_space<hbm>> -> memref<40xi32, #tpu.memory_space<hbm>>
      tpu.wait_dma2 semaphore(%arg32 : memref<!tpu.dma_semaphore, #tpu.memory_space<semaphore_mem>>) src(%dma_wait3A_492 : memref<40xi32, #tpu.memory_space<hbm>>) dst(%arg14 : memref<40xi32, #tpu.memory_space<vmem>>)
      "tpu.region"() ({
        %run_scoped3A = tpu.sem_alloc : memref<!tpu.dma_semaphore, #tpu.memory_space<semaphore_mem>>
        %dma_start3A_520 = arith.constant 0 : i32
        %dma_start3A_521 = arith.constant 0 : i32
        %dma_start3A_522 = tpu.memref_slice %arg24[%dma_start3A_520, %dma_start3A_521] : memref<10240x128xf32, #tpu.memory_space<vmem_shared>> -> memref<10240x128xf32, #tpu.memory_space<vmem_shared>>
        tpu.enqueue_indirect_dma source(%arg18 : memref<40x128xf32, #tpu.memory_space<vmem>>) target(%dma_start3A_522 : memref<10240x128xf32, #tpu.memory_space<vmem_shared>>) offsets(%arg14 : memref<40xi32, #tpu.memory_space<vmem>>) semaphore(%run_scoped3A : memref<!tpu.dma_semaphore, #tpu.memory_space<semaphore_mem>>) {add = true}
        %dma_wait3A_523 = arith.constant 0 : i32
        %dma_wait3A_524 = arith.constant 0 : i32
        %dma_wait3A_525 = tpu.memref_slice %arg24[%dma_wait3A_523, %dma_wait3A_524] : memref<10240x128xf32, #tpu.memory_space<vmem_shared>> -> memref<10240x128xf32, #tpu.memory_space<vmem_shared>>
        tpu.wait_indirect_dma semaphore(%run_scoped3A : memref<!tpu.dma_semaphore, #tpu.memory_space<semaphore_mem>>) src(%arg18 : memref<40x128xf32, #tpu.memory_space<vmem>>) dst(%dma_wait3A_525 : memref<10240x128xf32, #tpu.memory_space<vmem_shared>>)
        tpu.yield
      }) : () -> ()
      %add3A_493 = arith.constant 4 : i32
      %add3A_494 = arith.addi %add3A_473, %add3A_493 : i32
      %mul3A_495 = arith.constant 10000 : i32
      %mul3A_496 = arith.muli %add3A, %mul3A_495 : i32
      %mul3A_497 = arith.constant 40 : i32
      %mul3A_498 = arith.muli %add3A_494, %mul3A_497 : i32
      %add3A_499 = arith.addi %mul3A_496, %mul3A_498 : i32
      %dma_start3A_500 = tpu.memref_slice %arg4[%add3A_499] : memref<320000xi32, #tpu.memory_space<hbm>> -> memref<40xi32, #tpu.memory_space<hbm>>
      %dma_start3A_501 = tpu.memref_slice %arg4[%add3A_499] : memref<320000xi32, #tpu.memory_space<hbm>> -> memref<40xi32, #tpu.memory_space<hbm>>
      tpu.enqueue_dma source(%dma_start3A_501 : memref<40xi32, #tpu.memory_space<hbm>>) target(%arg10 : memref<40xi32, #tpu.memory_space<vmem>>) target_semaphore(%arg28 : memref<!tpu.dma_semaphore, #tpu.memory_space<semaphore_mem>>)
      %dma_start3A_502 = tpu.memref_slice %arg5[%add3A_499] : memref<320000xi32, #tpu.memory_space<hbm>> -> memref<40xi32, #tpu.memory_space<hbm>>
      %dma_start3A_503 = tpu.memref_slice %arg5[%add3A_499] : memref<320000xi32, #tpu.memory_space<hbm>> -> memref<40xi32, #tpu.memory_space<hbm>>
      tpu.enqueue_dma source(%dma_start3A_503 : memref<40xi32, #tpu.memory_space<hbm>>) target(%arg14 : memref<40xi32, #tpu.memory_space<vmem>>) target_semaphore(%arg32 : memref<!tpu.dma_semaphore, #tpu.memory_space<semaphore_mem>>)
      %add3A_504 = arith.constant 2 : i32
      %add3A_505 = arith.addi %add3A_473, %add3A_504 : i32
      %mul3A_506 = arith.constant 10000 : i32
      %mul3A_507 = arith.muli %add3A, %mul3A_506 : i32
      %mul3A_508 = arith.constant 40 : i32
      %mul3A_509 = arith.muli %add3A_505, %mul3A_508 : i32
      %add3A_510 = arith.addi %mul3A_507, %mul3A_509 : i32
      %dma_wait3A_511 = tpu.memref_slice %arg4[%add3A_510] : memref<320000xi32, #tpu.memory_space<hbm>> -> memref<40xi32, #tpu.memory_space<hbm>>
      %dma_wait3A_512 = tpu.memref_slice %arg4[%add3A_510] : memref<320000xi32, #tpu.memory_space<hbm>> -> memref<40xi32, #tpu.memory_space<hbm>>
      tpu.wait_dma2 semaphore(%arg26 : memref<!tpu.dma_semaphore, #tpu.memory_space<semaphore_mem>>) src(%dma_wait3A_512 : memref<40xi32, #tpu.memory_space<hbm>>) dst(%arg8 : memref<40xi32, #tpu.memory_space<vmem>>)
      %dma_start3A_513 = arith.constant 0 : i32
      %dma_start3A_514 = arith.constant 0 : i32
      %dma_start3A_515 = tpu.memref_slice %arg2[%dma_start3A_513, %dma_start3A_514] : memref<10240x128xf32, #tpu.memory_space<hbm>> -> memref<10240x128xf32, #tpu.memory_space<hbm>>
      tpu.enqueue_indirect_dma source(%dma_start3A_515 : memref<10240x128xf32, #tpu.memory_space<hbm>>) target(%arg16 : memref<40x128xf32, #tpu.memory_space<vmem>>) offsets(%arg8 : memref<40xi32, #tpu.memory_space<vmem>>) semaphore(%arg34 : memref<!tpu.dma_semaphore, #tpu.memory_space<semaphore_mem>>)
      %dma_start3A_516 = arith.constant 0 : i32
      %dma_start3A_517 = tpu.memref_slice %arg3[%add3A_510, %dma_start3A_516] : memref<320000x128xf32, #tpu.memory_space<hbm>> -> memref<40x128xf32, #tpu.memory_space<hbm>>
      %dma_start3A_518 = arith.constant 0 : i32
      %dma_start3A_519 = tpu.memref_slice %arg3[%add3A_510, %dma_start3A_518] : memref<320000x128xf32, #tpu.memory_space<hbm>> -> memref<40x128xf32, #tpu.memory_space<hbm>>
      tpu.enqueue_dma source(%dma_start3A_519 : memref<40x128xf32, #tpu.memory_space<hbm>>) target(%arg20 : memref<40x128xf32, #tpu.memory_space<vmem>>) target_semaphore(%arg38 : memref<!tpu.dma_semaphore, #tpu.memory_space<semaphore_mem>>)
    }
    %scan3A_107 = arith.constant 61 : i32
    %mul3A_108 = arith.constant 10000 : i32
    %mul3A_109 = arith.muli %add3A, %mul3A_108 : i32
    %add3A_110 = arith.constant 9760 : i32
    %add3A_111 = arith.addi %mul3A_109, %add3A_110 : i32
    %dma_wait3A_112 = arith.constant 0 : i32
    %dma_wait3A_113 = arith.constant 0 : i32
    %dma_wait3A_114 = tpu.memref_slice %arg2[%dma_wait3A_112, %dma_wait3A_113] : memref<10240x128xf32, #tpu.memory_space<hbm>> -> memref<10240x128xf32, #tpu.memory_space<hbm>>
    tpu.wait_indirect_dma semaphore(%arg33 : memref<!tpu.dma_semaphore, #tpu.memory_space<semaphore_mem>>) src(%dma_wait3A_114 : memref<10240x128xf32, #tpu.memory_space<hbm>>) dst(%arg15 : memref<40x128xf32, #tpu.memory_space<vmem>>)
    %dma_wait3A_115 = arith.constant 0 : i32
    %dma_wait3A_116 = tpu.memref_slice %arg3[%add3A_111, %dma_wait3A_115] : memref<320000x128xf32, #tpu.memory_space<hbm>> -> memref<40x128xf32, #tpu.memory_space<hbm>>
    %dma_wait3A_117 = arith.constant 0 : i32
    %dma_wait3A_118 = tpu.memref_slice %arg3[%add3A_111, %dma_wait3A_117] : memref<320000x128xf32, #tpu.memory_space<hbm>> -> memref<40x128xf32, #tpu.memory_space<hbm>>
    tpu.wait_dma2 semaphore(%arg37 : memref<!tpu.dma_semaphore, #tpu.memory_space<semaphore_mem>>) src(%dma_wait3A_118 : memref<40x128xf32, #tpu.memory_space<hbm>>) dst(%arg19 : memref<40x128xf32, #tpu.memory_space<vmem>>)
    %scan3A_119 = arith.constant 0 : i32
    %scan3A_120 = arith.constant 40 : i32
    %scan3A_121 = arith.addi %scan3A_119, %scan3A_120 : i32
    %scan3A_122 = arith.constant 1 : i32
    scf.for %scan3A_325 = %scan3A_119 to %scan3A_121 step %scan3A_122  : i32 {
      %get3A = arith.index_cast %scan3A_325 : i32 to index
      %get3A_326 = arith.constant 0 : index
      %get3A_327 = tpu.vector_load %arg15[%get3A, %get3A_326] {strides = array<i32>} : memref<40x128xf32, #tpu.memory_space<vmem>>, vector<1x16xf32>,
      %get3A_328 = vector.shape_cast %get3A_327 : vector<1x16xf32> to vector<16xf32>
      %get3A_329 = arith.index_cast %scan3A_325 : i32 to index
      %get3A_330 = arith.constant 0 : index
      %get3A_331 = tpu.vector_load %arg19[%get3A_329, %get3A_330] {strides = array<i32>} : memref<40x128xf32, #tpu.memory_space<vmem>>, vector<1x16xf32>,
      %get3A_332 = vector.shape_cast %get3A_331 : vector<1x16xf32> to vector<16xf32>
      %add3A_333 = arith.addf %get3A_328, %get3A_332 : vector<16xf32>
      %max3A = arith.constant 0.000000e+00 : f32
      %max3A_334 = vector.broadcast %max3A : f32 to vector<16xf32>
      %max3A_335 = arith.maximumf %add3A_333, %max3A_334 : vector<16xf32>
      %swap3A = arith.index_cast %scan3A_325 : i32 to index
      %swap3A_336 = arith.constant 0 : index
      %swap3A_337 = tpu.vector_load %arg15[%swap3A, %swap3A_336] {strides = array<i32>} : memref<40x128xf32, #tpu.memory_space<vmem>>, vector<1x16xf32>,
      %swap3A_338 = vector.shape_cast %swap3A_337 : vector<1x16xf32> to vector<16xf32>
      %swap3A_339 = vector.shape_cast %max3A_335 : vector<16xf32> to vector<1x16xf32>
      tpu.vector_store %arg15[%swap3A, %swap3A_336], %swap3A_339 {strides = array<i32>} : memref<40x128xf32, #tpu.memory_space<vmem>>, vector<1x16xf32>,
      %get3A_340 = arith.index_cast %scan3A_325 : i32 to index
      %get3A_341 = arith.constant 16 : index
      %get3A_342 = tpu.vector_load %arg15[%get3A_340, %get3A_341] {strides = array<i32>} : memref<40x128xf32, #tpu.memory_space<vmem>>, vector<1x16xf32>,
      %get3A_343 = vector.shape_cast %get3A_342 : vector<1x16xf32> to vector<16xf32>
      %get3A_344 = arith.index_cast %scan3A_325 : i32 to index
      %get3A_345 = arith.constant 16 : index
      %get3A_346 = tpu.vector_load %arg19[%get3A_344, %get3A_345] {strides = array<i32>} : memref<40x128xf32, #tpu.memory_space<vmem>>, vector<1x16xf32>,
      %get3A_347 = vector.shape_cast %get3A_346 : vector<1x16xf32> to vector<16xf32>
      %add3A_348 = arith.addf %get3A_343, %get3A_347 : vector<16xf32>
      %max3A_349 = arith.constant 0.000000e+00 : f32
      %max3A_350 = vector.broadcast %max3A_349 : f32 to vector<16xf32>
      %max3A_351 = arith.maximumf %add3A_348, %max3A_350 : vector<16xf32>
      %swap3A_352 = arith.index_cast %scan3A_325 : i32 to index
      %swap3A_353 = arith.constant 16 : index
      %swap3A_354 = tpu.vector_load %arg15[%swap3A_352, %swap3A_353] {strides = array<i32>} : memref<40x128xf32, #tpu.memory_space<vmem>>, vector<1x16xf32>,
      %swap3A_355 = vector.shape_cast %swap3A_354 : vector<1x16xf32> to vector<16xf32>
      %swap3A_356 = vector.shape_cast %max3A_351 : vector<16xf32> to vector<1x16xf32>
      tpu.vector_store %arg15[%swap3A_352, %swap3A_353], %swap3A_356 {strides = array<i32>} : memref<40x128xf32, #tpu.memory_space<vmem>>, vector<1x16xf32>,
      %get3A_357 = arith.index_cast %scan3A_325 : i32 to index
      %get3A_358 = arith.constant 32 : index
      %get3A_359 = tpu.vector_load %arg15[%get3A_357, %get3A_358] {strides = array<i32>} : memref<40x128xf32, #tpu.memory_space<vmem>>, vector<1x16xf32>,
      %get3A_360 = vector.shape_cast %get3A_359 : vector<1x16xf32> to vector<16xf32>
      %get3A_361 = arith.index_cast %scan3A_325 : i32 to index
      %get3A_362 = arith.constant 32 : index
      %get3A_363 = tpu.vector_load %arg19[%get3A_361, %get3A_362] {strides = array<i32>} : memref<40x128xf32, #tpu.memory_space<vmem>>, vector<1x16xf32>,
      %get3A_364 = vector.shape_cast %get3A_363 : vector<1x16xf32> to vector<16xf32>
      %add3A_365 = arith.addf %get3A_360, %get3A_364 : vector<16xf32>
      %max3A_366 = arith.constant 0.000000e+00 : f32
      %max3A_367 = vector.broadcast %max3A_366 : f32 to vector<16xf32>
      %max3A_368 = arith.maximumf %add3A_365, %max3A_367 : vector<16xf32>
      %swap3A_369 = arith.index_cast %scan3A_325 : i32 to index
      %swap3A_370 = arith.constant 32 : index
      %swap3A_371 = tpu.vector_load %arg15[%swap3A_369, %swap3A_370] {strides = array<i32>} : memref<40x128xf32, #tpu.memory_space<vmem>>, vector<1x16xf32>,
      %swap3A_372 = vector.shape_cast %swap3A_371 : vector<1x16xf32> to vector<16xf32>
      %swap3A_373 = vector.shape_cast %max3A_368 : vector<16xf32> to vector<1x16xf32>
      tpu.vector_store %arg15[%swap3A_369, %swap3A_370], %swap3A_373 {strides = array<i32>} : memref<40x128xf32, #tpu.memory_space<vmem>>, vector<1x16xf32>,
      %get3A_374 = arith.index_cast %scan3A_325 : i32 to index
      %get3A_375 = arith.constant 48 : index
      %get3A_376 = tpu.vector_load %arg15[%get3A_374, %get3A_375] {strides = array<i32>} : memref<40x128xf32, #tpu.memory_space<vmem>>, vector<1x16xf32>,
      %get3A_377 = vector.shape_cast %get3A_376 : vector<1x16xf32> to vector<16xf32>
      %get3A_378 = arith.index_cast %scan3A_325 : i32 to index
      %get3A_379 = arith.constant 48 : index
      %get3A_380 = tpu.vector_load %arg19[%get3A_378, %get3A_379] {strides = array<i32>} : memref<40x128xf32, #tpu.memory_space<vmem>>, vector<1x16xf32>,
      %get3A_381 = vector.shape_cast %get3A_380 : vector<1x16xf32> to vector<16xf32>
      %add3A_382 = arith.addf %get3A_377, %get3A_381 : vector<16xf32>
      %max3A_383 = arith.constant 0.000000e+00 : f32
      %max3A_384 = vector.broadcast %max3A_383 : f32 to vector<16xf32>
      %max3A_385 = arith.maximumf %add3A_382, %max3A_384 : vector<16xf32>
      %swap3A_386 = arith.index_cast %scan3A_325 : i32 to index
      %swap3A_387 = arith.constant 48 : index
      %swap3A_388 = tpu.vector_load %arg15[%swap3A_386, %swap3A_387] {strides = array<i32>} : memref<40x128xf32, #tpu.memory_space<vmem>>, vector<1x16xf32>,
      %swap3A_389 = vector.shape_cast %swap3A_388 : vector<1x16xf32> to vector<16xf32>
      %swap3A_390 = vector.shape_cast %max3A_385 : vector<16xf32> to vector<1x16xf32>
      tpu.vector_store %arg15[%swap3A_386, %swap3A_387], %swap3A_390 {strides = array<i32>} : memref<40x128xf32, #tpu.memory_space<vmem>>, vector<1x16xf32>,
      %get3A_391 = arith.index_cast %scan3A_325 : i32 to index
      %get3A_392 = arith.constant 64 : index
      %get3A_393 = tpu.vector_load %arg15[%get3A_391, %get3A_392] {strides = array<i32>} : memref<40x128xf32, #tpu.memory_space<vmem>>, vector<1x16xf32>,
      %get3A_394 = vector.shape_cast %get3A_393 : vector<1x16xf32> to vector<16xf32>
      %get3A_395 = arith.index_cast %scan3A_325 : i32 to index
      %get3A_396 = arith.constant 64 : index
      %get3A_397 = tpu.vector_load %arg19[%get3A_395, %get3A_396] {strides = array<i32>} : memref<40x128xf32, #tpu.memory_space<vmem>>, vector<1x16xf32>,
      %get3A_398 = vector.shape_cast %get3A_397 : vector<1x16xf32> to vector<16xf32>
      %add3A_399 = arith.addf %get3A_394, %get3A_398 : vector<16xf32>
      %max3A_400 = arith.constant 0.000000e+00 : f32
      %max3A_401 = vector.broadcast %max3A_400 : f32 to vector<16xf32>
      %max3A_402 = arith.maximumf %add3A_399, %max3A_401 : vector<16xf32>
      %swap3A_403 = arith.index_cast %scan3A_325 : i32 to index
      %swap3A_404 = arith.constant 64 : index
      %swap3A_405 = tpu.vector_load %arg15[%swap3A_403, %swap3A_404] {strides = array<i32>} : memref<40x128xf32, #tpu.memory_space<vmem>>, vector<1x16xf32>,
      %swap3A_406 = vector.shape_cast %swap3A_405 : vector<1x16xf32> to vector<16xf32>
      %swap3A_407 = vector.shape_cast %max3A_402 : vector<16xf32> to vector<1x16xf32>
      tpu.vector_store %arg15[%swap3A_403, %swap3A_404], %swap3A_407 {strides = array<i32>} : memref<40x128xf32, #tpu.memory_space<vmem>>, vector<1x16xf32>,
      %get3A_408 = arith.index_cast %scan3A_325 : i32 to index
      %get3A_409 = arith.constant 80 : index
      %get3A_410 = tpu.vector_load %arg15[%get3A_408, %get3A_409] {strides = array<i32>} : memref<40x128xf32, #tpu.memory_space<vmem>>, vector<1x16xf32>,
      %get3A_411 = vector.shape_cast %get3A_410 : vector<1x16xf32> to vector<16xf32>
      %get3A_412 = arith.index_cast %scan3A_325 : i32 to index
      %get3A_413 = arith.constant 80 : index
      %get3A_414 = tpu.vector_load %arg19[%get3A_412, %get3A_413] {strides = array<i32>} : memref<40x128xf32, #tpu.memory_space<vmem>>, vector<1x16xf32>,
      %get3A_415 = vector.shape_cast %get3A_414 : vector<1x16xf32> to vector<16xf32>
      %add3A_416 = arith.addf %get3A_411, %get3A_415 : vector<16xf32>
      %max3A_417 = arith.constant 0.000000e+00 : f32
      %max3A_418 = vector.broadcast %max3A_417 : f32 to vector<16xf32>
      %max3A_419 = arith.maximumf %add3A_416, %max3A_418 : vector<16xf32>
      %swap3A_420 = arith.index_cast %scan3A_325 : i32 to index
      %swap3A_421 = arith.constant 80 : index
      %swap3A_422 = tpu.vector_load %arg15[%swap3A_420, %swap3A_421] {strides = array<i32>} : memref<40x128xf32, #tpu.memory_space<vmem>>, vector<1x16xf32>,
      %swap3A_423 = vector.shape_cast %swap3A_422 : vector<1x16xf32> to vector<16xf32>
      %swap3A_424 = vector.shape_cast %max3A_419 : vector<16xf32> to vector<1x16xf32>
      tpu.vector_store %arg15[%swap3A_420, %swap3A_421], %swap3A_424 {strides = array<i32>} : memref<40x128xf32, #tpu.memory_space<vmem>>, vector<1x16xf32>,
      %get3A_425 = arith.index_cast %scan3A_325 : i32 to index
      %get3A_426 = arith.constant 96 : index
      %get3A_427 = tpu.vector_load %arg15[%get3A_425, %get3A_426] {strides = array<i32>} : memref<40x128xf32, #tpu.memory_space<vmem>>, vector<1x16xf32>,
      %get3A_428 = vector.shape_cast %get3A_427 : vector<1x16xf32> to vector<16xf32>
      %get3A_429 = arith.index_cast %scan3A_325 : i32 to index
      %get3A_430 = arith.constant 96 : index
      %get3A_431 = tpu.vector_load %arg19[%get3A_429, %get3A_430] {strides = array<i32>} : memref<40x128xf32, #tpu.memory_space<vmem>>, vector<1x16xf32>,
      %get3A_432 = vector.shape_cast %get3A_431 : vector<1x16xf32> to vector<16xf32>
      %add3A_433 = arith.addf %get3A_428, %get3A_432 : vector<16xf32>
      %max3A_434 = arith.constant 0.000000e+00 : f32
      %max3A_435 = vector.broadcast %max3A_434 : f32 to vector<16xf32>
      %max3A_436 = arith.maximumf %add3A_433, %max3A_435 : vector<16xf32>
      %swap3A_437 = arith.index_cast %scan3A_325 : i32 to index
      %swap3A_438 = arith.constant 96 : index
      %swap3A_439 = tpu.vector_load %arg15[%swap3A_437, %swap3A_438] {strides = array<i32>} : memref<40x128xf32, #tpu.memory_space<vmem>>, vector<1x16xf32>,
      %swap3A_440 = vector.shape_cast %swap3A_439 : vector<1x16xf32> to vector<16xf32>
      %swap3A_441 = vector.shape_cast %max3A_436 : vector<16xf32> to vector<1x16xf32>
      tpu.vector_store %arg15[%swap3A_437, %swap3A_438], %swap3A_441 {strides = array<i32>} : memref<40x128xf32, #tpu.memory_space<vmem>>, vector<1x16xf32>,
      %get3A_442 = arith.index_cast %scan3A_325 : i32 to index
      %get3A_443 = arith.constant 112 : index
      %get3A_444 = tpu.vector_load %arg15[%get3A_442, %get3A_443] {strides = array<i32>} : memref<40x128xf32, #tpu.memory_space<vmem>>, vector<1x16xf32>,
      %get3A_445 = vector.shape_cast %get3A_444 : vector<1x16xf32> to vector<16xf32>
      %get3A_446 = arith.index_cast %scan3A_325 : i32 to index
      %get3A_447 = arith.constant 112 : index
      %get3A_448 = tpu.vector_load %arg19[%get3A_446, %get3A_447] {strides = array<i32>} : memref<40x128xf32, #tpu.memory_space<vmem>>, vector<1x16xf32>,
      %get3A_449 = vector.shape_cast %get3A_448 : vector<1x16xf32> to vector<16xf32>
      %add3A_450 = arith.addf %get3A_445, %get3A_449 : vector<16xf32>
      %max3A_451 = arith.constant 0.000000e+00 : f32
      %max3A_452 = vector.broadcast %max3A_451 : f32 to vector<16xf32>
      %max3A_453 = arith.maximumf %add3A_450, %max3A_452 : vector<16xf32>
      %swap3A_454 = arith.index_cast %scan3A_325 : i32 to index
      %swap3A_455 = arith.constant 112 : index
      %swap3A_456 = tpu.vector_load %arg15[%swap3A_454, %swap3A_455] {strides = array<i32>} : memref<40x128xf32, #tpu.memory_space<vmem>>, vector<1x16xf32>,
      %swap3A_457 = vector.shape_cast %swap3A_456 : vector<1x16xf32> to vector<16xf32>
      %swap3A_458 = vector.shape_cast %max3A_453 : vector<16xf32> to vector<1x16xf32>
      tpu.vector_store %arg15[%swap3A_454, %swap3A_455], %swap3A_458 {strides = array<i32>} : memref<40x128xf32, #tpu.memory_space<vmem>>, vector<1x16xf32>,
    }
    %scan3A_123 = arith.constant 40 : i32
    %dma_wait3A_124 = tpu.memref_slice %arg5[%add3A_111] : memref<320000xi32, #tpu.memory_space<hbm>> -> memref<40xi32, #tpu.memory_space<hbm>>
    %dma_wait3A_125 = tpu.memref_slice %arg5[%add3A_111] : memref<320000xi32, #tpu.memory_space<hbm>> -> memref<40xi32, #tpu.memory_space<hbm>>
    tpu.wait_dma2 semaphore(%arg29 : memref<!tpu.dma_semaphore, #tpu.memory_space<semaphore_mem>>) src(%dma_wait3A_125 : memref<40xi32, #tpu.memory_space<hbm>>) dst(%arg11 : memref<40xi32, #tpu.memory_space<vmem>>)
    "tpu.region"() ({
      %run_scoped3A = tpu.sem_alloc : memref<!tpu.dma_semaphore, #tpu.memory_space<semaphore_mem>>
      %dma_start3A_325 = arith.constant 0 : i32
      %dma_start3A_326 = arith.constant 0 : i32
      %dma_start3A_327 = tpu.memref_slice %arg24[%dma_start3A_325, %dma_start3A_326] : memref<10240x128xf32, #tpu.memory_space<vmem_shared>> -> memref<10240x128xf32, #tpu.memory_space<vmem_shared>>
      tpu.enqueue_indirect_dma source(%arg15 : memref<40x128xf32, #tpu.memory_space<vmem>>) target(%dma_start3A_327 : memref<10240x128xf32, #tpu.memory_space<vmem_shared>>) offsets(%arg11 : memref<40xi32, #tpu.memory_space<vmem>>) semaphore(%run_scoped3A : memref<!tpu.dma_semaphore, #tpu.memory_space<semaphore_mem>>) {add = true}
      %dma_wait3A_328 = arith.constant 0 : i32
      %dma_wait3A_329 = arith.constant 0 : i32
      %dma_wait3A_330 = tpu.memref_slice %arg24[%dma_wait3A_328, %dma_wait3A_329] : memref<10240x128xf32, #tpu.memory_space<vmem_shared>> -> memref<10240x128xf32, #tpu.memory_space<vmem_shared>>
      tpu.wait_indirect_dma semaphore(%run_scoped3A : memref<!tpu.dma_semaphore, #tpu.memory_space<semaphore_mem>>) src(%arg15 : memref<40x128xf32, #tpu.memory_space<vmem>>) dst(%dma_wait3A_330 : memref<10240x128xf32, #tpu.memory_space<vmem_shared>>)
      tpu.yield
    }) : () -> ()
    %mul3A_126 = arith.constant 10000 : i32
    %mul3A_127 = arith.muli %add3A, %mul3A_126 : i32
    %add3A_128 = arith.constant 9920 : i32
    %add3A_129 = arith.addi %mul3A_127, %add3A_128 : i32
    %dma_start3A_130 = tpu.memref_slice %arg4[%add3A_129] : memref<320000xi32, #tpu.memory_space<hbm>> -> memref<40xi32, #tpu.memory_space<hbm>>
    %dma_start3A_131 = tpu.memref_slice %arg4[%add3A_129] : memref<320000xi32, #tpu.memory_space<hbm>> -> memref<40xi32, #tpu.memory_space<hbm>>
    tpu.enqueue_dma source(%dma_start3A_131 : memref<40xi32, #tpu.memory_space<hbm>>) target(%arg7 : memref<40xi32, #tpu.memory_space<vmem>>) target_semaphore(%arg25 : memref<!tpu.dma_semaphore, #tpu.memory_space<semaphore_mem>>)
    %dma_start3A_132 = tpu.memref_slice %arg5[%add3A_129] : memref<320000xi32, #tpu.memory_space<hbm>> -> memref<40xi32, #tpu.memory_space<hbm>>
    %dma_start3A_133 = tpu.memref_slice %arg5[%add3A_129] : memref<320000xi32, #tpu.memory_space<hbm>> -> memref<40xi32, #tpu.memory_space<hbm>>
    tpu.enqueue_dma source(%dma_start3A_133 : memref<40xi32, #tpu.memory_space<hbm>>) target(%arg11 : memref<40xi32, #tpu.memory_space<vmem>>) target_semaphore(%arg29 : memref<!tpu.dma_semaphore, #tpu.memory_space<semaphore_mem>>)
    %mul3A_134 = arith.constant 10000 : i32
    %mul3A_135 = arith.muli %add3A, %mul3A_134 : i32
    %add3A_136 = arith.constant 9840 : i32
    %add3A_137 = arith.addi %mul3A_135, %add3A_136 : i32
    %dma_wait3A_138 = tpu.memref_slice %arg4[%add3A_137] : memref<320000xi32, #tpu.memory_space<hbm>> -> memref<40xi32, #tpu.memory_space<hbm>>
    %dma_wait3A_139 = tpu.memref_slice %arg4[%add3A_137] : memref<320000xi32, #tpu.memory_space<hbm>> -> memref<40xi32, #tpu.memory_space<hbm>>
    tpu.wait_dma2 semaphore(%arg27 : memref<!tpu.dma_semaphore, #tpu.memory_space<semaphore_mem>>) src(%dma_wait3A_139 : memref<40xi32, #tpu.memory_space<hbm>>) dst(%arg9 : memref<40xi32, #tpu.memory_space<vmem>>)
    %dma_start3A_140 = arith.constant 0 : i32
    %dma_start3A_141 = arith.constant 0 : i32
    %dma_start3A_142 = tpu.memref_slice %arg2[%dma_start3A_140, %dma_start3A_141] : memref<10240x128xf32, #tpu.memory_space<hbm>> -> memref<10240x128xf32, #tpu.memory_space<hbm>>
    tpu.enqueue_indirect_dma source(%dma_start3A_142 : memref<10240x128xf32, #tpu.memory_space<hbm>>) target(%arg17 : memref<40x128xf32, #tpu.memory_space<vmem>>) offsets(%arg9 : memref<40xi32, #tpu.memory_space<vmem>>) semaphore(%arg35 : memref<!tpu.dma_semaphore, #tpu.memory_space<semaphore_mem>>)
    %dma_start3A_143 = arith.constant 0 : i32
    %dma_start3A_144 = tpu.memref_slice %arg3[%add3A_137, %dma_start3A_143] : memref<320000x128xf32, #tpu.memory_space<hbm>> -> memref<40x128xf32, #tpu.memory_space<hbm>>
    %dma_start3A_145 = arith.constant 0 : i32
    %dma_start3A_146 = tpu.memref_slice %arg3[%add3A_137, %dma_start3A_145] : memref<320000x128xf32, #tpu.memory_space<hbm>> -> memref<40x128xf32, #tpu.memory_space<hbm>>
    tpu.enqueue_dma source(%dma_start3A_146 : memref<40x128xf32, #tpu.memory_space<hbm>>) target(%arg21 : memref<40x128xf32, #tpu.memory_space<vmem>>) target_semaphore(%arg39 : memref<!tpu.dma_semaphore, #tpu.memory_space<semaphore_mem>>)
    %mul3A_147 = arith.constant 10000 : i32
    %mul3A_148 = arith.muli %add3A, %mul3A_147 : i32
    %add3A_149 = arith.constant 9800 : i32
    %add3A_150 = arith.addi %mul3A_148, %add3A_149 : i32
    %dma_wait3A_151 = arith.constant 0 : i32
    %dma_wait3A_152 = arith.constant 0 : i32
    %dma_wait3A_153 = tpu.memref_slice %arg2[%dma_wait3A_151, %dma_wait3A_152] : memref<10240x128xf32, #tpu.memory_space<hbm>> -> memref<10240x128xf32, #tpu.memory_space<hbm>>
    tpu.wait_indirect_dma semaphore(%arg34 : memref<!tpu.dma_semaphore, #tpu.memory_space<semaphore_mem>>) src(%dma_wait3A_153 : memref<10240x128xf32, #tpu.memory_space<hbm>>) dst(%arg16 : memref<40x128xf32, #tpu.memory_space<vmem>>)
    %dma_wait3A_154 = arith.constant 0 : i32
    %dma_wait3A_155 = tpu.memref_slice %arg3[%add3A_150, %dma_wait3A_154] : memref<320000x128xf32, #tpu.memory_space<hbm>> -> memref<40x128xf32, #tpu.memory_space<hbm>>
    %dma_wait3A_156 = arith.constant 0 : i32
    %dma_wait3A_157 = tpu.memref_slice %arg3[%add3A_150, %dma_wait3A_156] : memref<320000x128xf32, #tpu.memory_space<hbm>> -> memref<40x128xf32, #tpu.memory_space<hbm>>
    tpu.wait_dma2 semaphore(%arg38 : memref<!tpu.dma_semaphore, #tpu.memory_space<semaphore_mem>>) src(%dma_wait3A_157 : memref<40x128xf32, #tpu.memory_space<hbm>>) dst(%arg20 : memref<40x128xf32, #tpu.memory_space<vmem>>)
    %scan3A_158 = arith.constant 0 : i32
    %scan3A_159 = arith.constant 40 : i32
    %scan3A_160 = arith.addi %scan3A_158, %scan3A_159 : i32
    %scan3A_161 = arith.constant 1 : i32
    scf.for %scan3A_325 = %scan3A_158 to %scan3A_160 step %scan3A_161  : i32 {
      %get3A = arith.index_cast %scan3A_325 : i32 to index
      %get3A_326 = arith.constant 0 : index
      %get3A_327 = tpu.vector_load %arg16[%get3A, %get3A_326] {strides = array<i32>} : memref<40x128xf32, #tpu.memory_space<vmem>>, vector<1x16xf32>,
      %get3A_328 = vector.shape_cast %get3A_327 : vector<1x16xf32> to vector<16xf32>
      %get3A_329 = arith.index_cast %scan3A_325 : i32 to index
      %get3A_330 = arith.constant 0 : index
      %get3A_331 = tpu.vector_load %arg20[%get3A_329, %get3A_330] {strides = array<i32>} : memref<40x128xf32, #tpu.memory_space<vmem>>, vector<1x16xf32>,
      %get3A_332 = vector.shape_cast %get3A_331 : vector<1x16xf32> to vector<16xf32>
      %add3A_333 = arith.addf %get3A_328, %get3A_332 : vector<16xf32>
      %max3A = arith.constant 0.000000e+00 : f32
      %max3A_334 = vector.broadcast %max3A : f32 to vector<16xf32>
      %max3A_335 = arith.maximumf %add3A_333, %max3A_334 : vector<16xf32>
      %swap3A = arith.index_cast %scan3A_325 : i32 to index
      %swap3A_336 = arith.constant 0 : index
      %swap3A_337 = tpu.vector_load %arg16[%swap3A, %swap3A_336] {strides = array<i32>} : memref<40x128xf32, #tpu.memory_space<vmem>>, vector<1x16xf32>,
      %swap3A_338 = vector.shape_cast %swap3A_337 : vector<1x16xf32> to vector<16xf32>
      %swap3A_339 = vector.shape_cast %max3A_335 : vector<16xf32> to vector<1x16xf32>
      tpu.vector_store %arg16[%swap3A, %swap3A_336], %swap3A_339 {strides = array<i32>} : memref<40x128xf32, #tpu.memory_space<vmem>>, vector<1x16xf32>,
      %get3A_340 = arith.index_cast %scan3A_325 : i32 to index
      %get3A_341 = arith.constant 16 : index
      %get3A_342 = tpu.vector_load %arg16[%get3A_340, %get3A_341] {strides = array<i32>} : memref<40x128xf32, #tpu.memory_space<vmem>>, vector<1x16xf32>,
      %get3A_343 = vector.shape_cast %get3A_342 : vector<1x16xf32> to vector<16xf32>
      %get3A_344 = arith.index_cast %scan3A_325 : i32 to index
      %get3A_345 = arith.constant 16 : index
      %get3A_346 = tpu.vector_load %arg20[%get3A_344, %get3A_345] {strides = array<i32>} : memref<40x128xf32, #tpu.memory_space<vmem>>, vector<1x16xf32>,
      %get3A_347 = vector.shape_cast %get3A_346 : vector<1x16xf32> to vector<16xf32>
      %add3A_348 = arith.addf %get3A_343, %get3A_347 : vector<16xf32>
      %max3A_349 = arith.constant 0.000000e+00 : f32
      %max3A_350 = vector.broadcast %max3A_349 : f32 to vector<16xf32>
      %max3A_351 = arith.maximumf %add3A_348, %max3A_350 : vector<16xf32>
      %swap3A_352 = arith.index_cast %scan3A_325 : i32 to index
      %swap3A_353 = arith.constant 16 : index
      %swap3A_354 = tpu.vector_load %arg16[%swap3A_352, %swap3A_353] {strides = array<i32>} : memref<40x128xf32, #tpu.memory_space<vmem>>, vector<1x16xf32>,
      %swap3A_355 = vector.shape_cast %swap3A_354 : vector<1x16xf32> to vector<16xf32>
      %swap3A_356 = vector.shape_cast %max3A_351 : vector<16xf32> to vector<1x16xf32>
      tpu.vector_store %arg16[%swap3A_352, %swap3A_353], %swap3A_356 {strides = array<i32>} : memref<40x128xf32, #tpu.memory_space<vmem>>, vector<1x16xf32>,
      %get3A_357 = arith.index_cast %scan3A_325 : i32 to index
      %get3A_358 = arith.constant 32 : index
      %get3A_359 = tpu.vector_load %arg16[%get3A_357, %get3A_358] {strides = array<i32>} : memref<40x128xf32, #tpu.memory_space<vmem>>, vector<1x16xf32>,
      %get3A_360 = vector.shape_cast %get3A_359 : vector<1x16xf32> to vector<16xf32>
      %get3A_361 = arith.index_cast %scan3A_325 : i32 to index
      %get3A_362 = arith.constant 32 : index
      %get3A_363 = tpu.vector_load %arg20[%get3A_361, %get3A_362] {strides = array<i32>} : memref<40x128xf32, #tpu.memory_space<vmem>>, vector<1x16xf32>,
      %get3A_364 = vector.shape_cast %get3A_363 : vector<1x16xf32> to vector<16xf32>
      %add3A_365 = arith.addf %get3A_360, %get3A_364 : vector<16xf32>
      %max3A_366 = arith.constant 0.000000e+00 : f32
      %max3A_367 = vector.broadcast %max3A_366 : f32 to vector<16xf32>
      %max3A_368 = arith.maximumf %add3A_365, %max3A_367 : vector<16xf32>
      %swap3A_369 = arith.index_cast %scan3A_325 : i32 to index
      %swap3A_370 = arith.constant 32 : index
      %swap3A_371 = tpu.vector_load %arg16[%swap3A_369, %swap3A_370] {strides = array<i32>} : memref<40x128xf32, #tpu.memory_space<vmem>>, vector<1x16xf32>,
      %swap3A_372 = vector.shape_cast %swap3A_371 : vector<1x16xf32> to vector<16xf32>
      %swap3A_373 = vector.shape_cast %max3A_368 : vector<16xf32> to vector<1x16xf32>
      tpu.vector_store %arg16[%swap3A_369, %swap3A_370], %swap3A_373 {strides = array<i32>} : memref<40x128xf32, #tpu.memory_space<vmem>>, vector<1x16xf32>,
      %get3A_374 = arith.index_cast %scan3A_325 : i32 to index
      %get3A_375 = arith.constant 48 : index
      %get3A_376 = tpu.vector_load %arg16[%get3A_374, %get3A_375] {strides = array<i32>} : memref<40x128xf32, #tpu.memory_space<vmem>>, vector<1x16xf32>,
      %get3A_377 = vector.shape_cast %get3A_376 : vector<1x16xf32> to vector<16xf32>
      %get3A_378 = arith.index_cast %scan3A_325 : i32 to index
      %get3A_379 = arith.constant 48 : index
      %get3A_380 = tpu.vector_load %arg20[%get3A_378, %get3A_379] {strides = array<i32>} : memref<40x128xf32, #tpu.memory_space<vmem>>, vector<1x16xf32>,
      %get3A_381 = vector.shape_cast %get3A_380 : vector<1x16xf32> to vector<16xf32>
      %add3A_382 = arith.addf %get3A_377, %get3A_381 : vector<16xf32>
      %max3A_383 = arith.constant 0.000000e+00 : f32
      %max3A_384 = vector.broadcast %max3A_383 : f32 to vector<16xf32>
      %max3A_385 = arith.maximumf %add3A_382, %max3A_384 : vector<16xf32>
      %swap3A_386 = arith.index_cast %scan3A_325 : i32 to index
      %swap3A_387 = arith.constant 48 : index
      %swap3A_388 = tpu.vector_load %arg16[%swap3A_386, %swap3A_387] {strides = array<i32>} : memref<40x128xf32, #tpu.memory_space<vmem>>, vector<1x16xf32>,
      %swap3A_389 = vector.shape_cast %swap3A_388 : vector<1x16xf32> to vector<16xf32>
      %swap3A_390 = vector.shape_cast %max3A_385 : vector<16xf32> to vector<1x16xf32>
      tpu.vector_store %arg16[%swap3A_386, %swap3A_387], %swap3A_390 {strides = array<i32>} : memref<40x128xf32, #tpu.memory_space<vmem>>, vector<1x16xf32>,
      %get3A_391 = arith.index_cast %scan3A_325 : i32 to index
      %get3A_392 = arith.constant 64 : index
      %get3A_393 = tpu.vector_load %arg16[%get3A_391, %get3A_392] {strides = array<i32>} : memref<40x128xf32, #tpu.memory_space<vmem>>, vector<1x16xf32>,
      %get3A_394 = vector.shape_cast %get3A_393 : vector<1x16xf32> to vector<16xf32>
      %get3A_395 = arith.index_cast %scan3A_325 : i32 to index
      %get3A_396 = arith.constant 64 : index
      %get3A_397 = tpu.vector_load %arg20[%get3A_395, %get3A_396] {strides = array<i32>} : memref<40x128xf32, #tpu.memory_space<vmem>>, vector<1x16xf32>,
      %get3A_398 = vector.shape_cast %get3A_397 : vector<1x16xf32> to vector<16xf32>
      %add3A_399 = arith.addf %get3A_394, %get3A_398 : vector<16xf32>
      %max3A_400 = arith.constant 0.000000e+00 : f32
      %max3A_401 = vector.broadcast %max3A_400 : f32 to vector<16xf32>
      %max3A_402 = arith.maximumf %add3A_399, %max3A_401 : vector<16xf32>
      %swap3A_403 = arith.index_cast %scan3A_325 : i32 to index
      %swap3A_404 = arith.constant 64 : index
      %swap3A_405 = tpu.vector_load %arg16[%swap3A_403, %swap3A_404] {strides = array<i32>} : memref<40x128xf32, #tpu.memory_space<vmem>>, vector<1x16xf32>,
      %swap3A_406 = vector.shape_cast %swap3A_405 : vector<1x16xf32> to vector<16xf32>
      %swap3A_407 = vector.shape_cast %max3A_402 : vector<16xf32> to vector<1x16xf32>
      tpu.vector_store %arg16[%swap3A_403, %swap3A_404], %swap3A_407 {strides = array<i32>} : memref<40x128xf32, #tpu.memory_space<vmem>>, vector<1x16xf32>,
      %get3A_408 = arith.index_cast %scan3A_325 : i32 to index
      %get3A_409 = arith.constant 80 : index
      %get3A_410 = tpu.vector_load %arg16[%get3A_408, %get3A_409] {strides = array<i32>} : memref<40x128xf32, #tpu.memory_space<vmem>>, vector<1x16xf32>,
      %get3A_411 = vector.shape_cast %get3A_410 : vector<1x16xf32> to vector<16xf32>
      %get3A_412 = arith.index_cast %scan3A_325 : i32 to index
      %get3A_413 = arith.constant 80 : index
      %get3A_414 = tpu.vector_load %arg20[%get3A_412, %get3A_413] {strides = array<i32>} : memref<40x128xf32, #tpu.memory_space<vmem>>, vector<1x16xf32>,
      %get3A_415 = vector.shape_cast %get3A_414 : vector<1x16xf32> to vector<16xf32>
      %add3A_416 = arith.addf %get3A_411, %get3A_415 : vector<16xf32>
      %max3A_417 = arith.constant 0.000000e+00 : f32
      %max3A_418 = vector.broadcast %max3A_417 : f32 to vector<16xf32>
      %max3A_419 = arith.maximumf %add3A_416, %max3A_418 : vector<16xf32>
      %swap3A_420 = arith.index_cast %scan3A_325 : i32 to index
      %swap3A_421 = arith.constant 80 : index
      %swap3A_422 = tpu.vector_load %arg16[%swap3A_420, %swap3A_421] {strides = array<i32>} : memref<40x128xf32, #tpu.memory_space<vmem>>, vector<1x16xf32>,
      %swap3A_423 = vector.shape_cast %swap3A_422 : vector<1x16xf32> to vector<16xf32>
      %swap3A_424 = vector.shape_cast %max3A_419 : vector<16xf32> to vector<1x16xf32>
      tpu.vector_store %arg16[%swap3A_420, %swap3A_421], %swap3A_424 {strides = array<i32>} : memref<40x128xf32, #tpu.memory_space<vmem>>, vector<1x16xf32>,
      %get3A_425 = arith.index_cast %scan3A_325 : i32 to index
      %get3A_426 = arith.constant 96 : index
      %get3A_427 = tpu.vector_load %arg16[%get3A_425, %get3A_426] {strides = array<i32>} : memref<40x128xf32, #tpu.memory_space<vmem>>, vector<1x16xf32>,
      %get3A_428 = vector.shape_cast %get3A_427 : vector<1x16xf32> to vector<16xf32>
      %get3A_429 = arith.index_cast %scan3A_325 : i32 to index
      %get3A_430 = arith.constant 96 : index
      %get3A_431 = tpu.vector_load %arg20[%get3A_429, %get3A_430] {strides = array<i32>} : memref<40x128xf32, #tpu.memory_space<vmem>>, vector<1x16xf32>,
      %get3A_432 = vector.shape_cast %get3A_431 : vector<1x16xf32> to vector<16xf32>
      %add3A_433 = arith.addf %get3A_428, %get3A_432 : vector<16xf32>
      %max3A_434 = arith.constant 0.000000e+00 : f32
      %max3A_435 = vector.broadcast %max3A_434 : f32 to vector<16xf32>
      %max3A_436 = arith.maximumf %add3A_433, %max3A_435 : vector<16xf32>
      %swap3A_437 = arith.index_cast %scan3A_325 : i32 to index
      %swap3A_438 = arith.constant 96 : index
      %swap3A_439 = tpu.vector_load %arg16[%swap3A_437, %swap3A_438] {strides = array<i32>} : memref<40x128xf32, #tpu.memory_space<vmem>>, vector<1x16xf32>,
      %swap3A_440 = vector.shape_cast %swap3A_439 : vector<1x16xf32> to vector<16xf32>
      %swap3A_441 = vector.shape_cast %max3A_436 : vector<16xf32> to vector<1x16xf32>
      tpu.vector_store %arg16[%swap3A_437, %swap3A_438], %swap3A_441 {strides = array<i32>} : memref<40x128xf32, #tpu.memory_space<vmem>>, vector<1x16xf32>,
      %get3A_442 = arith.index_cast %scan3A_325 : i32 to index
      %get3A_443 = arith.constant 112 : index
      %get3A_444 = tpu.vector_load %arg16[%get3A_442, %get3A_443] {strides = array<i32>} : memref<40x128xf32, #tpu.memory_space<vmem>>, vector<1x16xf32>,
      %get3A_445 = vector.shape_cast %get3A_444 : vector<1x16xf32> to vector<16xf32>
      %get3A_446 = arith.index_cast %scan3A_325 : i32 to index
      %get3A_447 = arith.constant 112 : index
      %get3A_448 = tpu.vector_load %arg20[%get3A_446, %get3A_447] {strides = array<i32>} : memref<40x128xf32, #tpu.memory_space<vmem>>, vector<1x16xf32>,
      %get3A_449 = vector.shape_cast %get3A_448 : vector<1x16xf32> to vector<16xf32>
      %add3A_450 = arith.addf %get3A_445, %get3A_449 : vector<16xf32>
      %max3A_451 = arith.constant 0.000000e+00 : f32
      %max3A_452 = vector.broadcast %max3A_451 : f32 to vector<16xf32>
      %max3A_453 = arith.maximumf %add3A_450, %max3A_452 : vector<16xf32>
      %swap3A_454 = arith.index_cast %scan3A_325 : i32 to index
      %swap3A_455 = arith.constant 112 : index
      %swap3A_456 = tpu.vector_load %arg16[%swap3A_454, %swap3A_455] {strides = array<i32>} : memref<40x128xf32, #tpu.memory_space<vmem>>, vector<1x16xf32>,
      %swap3A_457 = vector.shape_cast %swap3A_456 : vector<1x16xf32> to vector<16xf32>
      %swap3A_458 = vector.shape_cast %max3A_453 : vector<16xf32> to vector<1x16xf32>
      tpu.vector_store %arg16[%swap3A_454, %swap3A_455], %swap3A_458 {strides = array<i32>} : memref<40x128xf32, #tpu.memory_space<vmem>>, vector<1x16xf32>,
    }
    %scan3A_162 = arith.constant 40 : i32
    %dma_wait3A_163 = tpu.memref_slice %arg5[%add3A_150] : memref<320000xi32, #tpu.memory_space<hbm>> -> memref<40xi32, #tpu.memory_space<hbm>>
    %dma_wait3A_164 = tpu.memref_slice %arg5[%add3A_150] : memref<320000xi32, #tpu.memory_space<hbm>> -> memref<40xi32, #tpu.memory_space<hbm>>
    tpu.wait_dma2 semaphore(%arg30 : memref<!tpu.dma_semaphore, #tpu.memory_space<semaphore_mem>>) src(%dma_wait3A_164 : memref<40xi32, #tpu.memory_space<hbm>>) dst(%arg12 : memref<40xi32, #tpu.memory_space<vmem>>)
    "tpu.region"() ({
      %run_scoped3A = tpu.sem_alloc : memref<!tpu.dma_semaphore, #tpu.memory_space<semaphore_mem>>
      %dma_start3A_325 = arith.constant 0 : i32
      %dma_start3A_326 = arith.constant 0 : i32
      %dma_start3A_327 = tpu.memref_slice %arg24[%dma_start3A_325, %dma_start3A_326] : memref<10240x128xf32, #tpu.memory_space<vmem_shared>> -> memref<10240x128xf32, #tpu.memory_space<vmem_shared>>
      tpu.enqueue_indirect_dma source(%arg16 : memref<40x128xf32, #tpu.memory_space<vmem>>) target(%dma_start3A_327 : memref<10240x128xf32, #tpu.memory_space<vmem_shared>>) offsets(%arg12 : memref<40xi32, #tpu.memory_space<vmem>>) semaphore(%run_scoped3A : memref<!tpu.dma_semaphore, #tpu.memory_space<semaphore_mem>>) {add = true}
      %dma_wait3A_328 = arith.constant 0 : i32
      %dma_wait3A_329 = arith.constant 0 : i32
      %dma_wait3A_330 = tpu.memref_slice %arg24[%dma_wait3A_328, %dma_wait3A_329] : memref<10240x128xf32, #tpu.memory_space<vmem_shared>> -> memref<10240x128xf32, #tpu.memory_space<vmem_shared>>
      tpu.wait_indirect_dma semaphore(%run_scoped3A : memref<!tpu.dma_semaphore, #tpu.memory_space<semaphore_mem>>) src(%arg16 : memref<40x128xf32, #tpu.memory_space<vmem>>) dst(%dma_wait3A_330 : memref<10240x128xf32, #tpu.memory_space<vmem_shared>>)
      tpu.yield
    }) : () -> ()
    %mul3A_165 = arith.constant 10000 : i32
    %mul3A_166 = arith.muli %add3A, %mul3A_165 : i32
    %add3A_167 = arith.constant 9960 : i32
    %add3A_168 = arith.addi %mul3A_166, %add3A_167 : i32
    %dma_start3A_169 = tpu.memref_slice %arg4[%add3A_168] : memref<320000xi32, #tpu.memory_space<hbm>> -> memref<40xi32, #tpu.memory_space<hbm>>
    %dma_start3A_170 = tpu.memref_slice %arg4[%add3A_168] : memref<320000xi32, #tpu.memory_space<hbm>> -> memref<40xi32, #tpu.memory_space<hbm>>
    tpu.enqueue_dma source(%dma_start3A_170 : memref<40xi32, #tpu.memory_space<hbm>>) target(%arg8 : memref<40xi32, #tpu.memory_space<vmem>>) target_semaphore(%arg26 : memref<!tpu.dma_semaphore, #tpu.memory_space<semaphore_mem>>)
    %dma_start3A_171 = tpu.memref_slice %arg5[%add3A_168] : memref<320000xi32, #tpu.memory_space<hbm>> -> memref<40xi32, #tpu.memory_space<hbm>>
    %dma_start3A_172 = tpu.memref_slice %arg5[%add3A_168] : memref<320000xi32, #tpu.memory_space<hbm>> -> memref<40xi32, #tpu.memory_space<hbm>>
    tpu.enqueue_dma source(%dma_start3A_172 : memref<40xi32, #tpu.memory_space<hbm>>) target(%arg12 : memref<40xi32, #tpu.memory_space<vmem>>) target_semaphore(%arg30 : memref<!tpu.dma_semaphore, #tpu.memory_space<semaphore_mem>>)
    %mul3A_173 = arith.constant 10000 : i32
    %mul3A_174 = arith.muli %add3A, %mul3A_173 : i32
    %add3A_175 = arith.constant 9880 : i32
    %add3A_176 = arith.addi %mul3A_174, %add3A_175 : i32
    %dma_wait3A_177 = tpu.memref_slice %arg4[%add3A_176] : memref<320000xi32, #tpu.memory_space<hbm>> -> memref<40xi32, #tpu.memory_space<hbm>>
    %dma_wait3A_178 = tpu.memref_slice %arg4[%add3A_176] : memref<320000xi32, #tpu.memory_space<hbm>> -> memref<40xi32, #tpu.memory_space<hbm>>
    tpu.wait_dma2 semaphore(%arg28 : memref<!tpu.dma_semaphore, #tpu.memory_space<semaphore_mem>>) src(%dma_wait3A_178 : memref<40xi32, #tpu.memory_space<hbm>>) dst(%arg10 : memref<40xi32, #tpu.memory_space<vmem>>)
    %dma_start3A_179 = arith.constant 0 : i32
    %dma_start3A_180 = arith.constant 0 : i32
    %dma_start3A_181 = tpu.memref_slice %arg2[%dma_start3A_179, %dma_start3A_180] : memref<10240x128xf32, #tpu.memory_space<hbm>> -> memref<10240x128xf32, #tpu.memory_space<hbm>>
    tpu.enqueue_indirect_dma source(%dma_start3A_181 : memref<10240x128xf32, #tpu.memory_space<hbm>>) target(%arg18 : memref<40x128xf32, #tpu.memory_space<vmem>>) offsets(%arg10 : memref<40xi32, #tpu.memory_space<vmem>>) semaphore(%arg36 : memref<!tpu.dma_semaphore, #tpu.memory_space<semaphore_mem>>)
    %dma_start3A_182 = arith.constant 0 : i32
    %dma_start3A_183 = tpu.memref_slice %arg3[%add3A_176, %dma_start3A_182] : memref<320000x128xf32, #tpu.memory_space<hbm>> -> memref<40x128xf32, #tpu.memory_space<hbm>>
    %dma_start3A_184 = arith.constant 0 : i32
    %dma_start3A_185 = tpu.memref_slice %arg3[%add3A_176, %dma_start3A_184] : memref<320000x128xf32, #tpu.memory_space<hbm>> -> memref<40x128xf32, #tpu.memory_space<hbm>>
    tpu.enqueue_dma source(%dma_start3A_185 : memref<40x128xf32, #tpu.memory_space<hbm>>) target(%arg22 : memref<40x128xf32, #tpu.memory_space<vmem>>) target_semaphore(%arg40 : memref<!tpu.dma_semaphore, #tpu.memory_space<semaphore_mem>>)
    %mul3A_186 = arith.constant 10000 : i32
    %mul3A_187 = arith.muli %add3A, %mul3A_186 : i32
    %add3A_188 = arith.constant 9840 : i32
    %add3A_189 = arith.addi %mul3A_187, %add3A_188 : i32
    %dma_wait3A_190 = arith.constant 0 : i32
    %dma_wait3A_191 = arith.constant 0 : i32
    %dma_wait3A_192 = tpu.memref_slice %arg2[%dma_wait3A_190, %dma_wait3A_191] : memref<10240x128xf32, #tpu.memory_space<hbm>> -> memref<10240x128xf32, #tpu.memory_space<hbm>>
    tpu.wait_indirect_dma semaphore(%arg35 : memref<!tpu.dma_semaphore, #tpu.memory_space<semaphore_mem>>) src(%dma_wait3A_192 : memref<10240x128xf32, #tpu.memory_space<hbm>>) dst(%arg17 : memref<40x128xf32, #tpu.memory_space<vmem>>)
    %dma_wait3A_193 = arith.constant 0 : i32
    %dma_wait3A_194 = tpu.memref_slice %arg3[%add3A_189, %dma_wait3A_193] : memref<320000x128xf32, #tpu.memory_space<hbm>> -> memref<40x128xf32, #tpu.memory_space<hbm>>
    %dma_wait3A_195 = arith.constant 0 : i32
    %dma_wait3A_196 = tpu.memref_slice %arg3[%add3A_189, %dma_wait3A_195] : memref<320000x128xf32, #tpu.memory_space<hbm>> -> memref<40x128xf32, #tpu.memory_space<hbm>>
    tpu.wait_dma2 semaphore(%arg39 : memref<!tpu.dma_semaphore, #tpu.memory_space<semaphore_mem>>) src(%dma_wait3A_196 : memref<40x128xf32, #tpu.memory_space<hbm>>) dst(%arg21 : memref<40x128xf32, #tpu.memory_space<vmem>>)
    %scan3A_197 = arith.constant 0 : i32
    %scan3A_198 = arith.constant 40 : i32
    %scan3A_199 = arith.addi %scan3A_197, %scan3A_198 : i32
    %scan3A_200 = arith.constant 1 : i32
    scf.for %scan3A_325 = %scan3A_197 to %scan3A_199 step %scan3A_200  : i32 {
      %get3A = arith.index_cast %scan3A_325 : i32 to index
      %get3A_326 = arith.constant 0 : index
      %get3A_327 = tpu.vector_load %arg17[%get3A, %get3A_326] {strides = array<i32>} : memref<40x128xf32, #tpu.memory_space<vmem>>, vector<1x16xf32>,
      %get3A_328 = vector.shape_cast %get3A_327 : vector<1x16xf32> to vector<16xf32>
      %get3A_329 = arith.index_cast %scan3A_325 : i32 to index
      %get3A_330 = arith.constant 0 : index
      %get3A_331 = tpu.vector_load %arg21[%get3A_329, %get3A_330] {strides = array<i32>} : memref<40x128xf32, #tpu.memory_space<vmem>>, vector<1x16xf32>,
      %get3A_332 = vector.shape_cast %get3A_331 : vector<1x16xf32> to vector<16xf32>
      %add3A_333 = arith.addf %get3A_328, %get3A_332 : vector<16xf32>
      %max3A = arith.constant 0.000000e+00 : f32
      %max3A_334 = vector.broadcast %max3A : f32 to vector<16xf32>
      %max3A_335 = arith.maximumf %add3A_333, %max3A_334 : vector<16xf32>
      %swap3A = arith.index_cast %scan3A_325 : i32 to index
      %swap3A_336 = arith.constant 0 : index
      %swap3A_337 = tpu.vector_load %arg17[%swap3A, %swap3A_336] {strides = array<i32>} : memref<40x128xf32, #tpu.memory_space<vmem>>, vector<1x16xf32>,
      %swap3A_338 = vector.shape_cast %swap3A_337 : vector<1x16xf32> to vector<16xf32>
      %swap3A_339 = vector.shape_cast %max3A_335 : vector<16xf32> to vector<1x16xf32>
      tpu.vector_store %arg17[%swap3A, %swap3A_336], %swap3A_339 {strides = array<i32>} : memref<40x128xf32, #tpu.memory_space<vmem>>, vector<1x16xf32>,
      %get3A_340 = arith.index_cast %scan3A_325 : i32 to index
      %get3A_341 = arith.constant 16 : index
      %get3A_342 = tpu.vector_load %arg17[%get3A_340, %get3A_341] {strides = array<i32>} : memref<40x128xf32, #tpu.memory_space<vmem>>, vector<1x16xf32>,
      %get3A_343 = vector.shape_cast %get3A_342 : vector<1x16xf32> to vector<16xf32>
      %get3A_344 = arith.index_cast %scan3A_325 : i32 to index
      %get3A_345 = arith.constant 16 : index
      %get3A_346 = tpu.vector_load %arg21[%get3A_344, %get3A_345] {strides = array<i32>} : memref<40x128xf32, #tpu.memory_space<vmem>>, vector<1x16xf32>,
      %get3A_347 = vector.shape_cast %get3A_346 : vector<1x16xf32> to vector<16xf32>
      %add3A_348 = arith.addf %get3A_343, %get3A_347 : vector<16xf32>
      %max3A_349 = arith.constant 0.000000e+00 : f32
      %max3A_350 = vector.broadcast %max3A_349 : f32 to vector<16xf32>
      %max3A_351 = arith.maximumf %add3A_348, %max3A_350 : vector<16xf32>
      %swap3A_352 = arith.index_cast %scan3A_325 : i32 to index
      %swap3A_353 = arith.constant 16 : index
      %swap3A_354 = tpu.vector_load %arg17[%swap3A_352, %swap3A_353] {strides = array<i32>} : memref<40x128xf32, #tpu.memory_space<vmem>>, vector<1x16xf32>,
      %swap3A_355 = vector.shape_cast %swap3A_354 : vector<1x16xf32> to vector<16xf32>
      %swap3A_356 = vector.shape_cast %max3A_351 : vector<16xf32> to vector<1x16xf32>
      tpu.vector_store %arg17[%swap3A_352, %swap3A_353], %swap3A_356 {strides = array<i32>} : memref<40x128xf32, #tpu.memory_space<vmem>>, vector<1x16xf32>,
      %get3A_357 = arith.index_cast %scan3A_325 : i32 to index
      %get3A_358 = arith.constant 32 : index
      %get3A_359 = tpu.vector_load %arg17[%get3A_357, %get3A_358] {strides = array<i32>} : memref<40x128xf32, #tpu.memory_space<vmem>>, vector<1x16xf32>,
      %get3A_360 = vector.shape_cast %get3A_359 : vector<1x16xf32> to vector<16xf32>
      %get3A_361 = arith.index_cast %scan3A_325 : i32 to index
      %get3A_362 = arith.constant 32 : index
      %get3A_363 = tpu.vector_load %arg21[%get3A_361, %get3A_362] {strides = array<i32>} : memref<40x128xf32, #tpu.memory_space<vmem>>, vector<1x16xf32>,
      %get3A_364 = vector.shape_cast %get3A_363 : vector<1x16xf32> to vector<16xf32>
      %add3A_365 = arith.addf %get3A_360, %get3A_364 : vector<16xf32>
      %max3A_366 = arith.constant 0.000000e+00 : f32
      %max3A_367 = vector.broadcast %max3A_366 : f32 to vector<16xf32>
      %max3A_368 = arith.maximumf %add3A_365, %max3A_367 : vector<16xf32>
      %swap3A_369 = arith.index_cast %scan3A_325 : i32 to index
      %swap3A_370 = arith.constant 32 : index
      %swap3A_371 = tpu.vector_load %arg17[%swap3A_369, %swap3A_370] {strides = array<i32>} : memref<40x128xf32, #tpu.memory_space<vmem>>, vector<1x16xf32>,
      %swap3A_372 = vector.shape_cast %swap3A_371 : vector<1x16xf32> to vector<16xf32>
      %swap3A_373 = vector.shape_cast %max3A_368 : vector<16xf32> to vector<1x16xf32>
      tpu.vector_store %arg17[%swap3A_369, %swap3A_370], %swap3A_373 {strides = array<i32>} : memref<40x128xf32, #tpu.memory_space<vmem>>, vector<1x16xf32>,
      %get3A_374 = arith.index_cast %scan3A_325 : i32 to index
      %get3A_375 = arith.constant 48 : index
      %get3A_376 = tpu.vector_load %arg17[%get3A_374, %get3A_375] {strides = array<i32>} : memref<40x128xf32, #tpu.memory_space<vmem>>, vector<1x16xf32>,
      %get3A_377 = vector.shape_cast %get3A_376 : vector<1x16xf32> to vector<16xf32>
      %get3A_378 = arith.index_cast %scan3A_325 : i32 to index
      %get3A_379 = arith.constant 48 : index
      %get3A_380 = tpu.vector_load %arg21[%get3A_378, %get3A_379] {strides = array<i32>} : memref<40x128xf32, #tpu.memory_space<vmem>>, vector<1x16xf32>,
      %get3A_381 = vector.shape_cast %get3A_380 : vector<1x16xf32> to vector<16xf32>
      %add3A_382 = arith.addf %get3A_377, %get3A_381 : vector<16xf32>
      %max3A_383 = arith.constant 0.000000e+00 : f32
      %max3A_384 = vector.broadcast %max3A_383 : f32 to vector<16xf32>
      %max3A_385 = arith.maximumf %add3A_382, %max3A_384 : vector<16xf32>
      %swap3A_386 = arith.index_cast %scan3A_325 : i32 to index
      %swap3A_387 = arith.constant 48 : index
      %swap3A_388 = tpu.vector_load %arg17[%swap3A_386, %swap3A_387] {strides = array<i32>} : memref<40x128xf32, #tpu.memory_space<vmem>>, vector<1x16xf32>,
      %swap3A_389 = vector.shape_cast %swap3A_388 : vector<1x16xf32> to vector<16xf32>
      %swap3A_390 = vector.shape_cast %max3A_385 : vector<16xf32> to vector<1x16xf32>
      tpu.vector_store %arg17[%swap3A_386, %swap3A_387], %swap3A_390 {strides = array<i32>} : memref<40x128xf32, #tpu.memory_space<vmem>>, vector<1x16xf32>,
      %get3A_391 = arith.index_cast %scan3A_325 : i32 to index
      %get3A_392 = arith.constant 64 : index
      %get3A_393 = tpu.vector_load %arg17[%get3A_391, %get3A_392] {strides = array<i32>} : memref<40x128xf32, #tpu.memory_space<vmem>>, vector<1x16xf32>,
      %get3A_394 = vector.shape_cast %get3A_393 : vector<1x16xf32> to vector<16xf32>
      %get3A_395 = arith.index_cast %scan3A_325 : i32 to index
      %get3A_396 = arith.constant 64 : index
      %get3A_397 = tpu.vector_load %arg21[%get3A_395, %get3A_396] {strides = array<i32>} : memref<40x128xf32, #tpu.memory_space<vmem>>, vector<1x16xf32>,
      %get3A_398 = vector.shape_cast %get3A_397 : vector<1x16xf32> to vector<16xf32>
      %add3A_399 = arith.addf %get3A_394, %get3A_398 : vector<16xf32>
      %max3A_400 = arith.constant 0.000000e+00 : f32
      %max3A_401 = vector.broadcast %max3A_400 : f32 to vector<16xf32>
      %max3A_402 = arith.maximumf %add3A_399, %max3A_401 : vector<16xf32>
      %swap3A_403 = arith.index_cast %scan3A_325 : i32 to index
      %swap3A_404 = arith.constant 64 : index
      %swap3A_405 = tpu.vector_load %arg17[%swap3A_403, %swap3A_404] {strides = array<i32>} : memref<40x128xf32, #tpu.memory_space<vmem>>, vector<1x16xf32>,
      %swap3A_406 = vector.shape_cast %swap3A_405 : vector<1x16xf32> to vector<16xf32>
      %swap3A_407 = vector.shape_cast %max3A_402 : vector<16xf32> to vector<1x16xf32>
      tpu.vector_store %arg17[%swap3A_403, %swap3A_404], %swap3A_407 {strides = array<i32>} : memref<40x128xf32, #tpu.memory_space<vmem>>, vector<1x16xf32>,
      %get3A_408 = arith.index_cast %scan3A_325 : i32 to index
      %get3A_409 = arith.constant 80 : index
      %get3A_410 = tpu.vector_load %arg17[%get3A_408, %get3A_409] {strides = array<i32>} : memref<40x128xf32, #tpu.memory_space<vmem>>, vector<1x16xf32>,
      %get3A_411 = vector.shape_cast %get3A_410 : vector<1x16xf32> to vector<16xf32>
      %get3A_412 = arith.index_cast %scan3A_325 : i32 to index
      %get3A_413 = arith.constant 80 : index
      %get3A_414 = tpu.vector_load %arg21[%get3A_412, %get3A_413] {strides = array<i32>} : memref<40x128xf32, #tpu.memory_space<vmem>>, vector<1x16xf32>,
      %get3A_415 = vector.shape_cast %get3A_414 : vector<1x16xf32> to vector<16xf32>
      %add3A_416 = arith.addf %get3A_411, %get3A_415 : vector<16xf32>
      %max3A_417 = arith.constant 0.000000e+00 : f32
      %max3A_418 = vector.broadcast %max3A_417 : f32 to vector<16xf32>
      %max3A_419 = arith.maximumf %add3A_416, %max3A_418 : vector<16xf32>
      %swap3A_420 = arith.index_cast %scan3A_325 : i32 to index
      %swap3A_421 = arith.constant 80 : index
      %swap3A_422 = tpu.vector_load %arg17[%swap3A_420, %swap3A_421] {strides = array<i32>} : memref<40x128xf32, #tpu.memory_space<vmem>>, vector<1x16xf32>,
      %swap3A_423 = vector.shape_cast %swap3A_422 : vector<1x16xf32> to vector<16xf32>
      %swap3A_424 = vector.shape_cast %max3A_419 : vector<16xf32> to vector<1x16xf32>
      tpu.vector_store %arg17[%swap3A_420, %swap3A_421], %swap3A_424 {strides = array<i32>} : memref<40x128xf32, #tpu.memory_space<vmem>>, vector<1x16xf32>,
      %get3A_425 = arith.index_cast %scan3A_325 : i32 to index
      %get3A_426 = arith.constant 96 : index
      %get3A_427 = tpu.vector_load %arg17[%get3A_425, %get3A_426] {strides = array<i32>} : memref<40x128xf32, #tpu.memory_space<vmem>>, vector<1x16xf32>,
      %get3A_428 = vector.shape_cast %get3A_427 : vector<1x16xf32> to vector<16xf32>
      %get3A_429 = arith.index_cast %scan3A_325 : i32 to index
      %get3A_430 = arith.constant 96 : index
      %get3A_431 = tpu.vector_load %arg21[%get3A_429, %get3A_430] {strides = array<i32>} : memref<40x128xf32, #tpu.memory_space<vmem>>, vector<1x16xf32>,
      %get3A_432 = vector.shape_cast %get3A_431 : vector<1x16xf32> to vector<16xf32>
      %add3A_433 = arith.addf %get3A_428, %get3A_432 : vector<16xf32>
      %max3A_434 = arith.constant 0.000000e+00 : f32
      %max3A_435 = vector.broadcast %max3A_434 : f32 to vector<16xf32>
      %max3A_436 = arith.maximumf %add3A_433, %max3A_435 : vector<16xf32>
      %swap3A_437 = arith.index_cast %scan3A_325 : i32 to index
      %swap3A_438 = arith.constant 96 : index
      %swap3A_439 = tpu.vector_load %arg17[%swap3A_437, %swap3A_438] {strides = array<i32>} : memref<40x128xf32, #tpu.memory_space<vmem>>, vector<1x16xf32>,
      %swap3A_440 = vector.shape_cast %swap3A_439 : vector<1x16xf32> to vector<16xf32>
      %swap3A_441 = vector.shape_cast %max3A_436 : vector<16xf32> to vector<1x16xf32>
      tpu.vector_store %arg17[%swap3A_437, %swap3A_438], %swap3A_441 {strides = array<i32>} : memref<40x128xf32, #tpu.memory_space<vmem>>, vector<1x16xf32>,
      %get3A_442 = arith.index_cast %scan3A_325 : i32 to index
      %get3A_443 = arith.constant 112 : index
      %get3A_444 = tpu.vector_load %arg17[%get3A_442, %get3A_443] {strides = array<i32>} : memref<40x128xf32, #tpu.memory_space<vmem>>, vector<1x16xf32>,
      %get3A_445 = vector.shape_cast %get3A_444 : vector<1x16xf32> to vector<16xf32>
      %get3A_446 = arith.index_cast %scan3A_325 : i32 to index
      %get3A_447 = arith.constant 112 : index
      %get3A_448 = tpu.vector_load %arg21[%get3A_446, %get3A_447] {strides = array<i32>} : memref<40x128xf32, #tpu.memory_space<vmem>>, vector<1x16xf32>,
      %get3A_449 = vector.shape_cast %get3A_448 : vector<1x16xf32> to vector<16xf32>
      %add3A_450 = arith.addf %get3A_445, %get3A_449 : vector<16xf32>
      %max3A_451 = arith.constant 0.000000e+00 : f32
      %max3A_452 = vector.broadcast %max3A_451 : f32 to vector<16xf32>
      %max3A_453 = arith.maximumf %add3A_450, %max3A_452 : vector<16xf32>
      %swap3A_454 = arith.index_cast %scan3A_325 : i32 to index
      %swap3A_455 = arith.constant 112 : index
      %swap3A_456 = tpu.vector_load %arg17[%swap3A_454, %swap3A_455] {strides = array<i32>} : memref<40x128xf32, #tpu.memory_space<vmem>>, vector<1x16xf32>,
      %swap3A_457 = vector.shape_cast %swap3A_456 : vector<1x16xf32> to vector<16xf32>
      %swap3A_458 = vector.shape_cast %max3A_453 : vector<16xf32> to vector<1x16xf32>
      tpu.vector_store %arg17[%swap3A_454, %swap3A_455], %swap3A_458 {strides = array<i32>} : memref<40x128xf32, #tpu.memory_space<vmem>>, vector<1x16xf32>,
    }
    %scan3A_201 = arith.constant 40 : i32
    %dma_wait3A_202 = tpu.memref_slice %arg5[%add3A_189] : memref<320000xi32, #tpu.memory_space<hbm>> -> memref<40xi32, #tpu.memory_space<hbm>>
    %dma_wait3A_203 = tpu.memref_slice %arg5[%add3A_189] : memref<320000xi32, #tpu.memory_space<hbm>> -> memref<40xi32, #tpu.memory_space<hbm>>
    tpu.wait_dma2 semaphore(%arg31 : memref<!tpu.dma_semaphore, #tpu.memory_space<semaphore_mem>>) src(%dma_wait3A_203 : memref<40xi32, #tpu.memory_space<hbm>>) dst(%arg13 : memref<40xi32, #tpu.memory_space<vmem>>)
    "tpu.region"() ({
      %run_scoped3A = tpu.sem_alloc : memref<!tpu.dma_semaphore, #tpu.memory_space<semaphore_mem>>
      %dma_start3A_325 = arith.constant 0 : i32
      %dma_start3A_326 = arith.constant 0 : i32
      %dma_start3A_327 = tpu.memref_slice %arg24[%dma_start3A_325, %dma_start3A_326] : memref<10240x128xf32, #tpu.memory_space<vmem_shared>> -> memref<10240x128xf32, #tpu.memory_space<vmem_shared>>
      tpu.enqueue_indirect_dma source(%arg17 : memref<40x128xf32, #tpu.memory_space<vmem>>) target(%dma_start3A_327 : memref<10240x128xf32, #tpu.memory_space<vmem_shared>>) offsets(%arg13 : memref<40xi32, #tpu.memory_space<vmem>>) semaphore(%run_scoped3A : memref<!tpu.dma_semaphore, #tpu.memory_space<semaphore_mem>>) {add = true}
      %dma_wait3A_328 = arith.constant 0 : i32
      %dma_wait3A_329 = arith.constant 0 : i32
      %dma_wait3A_330 = tpu.memref_slice %arg24[%dma_wait3A_328, %dma_wait3A_329] : memref<10240x128xf32, #tpu.memory_space<vmem_shared>> -> memref<10240x128xf32, #tpu.memory_space<vmem_shared>>
      tpu.wait_indirect_dma semaphore(%run_scoped3A : memref<!tpu.dma_semaphore, #tpu.memory_space<semaphore_mem>>) src(%arg17 : memref<40x128xf32, #tpu.memory_space<vmem>>) dst(%dma_wait3A_330 : memref<10240x128xf32, #tpu.memory_space<vmem_shared>>)
      tpu.yield
    }) : () -> ()
    %mul3A_204 = arith.constant 10000 : i32
    %mul3A_205 = arith.muli %add3A, %mul3A_204 : i32
    %add3A_206 = arith.constant 9920 : i32
    %add3A_207 = arith.addi %mul3A_205, %add3A_206 : i32
    %dma_wait3A_208 = tpu.memref_slice %arg4[%add3A_207] : memref<320000xi32, #tpu.memory_space<hbm>> -> memref<40xi32, #tpu.memory_space<hbm>>
    %dma_wait3A_209 = tpu.memref_slice %arg4[%add3A_207] : memref<320000xi32, #tpu.memory_space<hbm>> -> memref<40xi32, #tpu.memory_space<hbm>>
    tpu.wait_dma2 semaphore(%arg25 : memref<!tpu.dma_semaphore, #tpu.memory_space<semaphore_mem>>) src(%dma_wait3A_209 : memref<40xi32, #tpu.memory_space<hbm>>) dst(%arg7 : memref<40xi32, #tpu.memory_space<vmem>>)
    %dma_start3A_210 = arith.constant 0 : i32
    %dma_start3A_211 = arith.constant 0 : i32
    %dma_start3A_212 = tpu.memref_slice %arg2[%dma_start3A_210, %dma_start3A_211] : memref<10240x128xf32, #tpu.memory_space<hbm>> -> memref<10240x128xf32, #tpu.memory_space<hbm>>
    tpu.enqueue_indirect_dma source(%dma_start3A_212 : memref<10240x128xf32, #tpu.memory_space<hbm>>) target(%arg15 : memref<40x128xf32, #tpu.memory_space<vmem>>) offsets(%arg7 : memref<40xi32, #tpu.memory_space<vmem>>) semaphore(%arg33 : memref<!tpu.dma_semaphore, #tpu.memory_space<semaphore_mem>>)
    %dma_start3A_213 = arith.constant 0 : i32
    %dma_start3A_214 = tpu.memref_slice %arg3[%add3A_207, %dma_start3A_213] : memref<320000x128xf32, #tpu.memory_space<hbm>> -> memref<40x128xf32, #tpu.memory_space<hbm>>
    %dma_start3A_215 = arith.constant 0 : i32
    %dma_start3A_216 = tpu.memref_slice %arg3[%add3A_207, %dma_start3A_215] : memref<320000x128xf32, #tpu.memory_space<hbm>> -> memref<40x128xf32, #tpu.memory_space<hbm>>
    tpu.enqueue_dma source(%dma_start3A_216 : memref<40x128xf32, #tpu.memory_space<hbm>>) target(%arg19 : memref<40x128xf32, #tpu.memory_space<vmem>>) target_semaphore(%arg37 : memref<!tpu.dma_semaphore, #tpu.memory_space<semaphore_mem>>)
    %mul3A_217 = arith.constant 10000 : i32
    %mul3A_218 = arith.muli %add3A, %mul3A_217 : i32
    %add3A_219 = arith.constant 9880 : i32
    %add3A_220 = arith.addi %mul3A_218, %add3A_219 : i32
    %dma_wait3A_221 = arith.constant 0 : i32
    %dma_wait3A_222 = arith.constant 0 : i32
    %dma_wait3A_223 = tpu.memref_slice %arg2[%dma_wait3A_221, %dma_wait3A_222] : memref<10240x128xf32, #tpu.memory_space<hbm>> -> memref<10240x128xf32, #tpu.memory_space<hbm>>
    tpu.wait_indirect_dma semaphore(%arg36 : memref<!tpu.dma_semaphore, #tpu.memory_space<semaphore_mem>>) src(%dma_wait3A_223 : memref<10240x128xf32, #tpu.memory_space<hbm>>) dst(%arg18 : memref<40x128xf32, #tpu.memory_space<vmem>>)
    %dma_wait3A_224 = arith.constant 0 : i32
    %dma_wait3A_225 = tpu.memref_slice %arg3[%add3A_220, %dma_wait3A_224] : memref<320000x128xf32, #tpu.memory_space<hbm>> -> memref<40x128xf32, #tpu.memory_space<hbm>>
    %dma_wait3A_226 = arith.constant 0 : i32
    %dma_wait3A_227 = tpu.memref_slice %arg3[%add3A_220, %dma_wait3A_226] : memref<320000x128xf32, #tpu.memory_space<hbm>> -> memref<40x128xf32, #tpu.memory_space<hbm>>
    tpu.wait_dma2 semaphore(%arg40 : memref<!tpu.dma_semaphore, #tpu.memory_space<semaphore_mem>>) src(%dma_wait3A_227 : memref<40x128xf32, #tpu.memory_space<hbm>>) dst(%arg22 : memref<40x128xf32, #tpu.memory_space<vmem>>)
    %scan3A_228 = arith.constant 0 : i32
    %scan3A_229 = arith.constant 40 : i32
    %scan3A_230 = arith.addi %scan3A_228, %scan3A_229 : i32
    %scan3A_231 = arith.constant 1 : i32
    scf.for %scan3A_325 = %scan3A_228 to %scan3A_230 step %scan3A_231  : i32 {
      %get3A = arith.index_cast %scan3A_325 : i32 to index
      %get3A_326 = arith.constant 0 : index
      %get3A_327 = tpu.vector_load %arg18[%get3A, %get3A_326] {strides = array<i32>} : memref<40x128xf32, #tpu.memory_space<vmem>>, vector<1x16xf32>,
      %get3A_328 = vector.shape_cast %get3A_327 : vector<1x16xf32> to vector<16xf32>
      %get3A_329 = arith.index_cast %scan3A_325 : i32 to index
      %get3A_330 = arith.constant 0 : index
      %get3A_331 = tpu.vector_load %arg22[%get3A_329, %get3A_330] {strides = array<i32>} : memref<40x128xf32, #tpu.memory_space<vmem>>, vector<1x16xf32>,
      %get3A_332 = vector.shape_cast %get3A_331 : vector<1x16xf32> to vector<16xf32>
      %add3A_333 = arith.addf %get3A_328, %get3A_332 : vector<16xf32>
      %max3A = arith.constant 0.000000e+00 : f32
      %max3A_334 = vector.broadcast %max3A : f32 to vector<16xf32>
      %max3A_335 = arith.maximumf %add3A_333, %max3A_334 : vector<16xf32>
      %swap3A = arith.index_cast %scan3A_325 : i32 to index
      %swap3A_336 = arith.constant 0 : index
      %swap3A_337 = tpu.vector_load %arg18[%swap3A, %swap3A_336] {strides = array<i32>} : memref<40x128xf32, #tpu.memory_space<vmem>>, vector<1x16xf32>,
      %swap3A_338 = vector.shape_cast %swap3A_337 : vector<1x16xf32> to vector<16xf32>
      %swap3A_339 = vector.shape_cast %max3A_335 : vector<16xf32> to vector<1x16xf32>
      tpu.vector_store %arg18[%swap3A, %swap3A_336], %swap3A_339 {strides = array<i32>} : memref<40x128xf32, #tpu.memory_space<vmem>>, vector<1x16xf32>,
      %get3A_340 = arith.index_cast %scan3A_325 : i32 to index
      %get3A_341 = arith.constant 16 : index
      %get3A_342 = tpu.vector_load %arg18[%get3A_340, %get3A_341] {strides = array<i32>} : memref<40x128xf32, #tpu.memory_space<vmem>>, vector<1x16xf32>,
      %get3A_343 = vector.shape_cast %get3A_342 : vector<1x16xf32> to vector<16xf32>
      %get3A_344 = arith.index_cast %scan3A_325 : i32 to index
      %get3A_345 = arith.constant 16 : index
      %get3A_346 = tpu.vector_load %arg22[%get3A_344, %get3A_345] {strides = array<i32>} : memref<40x128xf32, #tpu.memory_space<vmem>>, vector<1x16xf32>,
      %get3A_347 = vector.shape_cast %get3A_346 : vector<1x16xf32> to vector<16xf32>
      %add3A_348 = arith.addf %get3A_343, %get3A_347 : vector<16xf32>
      %max3A_349 = arith.constant 0.000000e+00 : f32
      %max3A_350 = vector.broadcast %max3A_349 : f32 to vector<16xf32>
      %max3A_351 = arith.maximumf %add3A_348, %max3A_350 : vector<16xf32>
      %swap3A_352 = arith.index_cast %scan3A_325 : i32 to index
      %swap3A_353 = arith.constant 16 : index
      %swap3A_354 = tpu.vector_load %arg18[%swap3A_352, %swap3A_353] {strides = array<i32>} : memref<40x128xf32, #tpu.memory_space<vmem>>, vector<1x16xf32>,
      %swap3A_355 = vector.shape_cast %swap3A_354 : vector<1x16xf32> to vector<16xf32>
      %swap3A_356 = vector.shape_cast %max3A_351 : vector<16xf32> to vector<1x16xf32>
      tpu.vector_store %arg18[%swap3A_352, %swap3A_353], %swap3A_356 {strides = array<i32>} : memref<40x128xf32, #tpu.memory_space<vmem>>, vector<1x16xf32>,
      %get3A_357 = arith.index_cast %scan3A_325 : i32 to index
      %get3A_358 = arith.constant 32 : index
      %get3A_359 = tpu.vector_load %arg18[%get3A_357, %get3A_358] {strides = array<i32>} : memref<40x128xf32, #tpu.memory_space<vmem>>, vector<1x16xf32>,
      %get3A_360 = vector.shape_cast %get3A_359 : vector<1x16xf32> to vector<16xf32>
      %get3A_361 = arith.index_cast %scan3A_325 : i32 to index
      %get3A_362 = arith.constant 32 : index
      %get3A_363 = tpu.vector_load %arg22[%get3A_361, %get3A_362] {strides = array<i32>} : memref<40x128xf32, #tpu.memory_space<vmem>>, vector<1x16xf32>,
      %get3A_364 = vector.shape_cast %get3A_363 : vector<1x16xf32> to vector<16xf32>
      %add3A_365 = arith.addf %get3A_360, %get3A_364 : vector<16xf32>
      %max3A_366 = arith.constant 0.000000e+00 : f32
      %max3A_367 = vector.broadcast %max3A_366 : f32 to vector<16xf32>
      %max3A_368 = arith.maximumf %add3A_365, %max3A_367 : vector<16xf32>
      %swap3A_369 = arith.index_cast %scan3A_325 : i32 to index
      %swap3A_370 = arith.constant 32 : index
      %swap3A_371 = tpu.vector_load %arg18[%swap3A_369, %swap3A_370] {strides = array<i32>} : memref<40x128xf32, #tpu.memory_space<vmem>>, vector<1x16xf32>,
      %swap3A_372 = vector.shape_cast %swap3A_371 : vector<1x16xf32> to vector<16xf32>
      %swap3A_373 = vector.shape_cast %max3A_368 : vector<16xf32> to vector<1x16xf32>
      tpu.vector_store %arg18[%swap3A_369, %swap3A_370], %swap3A_373 {strides = array<i32>} : memref<40x128xf32, #tpu.memory_space<vmem>>, vector<1x16xf32>,
      %get3A_374 = arith.index_cast %scan3A_325 : i32 to index
      %get3A_375 = arith.constant 48 : index
      %get3A_376 = tpu.vector_load %arg18[%get3A_374, %get3A_375] {strides = array<i32>} : memref<40x128xf32, #tpu.memory_space<vmem>>, vector<1x16xf32>,
      %get3A_377 = vector.shape_cast %get3A_376 : vector<1x16xf32> to vector<16xf32>
      %get3A_378 = arith.index_cast %scan3A_325 : i32 to index
      %get3A_379 = arith.constant 48 : index
      %get3A_380 = tpu.vector_load %arg22[%get3A_378, %get3A_379] {strides = array<i32>} : memref<40x128xf32, #tpu.memory_space<vmem>>, vector<1x16xf32>,
      %get3A_381 = vector.shape_cast %get3A_380 : vector<1x16xf32> to vector<16xf32>
      %add3A_382 = arith.addf %get3A_377, %get3A_381 : vector<16xf32>
      %max3A_383 = arith.constant 0.000000e+00 : f32
      %max3A_384 = vector.broadcast %max3A_383 : f32 to vector<16xf32>
      %max3A_385 = arith.maximumf %add3A_382, %max3A_384 : vector<16xf32>
      %swap3A_386 = arith.index_cast %scan3A_325 : i32 to index
      %swap3A_387 = arith.constant 48 : index
      %swap3A_388 = tpu.vector_load %arg18[%swap3A_386, %swap3A_387] {strides = array<i32>} : memref<40x128xf32, #tpu.memory_space<vmem>>, vector<1x16xf32>,
      %swap3A_389 = vector.shape_cast %swap3A_388 : vector<1x16xf32> to vector<16xf32>
      %swap3A_390 = vector.shape_cast %max3A_385 : vector<16xf32> to vector<1x16xf32>
      tpu.vector_store %arg18[%swap3A_386, %swap3A_387], %swap3A_390 {strides = array<i32>} : memref<40x128xf32, #tpu.memory_space<vmem>>, vector<1x16xf32>,
      %get3A_391 = arith.index_cast %scan3A_325 : i32 to index
      %get3A_392 = arith.constant 64 : index
      %get3A_393 = tpu.vector_load %arg18[%get3A_391, %get3A_392] {strides = array<i32>} : memref<40x128xf32, #tpu.memory_space<vmem>>, vector<1x16xf32>,
      %get3A_394 = vector.shape_cast %get3A_393 : vector<1x16xf32> to vector<16xf32>
      %get3A_395 = arith.index_cast %scan3A_325 : i32 to index
      %get3A_396 = arith.constant 64 : index
      %get3A_397 = tpu.vector_load %arg22[%get3A_395, %get3A_396] {strides = array<i32>} : memref<40x128xf32, #tpu.memory_space<vmem>>, vector<1x16xf32>,
      %get3A_398 = vector.shape_cast %get3A_397 : vector<1x16xf32> to vector<16xf32>
      %add3A_399 = arith.addf %get3A_394, %get3A_398 : vector<16xf32>
      %max3A_400 = arith.constant 0.000000e+00 : f32
      %max3A_401 = vector.broadcast %max3A_400 : f32 to vector<16xf32>
      %max3A_402 = arith.maximumf %add3A_399, %max3A_401 : vector<16xf32>
      %swap3A_403 = arith.index_cast %scan3A_325 : i32 to index
      %swap3A_404 = arith.constant 64 : index
      %swap3A_405 = tpu.vector_load %arg18[%swap3A_403, %swap3A_404] {strides = array<i32>} : memref<40x128xf32, #tpu.memory_space<vmem>>, vector<1x16xf32>,
      %swap3A_406 = vector.shape_cast %swap3A_405 : vector<1x16xf32> to vector<16xf32>
      %swap3A_407 = vector.shape_cast %max3A_402 : vector<16xf32> to vector<1x16xf32>
      tpu.vector_store %arg18[%swap3A_403, %swap3A_404], %swap3A_407 {strides = array<i32>} : memref<40x128xf32, #tpu.memory_space<vmem>>, vector<1x16xf32>,
      %get3A_408 = arith.index_cast %scan3A_325 : i32 to index
      %get3A_409 = arith.constant 80 : index
      %get3A_410 = tpu.vector_load %arg18[%get3A_408, %get3A_409] {strides = array<i32>} : memref<40x128xf32, #tpu.memory_space<vmem>>, vector<1x16xf32>,
      %get3A_411 = vector.shape_cast %get3A_410 : vector<1x16xf32> to vector<16xf32>
      %get3A_412 = arith.index_cast %scan3A_325 : i32 to index
      %get3A_413 = arith.constant 80 : index
      %get3A_414 = tpu.vector_load %arg22[%get3A_412, %get3A_413] {strides = array<i32>} : memref<40x128xf32, #tpu.memory_space<vmem>>, vector<1x16xf32>,
      %get3A_415 = vector.shape_cast %get3A_414 : vector<1x16xf32> to vector<16xf32>
      %add3A_416 = arith.addf %get3A_411, %get3A_415 : vector<16xf32>
      %max3A_417 = arith.constant 0.000000e+00 : f32
      %max3A_418 = vector.broadcast %max3A_417 : f32 to vector<16xf32>
      %max3A_419 = arith.maximumf %add3A_416, %max3A_418 : vector<16xf32>
      %swap3A_420 = arith.index_cast %scan3A_325 : i32 to index
      %swap3A_421 = arith.constant 80 : index
      %swap3A_422 = tpu.vector_load %arg18[%swap3A_420, %swap3A_421] {strides = array<i32>} : memref<40x128xf32, #tpu.memory_space<vmem>>, vector<1x16xf32>,
      %swap3A_423 = vector.shape_cast %swap3A_422 : vector<1x16xf32> to vector<16xf32>
      %swap3A_424 = vector.shape_cast %max3A_419 : vector<16xf32> to vector<1x16xf32>
      tpu.vector_store %arg18[%swap3A_420, %swap3A_421], %swap3A_424 {strides = array<i32>} : memref<40x128xf32, #tpu.memory_space<vmem>>, vector<1x16xf32>,
      %get3A_425 = arith.index_cast %scan3A_325 : i32 to index
      %get3A_426 = arith.constant 96 : index
      %get3A_427 = tpu.vector_load %arg18[%get3A_425, %get3A_426] {strides = array<i32>} : memref<40x128xf32, #tpu.memory_space<vmem>>, vector<1x16xf32>,
      %get3A_428 = vector.shape_cast %get3A_427 : vector<1x16xf32> to vector<16xf32>
      %get3A_429 = arith.index_cast %scan3A_325 : i32 to index
      %get3A_430 = arith.constant 96 : index
      %get3A_431 = tpu.vector_load %arg22[%get3A_429, %get3A_430] {strides = array<i32>} : memref<40x128xf32, #tpu.memory_space<vmem>>, vector<1x16xf32>,
      %get3A_432 = vector.shape_cast %get3A_431 : vector<1x16xf32> to vector<16xf32>
      %add3A_433 = arith.addf %get3A_428, %get3A_432 : vector<16xf32>
      %max3A_434 = arith.constant 0.000000e+00 : f32
      %max3A_435 = vector.broadcast %max3A_434 : f32 to vector<16xf32>
      %max3A_436 = arith.maximumf %add3A_433, %max3A_435 : vector<16xf32>
      %swap3A_437 = arith.index_cast %scan3A_325 : i32 to index
      %swap3A_438 = arith.constant 96 : index
      %swap3A_439 = tpu.vector_load %arg18[%swap3A_437, %swap3A_438] {strides = array<i32>} : memref<40x128xf32, #tpu.memory_space<vmem>>, vector<1x16xf32>,
      %swap3A_440 = vector.shape_cast %swap3A_439 : vector<1x16xf32> to vector<16xf32>
      %swap3A_441 = vector.shape_cast %max3A_436 : vector<16xf32> to vector<1x16xf32>
      tpu.vector_store %arg18[%swap3A_437, %swap3A_438], %swap3A_441 {strides = array<i32>} : memref<40x128xf32, #tpu.memory_space<vmem>>, vector<1x16xf32>,
      %get3A_442 = arith.index_cast %scan3A_325 : i32 to index
      %get3A_443 = arith.constant 112 : index
      %get3A_444 = tpu.vector_load %arg18[%get3A_442, %get3A_443] {strides = array<i32>} : memref<40x128xf32, #tpu.memory_space<vmem>>, vector<1x16xf32>,
      %get3A_445 = vector.shape_cast %get3A_444 : vector<1x16xf32> to vector<16xf32>
      %get3A_446 = arith.index_cast %scan3A_325 : i32 to index
      %get3A_447 = arith.constant 112 : index
      %get3A_448 = tpu.vector_load %arg22[%get3A_446, %get3A_447] {strides = array<i32>} : memref<40x128xf32, #tpu.memory_space<vmem>>, vector<1x16xf32>,
      %get3A_449 = vector.shape_cast %get3A_448 : vector<1x16xf32> to vector<16xf32>
      %add3A_450 = arith.addf %get3A_445, %get3A_449 : vector<16xf32>
      %max3A_451 = arith.constant 0.000000e+00 : f32
      %max3A_452 = vector.broadcast %max3A_451 : f32 to vector<16xf32>
      %max3A_453 = arith.maximumf %add3A_450, %max3A_452 : vector<16xf32>
      %swap3A_454 = arith.index_cast %scan3A_325 : i32 to index
      %swap3A_455 = arith.constant 112 : index
      %swap3A_456 = tpu.vector_load %arg18[%swap3A_454, %swap3A_455] {strides = array<i32>} : memref<40x128xf32, #tpu.memory_space<vmem>>, vector<1x16xf32>,
      %swap3A_457 = vector.shape_cast %swap3A_456 : vector<1x16xf32> to vector<16xf32>
      %swap3A_458 = vector.shape_cast %max3A_453 : vector<16xf32> to vector<1x16xf32>
      tpu.vector_store %arg18[%swap3A_454, %swap3A_455], %swap3A_458 {strides = array<i32>} : memref<40x128xf32, #tpu.memory_space<vmem>>, vector<1x16xf32>,
    }
    %scan3A_232 = arith.constant 40 : i32
    %dma_wait3A_233 = tpu.memref_slice %arg5[%add3A_220] : memref<320000xi32, #tpu.memory_space<hbm>> -> memref<40xi32, #tpu.memory_space<hbm>>
    %dma_wait3A_234 = tpu.memref_slice %arg5[%add3A_220] : memref<320000xi32, #tpu.memory_space<hbm>> -> memref<40xi32, #tpu.memory_space<hbm>>
    tpu.wait_dma2 semaphore(%arg32 : memref<!tpu.dma_semaphore, #tpu.memory_space<semaphore_mem>>) src(%dma_wait3A_234 : memref<40xi32, #tpu.memory_space<hbm>>) dst(%arg14 : memref<40xi32, #tpu.memory_space<vmem>>)
    "tpu.region"() ({
      %run_scoped3A = tpu.sem_alloc : memref<!tpu.dma_semaphore, #tpu.memory_space<semaphore_mem>>
      %dma_start3A_325 = arith.constant 0 : i32
      %dma_start3A_326 = arith.constant 0 : i32
      %dma_start3A_327 = tpu.memref_slice %arg24[%dma_start3A_325, %dma_start3A_326] : memref<10240x128xf32, #tpu.memory_space<vmem_shared>> -> memref<10240x128xf32, #tpu.memory_space<vmem_shared>>
      tpu.enqueue_indirect_dma source(%arg18 : memref<40x128xf32, #tpu.memory_space<vmem>>) target(%dma_start3A_327 : memref<10240x128xf32, #tpu.memory_space<vmem_shared>>) offsets(%arg14 : memref<40xi32, #tpu.memory_space<vmem>>) semaphore(%run_scoped3A : memref<!tpu.dma_semaphore, #tpu.memory_space<semaphore_mem>>) {add = true}
      %dma_wait3A_328 = arith.constant 0 : i32
      %dma_wait3A_329 = arith.constant 0 : i32
      %dma_wait3A_330 = tpu.memref_slice %arg24[%dma_wait3A_328, %dma_wait3A_329] : memref<10240x128xf32, #tpu.memory_space<vmem_shared>> -> memref<10240x128xf32, #tpu.memory_space<vmem_shared>>
      tpu.wait_indirect_dma semaphore(%run_scoped3A : memref<!tpu.dma_semaphore, #tpu.memory_space<semaphore_mem>>) src(%arg18 : memref<40x128xf32, #tpu.memory_space<vmem>>) dst(%dma_wait3A_330 : memref<10240x128xf32, #tpu.memory_space<vmem_shared>>)
      tpu.yield
    }) : () -> ()
    %mul3A_235 = arith.constant 10000 : i32
    %mul3A_236 = arith.muli %add3A, %mul3A_235 : i32
    %add3A_237 = arith.constant 9960 : i32
    %add3A_238 = arith.addi %mul3A_236, %add3A_237 : i32
    %dma_wait3A_239 = tpu.memref_slice %arg4[%add3A_238] : memref<320000xi32, #tpu.memory_space<hbm>> -> memref<40xi32, #tpu.memory_space<hbm>>
    %dma_wait3A_240 = tpu.memref_slice %arg4[%add3A_238] : memref<320000xi32, #tpu.memory_space<hbm>> -> memref<40xi32, #tpu.memory_space<hbm>>
    tpu.wait_dma2 semaphore(%arg26 : memref<!tpu.dma_semaphore, #tpu.memory_space<semaphore_mem>>) src(%dma_wait3A_240 : memref<40xi32, #tpu.memory_space<hbm>>) dst(%arg8 : memref<40xi32, #tpu.memory_space<vmem>>)
    %dma_start3A_241 = arith.constant 0 : i32
    %dma_start3A_242 = arith.constant 0 : i32
    %dma_start3A_243 = tpu.memref_slice %arg2[%dma_start3A_241, %dma_start3A_242] : memref<10240x128xf32, #tpu.memory_space<hbm>> -> memref<10240x128xf32, #tpu.memory_space<hbm>>
    tpu.enqueue_indirect_dma source(%dma_start3A_243 : memref<10240x128xf32, #tpu.memory_space<hbm>>) target(%arg16 : memref<40x128xf32, #tpu.memory_space<vmem>>) offsets(%arg8 : memref<40xi32, #tpu.memory_space<vmem>>) semaphore(%arg34 : memref<!tpu.dma_semaphore, #tpu.memory_space<semaphore_mem>>)
    %dma_start3A_244 = arith.constant 0 : i32
    %dma_start3A_245 = tpu.memref_slice %arg3[%add3A_238, %dma_start3A_244] : memref<320000x128xf32, #tpu.memory_space<hbm>> -> memref<40x128xf32, #tpu.memory_space<hbm>>
    %dma_start3A_246 = arith.constant 0 : i32
    %dma_start3A_247 = tpu.memref_slice %arg3[%add3A_238, %dma_start3A_246] : memref<320000x128xf32, #tpu.memory_space<hbm>> -> memref<40x128xf32, #tpu.memory_space<hbm>>
    tpu.enqueue_dma source(%dma_start3A_247 : memref<40x128xf32, #tpu.memory_space<hbm>>) target(%arg20 : memref<40x128xf32, #tpu.memory_space<vmem>>) target_semaphore(%arg38 : memref<!tpu.dma_semaphore, #tpu.memory_space<semaphore_mem>>)
    %mul3A_248 = arith.constant 10000 : i32
    %mul3A_249 = arith.muli %add3A, %mul3A_248 : i32
    %add3A_250 = arith.constant 9920 : i32
    %add3A_251 = arith.addi %mul3A_249, %add3A_250 : i32
    %dma_wait3A_252 = arith.constant 0 : i32
    %dma_wait3A_253 = arith.constant 0 : i32
    %dma_wait3A_254 = tpu.memref_slice %arg2[%dma_wait3A_252, %dma_wait3A_253] : memref<10240x128xf32, #tpu.memory_space<hbm>> -> memref<10240x128xf32, #tpu.memory_space<hbm>>
    tpu.wait_indirect_dma semaphore(%arg33 : memref<!tpu.dma_semaphore, #tpu.memory_space<semaphore_mem>>) src(%dma_wait3A_254 : memref<10240x128xf32, #tpu.memory_space<hbm>>) dst(%arg15 : memref<40x128xf32, #tpu.memory_space<vmem>>)
    %dma_wait3A_255 = arith.constant 0 : i32
    %dma_wait3A_256 = tpu.memref_slice %arg3[%add3A_251, %dma_wait3A_255] : memref<320000x128xf32, #tpu.memory_space<hbm>> -> memref<40x128xf32, #tpu.memory_space<hbm>>
    %dma_wait3A_257 = arith.constant 0 : i32
    %dma_wait3A_258 = tpu.memref_slice %arg3[%add3A_251, %dma_wait3A_257] : memref<320000x128xf32, #tpu.memory_space<hbm>> -> memref<40x128xf32, #tpu.memory_space<hbm>>
    tpu.wait_dma2 semaphore(%arg37 : memref<!tpu.dma_semaphore, #tpu.memory_space<semaphore_mem>>) src(%dma_wait3A_258 : memref<40x128xf32, #tpu.memory_space<hbm>>) dst(%arg19 : memref<40x128xf32, #tpu.memory_space<vmem>>)
    %scan3A_259 = arith.constant 0 : i32
    %scan3A_260 = arith.constant 40 : i32
    %scan3A_261 = arith.addi %scan3A_259, %scan3A_260 : i32
    %scan3A_262 = arith.constant 1 : i32
    scf.for %scan3A_325 = %scan3A_259 to %scan3A_261 step %scan3A_262  : i32 {
      %get3A = arith.index_cast %scan3A_325 : i32 to index
      %get3A_326 = arith.constant 0 : index
      %get3A_327 = tpu.vector_load %arg15[%get3A, %get3A_326] {strides = array<i32>} : memref<40x128xf32, #tpu.memory_space<vmem>>, vector<1x16xf32>,
      %get3A_328 = vector.shape_cast %get3A_327 : vector<1x16xf32> to vector<16xf32>
      %get3A_329 = arith.index_cast %scan3A_325 : i32 to index
      %get3A_330 = arith.constant 0 : index
      %get3A_331 = tpu.vector_load %arg19[%get3A_329, %get3A_330] {strides = array<i32>} : memref<40x128xf32, #tpu.memory_space<vmem>>, vector<1x16xf32>,
      %get3A_332 = vector.shape_cast %get3A_331 : vector<1x16xf32> to vector<16xf32>
      %add3A_333 = arith.addf %get3A_328, %get3A_332 : vector<16xf32>
      %max3A = arith.constant 0.000000e+00 : f32
      %max3A_334 = vector.broadcast %max3A : f32 to vector<16xf32>
      %max3A_335 = arith.maximumf %add3A_333, %max3A_334 : vector<16xf32>
      %swap3A = arith.index_cast %scan3A_325 : i32 to index
      %swap3A_336 = arith.constant 0 : index
      %swap3A_337 = tpu.vector_load %arg15[%swap3A, %swap3A_336] {strides = array<i32>} : memref<40x128xf32, #tpu.memory_space<vmem>>, vector<1x16xf32>,
      %swap3A_338 = vector.shape_cast %swap3A_337 : vector<1x16xf32> to vector<16xf32>
      %swap3A_339 = vector.shape_cast %max3A_335 : vector<16xf32> to vector<1x16xf32>
      tpu.vector_store %arg15[%swap3A, %swap3A_336], %swap3A_339 {strides = array<i32>} : memref<40x128xf32, #tpu.memory_space<vmem>>, vector<1x16xf32>,
      %get3A_340 = arith.index_cast %scan3A_325 : i32 to index
      %get3A_341 = arith.constant 16 : index
      %get3A_342 = tpu.vector_load %arg15[%get3A_340, %get3A_341] {strides = array<i32>} : memref<40x128xf32, #tpu.memory_space<vmem>>, vector<1x16xf32>,
      %get3A_343 = vector.shape_cast %get3A_342 : vector<1x16xf32> to vector<16xf32>
      %get3A_344 = arith.index_cast %scan3A_325 : i32 to index
      %get3A_345 = arith.constant 16 : index
      %get3A_346 = tpu.vector_load %arg19[%get3A_344, %get3A_345] {strides = array<i32>} : memref<40x128xf32, #tpu.memory_space<vmem>>, vector<1x16xf32>,
      %get3A_347 = vector.shape_cast %get3A_346 : vector<1x16xf32> to vector<16xf32>
      %add3A_348 = arith.addf %get3A_343, %get3A_347 : vector<16xf32>
      %max3A_349 = arith.constant 0.000000e+00 : f32
      %max3A_350 = vector.broadcast %max3A_349 : f32 to vector<16xf32>
      %max3A_351 = arith.maximumf %add3A_348, %max3A_350 : vector<16xf32>
      %swap3A_352 = arith.index_cast %scan3A_325 : i32 to index
      %swap3A_353 = arith.constant 16 : index
      %swap3A_354 = tpu.vector_load %arg15[%swap3A_352, %swap3A_353] {strides = array<i32>} : memref<40x128xf32, #tpu.memory_space<vmem>>, vector<1x16xf32>,
      %swap3A_355 = vector.shape_cast %swap3A_354 : vector<1x16xf32> to vector<16xf32>
      %swap3A_356 = vector.shape_cast %max3A_351 : vector<16xf32> to vector<1x16xf32>
      tpu.vector_store %arg15[%swap3A_352, %swap3A_353], %swap3A_356 {strides = array<i32>} : memref<40x128xf32, #tpu.memory_space<vmem>>, vector<1x16xf32>,
      %get3A_357 = arith.index_cast %scan3A_325 : i32 to index
      %get3A_358 = arith.constant 32 : index
      %get3A_359 = tpu.vector_load %arg15[%get3A_357, %get3A_358] {strides = array<i32>} : memref<40x128xf32, #tpu.memory_space<vmem>>, vector<1x16xf32>,
      %get3A_360 = vector.shape_cast %get3A_359 : vector<1x16xf32> to vector<16xf32>
      %get3A_361 = arith.index_cast %scan3A_325 : i32 to index
      %get3A_362 = arith.constant 32 : index
      %get3A_363 = tpu.vector_load %arg19[%get3A_361, %get3A_362] {strides = array<i32>} : memref<40x128xf32, #tpu.memory_space<vmem>>, vector<1x16xf32>,
      %get3A_364 = vector.shape_cast %get3A_363 : vector<1x16xf32> to vector<16xf32>
      %add3A_365 = arith.addf %get3A_360, %get3A_364 : vector<16xf32>
      %max3A_366 = arith.constant 0.000000e+00 : f32
      %max3A_367 = vector.broadcast %max3A_366 : f32 to vector<16xf32>
      %max3A_368 = arith.maximumf %add3A_365, %max3A_367 : vector<16xf32>
      %swap3A_369 = arith.index_cast %scan3A_325 : i32 to index
      %swap3A_370 = arith.constant 32 : index
      %swap3A_371 = tpu.vector_load %arg15[%swap3A_369, %swap3A_370] {strides = array<i32>} : memref<40x128xf32, #tpu.memory_space<vmem>>, vector<1x16xf32>,
      %swap3A_372 = vector.shape_cast %swap3A_371 : vector<1x16xf32> to vector<16xf32>
      %swap3A_373 = vector.shape_cast %max3A_368 : vector<16xf32> to vector<1x16xf32>
      tpu.vector_store %arg15[%swap3A_369, %swap3A_370], %swap3A_373 {strides = array<i32>} : memref<40x128xf32, #tpu.memory_space<vmem>>, vector<1x16xf32>,
      %get3A_374 = arith.index_cast %scan3A_325 : i32 to index
      %get3A_375 = arith.constant 48 : index
      %get3A_376 = tpu.vector_load %arg15[%get3A_374, %get3A_375] {strides = array<i32>} : memref<40x128xf32, #tpu.memory_space<vmem>>, vector<1x16xf32>,
      %get3A_377 = vector.shape_cast %get3A_376 : vector<1x16xf32> to vector<16xf32>
      %get3A_378 = arith.index_cast %scan3A_325 : i32 to index
      %get3A_379 = arith.constant 48 : index
      %get3A_380 = tpu.vector_load %arg19[%get3A_378, %get3A_379] {strides = array<i32>} : memref<40x128xf32, #tpu.memory_space<vmem>>, vector<1x16xf32>,
      %get3A_381 = vector.shape_cast %get3A_380 : vector<1x16xf32> to vector<16xf32>
      %add3A_382 = arith.addf %get3A_377, %get3A_381 : vector<16xf32>
      %max3A_383 = arith.constant 0.000000e+00 : f32
      %max3A_384 = vector.broadcast %max3A_383 : f32 to vector<16xf32>
      %max3A_385 = arith.maximumf %add3A_382, %max3A_384 : vector<16xf32>
      %swap3A_386 = arith.index_cast %scan3A_325 : i32 to index
      %swap3A_387 = arith.constant 48 : index
      %swap3A_388 = tpu.vector_load %arg15[%swap3A_386, %swap3A_387] {strides = array<i32>} : memref<40x128xf32, #tpu.memory_space<vmem>>, vector<1x16xf32>,
      %swap3A_389 = vector.shape_cast %swap3A_388 : vector<1x16xf32> to vector<16xf32>
      %swap3A_390 = vector.shape_cast %max3A_385 : vector<16xf32> to vector<1x16xf32>
      tpu.vector_store %arg15[%swap3A_386, %swap3A_387], %swap3A_390 {strides = array<i32>} : memref<40x128xf32, #tpu.memory_space<vmem>>, vector<1x16xf32>,
      %get3A_391 = arith.index_cast %scan3A_325 : i32 to index
      %get3A_392 = arith.constant 64 : index
      %get3A_393 = tpu.vector_load %arg15[%get3A_391, %get3A_392] {strides = array<i32>} : memref<40x128xf32, #tpu.memory_space<vmem>>, vector<1x16xf32>,
      %get3A_394 = vector.shape_cast %get3A_393 : vector<1x16xf32> to vector<16xf32>
      %get3A_395 = arith.index_cast %scan3A_325 : i32 to index
      %get3A_396 = arith.constant 64 : index
      %get3A_397 = tpu.vector_load %arg19[%get3A_395, %get3A_396] {strides = array<i32>} : memref<40x128xf32, #tpu.memory_space<vmem>>, vector<1x16xf32>,
      %get3A_398 = vector.shape_cast %get3A_397 : vector<1x16xf32> to vector<16xf32>
      %add3A_399 = arith.addf %get3A_394, %get3A_398 : vector<16xf32>
      %max3A_400 = arith.constant 0.000000e+00 : f32
      %max3A_401 = vector.broadcast %max3A_400 : f32 to vector<16xf32>
      %max3A_402 = arith.maximumf %add3A_399, %max3A_401 : vector<16xf32>
      %swap3A_403 = arith.index_cast %scan3A_325 : i32 to index
      %swap3A_404 = arith.constant 64 : index
      %swap3A_405 = tpu.vector_load %arg15[%swap3A_403, %swap3A_404] {strides = array<i32>} : memref<40x128xf32, #tpu.memory_space<vmem>>, vector<1x16xf32>,
      %swap3A_406 = vector.shape_cast %swap3A_405 : vector<1x16xf32> to vector<16xf32>
      %swap3A_407 = vector.shape_cast %max3A_402 : vector<16xf32> to vector<1x16xf32>
      tpu.vector_store %arg15[%swap3A_403, %swap3A_404], %swap3A_407 {strides = array<i32>} : memref<40x128xf32, #tpu.memory_space<vmem>>, vector<1x16xf32>,
      %get3A_408 = arith.index_cast %scan3A_325 : i32 to index
      %get3A_409 = arith.constant 80 : index
      %get3A_410 = tpu.vector_load %arg15[%get3A_408, %get3A_409] {strides = array<i32>} : memref<40x128xf32, #tpu.memory_space<vmem>>, vector<1x16xf32>,
      %get3A_411 = vector.shape_cast %get3A_410 : vector<1x16xf32> to vector<16xf32>
      %get3A_412 = arith.index_cast %scan3A_325 : i32 to index
      %get3A_413 = arith.constant 80 : index
      %get3A_414 = tpu.vector_load %arg19[%get3A_412, %get3A_413] {strides = array<i32>} : memref<40x128xf32, #tpu.memory_space<vmem>>, vector<1x16xf32>,
      %get3A_415 = vector.shape_cast %get3A_414 : vector<1x16xf32> to vector<16xf32>
      %add3A_416 = arith.addf %get3A_411, %get3A_415 : vector<16xf32>
      %max3A_417 = arith.constant 0.000000e+00 : f32
      %max3A_418 = vector.broadcast %max3A_417 : f32 to vector<16xf32>
      %max3A_419 = arith.maximumf %add3A_416, %max3A_418 : vector<16xf32>
      %swap3A_420 = arith.index_cast %scan3A_325 : i32 to index
      %swap3A_421 = arith.constant 80 : index
      %swap3A_422 = tpu.vector_load %arg15[%swap3A_420, %swap3A_421] {strides = array<i32>} : memref<40x128xf32, #tpu.memory_space<vmem>>, vector<1x16xf32>,
      %swap3A_423 = vector.shape_cast %swap3A_422 : vector<1x16xf32> to vector<16xf32>
      %swap3A_424 = vector.shape_cast %max3A_419 : vector<16xf32> to vector<1x16xf32>
      tpu.vector_store %arg15[%swap3A_420, %swap3A_421], %swap3A_424 {strides = array<i32>} : memref<40x128xf32, #tpu.memory_space<vmem>>, vector<1x16xf32>,
      %get3A_425 = arith.index_cast %scan3A_325 : i32 to index
      %get3A_426 = arith.constant 96 : index
      %get3A_427 = tpu.vector_load %arg15[%get3A_425, %get3A_426] {strides = array<i32>} : memref<40x128xf32, #tpu.memory_space<vmem>>, vector<1x16xf32>,
      %get3A_428 = vector.shape_cast %get3A_427 : vector<1x16xf32> to vector<16xf32>
      %get3A_429 = arith.index_cast %scan3A_325 : i32 to index
      %get3A_430 = arith.constant 96 : index
      %get3A_431 = tpu.vector_load %arg19[%get3A_429, %get3A_430] {strides = array<i32>} : memref<40x128xf32, #tpu.memory_space<vmem>>, vector<1x16xf32>,
      %get3A_432 = vector.shape_cast %get3A_431 : vector<1x16xf32> to vector<16xf32>
      %add3A_433 = arith.addf %get3A_428, %get3A_432 : vector<16xf32>
      %max3A_434 = arith.constant 0.000000e+00 : f32
      %max3A_435 = vector.broadcast %max3A_434 : f32 to vector<16xf32>
      %max3A_436 = arith.maximumf %add3A_433, %max3A_435 : vector<16xf32>
      %swap3A_437 = arith.index_cast %scan3A_325 : i32 to index
      %swap3A_438 = arith.constant 96 : index
      %swap3A_439 = tpu.vector_load %arg15[%swap3A_437, %swap3A_438] {strides = array<i32>} : memref<40x128xf32, #tpu.memory_space<vmem>>, vector<1x16xf32>,
      %swap3A_440 = vector.shape_cast %swap3A_439 : vector<1x16xf32> to vector<16xf32>
      %swap3A_441 = vector.shape_cast %max3A_436 : vector<16xf32> to vector<1x16xf32>
      tpu.vector_store %arg15[%swap3A_437, %swap3A_438], %swap3A_441 {strides = array<i32>} : memref<40x128xf32, #tpu.memory_space<vmem>>, vector<1x16xf32>,
      %get3A_442 = arith.index_cast %scan3A_325 : i32 to index
      %get3A_443 = arith.constant 112 : index
      %get3A_444 = tpu.vector_load %arg15[%get3A_442, %get3A_443] {strides = array<i32>} : memref<40x128xf32, #tpu.memory_space<vmem>>, vector<1x16xf32>,
      %get3A_445 = vector.shape_cast %get3A_444 : vector<1x16xf32> to vector<16xf32>
      %get3A_446 = arith.index_cast %scan3A_325 : i32 to index
      %get3A_447 = arith.constant 112 : index
      %get3A_448 = tpu.vector_load %arg19[%get3A_446, %get3A_447] {strides = array<i32>} : memref<40x128xf32, #tpu.memory_space<vmem>>, vector<1x16xf32>,
      %get3A_449 = vector.shape_cast %get3A_448 : vector<1x16xf32> to vector<16xf32>
      %add3A_450 = arith.addf %get3A_445, %get3A_449 : vector<16xf32>
      %max3A_451 = arith.constant 0.000000e+00 : f32
      %max3A_452 = vector.broadcast %max3A_451 : f32 to vector<16xf32>
      %max3A_453 = arith.maximumf %add3A_450, %max3A_452 : vector<16xf32>
      %swap3A_454 = arith.index_cast %scan3A_325 : i32 to index
      %swap3A_455 = arith.constant 112 : index
      %swap3A_456 = tpu.vector_load %arg15[%swap3A_454, %swap3A_455] {strides = array<i32>} : memref<40x128xf32, #tpu.memory_space<vmem>>, vector<1x16xf32>,
      %swap3A_457 = vector.shape_cast %swap3A_456 : vector<1x16xf32> to vector<16xf32>
      %swap3A_458 = vector.shape_cast %max3A_453 : vector<16xf32> to vector<1x16xf32>
      tpu.vector_store %arg15[%swap3A_454, %swap3A_455], %swap3A_458 {strides = array<i32>} : memref<40x128xf32, #tpu.memory_space<vmem>>, vector<1x16xf32>,
    }
    %scan3A_263 = arith.constant 40 : i32
    %dma_wait3A_264 = tpu.memref_slice %arg5[%add3A_251] : memref<320000xi32, #tpu.memory_space<hbm>> -> memref<40xi32, #tpu.memory_space<hbm>>
    %dma_wait3A_265 = tpu.memref_slice %arg5[%add3A_251] : memref<320000xi32, #tpu.memory_space<hbm>> -> memref<40xi32, #tpu.memory_space<hbm>>
    tpu.wait_dma2 semaphore(%arg29 : memref<!tpu.dma_semaphore, #tpu.memory_space<semaphore_mem>>) src(%dma_wait3A_265 : memref<40xi32, #tpu.memory_space<hbm>>) dst(%arg11 : memref<40xi32, #tpu.memory_space<vmem>>)
    "tpu.region"() ({
      %run_scoped3A = tpu.sem_alloc : memref<!tpu.dma_semaphore, #tpu.memory_space<semaphore_mem>>
      %dma_start3A_325 = arith.constant 0 : i32
      %dma_start3A_326 = arith.constant 0 : i32
      %dma_start3A_327 = tpu.memref_slice %arg24[%dma_start3A_325, %dma_start3A_326] : memref<10240x128xf32, #tpu.memory_space<vmem_shared>> -> memref<10240x128xf32, #tpu.memory_space<vmem_shared>>
      tpu.enqueue_indirect_dma source(%arg15 : memref<40x128xf32, #tpu.memory_space<vmem>>) target(%dma_start3A_327 : memref<10240x128xf32, #tpu.memory_space<vmem_shared>>) offsets(%arg11 : memref<40xi32, #tpu.memory_space<vmem>>) semaphore(%run_scoped3A : memref<!tpu.dma_semaphore, #tpu.memory_space<semaphore_mem>>) {add = true}
      %dma_wait3A_328 = arith.constant 0 : i32
      %dma_wait3A_329 = arith.constant 0 : i32
      %dma_wait3A_330 = tpu.memref_slice %arg24[%dma_wait3A_328, %dma_wait3A_329] : memref<10240x128xf32, #tpu.memory_space<vmem_shared>> -> memref<10240x128xf32, #tpu.memory_space<vmem_shared>>
      tpu.wait_indirect_dma semaphore(%run_scoped3A : memref<!tpu.dma_semaphore, #tpu.memory_space<semaphore_mem>>) src(%arg15 : memref<40x128xf32, #tpu.memory_space<vmem>>) dst(%dma_wait3A_330 : memref<10240x128xf32, #tpu.memory_space<vmem_shared>>)
      tpu.yield
    }) : () -> ()
    %mul3A_266 = arith.constant 10000 : i32
    %mul3A_267 = arith.muli %add3A, %mul3A_266 : i32
    %add3A_268 = arith.constant 9960 : i32
    %add3A_269 = arith.addi %mul3A_267, %add3A_268 : i32
    %dma_wait3A_270 = arith.constant 0 : i32
    %dma_wait3A_271 = arith.constant 0 : i32
    %dma_wait3A_272 = tpu.memref_slice %arg2[%dma_wait3A_270, %dma_wait3A_271] : memref<10240x128xf32, #tpu.memory_space<hbm>> -> memref<10240x128xf32, #tpu.memory_space<hbm>>
    tpu.wait_indirect_dma semaphore(%arg34 : memref<!tpu.dma_semaphore, #tpu.memory_space<semaphore_mem>>) src(%dma_wait3A_272 : memref<10240x128xf32, #tpu.memory_space<hbm>>) dst(%arg16 : memref<40x128xf32, #tpu.memory_space<vmem>>)
    %dma_wait3A_273 = arith.constant 0 : i32
    %dma_wait3A_274 = tpu.memref_slice %arg3[%add3A_269, %dma_wait3A_273] : memref<320000x128xf32, #tpu.memory_space<hbm>> -> memref<40x128xf32, #tpu.memory_space<hbm>>
    %dma_wait3A_275 = arith.constant 0 : i32
    %dma_wait3A_276 = tpu.memref_slice %arg3[%add3A_269, %dma_wait3A_275] : memref<320000x128xf32, #tpu.memory_space<hbm>> -> memref<40x128xf32, #tpu.memory_space<hbm>>
    tpu.wait_dma2 semaphore(%arg38 : memref<!tpu.dma_semaphore, #tpu.memory_space<semaphore_mem>>) src(%dma_wait3A_276 : memref<40x128xf32, #tpu.memory_space<hbm>>) dst(%arg20 : memref<40x128xf32, #tpu.memory_space<vmem>>)
    %scan3A_277 = arith.constant 0 : i32
    %scan3A_278 = arith.constant 40 : i32
    %scan3A_279 = arith.addi %scan3A_277, %scan3A_278 : i32
    %scan3A_280 = arith.constant 1 : i32
    scf.for %scan3A_325 = %scan3A_277 to %scan3A_279 step %scan3A_280  : i32 {
      %get3A = arith.index_cast %scan3A_325 : i32 to index
      %get3A_326 = arith.constant 0 : index
      %get3A_327 = tpu.vector_load %arg16[%get3A, %get3A_326] {strides = array<i32>} : memref<40x128xf32, #tpu.memory_space<vmem>>, vector<1x16xf32>,
      %get3A_328 = vector.shape_cast %get3A_327 : vector<1x16xf32> to vector<16xf32>
      %get3A_329 = arith.index_cast %scan3A_325 : i32 to index
      %get3A_330 = arith.constant 0 : index
      %get3A_331 = tpu.vector_load %arg20[%get3A_329, %get3A_330] {strides = array<i32>} : memref<40x128xf32, #tpu.memory_space<vmem>>, vector<1x16xf32>,
      %get3A_332 = vector.shape_cast %get3A_331 : vector<1x16xf32> to vector<16xf32>
      %add3A_333 = arith.addf %get3A_328, %get3A_332 : vector<16xf32>
      %max3A = arith.constant 0.000000e+00 : f32
      %max3A_334 = vector.broadcast %max3A : f32 to vector<16xf32>
      %max3A_335 = arith.maximumf %add3A_333, %max3A_334 : vector<16xf32>
      %swap3A = arith.index_cast %scan3A_325 : i32 to index
      %swap3A_336 = arith.constant 0 : index
      %swap3A_337 = tpu.vector_load %arg16[%swap3A, %swap3A_336] {strides = array<i32>} : memref<40x128xf32, #tpu.memory_space<vmem>>, vector<1x16xf32>,
      %swap3A_338 = vector.shape_cast %swap3A_337 : vector<1x16xf32> to vector<16xf32>
      %swap3A_339 = vector.shape_cast %max3A_335 : vector<16xf32> to vector<1x16xf32>
      tpu.vector_store %arg16[%swap3A, %swap3A_336], %swap3A_339 {strides = array<i32>} : memref<40x128xf32, #tpu.memory_space<vmem>>, vector<1x16xf32>,
      %get3A_340 = arith.index_cast %scan3A_325 : i32 to index
      %get3A_341 = arith.constant 16 : index
      %get3A_342 = tpu.vector_load %arg16[%get3A_340, %get3A_341] {strides = array<i32>} : memref<40x128xf32, #tpu.memory_space<vmem>>, vector<1x16xf32>,
      %get3A_343 = vector.shape_cast %get3A_342 : vector<1x16xf32> to vector<16xf32>
      %get3A_344 = arith.index_cast %scan3A_325 : i32 to index
      %get3A_345 = arith.constant 16 : index
      %get3A_346 = tpu.vector_load %arg20[%get3A_344, %get3A_345] {strides = array<i32>} : memref<40x128xf32, #tpu.memory_space<vmem>>, vector<1x16xf32>,
      %get3A_347 = vector.shape_cast %get3A_346 : vector<1x16xf32> to vector<16xf32>
      %add3A_348 = arith.addf %get3A_343, %get3A_347 : vector<16xf32>
      %max3A_349 = arith.constant 0.000000e+00 : f32
      %max3A_350 = vector.broadcast %max3A_349 : f32 to vector<16xf32>
      %max3A_351 = arith.maximumf %add3A_348, %max3A_350 : vector<16xf32>
      %swap3A_352 = arith.index_cast %scan3A_325 : i32 to index
      %swap3A_353 = arith.constant 16 : index
      %swap3A_354 = tpu.vector_load %arg16[%swap3A_352, %swap3A_353] {strides = array<i32>} : memref<40x128xf32, #tpu.memory_space<vmem>>, vector<1x16xf32>,
      %swap3A_355 = vector.shape_cast %swap3A_354 : vector<1x16xf32> to vector<16xf32>
      %swap3A_356 = vector.shape_cast %max3A_351 : vector<16xf32> to vector<1x16xf32>
      tpu.vector_store %arg16[%swap3A_352, %swap3A_353], %swap3A_356 {strides = array<i32>} : memref<40x128xf32, #tpu.memory_space<vmem>>, vector<1x16xf32>,
      %get3A_357 = arith.index_cast %scan3A_325 : i32 to index
      %get3A_358 = arith.constant 32 : index
      %get3A_359 = tpu.vector_load %arg16[%get3A_357, %get3A_358] {strides = array<i32>} : memref<40x128xf32, #tpu.memory_space<vmem>>, vector<1x16xf32>,
      %get3A_360 = vector.shape_cast %get3A_359 : vector<1x16xf32> to vector<16xf32>
      %get3A_361 = arith.index_cast %scan3A_325 : i32 to index
      %get3A_362 = arith.constant 32 : index
      %get3A_363 = tpu.vector_load %arg20[%get3A_361, %get3A_362] {strides = array<i32>} : memref<40x128xf32, #tpu.memory_space<vmem>>, vector<1x16xf32>,
      %get3A_364 = vector.shape_cast %get3A_363 : vector<1x16xf32> to vector<16xf32>
      %add3A_365 = arith.addf %get3A_360, %get3A_364 : vector<16xf32>
      %max3A_366 = arith.constant 0.000000e+00 : f32
      %max3A_367 = vector.broadcast %max3A_366 : f32 to vector<16xf32>
      %max3A_368 = arith.maximumf %add3A_365, %max3A_367 : vector<16xf32>
      %swap3A_369 = arith.index_cast %scan3A_325 : i32 to index
      %swap3A_370 = arith.constant 32 : index
      %swap3A_371 = tpu.vector_load %arg16[%swap3A_369, %swap3A_370] {strides = array<i32>} : memref<40x128xf32, #tpu.memory_space<vmem>>, vector<1x16xf32>,
      %swap3A_372 = vector.shape_cast %swap3A_371 : vector<1x16xf32> to vector<16xf32>
      %swap3A_373 = vector.shape_cast %max3A_368 : vector<16xf32> to vector<1x16xf32>
      tpu.vector_store %arg16[%swap3A_369, %swap3A_370], %swap3A_373 {strides = array<i32>} : memref<40x128xf32, #tpu.memory_space<vmem>>, vector<1x16xf32>,
      %get3A_374 = arith.index_cast %scan3A_325 : i32 to index
      %get3A_375 = arith.constant 48 : index
      %get3A_376 = tpu.vector_load %arg16[%get3A_374, %get3A_375] {strides = array<i32>} : memref<40x128xf32, #tpu.memory_space<vmem>>, vector<1x16xf32>,
      %get3A_377 = vector.shape_cast %get3A_376 : vector<1x16xf32> to vector<16xf32>
      %get3A_378 = arith.index_cast %scan3A_325 : i32 to index
      %get3A_379 = arith.constant 48 : index
      %get3A_380 = tpu.vector_load %arg20[%get3A_378, %get3A_379] {strides = array<i32>} : memref<40x128xf32, #tpu.memory_space<vmem>>, vector<1x16xf32>,
      %get3A_381 = vector.shape_cast %get3A_380 : vector<1x16xf32> to vector<16xf32>
      %add3A_382 = arith.addf %get3A_377, %get3A_381 : vector<16xf32>
      %max3A_383 = arith.constant 0.000000e+00 : f32
      %max3A_384 = vector.broadcast %max3A_383 : f32 to vector<16xf32>
      %max3A_385 = arith.maximumf %add3A_382, %max3A_384 : vector<16xf32>
      %swap3A_386 = arith.index_cast %scan3A_325 : i32 to index
      %swap3A_387 = arith.constant 48 : index
      %swap3A_388 = tpu.vector_load %arg16[%swap3A_386, %swap3A_387] {strides = array<i32>} : memref<40x128xf32, #tpu.memory_space<vmem>>, vector<1x16xf32>,
      %swap3A_389 = vector.shape_cast %swap3A_388 : vector<1x16xf32> to vector<16xf32>
      %swap3A_390 = vector.shape_cast %max3A_385 : vector<16xf32> to vector<1x16xf32>
      tpu.vector_store %arg16[%swap3A_386, %swap3A_387], %swap3A_390 {strides = array<i32>} : memref<40x128xf32, #tpu.memory_space<vmem>>, vector<1x16xf32>,
      %get3A_391 = arith.index_cast %scan3A_325 : i32 to index
      %get3A_392 = arith.constant 64 : index
      %get3A_393 = tpu.vector_load %arg16[%get3A_391, %get3A_392] {strides = array<i32>} : memref<40x128xf32, #tpu.memory_space<vmem>>, vector<1x16xf32>,
      %get3A_394 = vector.shape_cast %get3A_393 : vector<1x16xf32> to vector<16xf32>
      %get3A_395 = arith.index_cast %scan3A_325 : i32 to index
      %get3A_396 = arith.constant 64 : index
      %get3A_397 = tpu.vector_load %arg20[%get3A_395, %get3A_396] {strides = array<i32>} : memref<40x128xf32, #tpu.memory_space<vmem>>, vector<1x16xf32>,
      %get3A_398 = vector.shape_cast %get3A_397 : vector<1x16xf32> to vector<16xf32>
      %add3A_399 = arith.addf %get3A_394, %get3A_398 : vector<16xf32>
      %max3A_400 = arith.constant 0.000000e+00 : f32
      %max3A_401 = vector.broadcast %max3A_400 : f32 to vector<16xf32>
      %max3A_402 = arith.maximumf %add3A_399, %max3A_401 : vector<16xf32>
      %swap3A_403 = arith.index_cast %scan3A_325 : i32 to index
      %swap3A_404 = arith.constant 64 : index
      %swap3A_405 = tpu.vector_load %arg16[%swap3A_403, %swap3A_404] {strides = array<i32>} : memref<40x128xf32, #tpu.memory_space<vmem>>, vector<1x16xf32>,
      %swap3A_406 = vector.shape_cast %swap3A_405 : vector<1x16xf32> to vector<16xf32>
      %swap3A_407 = vector.shape_cast %max3A_402 : vector<16xf32> to vector<1x16xf32>
      tpu.vector_store %arg16[%swap3A_403, %swap3A_404], %swap3A_407 {strides = array<i32>} : memref<40x128xf32, #tpu.memory_space<vmem>>, vector<1x16xf32>,
      %get3A_408 = arith.index_cast %scan3A_325 : i32 to index
      %get3A_409 = arith.constant 80 : index
      %get3A_410 = tpu.vector_load %arg16[%get3A_408, %get3A_409] {strides = array<i32>} : memref<40x128xf32, #tpu.memory_space<vmem>>, vector<1x16xf32>,
      %get3A_411 = vector.shape_cast %get3A_410 : vector<1x16xf32> to vector<16xf32>
      %get3A_412 = arith.index_cast %scan3A_325 : i32 to index
      %get3A_413 = arith.constant 80 : index
      %get3A_414 = tpu.vector_load %arg20[%get3A_412, %get3A_413] {strides = array<i32>} : memref<40x128xf32, #tpu.memory_space<vmem>>, vector<1x16xf32>,
      %get3A_415 = vector.shape_cast %get3A_414 : vector<1x16xf32> to vector<16xf32>
      %add3A_416 = arith.addf %get3A_411, %get3A_415 : vector<16xf32>
      %max3A_417 = arith.constant 0.000000e+00 : f32
      %max3A_418 = vector.broadcast %max3A_417 : f32 to vector<16xf32>
      %max3A_419 = arith.maximumf %add3A_416, %max3A_418 : vector<16xf32>
      %swap3A_420 = arith.index_cast %scan3A_325 : i32 to index
      %swap3A_421 = arith.constant 80 : index
      %swap3A_422 = tpu.vector_load %arg16[%swap3A_420, %swap3A_421] {strides = array<i32>} : memref<40x128xf32, #tpu.memory_space<vmem>>, vector<1x16xf32>,
      %swap3A_423 = vector.shape_cast %swap3A_422 : vector<1x16xf32> to vector<16xf32>
      %swap3A_424 = vector.shape_cast %max3A_419 : vector<16xf32> to vector<1x16xf32>
      tpu.vector_store %arg16[%swap3A_420, %swap3A_421], %swap3A_424 {strides = array<i32>} : memref<40x128xf32, #tpu.memory_space<vmem>>, vector<1x16xf32>,
      %get3A_425 = arith.index_cast %scan3A_325 : i32 to index
      %get3A_426 = arith.constant 96 : index
      %get3A_427 = tpu.vector_load %arg16[%get3A_425, %get3A_426] {strides = array<i32>} : memref<40x128xf32, #tpu.memory_space<vmem>>, vector<1x16xf32>,
      %get3A_428 = vector.shape_cast %get3A_427 : vector<1x16xf32> to vector<16xf32>
      %get3A_429 = arith.index_cast %scan3A_325 : i32 to index
      %get3A_430 = arith.constant 96 : index
      %get3A_431 = tpu.vector_load %arg20[%get3A_429, %get3A_430] {strides = array<i32>} : memref<40x128xf32, #tpu.memory_space<vmem>>, vector<1x16xf32>,
      %get3A_432 = vector.shape_cast %get3A_431 : vector<1x16xf32> to vector<16xf32>
      %add3A_433 = arith.addf %get3A_428, %get3A_432 : vector<16xf32>
      %max3A_434 = arith.constant 0.000000e+00 : f32
      %max3A_435 = vector.broadcast %max3A_434 : f32 to vector<16xf32>
      %max3A_436 = arith.maximumf %add3A_433, %max3A_435 : vector<16xf32>
      %swap3A_437 = arith.index_cast %scan3A_325 : i32 to index
      %swap3A_438 = arith.constant 96 : index
      %swap3A_439 = tpu.vector_load %arg16[%swap3A_437, %swap3A_438] {strides = array<i32>} : memref<40x128xf32, #tpu.memory_space<vmem>>, vector<1x16xf32>,
      %swap3A_440 = vector.shape_cast %swap3A_439 : vector<1x16xf32> to vector<16xf32>
      %swap3A_441 = vector.shape_cast %max3A_436 : vector<16xf32> to vector<1x16xf32>
      tpu.vector_store %arg16[%swap3A_437, %swap3A_438], %swap3A_441 {strides = array<i32>} : memref<40x128xf32, #tpu.memory_space<vmem>>, vector<1x16xf32>,
      %get3A_442 = arith.index_cast %scan3A_325 : i32 to index
      %get3A_443 = arith.constant 112 : index
      %get3A_444 = tpu.vector_load %arg16[%get3A_442, %get3A_443] {strides = array<i32>} : memref<40x128xf32, #tpu.memory_space<vmem>>, vector<1x16xf32>,
      %get3A_445 = vector.shape_cast %get3A_444 : vector<1x16xf32> to vector<16xf32>
      %get3A_446 = arith.index_cast %scan3A_325 : i32 to index
      %get3A_447 = arith.constant 112 : index
      %get3A_448 = tpu.vector_load %arg20[%get3A_446, %get3A_447] {strides = array<i32>} : memref<40x128xf32, #tpu.memory_space<vmem>>, vector<1x16xf32>,
      %get3A_449 = vector.shape_cast %get3A_448 : vector<1x16xf32> to vector<16xf32>
      %add3A_450 = arith.addf %get3A_445, %get3A_449 : vector<16xf32>
      %max3A_451 = arith.constant 0.000000e+00 : f32
      %max3A_452 = vector.broadcast %max3A_451 : f32 to vector<16xf32>
      %max3A_453 = arith.maximumf %add3A_450, %max3A_452 : vector<16xf32>
      %swap3A_454 = arith.index_cast %scan3A_325 : i32 to index
      %swap3A_455 = arith.constant 112 : index
      %swap3A_456 = tpu.vector_load %arg16[%swap3A_454, %swap3A_455] {strides = array<i32>} : memref<40x128xf32, #tpu.memory_space<vmem>>, vector<1x16xf32>,
      %swap3A_457 = vector.shape_cast %swap3A_456 : vector<1x16xf32> to vector<16xf32>
      %swap3A_458 = vector.shape_cast %max3A_453 : vector<16xf32> to vector<1x16xf32>
      tpu.vector_store %arg16[%swap3A_454, %swap3A_455], %swap3A_458 {strides = array<i32>} : memref<40x128xf32, #tpu.memory_space<vmem>>, vector<1x16xf32>,
    }
    %scan3A_281 = arith.constant 40 : i32
    %dma_wait3A_282 = tpu.memref_slice %arg5[%add3A_269] : memref<320000xi32, #tpu.memory_space<hbm>> -> memref<40xi32, #tpu.memory_space<hbm>>
    %dma_wait3A_283 = tpu.memref_slice %arg5[%add3A_269] : memref<320000xi32, #tpu.memory_space<hbm>> -> memref<40xi32, #tpu.memory_space<hbm>>
    tpu.wait_dma2 semaphore(%arg30 : memref<!tpu.dma_semaphore, #tpu.memory_space<semaphore_mem>>) src(%dma_wait3A_283 : memref<40xi32, #tpu.memory_space<hbm>>) dst(%arg12 : memref<40xi32, #tpu.memory_space<vmem>>)
    "tpu.region"() ({
      %run_scoped3A = tpu.sem_alloc : memref<!tpu.dma_semaphore, #tpu.memory_space<semaphore_mem>>
      %dma_start3A_325 = arith.constant 0 : i32
      %dma_start3A_326 = arith.constant 0 : i32
      %dma_start3A_327 = tpu.memref_slice %arg24[%dma_start3A_325, %dma_start3A_326] : memref<10240x128xf32, #tpu.memory_space<vmem_shared>> -> memref<10240x128xf32, #tpu.memory_space<vmem_shared>>
      tpu.enqueue_indirect_dma source(%arg16 : memref<40x128xf32, #tpu.memory_space<vmem>>) target(%dma_start3A_327 : memref<10240x128xf32, #tpu.memory_space<vmem_shared>>) offsets(%arg12 : memref<40xi32, #tpu.memory_space<vmem>>) semaphore(%run_scoped3A : memref<!tpu.dma_semaphore, #tpu.memory_space<semaphore_mem>>) {add = true}
      %dma_wait3A_328 = arith.constant 0 : i32
      %dma_wait3A_329 = arith.constant 0 : i32
      %dma_wait3A_330 = tpu.memref_slice %arg24[%dma_wait3A_328, %dma_wait3A_329] : memref<10240x128xf32, #tpu.memory_space<vmem_shared>> -> memref<10240x128xf32, #tpu.memory_space<vmem_shared>>
      tpu.wait_indirect_dma semaphore(%run_scoped3A : memref<!tpu.dma_semaphore, #tpu.memory_space<semaphore_mem>>) src(%arg16 : memref<40x128xf32, #tpu.memory_space<vmem>>) dst(%dma_wait3A_330 : memref<10240x128xf32, #tpu.memory_space<vmem_shared>>)
      tpu.yield
    }) : () -> ()
    %barrier3A_284 = arith.constant 0 : index
    tpu.barrier barrier_id(%barrier3A_284)
    %add3A_285 = arith.constant 0 : i32
    %add3A_286 = arith.addi %mul3A_6, %add3A_285 : i32
    "tpu.region"() ({
      %run_scoped3A = tpu.sem_alloc : memref<!tpu.dma_semaphore, #tpu.memory_space<semaphore_mem>>
      %dma_start3A_325 = arith.constant 0 : i32
      %dma_start3A_326 = tpu.memref_slice %arg24[%add3A_286, %dma_start3A_325] : memref<10240x128xf32, #tpu.memory_space<vmem_shared>> -> memref<32x128xf32, #tpu.memory_space<vmem_shared>>
      %dma_start3A_327 = arith.constant 0 : i32
      %dma_start3A_328 = tpu.memref_slice %arg24[%add3A_286, %dma_start3A_327] : memref<10240x128xf32, #tpu.memory_space<vmem_shared>> -> memref<32x128xf32, #tpu.memory_space<vmem_shared>>
      tpu.enqueue_dma source(%dma_start3A_328 : memref<32x128xf32, #tpu.memory_space<vmem_shared>>) target(%arg23 : memref<32x128xf32, #tpu.memory_space<vmem>>) target_semaphore(%run_scoped3A : memref<!tpu.dma_semaphore, #tpu.memory_space<semaphore_mem>>)
      %dma_wait3A_329 = arith.constant 0 : i32
      %dma_wait3A_330 = tpu.memref_slice %arg24[%add3A_286, %dma_wait3A_329] : memref<10240x128xf32, #tpu.memory_space<vmem_shared>> -> memref<32x128xf32, #tpu.memory_space<vmem_shared>>
      %dma_wait3A_331 = arith.constant 0 : i32
      %dma_wait3A_332 = tpu.memref_slice %arg24[%add3A_286, %dma_wait3A_331] : memref<10240x128xf32, #tpu.memory_space<vmem_shared>> -> memref<32x128xf32, #tpu.memory_space<vmem_shared>>
      tpu.wait_dma2 semaphore(%run_scoped3A : memref<!tpu.dma_semaphore, #tpu.memory_space<semaphore_mem>>) src(%dma_wait3A_332 : memref<32x128xf32, #tpu.memory_space<vmem_shared>>) dst(%arg23 : memref<32x128xf32, #tpu.memory_space<vmem>>)
      tpu.yield
    }) : () -> ()
    "tpu.region"() ({
      %run_scoped3A = tpu.sem_alloc : memref<!tpu.dma_semaphore, #tpu.memory_space<semaphore_mem>>
      %dma_start3A_325 = arith.constant 0 : i32
      %dma_start3A_326 = tpu.memref_slice %arg6[%arg0, %add3A_286, %dma_start3A_325] : memref<2x10240x128xf32, #tpu.memory_space<hbm>> -> memref<1x32x128xf32, #tpu.memory_space<hbm>>
      %dma_start3A_327 = tpu.memref_squeeze %dma_start3A_326 : memref<1x32x128xf32, #tpu.memory_space<hbm>> -> memref<32x128xf32, #tpu.memory_space<hbm>>
      %dma_start3A_328 = arith.constant 0 : i32
      %dma_start3A_329 = tpu.memref_slice %arg6[%arg0, %add3A_286, %dma_start3A_328] : memref<2x10240x128xf32, #tpu.memory_space<hbm>> -> memref<1x32x128xf32, #tpu.memory_space<hbm>>
      %dma_start3A_330 = tpu.memref_squeeze %dma_start3A_329 : memref<1x32x128xf32, #tpu.memory_space<hbm>> -> memref<32x128xf32, #tpu.memory_space<hbm>>
      tpu.enqueue_dma source(%arg23 : memref<32x128xf32, #tpu.memory_space<vmem>>) target(%dma_start3A_330 : memref<32x128xf32, #tpu.memory_space<hbm>>) target_semaphore(%run_scoped3A : memref<!tpu.dma_semaphore, #tpu.memory_space<semaphore_mem>>)
      %dma_wait3A_331 = arith.constant 0 : i32
      %dma_wait3A_332 = tpu.memref_slice %arg6[%arg0, %add3A_286, %dma_wait3A_331] : memref<2x10240x128xf32, #tpu.memory_space<hbm>> -> memref<1x32x128xf32, #tpu.memory_space<hbm>>
      %dma_wait3A_333 = tpu.memref_squeeze %dma_wait3A_332 : memref<1x32x128xf32, #tpu.memory_space<hbm>> -> memref<32x128xf32, #tpu.memory_space<hbm>>
      %dma_wait3A_334 = arith.constant 0 : i32
      %dma_wait3A_335 = tpu.memref_slice %arg6[%arg0, %add3A_286, %dma_wait3A_334] : memref<2x10240x128xf32, #tpu.memory_space<hbm>> -> memref<1x32x128xf32, #tpu.memory_space<hbm>>
      %dma_wait3A_336 = tpu.memref_squeeze %dma_wait3A_335 : memref<1x32x128xf32, #tpu.memory_space<hbm>> -> memref<32x128xf32, #tpu.memory_space<hbm>>
      tpu.wait_dma2 semaphore(%run_scoped3A : memref<!tpu.dma_semaphore, #tpu.memory_space<semaphore_mem>>) src(%arg23 : memref<32x128xf32, #tpu.memory_space<vmem>>) dst(%dma_wait3A_336 : memref<32x128xf32, #tpu.memory_space<hbm>>)
      tpu.yield
    }) : () -> ()
    %add3A_287 = arith.constant 32 : i32
    %add3A_288 = arith.addi %mul3A_6, %add3A_287 : i32
    "tpu.region"() ({
      %run_scoped3A = tpu.sem_alloc : memref<!tpu.dma_semaphore, #tpu.memory_space<semaphore_mem>>
      %dma_start3A_325 = arith.constant 0 : i32
      %dma_start3A_326 = tpu.memref_slice %arg24[%add3A_288, %dma_start3A_325] : memref<10240x128xf32, #tpu.memory_space<vmem_shared>> -> memref<32x128xf32, #tpu.memory_space<vmem_shared>>
      %dma_start3A_327 = arith.constant 0 : i32
      %dma_start3A_328 = tpu.memref_slice %arg24[%add3A_288, %dma_start3A_327] : memref<10240x128xf32, #tpu.memory_space<vmem_shared>> -> memref<32x128xf32, #tpu.memory_space<vmem_shared>>
      tpu.enqueue_dma source(%dma_start3A_328 : memref<32x128xf32, #tpu.memory_space<vmem_shared>>) target(%arg23 : memref<32x128xf32, #tpu.memory_space<vmem>>) target_semaphore(%run_scoped3A : memref<!tpu.dma_semaphore, #tpu.memory_space<semaphore_mem>>)
      %dma_wait3A_329 = arith.constant 0 : i32
      %dma_wait3A_330 = tpu.memref_slice %arg24[%add3A_288, %dma_wait3A_329] : memref<10240x128xf32, #tpu.memory_space<vmem_shared>> -> memref<32x128xf32, #tpu.memory_space<vmem_shared>>
      %dma_wait3A_331 = arith.constant 0 : i32
      %dma_wait3A_332 = tpu.memref_slice %arg24[%add3A_288, %dma_wait3A_331] : memref<10240x128xf32, #tpu.memory_space<vmem_shared>> -> memref<32x128xf32, #tpu.memory_space<vmem_shared>>
      tpu.wait_dma2 semaphore(%run_scoped3A : memref<!tpu.dma_semaphore, #tpu.memory_space<semaphore_mem>>) src(%dma_wait3A_332 : memref<32x128xf32, #tpu.memory_space<vmem_shared>>) dst(%arg23 : memref<32x128xf32, #tpu.memory_space<vmem>>)
      tpu.yield
    }) : () -> ()
    "tpu.region"() ({
      %run_scoped3A = tpu.sem_alloc : memref<!tpu.dma_semaphore, #tpu.memory_space<semaphore_mem>>
      %dma_start3A_325 = arith.constant 0 : i32
      %dma_start3A_326 = tpu.memref_slice %arg6[%arg0, %add3A_288, %dma_start3A_325] : memref<2x10240x128xf32, #tpu.memory_space<hbm>> -> memref<1x32x128xf32, #tpu.memory_space<hbm>>
      %dma_start3A_327 = tpu.memref_squeeze %dma_start3A_326 : memref<1x32x128xf32, #tpu.memory_space<hbm>> -> memref<32x128xf32, #tpu.memory_space<hbm>>
      %dma_start3A_328 = arith.constant 0 : i32
      %dma_start3A_329 = tpu.memref_slice %arg6[%arg0, %add3A_288, %dma_start3A_328] : memref<2x10240x128xf32, #tpu.memory_space<hbm>> -> memref<1x32x128xf32, #tpu.memory_space<hbm>>
      %dma_start3A_330 = tpu.memref_squeeze %dma_start3A_329 : memref<1x32x128xf32, #tpu.memory_space<hbm>> -> memref<32x128xf32, #tpu.memory_space<hbm>>
      tpu.enqueue_dma source(%arg23 : memref<32x128xf32, #tpu.memory_space<vmem>>) target(%dma_start3A_330 : memref<32x128xf32, #tpu.memory_space<hbm>>) target_semaphore(%run_scoped3A : memref<!tpu.dma_semaphore, #tpu.memory_space<semaphore_mem>>)
      %dma_wait3A_331 = arith.constant 0 : i32
      %dma_wait3A_332 = tpu.memref_slice %arg6[%arg0, %add3A_288, %dma_wait3A_331] : memref<2x10240x128xf32, #tpu.memory_space<hbm>> -> memref<1x32x128xf32, #tpu.memory_space<hbm>>
      %dma_wait3A_333 = tpu.memref_squeeze %dma_wait3A_332 : memref<1x32x128xf32, #tpu.memory_space<hbm>> -> memref<32x128xf32, #tpu.memory_space<hbm>>
      %dma_wait3A_334 = arith.constant 0 : i32
      %dma_wait3A_335 = tpu.memref_slice %arg6[%arg0, %add3A_288, %dma_wait3A_334] : memref<2x10240x128xf32, #tpu.memory_space<hbm>> -> memref<1x32x128xf32, #tpu.memory_space<hbm>>
      %dma_wait3A_336 = tpu.memref_squeeze %dma_wait3A_335 : memref<1x32x128xf32, #tpu.memory_space<hbm>> -> memref<32x128xf32, #tpu.memory_space<hbm>>
      tpu.wait_dma2 semaphore(%run_scoped3A : memref<!tpu.dma_semaphore, #tpu.memory_space<semaphore_mem>>) src(%arg23 : memref<32x128xf32, #tpu.memory_space<vmem>>) dst(%dma_wait3A_336 : memref<32x128xf32, #tpu.memory_space<hbm>>)
      tpu.yield
    }) : () -> ()
    %add3A_289 = arith.constant 64 : i32
    %add3A_290 = arith.addi %mul3A_6, %add3A_289 : i32
    "tpu.region"() ({
      %run_scoped3A = tpu.sem_alloc : memref<!tpu.dma_semaphore, #tpu.memory_space<semaphore_mem>>
      %dma_start3A_325 = arith.constant 0 : i32
      %dma_start3A_326 = tpu.memref_slice %arg24[%add3A_290, %dma_start3A_325] : memref<10240x128xf32, #tpu.memory_space<vmem_shared>> -> memref<32x128xf32, #tpu.memory_space<vmem_shared>>
      %dma_start3A_327 = arith.constant 0 : i32
      %dma_start3A_328 = tpu.memref_slice %arg24[%add3A_290, %dma_start3A_327] : memref<10240x128xf32, #tpu.memory_space<vmem_shared>> -> memref<32x128xf32, #tpu.memory_space<vmem_shared>>
      tpu.enqueue_dma source(%dma_start3A_328 : memref<32x128xf32, #tpu.memory_space<vmem_shared>>) target(%arg23 : memref<32x128xf32, #tpu.memory_space<vmem>>) target_semaphore(%run_scoped3A : memref<!tpu.dma_semaphore, #tpu.memory_space<semaphore_mem>>)
      %dma_wait3A_329 = arith.constant 0 : i32
      %dma_wait3A_330 = tpu.memref_slice %arg24[%add3A_290, %dma_wait3A_329] : memref<10240x128xf32, #tpu.memory_space<vmem_shared>> -> memref<32x128xf32, #tpu.memory_space<vmem_shared>>
      %dma_wait3A_331 = arith.constant 0 : i32
      %dma_wait3A_332 = tpu.memref_slice %arg24[%add3A_290, %dma_wait3A_331] : memref<10240x128xf32, #tpu.memory_space<vmem_shared>> -> memref<32x128xf32, #tpu.memory_space<vmem_shared>>
      tpu.wait_dma2 semaphore(%run_scoped3A : memref<!tpu.dma_semaphore, #tpu.memory_space<semaphore_mem>>) src(%dma_wait3A_332 : memref<32x128xf32, #tpu.memory_space<vmem_shared>>) dst(%arg23 : memref<32x128xf32, #tpu.memory_space<vmem>>)
      tpu.yield
    }) : () -> ()
    "tpu.region"() ({
      %run_scoped3A = tpu.sem_alloc : memref<!tpu.dma_semaphore, #tpu.memory_space<semaphore_mem>>
      %dma_start3A_325 = arith.constant 0 : i32
      %dma_start3A_326 = tpu.memref_slice %arg6[%arg0, %add3A_290, %dma_start3A_325] : memref<2x10240x128xf32, #tpu.memory_space<hbm>> -> memref<1x32x128xf32, #tpu.memory_space<hbm>>
      %dma_start3A_327 = tpu.memref_squeeze %dma_start3A_326 : memref<1x32x128xf32, #tpu.memory_space<hbm>> -> memref<32x128xf32, #tpu.memory_space<hbm>>
      %dma_start3A_328 = arith.constant 0 : i32
      %dma_start3A_329 = tpu.memref_slice %arg6[%arg0, %add3A_290, %dma_start3A_328] : memref<2x10240x128xf32, #tpu.memory_space<hbm>> -> memref<1x32x128xf32, #tpu.memory_space<hbm>>
      %dma_start3A_330 = tpu.memref_squeeze %dma_start3A_329 : memref<1x32x128xf32, #tpu.memory_space<hbm>> -> memref<32x128xf32, #tpu.memory_space<hbm>>
      tpu.enqueue_dma source(%arg23 : memref<32x128xf32, #tpu.memory_space<vmem>>) target(%dma_start3A_330 : memref<32x128xf32, #tpu.memory_space<hbm>>) target_semaphore(%run_scoped3A : memref<!tpu.dma_semaphore, #tpu.memory_space<semaphore_mem>>)
      %dma_wait3A_331 = arith.constant 0 : i32
      %dma_wait3A_332 = tpu.memref_slice %arg6[%arg0, %add3A_290, %dma_wait3A_331] : memref<2x10240x128xf32, #tpu.memory_space<hbm>> -> memref<1x32x128xf32, #tpu.memory_space<hbm>>
      %dma_wait3A_333 = tpu.memref_squeeze %dma_wait3A_332 : memref<1x32x128xf32, #tpu.memory_space<hbm>> -> memref<32x128xf32, #tpu.memory_space<hbm>>
      %dma_wait3A_334 = arith.constant 0 : i32
      %dma_wait3A_335 = tpu.memref_slice %arg6[%arg0, %add3A_290, %dma_wait3A_334] : memref<2x10240x128xf32, #tpu.memory_space<hbm>> -> memref<1x32x128xf32, #tpu.memory_space<hbm>>
      %dma_wait3A_336 = tpu.memref_squeeze %dma_wait3A_335 : memref<1x32x128xf32, #tpu.memory_space<hbm>> -> memref<32x128xf32, #tpu.memory_space<hbm>>
      tpu.wait_dma2 semaphore(%run_scoped3A : memref<!tpu.dma_semaphore, #tpu.memory_space<semaphore_mem>>) src(%arg23 : memref<32x128xf32, #tpu.memory_space<vmem>>) dst(%dma_wait3A_336 : memref<32x128xf32, #tpu.memory_space<hbm>>)
      tpu.yield
    }) : () -> ()
    %add3A_291 = arith.constant 96 : i32
    %add3A_292 = arith.addi %mul3A_6, %add3A_291 : i32
    "tpu.region"() ({
      %run_scoped3A = tpu.sem_alloc : memref<!tpu.dma_semaphore, #tpu.memory_space<semaphore_mem>>
      %dma_start3A_325 = arith.constant 0 : i32
      %dma_start3A_326 = tpu.memref_slice %arg24[%add3A_292, %dma_start3A_325] : memref<10240x128xf32, #tpu.memory_space<vmem_shared>> -> memref<32x128xf32, #tpu.memory_space<vmem_shared>>
      %dma_start3A_327 = arith.constant 0 : i32
      %dma_start3A_328 = tpu.memref_slice %arg24[%add3A_292, %dma_start3A_327] : memref<10240x128xf32, #tpu.memory_space<vmem_shared>> -> memref<32x128xf32, #tpu.memory_space<vmem_shared>>
      tpu.enqueue_dma source(%dma_start3A_328 : memref<32x128xf32, #tpu.memory_space<vmem_shared>>) target(%arg23 : memref<32x128xf32, #tpu.memory_space<vmem>>) target_semaphore(%run_scoped3A : memref<!tpu.dma_semaphore, #tpu.memory_space<semaphore_mem>>)
      %dma_wait3A_329 = arith.constant 0 : i32
      %dma_wait3A_330 = tpu.memref_slice %arg24[%add3A_292, %dma_wait3A_329] : memref<10240x128xf32, #tpu.memory_space<vmem_shared>> -> memref<32x128xf32, #tpu.memory_space<vmem_shared>>
      %dma_wait3A_331 = arith.constant 0 : i32
      %dma_wait3A_332 = tpu.memref_slice %arg24[%add3A_292, %dma_wait3A_331] : memref<10240x128xf32, #tpu.memory_space<vmem_shared>> -> memref<32x128xf32, #tpu.memory_space<vmem_shared>>
      tpu.wait_dma2 semaphore(%run_scoped3A : memref<!tpu.dma_semaphore, #tpu.memory_space<semaphore_mem>>) src(%dma_wait3A_332 : memref<32x128xf32, #tpu.memory_space<vmem_shared>>) dst(%arg23 : memref<32x128xf32, #tpu.memory_space<vmem>>)
      tpu.yield
    }) : () -> ()
    "tpu.region"() ({
      %run_scoped3A = tpu.sem_alloc : memref<!tpu.dma_semaphore, #tpu.memory_space<semaphore_mem>>
      %dma_start3A_325 = arith.constant 0 : i32
      %dma_start3A_326 = tpu.memref_slice %arg6[%arg0, %add3A_292, %dma_start3A_325] : memref<2x10240x128xf32, #tpu.memory_space<hbm>> -> memref<1x32x128xf32, #tpu.memory_space<hbm>>
      %dma_start3A_327 = tpu.memref_squeeze %dma_start3A_326 : memref<1x32x128xf32, #tpu.memory_space<hbm>> -> memref<32x128xf32, #tpu.memory_space<hbm>>
      %dma_start3A_328 = arith.constant 0 : i32
      %dma_start3A_329 = tpu.memref_slice %arg6[%arg0, %add3A_292, %dma_start3A_328] : memref<2x10240x128xf32, #tpu.memory_space<hbm>> -> memref<1x32x128xf32, #tpu.memory_space<hbm>>
      %dma_start3A_330 = tpu.memref_squeeze %dma_start3A_329 : memref<1x32x128xf32, #tpu.memory_space<hbm>> -> memref<32x128xf32, #tpu.memory_space<hbm>>
      tpu.enqueue_dma source(%arg23 : memref<32x128xf32, #tpu.memory_space<vmem>>) target(%dma_start3A_330 : memref<32x128xf32, #tpu.memory_space<hbm>>) target_semaphore(%run_scoped3A : memref<!tpu.dma_semaphore, #tpu.memory_space<semaphore_mem>>)
      %dma_wait3A_331 = arith.constant 0 : i32
      %dma_wait3A_332 = tpu.memref_slice %arg6[%arg0, %add3A_292, %dma_wait3A_331] : memref<2x10240x128xf32, #tpu.memory_space<hbm>> -> memref<1x32x128xf32, #tpu.memory_space<hbm>>
      %dma_wait3A_333 = tpu.memref_squeeze %dma_wait3A_332 : memref<1x32x128xf32, #tpu.memory_space<hbm>> -> memref<32x128xf32, #tpu.memory_space<hbm>>
      %dma_wait3A_334 = arith.constant 0 : i32
      %dma_wait3A_335 = tpu.memref_slice %arg6[%arg0, %add3A_292, %dma_wait3A_334] : memref<2x10240x128xf32, #tpu.memory_space<hbm>> -> memref<1x32x128xf32, #tpu.memory_space<hbm>>
      %dma_wait3A_336 = tpu.memref_squeeze %dma_wait3A_335 : memref<1x32x128xf32, #tpu.memory_space<hbm>> -> memref<32x128xf32, #tpu.memory_space<hbm>>
      tpu.wait_dma2 semaphore(%run_scoped3A : memref<!tpu.dma_semaphore, #tpu.memory_space<semaphore_mem>>) src(%arg23 : memref<32x128xf32, #tpu.memory_space<vmem>>) dst(%dma_wait3A_336 : memref<32x128xf32, #tpu.memory_space<hbm>>)
      tpu.yield
    }) : () -> ()
    %add3A_293 = arith.constant 128 : i32
    %add3A_294 = arith.addi %mul3A_6, %add3A_293 : i32
    "tpu.region"() ({
      %run_scoped3A = tpu.sem_alloc : memref<!tpu.dma_semaphore, #tpu.memory_space<semaphore_mem>>
      %dma_start3A_325 = arith.constant 0 : i32
      %dma_start3A_326 = tpu.memref_slice %arg24[%add3A_294, %dma_start3A_325] : memref<10240x128xf32, #tpu.memory_space<vmem_shared>> -> memref<32x128xf32, #tpu.memory_space<vmem_shared>>
      %dma_start3A_327 = arith.constant 0 : i32
      %dma_start3A_328 = tpu.memref_slice %arg24[%add3A_294, %dma_start3A_327] : memref<10240x128xf32, #tpu.memory_space<vmem_shared>> -> memref<32x128xf32, #tpu.memory_space<vmem_shared>>
      tpu.enqueue_dma source(%dma_start3A_328 : memref<32x128xf32, #tpu.memory_space<vmem_shared>>) target(%arg23 : memref<32x128xf32, #tpu.memory_space<vmem>>) target_semaphore(%run_scoped3A : memref<!tpu.dma_semaphore, #tpu.memory_space<semaphore_mem>>)
      %dma_wait3A_329 = arith.constant 0 : i32
      %dma_wait3A_330 = tpu.memref_slice %arg24[%add3A_294, %dma_wait3A_329] : memref<10240x128xf32, #tpu.memory_space<vmem_shared>> -> memref<32x128xf32, #tpu.memory_space<vmem_shared>>
      %dma_wait3A_331 = arith.constant 0 : i32
      %dma_wait3A_332 = tpu.memref_slice %arg24[%add3A_294, %dma_wait3A_331] : memref<10240x128xf32, #tpu.memory_space<vmem_shared>> -> memref<32x128xf32, #tpu.memory_space<vmem_shared>>
      tpu.wait_dma2 semaphore(%run_scoped3A : memref<!tpu.dma_semaphore, #tpu.memory_space<semaphore_mem>>) src(%dma_wait3A_332 : memref<32x128xf32, #tpu.memory_space<vmem_shared>>) dst(%arg23 : memref<32x128xf32, #tpu.memory_space<vmem>>)
      tpu.yield
    }) : () -> ()
    "tpu.region"() ({
      %run_scoped3A = tpu.sem_alloc : memref<!tpu.dma_semaphore, #tpu.memory_space<semaphore_mem>>
      %dma_start3A_325 = arith.constant 0 : i32
      %dma_start3A_326 = tpu.memref_slice %arg6[%arg0, %add3A_294, %dma_start3A_325] : memref<2x10240x128xf32, #tpu.memory_space<hbm>> -> memref<1x32x128xf32, #tpu.memory_space<hbm>>
      %dma_start3A_327 = tpu.memref_squeeze %dma_start3A_326 : memref<1x32x128xf32, #tpu.memory_space<hbm>> -> memref<32x128xf32, #tpu.memory_space<hbm>>
      %dma_start3A_328 = arith.constant 0 : i32
      %dma_start3A_329 = tpu.memref_slice %arg6[%arg0, %add3A_294, %dma_start3A_328] : memref<2x10240x128xf32, #tpu.memory_space<hbm>> -> memref<1x32x128xf32, #tpu.memory_space<hbm>>
      %dma_start3A_330 = tpu.memref_squeeze %dma_start3A_329 : memref<1x32x128xf32, #tpu.memory_space<hbm>> -> memref<32x128xf32, #tpu.memory_space<hbm>>
      tpu.enqueue_dma source(%arg23 : memref<32x128xf32, #tpu.memory_space<vmem>>) target(%dma_start3A_330 : memref<32x128xf32, #tpu.memory_space<hbm>>) target_semaphore(%run_scoped3A : memref<!tpu.dma_semaphore, #tpu.memory_space<semaphore_mem>>)
      %dma_wait3A_331 = arith.constant 0 : i32
      %dma_wait3A_332 = tpu.memref_slice %arg6[%arg0, %add3A_294, %dma_wait3A_331] : memref<2x10240x128xf32, #tpu.memory_space<hbm>> -> memref<1x32x128xf32, #tpu.memory_space<hbm>>
      %dma_wait3A_333 = tpu.memref_squeeze %dma_wait3A_332 : memref<1x32x128xf32, #tpu.memory_space<hbm>> -> memref<32x128xf32, #tpu.memory_space<hbm>>
      %dma_wait3A_334 = arith.constant 0 : i32
      %dma_wait3A_335 = tpu.memref_slice %arg6[%arg0, %add3A_294, %dma_wait3A_334] : memref<2x10240x128xf32, #tpu.memory_space<hbm>> -> memref<1x32x128xf32, #tpu.memory_space<hbm>>
      %dma_wait3A_336 = tpu.memref_squeeze %dma_wait3A_335 : memref<1x32x128xf32, #tpu.memory_space<hbm>> -> memref<32x128xf32, #tpu.memory_space<hbm>>
      tpu.wait_dma2 semaphore(%run_scoped3A : memref<!tpu.dma_semaphore, #tpu.memory_space<semaphore_mem>>) src(%arg23 : memref<32x128xf32, #tpu.memory_space<vmem>>) dst(%dma_wait3A_336 : memref<32x128xf32, #tpu.memory_space<hbm>>)
      tpu.yield
    }) : () -> ()
    %add3A_295 = arith.constant 160 : i32
    %add3A_296 = arith.addi %mul3A_6, %add3A_295 : i32
    "tpu.region"() ({
      %run_scoped3A = tpu.sem_alloc : memref<!tpu.dma_semaphore, #tpu.memory_space<semaphore_mem>>
      %dma_start3A_325 = arith.constant 0 : i32
      %dma_start3A_326 = tpu.memref_slice %arg24[%add3A_296, %dma_start3A_325] : memref<10240x128xf32, #tpu.memory_space<vmem_shared>> -> memref<32x128xf32, #tpu.memory_space<vmem_shared>>
      %dma_start3A_327 = arith.constant 0 : i32
      %dma_start3A_328 = tpu.memref_slice %arg24[%add3A_296, %dma_start3A_327] : memref<10240x128xf32, #tpu.memory_space<vmem_shared>> -> memref<32x128xf32, #tpu.memory_space<vmem_shared>>
      tpu.enqueue_dma source(%dma_start3A_328 : memref<32x128xf32, #tpu.memory_space<vmem_shared>>) target(%arg23 : memref<32x128xf32, #tpu.memory_space<vmem>>) target_semaphore(%run_scoped3A : memref<!tpu.dma_semaphore, #tpu.memory_space<semaphore_mem>>)
      %dma_wait3A_329 = arith.constant 0 : i32
      %dma_wait3A_330 = tpu.memref_slice %arg24[%add3A_296, %dma_wait3A_329] : memref<10240x128xf32, #tpu.memory_space<vmem_shared>> -> memref<32x128xf32, #tpu.memory_space<vmem_shared>>
      %dma_wait3A_331 = arith.constant 0 : i32
      %dma_wait3A_332 = tpu.memref_slice %arg24[%add3A_296, %dma_wait3A_331] : memref<10240x128xf32, #tpu.memory_space<vmem_shared>> -> memref<32x128xf32, #tpu.memory_space<vmem_shared>>
      tpu.wait_dma2 semaphore(%run_scoped3A : memref<!tpu.dma_semaphore, #tpu.memory_space<semaphore_mem>>) src(%dma_wait3A_332 : memref<32x128xf32, #tpu.memory_space<vmem_shared>>) dst(%arg23 : memref<32x128xf32, #tpu.memory_space<vmem>>)
      tpu.yield
    }) : () -> ()
    "tpu.region"() ({
      %run_scoped3A = tpu.sem_alloc : memref<!tpu.dma_semaphore, #tpu.memory_space<semaphore_mem>>
      %dma_start3A_325 = arith.constant 0 : i32
      %dma_start3A_326 = tpu.memref_slice %arg6[%arg0, %add3A_296, %dma_start3A_325] : memref<2x10240x128xf32, #tpu.memory_space<hbm>> -> memref<1x32x128xf32, #tpu.memory_space<hbm>>
      %dma_start3A_327 = tpu.memref_squeeze %dma_start3A_326 : memref<1x32x128xf32, #tpu.memory_space<hbm>> -> memref<32x128xf32, #tpu.memory_space<hbm>>
      %dma_start3A_328 = arith.constant 0 : i32
      %dma_start3A_329 = tpu.memref_slice %arg6[%arg0, %add3A_296, %dma_start3A_328] : memref<2x10240x128xf32, #tpu.memory_space<hbm>> -> memref<1x32x128xf32, #tpu.memory_space<hbm>>
      %dma_start3A_330 = tpu.memref_squeeze %dma_start3A_329 : memref<1x32x128xf32, #tpu.memory_space<hbm>> -> memref<32x128xf32, #tpu.memory_space<hbm>>
      tpu.enqueue_dma source(%arg23 : memref<32x128xf32, #tpu.memory_space<vmem>>) target(%dma_start3A_330 : memref<32x128xf32, #tpu.memory_space<hbm>>) target_semaphore(%run_scoped3A : memref<!tpu.dma_semaphore, #tpu.memory_space<semaphore_mem>>)
      %dma_wait3A_331 = arith.constant 0 : i32
      %dma_wait3A_332 = tpu.memref_slice %arg6[%arg0, %add3A_296, %dma_wait3A_331] : memref<2x10240x128xf32, #tpu.memory_space<hbm>> -> memref<1x32x128xf32, #tpu.memory_space<hbm>>
      %dma_wait3A_333 = tpu.memref_squeeze %dma_wait3A_332 : memref<1x32x128xf32, #tpu.memory_space<hbm>> -> memref<32x128xf32, #tpu.memory_space<hbm>>
      %dma_wait3A_334 = arith.constant 0 : i32
      %dma_wait3A_335 = tpu.memref_slice %arg6[%arg0, %add3A_296, %dma_wait3A_334] : memref<2x10240x128xf32, #tpu.memory_space<hbm>> -> memref<1x32x128xf32, #tpu.memory_space<hbm>>
      %dma_wait3A_336 = tpu.memref_squeeze %dma_wait3A_335 : memref<1x32x128xf32, #tpu.memory_space<hbm>> -> memref<32x128xf32, #tpu.memory_space<hbm>>
      tpu.wait_dma2 semaphore(%run_scoped3A : memref<!tpu.dma_semaphore, #tpu.memory_space<semaphore_mem>>) src(%arg23 : memref<32x128xf32, #tpu.memory_space<vmem>>) dst(%dma_wait3A_336 : memref<32x128xf32, #tpu.memory_space<hbm>>)
      tpu.yield
    }) : () -> ()
    %add3A_297 = arith.constant 192 : i32
    %add3A_298 = arith.addi %mul3A_6, %add3A_297 : i32
    "tpu.region"() ({
      %run_scoped3A = tpu.sem_alloc : memref<!tpu.dma_semaphore, #tpu.memory_space<semaphore_mem>>
      %dma_start3A_325 = arith.constant 0 : i32
      %dma_start3A_326 = tpu.memref_slice %arg24[%add3A_298, %dma_start3A_325] : memref<10240x128xf32, #tpu.memory_space<vmem_shared>> -> memref<32x128xf32, #tpu.memory_space<vmem_shared>>
      %dma_start3A_327 = arith.constant 0 : i32
      %dma_start3A_328 = tpu.memref_slice %arg24[%add3A_298, %dma_start3A_327] : memref<10240x128xf32, #tpu.memory_space<vmem_shared>> -> memref<32x128xf32, #tpu.memory_space<vmem_shared>>
      tpu.enqueue_dma source(%dma_start3A_328 : memref<32x128xf32, #tpu.memory_space<vmem_shared>>) target(%arg23 : memref<32x128xf32, #tpu.memory_space<vmem>>) target_semaphore(%run_scoped3A : memref<!tpu.dma_semaphore, #tpu.memory_space<semaphore_mem>>)
      %dma_wait3A_329 = arith.constant 0 : i32
      %dma_wait3A_330 = tpu.memref_slice %arg24[%add3A_298, %dma_wait3A_329] : memref<10240x128xf32, #tpu.memory_space<vmem_shared>> -> memref<32x128xf32, #tpu.memory_space<vmem_shared>>
      %dma_wait3A_331 = arith.constant 0 : i32
      %dma_wait3A_332 = tpu.memref_slice %arg24[%add3A_298, %dma_wait3A_331] : memref<10240x128xf32, #tpu.memory_space<vmem_shared>> -> memref<32x128xf32, #tpu.memory_space<vmem_shared>>
      tpu.wait_dma2 semaphore(%run_scoped3A : memref<!tpu.dma_semaphore, #tpu.memory_space<semaphore_mem>>) src(%dma_wait3A_332 : memref<32x128xf32, #tpu.memory_space<vmem_shared>>) dst(%arg23 : memref<32x128xf32, #tpu.memory_space<vmem>>)
      tpu.yield
    }) : () -> ()
    "tpu.region"() ({
      %run_scoped3A = tpu.sem_alloc : memref<!tpu.dma_semaphore, #tpu.memory_space<semaphore_mem>>
      %dma_start3A_325 = arith.constant 0 : i32
      %dma_start3A_326 = tpu.memref_slice %arg6[%arg0, %add3A_298, %dma_start3A_325] : memref<2x10240x128xf32, #tpu.memory_space<hbm>> -> memref<1x32x128xf32, #tpu.memory_space<hbm>>
      %dma_start3A_327 = tpu.memref_squeeze %dma_start3A_326 : memref<1x32x128xf32, #tpu.memory_space<hbm>> -> memref<32x128xf32, #tpu.memory_space<hbm>>
      %dma_start3A_328 = arith.constant 0 : i32
      %dma_start3A_329 = tpu.memref_slice %arg6[%arg0, %add3A_298, %dma_start3A_328] : memref<2x10240x128xf32, #tpu.memory_space<hbm>> -> memref<1x32x128xf32, #tpu.memory_space<hbm>>
      %dma_start3A_330 = tpu.memref_squeeze %dma_start3A_329 : memref<1x32x128xf32, #tpu.memory_space<hbm>> -> memref<32x128xf32, #tpu.memory_space<hbm>>
      tpu.enqueue_dma source(%arg23 : memref<32x128xf32, #tpu.memory_space<vmem>>) target(%dma_start3A_330 : memref<32x128xf32, #tpu.memory_space<hbm>>) target_semaphore(%run_scoped3A : memref<!tpu.dma_semaphore, #tpu.memory_space<semaphore_mem>>)
      %dma_wait3A_331 = arith.constant 0 : i32
      %dma_wait3A_332 = tpu.memref_slice %arg6[%arg0, %add3A_298, %dma_wait3A_331] : memref<2x10240x128xf32, #tpu.memory_space<hbm>> -> memref<1x32x128xf32, #tpu.memory_space<hbm>>
      %dma_wait3A_333 = tpu.memref_squeeze %dma_wait3A_332 : memref<1x32x128xf32, #tpu.memory_space<hbm>> -> memref<32x128xf32, #tpu.memory_space<hbm>>
      %dma_wait3A_334 = arith.constant 0 : i32
      %dma_wait3A_335 = tpu.memref_slice %arg6[%arg0, %add3A_298, %dma_wait3A_334] : memref<2x10240x128xf32, #tpu.memory_space<hbm>> -> memref<1x32x128xf32, #tpu.memory_space<hbm>>
      %dma_wait3A_336 = tpu.memref_squeeze %dma_wait3A_335 : memref<1x32x128xf32, #tpu.memory_space<hbm>> -> memref<32x128xf32, #tpu.memory_space<hbm>>
      tpu.wait_dma2 semaphore(%run_scoped3A : memref<!tpu.dma_semaphore, #tpu.memory_space<semaphore_mem>>) src(%arg23 : memref<32x128xf32, #tpu.memory_space<vmem>>) dst(%dma_wait3A_336 : memref<32x128xf32, #tpu.memory_space<hbm>>)
      tpu.yield
    }) : () -> ()
    %add3A_299 = arith.constant 224 : i32
    %add3A_300 = arith.addi %mul3A_6, %add3A_299 : i32
    "tpu.region"() ({
      %run_scoped3A = tpu.sem_alloc : memref<!tpu.dma_semaphore, #tpu.memory_space<semaphore_mem>>
      %dma_start3A_325 = arith.constant 0 : i32
      %dma_start3A_326 = tpu.memref_slice %arg24[%add3A_300, %dma_start3A_325] : memref<10240x128xf32, #tpu.memory_space<vmem_shared>> -> memref<32x128xf32, #tpu.memory_space<vmem_shared>>
      %dma_start3A_327 = arith.constant 0 : i32
      %dma_start3A_328 = tpu.memref_slice %arg24[%add3A_300, %dma_start3A_327] : memref<10240x128xf32, #tpu.memory_space<vmem_shared>> -> memref<32x128xf32, #tpu.memory_space<vmem_shared>>
      tpu.enqueue_dma source(%dma_start3A_328 : memref<32x128xf32, #tpu.memory_space<vmem_shared>>) target(%arg23 : memref<32x128xf32, #tpu.memory_space<vmem>>) target_semaphore(%run_scoped3A : memref<!tpu.dma_semaphore, #tpu.memory_space<semaphore_mem>>)
      %dma_wait3A_329 = arith.constant 0 : i32
      %dma_wait3A_330 = tpu.memref_slice %arg24[%add3A_300, %dma_wait3A_329] : memref<10240x128xf32, #tpu.memory_space<vmem_shared>> -> memref<32x128xf32, #tpu.memory_space<vmem_shared>>
      %dma_wait3A_331 = arith.constant 0 : i32
      %dma_wait3A_332 = tpu.memref_slice %arg24[%add3A_300, %dma_wait3A_331] : memref<10240x128xf32, #tpu.memory_space<vmem_shared>> -> memref<32x128xf32, #tpu.memory_space<vmem_shared>>
      tpu.wait_dma2 semaphore(%run_scoped3A : memref<!tpu.dma_semaphore, #tpu.memory_space<semaphore_mem>>) src(%dma_wait3A_332 : memref<32x128xf32, #tpu.memory_space<vmem_shared>>) dst(%arg23 : memref<32x128xf32, #tpu.memory_space<vmem>>)
      tpu.yield
    }) : () -> ()
    "tpu.region"() ({
      %run_scoped3A = tpu.sem_alloc : memref<!tpu.dma_semaphore, #tpu.memory_space<semaphore_mem>>
      %dma_start3A_325 = arith.constant 0 : i32
      %dma_start3A_326 = tpu.memref_slice %arg6[%arg0, %add3A_300, %dma_start3A_325] : memref<2x10240x128xf32, #tpu.memory_space<hbm>> -> memref<1x32x128xf32, #tpu.memory_space<hbm>>
      %dma_start3A_327 = tpu.memref_squeeze %dma_start3A_326 : memref<1x32x128xf32, #tpu.memory_space<hbm>> -> memref<32x128xf32, #tpu.memory_space<hbm>>
      %dma_start3A_328 = arith.constant 0 : i32
      %dma_start3A_329 = tpu.memref_slice %arg6[%arg0, %add3A_300, %dma_start3A_328] : memref<2x10240x128xf32, #tpu.memory_space<hbm>> -> memref<1x32x128xf32, #tpu.memory_space<hbm>>
      %dma_start3A_330 = tpu.memref_squeeze %dma_start3A_329 : memref<1x32x128xf32, #tpu.memory_space<hbm>> -> memref<32x128xf32, #tpu.memory_space<hbm>>
      tpu.enqueue_dma source(%arg23 : memref<32x128xf32, #tpu.memory_space<vmem>>) target(%dma_start3A_330 : memref<32x128xf32, #tpu.memory_space<hbm>>) target_semaphore(%run_scoped3A : memref<!tpu.dma_semaphore, #tpu.memory_space<semaphore_mem>>)
      %dma_wait3A_331 = arith.constant 0 : i32
      %dma_wait3A_332 = tpu.memref_slice %arg6[%arg0, %add3A_300, %dma_wait3A_331] : memref<2x10240x128xf32, #tpu.memory_space<hbm>> -> memref<1x32x128xf32, #tpu.memory_space<hbm>>
      %dma_wait3A_333 = tpu.memref_squeeze %dma_wait3A_332 : memref<1x32x128xf32, #tpu.memory_space<hbm>> -> memref<32x128xf32, #tpu.memory_space<hbm>>
      %dma_wait3A_334 = arith.constant 0 : i32
      %dma_wait3A_335 = tpu.memref_slice %arg6[%arg0, %add3A_300, %dma_wait3A_334] : memref<2x10240x128xf32, #tpu.memory_space<hbm>> -> memref<1x32x128xf32, #tpu.memory_space<hbm>>
      %dma_wait3A_336 = tpu.memref_squeeze %dma_wait3A_335 : memref<1x32x128xf32, #tpu.memory_space<hbm>> -> memref<32x128xf32, #tpu.memory_space<hbm>>
      tpu.wait_dma2 semaphore(%run_scoped3A : memref<!tpu.dma_semaphore, #tpu.memory_space<semaphore_mem>>) src(%arg23 : memref<32x128xf32, #tpu.memory_space<vmem>>) dst(%dma_wait3A_336 : memref<32x128xf32, #tpu.memory_space<hbm>>)
      tpu.yield
    }) : () -> ()
    %add3A_301 = arith.constant 256 : i32
    %add3A_302 = arith.addi %mul3A_6, %add3A_301 : i32
    "tpu.region"() ({
      %run_scoped3A = tpu.sem_alloc : memref<!tpu.dma_semaphore, #tpu.memory_space<semaphore_mem>>
      %dma_start3A_325 = arith.constant 0 : i32
      %dma_start3A_326 = tpu.memref_slice %arg24[%add3A_302, %dma_start3A_325] : memref<10240x128xf32, #tpu.memory_space<vmem_shared>> -> memref<32x128xf32, #tpu.memory_space<vmem_shared>>
      %dma_start3A_327 = arith.constant 0 : i32
      %dma_start3A_328 = tpu.memref_slice %arg24[%add3A_302, %dma_start3A_327] : memref<10240x128xf32, #tpu.memory_space<vmem_shared>> -> memref<32x128xf32, #tpu.memory_space<vmem_shared>>
      tpu.enqueue_dma source(%dma_start3A_328 : memref<32x128xf32, #tpu.memory_space<vmem_shared>>) target(%arg23 : memref<32x128xf32, #tpu.memory_space<vmem>>) target_semaphore(%run_scoped3A : memref<!tpu.dma_semaphore, #tpu.memory_space<semaphore_mem>>)
      %dma_wait3A_329 = arith.constant 0 : i32
      %dma_wait3A_330 = tpu.memref_slice %arg24[%add3A_302, %dma_wait3A_329] : memref<10240x128xf32, #tpu.memory_space<vmem_shared>> -> memref<32x128xf32, #tpu.memory_space<vmem_shared>>
      %dma_wait3A_331 = arith.constant 0 : i32
      %dma_wait3A_332 = tpu.memref_slice %arg24[%add3A_302, %dma_wait3A_331] : memref<10240x128xf32, #tpu.memory_space<vmem_shared>> -> memref<32x128xf32, #tpu.memory_space<vmem_shared>>
      tpu.wait_dma2 semaphore(%run_scoped3A : memref<!tpu.dma_semaphore, #tpu.memory_space<semaphore_mem>>) src(%dma_wait3A_332 : memref<32x128xf32, #tpu.memory_space<vmem_shared>>) dst(%arg23 : memref<32x128xf32, #tpu.memory_space<vmem>>)
      tpu.yield
    }) : () -> ()
    "tpu.region"() ({
      %run_scoped3A = tpu.sem_alloc : memref<!tpu.dma_semaphore, #tpu.memory_space<semaphore_mem>>
      %dma_start3A_325 = arith.constant 0 : i32
      %dma_start3A_326 = tpu.memref_slice %arg6[%arg0, %add3A_302, %dma_start3A_325] : memref<2x10240x128xf32, #tpu.memory_space<hbm>> -> memref<1x32x128xf32, #tpu.memory_space<hbm>>
      %dma_start3A_327 = tpu.memref_squeeze %dma_start3A_326 : memref<1x32x128xf32, #tpu.memory_space<hbm>> -> memref<32x128xf32, #tpu.memory_space<hbm>>
      %dma_start3A_328 = arith.constant 0 : i32
      %dma_start3A_329 = tpu.memref_slice %arg6[%arg0, %add3A_302, %dma_start3A_328] : memref<2x10240x128xf32, #tpu.memory_space<hbm>> -> memref<1x32x128xf32, #tpu.memory_space<hbm>>
      %dma_start3A_330 = tpu.memref_squeeze %dma_start3A_329 : memref<1x32x128xf32, #tpu.memory_space<hbm>> -> memref<32x128xf32, #tpu.memory_space<hbm>>
      tpu.enqueue_dma source(%arg23 : memref<32x128xf32, #tpu.memory_space<vmem>>) target(%dma_start3A_330 : memref<32x128xf32, #tpu.memory_space<hbm>>) target_semaphore(%run_scoped3A : memref<!tpu.dma_semaphore, #tpu.memory_space<semaphore_mem>>)
      %dma_wait3A_331 = arith.constant 0 : i32
      %dma_wait3A_332 = tpu.memref_slice %arg6[%arg0, %add3A_302, %dma_wait3A_331] : memref<2x10240x128xf32, #tpu.memory_space<hbm>> -> memref<1x32x128xf32, #tpu.memory_space<hbm>>
      %dma_wait3A_333 = tpu.memref_squeeze %dma_wait3A_332 : memref<1x32x128xf32, #tpu.memory_space<hbm>> -> memref<32x128xf32, #tpu.memory_space<hbm>>
      %dma_wait3A_334 = arith.constant 0 : i32
      %dma_wait3A_335 = tpu.memref_slice %arg6[%arg0, %add3A_302, %dma_wait3A_334] : memref<2x10240x128xf32, #tpu.memory_space<hbm>> -> memref<1x32x128xf32, #tpu.memory_space<hbm>>
      %dma_wait3A_336 = tpu.memref_squeeze %dma_wait3A_335 : memref<1x32x128xf32, #tpu.memory_space<hbm>> -> memref<32x128xf32, #tpu.memory_space<hbm>>
      tpu.wait_dma2 semaphore(%run_scoped3A : memref<!tpu.dma_semaphore, #tpu.memory_space<semaphore_mem>>) src(%arg23 : memref<32x128xf32, #tpu.memory_space<vmem>>) dst(%dma_wait3A_336 : memref<32x128xf32, #tpu.memory_space<hbm>>)
      tpu.yield
    }) : () -> ()
    %add3A_303 = arith.constant 288 : i32
    %add3A_304 = arith.addi %mul3A_6, %add3A_303 : i32
    "tpu.region"() ({
      %run_scoped3A = tpu.sem_alloc : memref<!tpu.dma_semaphore, #tpu.memory_space<semaphore_mem>>
      %dma_start3A_325 = arith.constant 0 : i32
      %dma_start3A_326 = tpu.memref_slice %arg24[%add3A_304, %dma_start3A_325] : memref<10240x128xf32, #tpu.memory_space<vmem_shared>> -> memref<32x128xf32, #tpu.memory_space<vmem_shared>>
      %dma_start3A_327 = arith.constant 0 : i32
      %dma_start3A_328 = tpu.memref_slice %arg24[%add3A_304, %dma_start3A_327] : memref<10240x128xf32, #tpu.memory_space<vmem_shared>> -> memref<32x128xf32, #tpu.memory_space<vmem_shared>>
      tpu.enqueue_dma source(%dma_start3A_328 : memref<32x128xf32, #tpu.memory_space<vmem_shared>>) target(%arg23 : memref<32x128xf32, #tpu.memory_space<vmem>>) target_semaphore(%run_scoped3A : memref<!tpu.dma_semaphore, #tpu.memory_space<semaphore_mem>>)
      %dma_wait3A_329 = arith.constant 0 : i32
      %dma_wait3A_330 = tpu.memref_slice %arg24[%add3A_304, %dma_wait3A_329] : memref<10240x128xf32, #tpu.memory_space<vmem_shared>> -> memref<32x128xf32, #tpu.memory_space<vmem_shared>>
      %dma_wait3A_331 = arith.constant 0 : i32
      %dma_wait3A_332 = tpu.memref_slice %arg24[%add3A_304, %dma_wait3A_331] : memref<10240x128xf32, #tpu.memory_space<vmem_shared>> -> memref<32x128xf32, #tpu.memory_space<vmem_shared>>
      tpu.wait_dma2 semaphore(%run_scoped3A : memref<!tpu.dma_semaphore, #tpu.memory_space<semaphore_mem>>) src(%dma_wait3A_332 : memref<32x128xf32, #tpu.memory_space<vmem_shared>>) dst(%arg23 : memref<32x128xf32, #tpu.memory_space<vmem>>)
      tpu.yield
    }) : () -> ()
    "tpu.region"() ({
      %run_scoped3A = tpu.sem_alloc : memref<!tpu.dma_semaphore, #tpu.memory_space<semaphore_mem>>
      %dma_start3A_325 = arith.constant 0 : i32
      %dma_start3A_326 = tpu.memref_slice %arg6[%arg0, %add3A_304, %dma_start3A_325] : memref<2x10240x128xf32, #tpu.memory_space<hbm>> -> memref<1x32x128xf32, #tpu.memory_space<hbm>>
      %dma_start3A_327 = tpu.memref_squeeze %dma_start3A_326 : memref<1x32x128xf32, #tpu.memory_space<hbm>> -> memref<32x128xf32, #tpu.memory_space<hbm>>
      %dma_start3A_328 = arith.constant 0 : i32
      %dma_start3A_329 = tpu.memref_slice %arg6[%arg0, %add3A_304, %dma_start3A_328] : memref<2x10240x128xf32, #tpu.memory_space<hbm>> -> memref<1x32x128xf32, #tpu.memory_space<hbm>>
      %dma_start3A_330 = tpu.memref_squeeze %dma_start3A_329 : memref<1x32x128xf32, #tpu.memory_space<hbm>> -> memref<32x128xf32, #tpu.memory_space<hbm>>
      tpu.enqueue_dma source(%arg23 : memref<32x128xf32, #tpu.memory_space<vmem>>) target(%dma_start3A_330 : memref<32x128xf32, #tpu.memory_space<hbm>>) target_semaphore(%run_scoped3A : memref<!tpu.dma_semaphore, #tpu.memory_space<semaphore_mem>>)
      %dma_wait3A_331 = arith.constant 0 : i32
      %dma_wait3A_332 = tpu.memref_slice %arg6[%arg0, %add3A_304, %dma_wait3A_331] : memref<2x10240x128xf32, #tpu.memory_space<hbm>> -> memref<1x32x128xf32, #tpu.memory_space<hbm>>
      %dma_wait3A_333 = tpu.memref_squeeze %dma_wait3A_332 : memref<1x32x128xf32, #tpu.memory_space<hbm>> -> memref<32x128xf32, #tpu.memory_space<hbm>>
      %dma_wait3A_334 = arith.constant 0 : i32
      %dma_wait3A_335 = tpu.memref_slice %arg6[%arg0, %add3A_304, %dma_wait3A_334] : memref<2x10240x128xf32, #tpu.memory_space<hbm>> -> memref<1x32x128xf32, #tpu.memory_space<hbm>>
      %dma_wait3A_336 = tpu.memref_squeeze %dma_wait3A_335 : memref<1x32x128xf32, #tpu.memory_space<hbm>> -> memref<32x128xf32, #tpu.memory_space<hbm>>
      tpu.wait_dma2 semaphore(%run_scoped3A : memref<!tpu.dma_semaphore, #tpu.memory_space<semaphore_mem>>) src(%arg23 : memref<32x128xf32, #tpu.memory_space<vmem>>) dst(%dma_wait3A_336 : memref<32x128xf32, #tpu.memory_space<hbm>>)
      tpu.yield
    }) : () -> ()
    %add3A_305 = arith.constant 320 : i32
    %add3A_306 = arith.addi %mul3A_6, %add3A_305 : i32
    "tpu.region"() ({
      %run_scoped3A = tpu.sem_alloc : memref<!tpu.dma_semaphore, #tpu.memory_space<semaphore_mem>>
      %dma_start3A_325 = arith.constant 0 : i32
      %dma_start3A_326 = tpu.memref_slice %arg24[%add3A_306, %dma_start3A_325] : memref<10240x128xf32, #tpu.memory_space<vmem_shared>> -> memref<32x128xf32, #tpu.memory_space<vmem_shared>>
      %dma_start3A_327 = arith.constant 0 : i32
      %dma_start3A_328 = tpu.memref_slice %arg24[%add3A_306, %dma_start3A_327] : memref<10240x128xf32, #tpu.memory_space<vmem_shared>> -> memref<32x128xf32, #tpu.memory_space<vmem_shared>>
      tpu.enqueue_dma source(%dma_start3A_328 : memref<32x128xf32, #tpu.memory_space<vmem_shared>>) target(%arg23 : memref<32x128xf32, #tpu.memory_space<vmem>>) target_semaphore(%run_scoped3A : memref<!tpu.dma_semaphore, #tpu.memory_space<semaphore_mem>>)
      %dma_wait3A_329 = arith.constant 0 : i32
      %dma_wait3A_330 = tpu.memref_slice %arg24[%add3A_306, %dma_wait3A_329] : memref<10240x128xf32, #tpu.memory_space<vmem_shared>> -> memref<32x128xf32, #tpu.memory_space<vmem_shared>>
      %dma_wait3A_331 = arith.constant 0 : i32
      %dma_wait3A_332 = tpu.memref_slice %arg24[%add3A_306, %dma_wait3A_331] : memref<10240x128xf32, #tpu.memory_space<vmem_shared>> -> memref<32x128xf32, #tpu.memory_space<vmem_shared>>
      tpu.wait_dma2 semaphore(%run_scoped3A : memref<!tpu.dma_semaphore, #tpu.memory_space<semaphore_mem>>) src(%dma_wait3A_332 : memref<32x128xf32, #tpu.memory_space<vmem_shared>>) dst(%arg23 : memref<32x128xf32, #tpu.memory_space<vmem>>)
      tpu.yield
    }) : () -> ()
    "tpu.region"() ({
      %run_scoped3A = tpu.sem_alloc : memref<!tpu.dma_semaphore, #tpu.memory_space<semaphore_mem>>
      %dma_start3A_325 = arith.constant 0 : i32
      %dma_start3A_326 = tpu.memref_slice %arg6[%arg0, %add3A_306, %dma_start3A_325] : memref<2x10240x128xf32, #tpu.memory_space<hbm>> -> memref<1x32x128xf32, #tpu.memory_space<hbm>>
      %dma_start3A_327 = tpu.memref_squeeze %dma_start3A_326 : memref<1x32x128xf32, #tpu.memory_space<hbm>> -> memref<32x128xf32, #tpu.memory_space<hbm>>
      %dma_start3A_328 = arith.constant 0 : i32
      %dma_start3A_329 = tpu.memref_slice %arg6[%arg0, %add3A_306, %dma_start3A_328] : memref<2x10240x128xf32, #tpu.memory_space<hbm>> -> memref<1x32x128xf32, #tpu.memory_space<hbm>>
      %dma_start3A_330 = tpu.memref_squeeze %dma_start3A_329 : memref<1x32x128xf32, #tpu.memory_space<hbm>> -> memref<32x128xf32, #tpu.memory_space<hbm>>
      tpu.enqueue_dma source(%arg23 : memref<32x128xf32, #tpu.memory_space<vmem>>) target(%dma_start3A_330 : memref<32x128xf32, #tpu.memory_space<hbm>>) target_semaphore(%run_scoped3A : memref<!tpu.dma_semaphore, #tpu.memory_space<semaphore_mem>>)
      %dma_wait3A_331 = arith.constant 0 : i32
      %dma_wait3A_332 = tpu.memref_slice %arg6[%arg0, %add3A_306, %dma_wait3A_331] : memref<2x10240x128xf32, #tpu.memory_space<hbm>> -> memref<1x32x128xf32, #tpu.memory_space<hbm>>
      %dma_wait3A_333 = tpu.memref_squeeze %dma_wait3A_332 : memref<1x32x128xf32, #tpu.memory_space<hbm>> -> memref<32x128xf32, #tpu.memory_space<hbm>>
      %dma_wait3A_334 = arith.constant 0 : i32
      %dma_wait3A_335 = tpu.memref_slice %arg6[%arg0, %add3A_306, %dma_wait3A_334] : memref<2x10240x128xf32, #tpu.memory_space<hbm>> -> memref<1x32x128xf32, #tpu.memory_space<hbm>>
      %dma_wait3A_336 = tpu.memref_squeeze %dma_wait3A_335 : memref<1x32x128xf32, #tpu.memory_space<hbm>> -> memref<32x128xf32, #tpu.memory_space<hbm>>
      tpu.wait_dma2 semaphore(%run_scoped3A : memref<!tpu.dma_semaphore, #tpu.memory_space<semaphore_mem>>) src(%arg23 : memref<32x128xf32, #tpu.memory_space<vmem>>) dst(%dma_wait3A_336 : memref<32x128xf32, #tpu.memory_space<hbm>>)
      tpu.yield
    }) : () -> ()
    %add3A_307 = arith.constant 352 : i32
    %add3A_308 = arith.addi %mul3A_6, %add3A_307 : i32
    "tpu.region"() ({
      %run_scoped3A = tpu.sem_alloc : memref<!tpu.dma_semaphore, #tpu.memory_space<semaphore_mem>>
      %dma_start3A_325 = arith.constant 0 : i32
      %dma_start3A_326 = tpu.memref_slice %arg24[%add3A_308, %dma_start3A_325] : memref<10240x128xf32, #tpu.memory_space<vmem_shared>> -> memref<32x128xf32, #tpu.memory_space<vmem_shared>>
      %dma_start3A_327 = arith.constant 0 : i32
      %dma_start3A_328 = tpu.memref_slice %arg24[%add3A_308, %dma_start3A_327] : memref<10240x128xf32, #tpu.memory_space<vmem_shared>> -> memref<32x128xf32, #tpu.memory_space<vmem_shared>>
      tpu.enqueue_dma source(%dma_start3A_328 : memref<32x128xf32, #tpu.memory_space<vmem_shared>>) target(%arg23 : memref<32x128xf32, #tpu.memory_space<vmem>>) target_semaphore(%run_scoped3A : memref<!tpu.dma_semaphore, #tpu.memory_space<semaphore_mem>>)
      %dma_wait3A_329 = arith.constant 0 : i32
      %dma_wait3A_330 = tpu.memref_slice %arg24[%add3A_308, %dma_wait3A_329] : memref<10240x128xf32, #tpu.memory_space<vmem_shared>> -> memref<32x128xf32, #tpu.memory_space<vmem_shared>>
      %dma_wait3A_331 = arith.constant 0 : i32
      %dma_wait3A_332 = tpu.memref_slice %arg24[%add3A_308, %dma_wait3A_331] : memref<10240x128xf32, #tpu.memory_space<vmem_shared>> -> memref<32x128xf32, #tpu.memory_space<vmem_shared>>
      tpu.wait_dma2 semaphore(%run_scoped3A : memref<!tpu.dma_semaphore, #tpu.memory_space<semaphore_mem>>) src(%dma_wait3A_332 : memref<32x128xf32, #tpu.memory_space<vmem_shared>>) dst(%arg23 : memref<32x128xf32, #tpu.memory_space<vmem>>)
      tpu.yield
    }) : () -> ()
    "tpu.region"() ({
      %run_scoped3A = tpu.sem_alloc : memref<!tpu.dma_semaphore, #tpu.memory_space<semaphore_mem>>
      %dma_start3A_325 = arith.constant 0 : i32
      %dma_start3A_326 = tpu.memref_slice %arg6[%arg0, %add3A_308, %dma_start3A_325] : memref<2x10240x128xf32, #tpu.memory_space<hbm>> -> memref<1x32x128xf32, #tpu.memory_space<hbm>>
      %dma_start3A_327 = tpu.memref_squeeze %dma_start3A_326 : memref<1x32x128xf32, #tpu.memory_space<hbm>> -> memref<32x128xf32, #tpu.memory_space<hbm>>
      %dma_start3A_328 = arith.constant 0 : i32
      %dma_start3A_329 = tpu.memref_slice %arg6[%arg0, %add3A_308, %dma_start3A_328] : memref<2x10240x128xf32, #tpu.memory_space<hbm>> -> memref<1x32x128xf32, #tpu.memory_space<hbm>>
      %dma_start3A_330 = tpu.memref_squeeze %dma_start3A_329 : memref<1x32x128xf32, #tpu.memory_space<hbm>> -> memref<32x128xf32, #tpu.memory_space<hbm>>
      tpu.enqueue_dma source(%arg23 : memref<32x128xf32, #tpu.memory_space<vmem>>) target(%dma_start3A_330 : memref<32x128xf32, #tpu.memory_space<hbm>>) target_semaphore(%run_scoped3A : memref<!tpu.dma_semaphore, #tpu.memory_space<semaphore_mem>>)
      %dma_wait3A_331 = arith.constant 0 : i32
      %dma_wait3A_332 = tpu.memref_slice %arg6[%arg0, %add3A_308, %dma_wait3A_331] : memref<2x10240x128xf32, #tpu.memory_space<hbm>> -> memref<1x32x128xf32, #tpu.memory_space<hbm>>
      %dma_wait3A_333 = tpu.memref_squeeze %dma_wait3A_332 : memref<1x32x128xf32, #tpu.memory_space<hbm>> -> memref<32x128xf32, #tpu.memory_space<hbm>>
      %dma_wait3A_334 = arith.constant 0 : i32
      %dma_wait3A_335 = tpu.memref_slice %arg6[%arg0, %add3A_308, %dma_wait3A_334] : memref<2x10240x128xf32, #tpu.memory_space<hbm>> -> memref<1x32x128xf32, #tpu.memory_space<hbm>>
      %dma_wait3A_336 = tpu.memref_squeeze %dma_wait3A_335 : memref<1x32x128xf32, #tpu.memory_space<hbm>> -> memref<32x128xf32, #tpu.memory_space<hbm>>
      tpu.wait_dma2 semaphore(%run_scoped3A : memref<!tpu.dma_semaphore, #tpu.memory_space<semaphore_mem>>) src(%arg23 : memref<32x128xf32, #tpu.memory_space<vmem>>) dst(%dma_wait3A_336 : memref<32x128xf32, #tpu.memory_space<hbm>>)
      tpu.yield
    }) : () -> ()
    %add3A_309 = arith.constant 384 : i32
    %add3A_310 = arith.addi %mul3A_6, %add3A_309 : i32
    "tpu.region"() ({
      %run_scoped3A = tpu.sem_alloc : memref<!tpu.dma_semaphore, #tpu.memory_space<semaphore_mem>>
      %dma_start3A_325 = arith.constant 0 : i32
      %dma_start3A_326 = tpu.memref_slice %arg24[%add3A_310, %dma_start3A_325] : memref<10240x128xf32, #tpu.memory_space<vmem_shared>> -> memref<32x128xf32, #tpu.memory_space<vmem_shared>>
      %dma_start3A_327 = arith.constant 0 : i32
      %dma_start3A_328 = tpu.memref_slice %arg24[%add3A_310, %dma_start3A_327] : memref<10240x128xf32, #tpu.memory_space<vmem_shared>> -> memref<32x128xf32, #tpu.memory_space<vmem_shared>>
      tpu.enqueue_dma source(%dma_start3A_328 : memref<32x128xf32, #tpu.memory_space<vmem_shared>>) target(%arg23 : memref<32x128xf32, #tpu.memory_space<vmem>>) target_semaphore(%run_scoped3A : memref<!tpu.dma_semaphore, #tpu.memory_space<semaphore_mem>>)
      %dma_wait3A_329 = arith.constant 0 : i32
      %dma_wait3A_330 = tpu.memref_slice %arg24[%add3A_310, %dma_wait3A_329] : memref<10240x128xf32, #tpu.memory_space<vmem_shared>> -> memref<32x128xf32, #tpu.memory_space<vmem_shared>>
      %dma_wait3A_331 = arith.constant 0 : i32
      %dma_wait3A_332 = tpu.memref_slice %arg24[%add3A_310, %dma_wait3A_331] : memref<10240x128xf32, #tpu.memory_space<vmem_shared>> -> memref<32x128xf32, #tpu.memory_space<vmem_shared>>
      tpu.wait_dma2 semaphore(%run_scoped3A : memref<!tpu.dma_semaphore, #tpu.memory_space<semaphore_mem>>) src(%dma_wait3A_332 : memref<32x128xf32, #tpu.memory_space<vmem_shared>>) dst(%arg23 : memref<32x128xf32, #tpu.memory_space<vmem>>)
      tpu.yield
    }) : () -> ()
    "tpu.region"() ({
      %run_scoped3A = tpu.sem_alloc : memref<!tpu.dma_semaphore, #tpu.memory_space<semaphore_mem>>
      %dma_start3A_325 = arith.constant 0 : i32
      %dma_start3A_326 = tpu.memref_slice %arg6[%arg0, %add3A_310, %dma_start3A_325] : memref<2x10240x128xf32, #tpu.memory_space<hbm>> -> memref<1x32x128xf32, #tpu.memory_space<hbm>>
      %dma_start3A_327 = tpu.memref_squeeze %dma_start3A_326 : memref<1x32x128xf32, #tpu.memory_space<hbm>> -> memref<32x128xf32, #tpu.memory_space<hbm>>
      %dma_start3A_328 = arith.constant 0 : i32
      %dma_start3A_329 = tpu.memref_slice %arg6[%arg0, %add3A_310, %dma_start3A_328] : memref<2x10240x128xf32, #tpu.memory_space<hbm>> -> memref<1x32x128xf32, #tpu.memory_space<hbm>>
      %dma_start3A_330 = tpu.memref_squeeze %dma_start3A_329 : memref<1x32x128xf32, #tpu.memory_space<hbm>> -> memref<32x128xf32, #tpu.memory_space<hbm>>
      tpu.enqueue_dma source(%arg23 : memref<32x128xf32, #tpu.memory_space<vmem>>) target(%dma_start3A_330 : memref<32x128xf32, #tpu.memory_space<hbm>>) target_semaphore(%run_scoped3A : memref<!tpu.dma_semaphore, #tpu.memory_space<semaphore_mem>>)
      %dma_wait3A_331 = arith.constant 0 : i32
      %dma_wait3A_332 = tpu.memref_slice %arg6[%arg0, %add3A_310, %dma_wait3A_331] : memref<2x10240x128xf32, #tpu.memory_space<hbm>> -> memref<1x32x128xf32, #tpu.memory_space<hbm>>
      %dma_wait3A_333 = tpu.memref_squeeze %dma_wait3A_332 : memref<1x32x128xf32, #tpu.memory_space<hbm>> -> memref<32x128xf32, #tpu.memory_space<hbm>>
      %dma_wait3A_334 = arith.constant 0 : i32
      %dma_wait3A_335 = tpu.memref_slice %arg6[%arg0, %add3A_310, %dma_wait3A_334] : memref<2x10240x128xf32, #tpu.memory_space<hbm>> -> memref<1x32x128xf32, #tpu.memory_space<hbm>>
      %dma_wait3A_336 = tpu.memref_squeeze %dma_wait3A_335 : memref<1x32x128xf32, #tpu.memory_space<hbm>> -> memref<32x128xf32, #tpu.memory_space<hbm>>
      tpu.wait_dma2 semaphore(%run_scoped3A : memref<!tpu.dma_semaphore, #tpu.memory_space<semaphore_mem>>) src(%arg23 : memref<32x128xf32, #tpu.memory_space<vmem>>) dst(%dma_wait3A_336 : memref<32x128xf32, #tpu.memory_space<hbm>>)
      tpu.yield
    }) : () -> ()
    %add3A_311 = arith.constant 416 : i32
    %add3A_312 = arith.addi %mul3A_6, %add3A_311 : i32
    "tpu.region"() ({
      %run_scoped3A = tpu.sem_alloc : memref<!tpu.dma_semaphore, #tpu.memory_space<semaphore_mem>>
      %dma_start3A_325 = arith.constant 0 : i32
      %dma_start3A_326 = tpu.memref_slice %arg24[%add3A_312, %dma_start3A_325] : memref<10240x128xf32, #tpu.memory_space<vmem_shared>> -> memref<32x128xf32, #tpu.memory_space<vmem_shared>>
      %dma_start3A_327 = arith.constant 0 : i32
      %dma_start3A_328 = tpu.memref_slice %arg24[%add3A_312, %dma_start3A_327] : memref<10240x128xf32, #tpu.memory_space<vmem_shared>> -> memref<32x128xf32, #tpu.memory_space<vmem_shared>>
      tpu.enqueue_dma source(%dma_start3A_328 : memref<32x128xf32, #tpu.memory_space<vmem_shared>>) target(%arg23 : memref<32x128xf32, #tpu.memory_space<vmem>>) target_semaphore(%run_scoped3A : memref<!tpu.dma_semaphore, #tpu.memory_space<semaphore_mem>>)
      %dma_wait3A_329 = arith.constant 0 : i32
      %dma_wait3A_330 = tpu.memref_slice %arg24[%add3A_312, %dma_wait3A_329] : memref<10240x128xf32, #tpu.memory_space<vmem_shared>> -> memref<32x128xf32, #tpu.memory_space<vmem_shared>>
      %dma_wait3A_331 = arith.constant 0 : i32
      %dma_wait3A_332 = tpu.memref_slice %arg24[%add3A_312, %dma_wait3A_331] : memref<10240x128xf32, #tpu.memory_space<vmem_shared>> -> memref<32x128xf32, #tpu.memory_space<vmem_shared>>
      tpu.wait_dma2 semaphore(%run_scoped3A : memref<!tpu.dma_semaphore, #tpu.memory_space<semaphore_mem>>) src(%dma_wait3A_332 : memref<32x128xf32, #tpu.memory_space<vmem_shared>>) dst(%arg23 : memref<32x128xf32, #tpu.memory_space<vmem>>)
      tpu.yield
    }) : () -> ()
    "tpu.region"() ({
      %run_scoped3A = tpu.sem_alloc : memref<!tpu.dma_semaphore, #tpu.memory_space<semaphore_mem>>
      %dma_start3A_325 = arith.constant 0 : i32
      %dma_start3A_326 = tpu.memref_slice %arg6[%arg0, %add3A_312, %dma_start3A_325] : memref<2x10240x128xf32, #tpu.memory_space<hbm>> -> memref<1x32x128xf32, #tpu.memory_space<hbm>>
      %dma_start3A_327 = tpu.memref_squeeze %dma_start3A_326 : memref<1x32x128xf32, #tpu.memory_space<hbm>> -> memref<32x128xf32, #tpu.memory_space<hbm>>
      %dma_start3A_328 = arith.constant 0 : i32
      %dma_start3A_329 = tpu.memref_slice %arg6[%arg0, %add3A_312, %dma_start3A_328] : memref<2x10240x128xf32, #tpu.memory_space<hbm>> -> memref<1x32x128xf32, #tpu.memory_space<hbm>>
      %dma_start3A_330 = tpu.memref_squeeze %dma_start3A_329 : memref<1x32x128xf32, #tpu.memory_space<hbm>> -> memref<32x128xf32, #tpu.memory_space<hbm>>
      tpu.enqueue_dma source(%arg23 : memref<32x128xf32, #tpu.memory_space<vmem>>) target(%dma_start3A_330 : memref<32x128xf32, #tpu.memory_space<hbm>>) target_semaphore(%run_scoped3A : memref<!tpu.dma_semaphore, #tpu.memory_space<semaphore_mem>>)
      %dma_wait3A_331 = arith.constant 0 : i32
      %dma_wait3A_332 = tpu.memref_slice %arg6[%arg0, %add3A_312, %dma_wait3A_331] : memref<2x10240x128xf32, #tpu.memory_space<hbm>> -> memref<1x32x128xf32, #tpu.memory_space<hbm>>
      %dma_wait3A_333 = tpu.memref_squeeze %dma_wait3A_332 : memref<1x32x128xf32, #tpu.memory_space<hbm>> -> memref<32x128xf32, #tpu.memory_space<hbm>>
      %dma_wait3A_334 = arith.constant 0 : i32
      %dma_wait3A_335 = tpu.memref_slice %arg6[%arg0, %add3A_312, %dma_wait3A_334] : memref<2x10240x128xf32, #tpu.memory_space<hbm>> -> memref<1x32x128xf32, #tpu.memory_space<hbm>>
      %dma_wait3A_336 = tpu.memref_squeeze %dma_wait3A_335 : memref<1x32x128xf32, #tpu.memory_space<hbm>> -> memref<32x128xf32, #tpu.memory_space<hbm>>
      tpu.wait_dma2 semaphore(%run_scoped3A : memref<!tpu.dma_semaphore, #tpu.memory_space<semaphore_mem>>) src(%arg23 : memref<32x128xf32, #tpu.memory_space<vmem>>) dst(%dma_wait3A_336 : memref<32x128xf32, #tpu.memory_space<hbm>>)
      tpu.yield
    }) : () -> ()
    %add3A_313 = arith.constant 448 : i32
    %add3A_314 = arith.addi %mul3A_6, %add3A_313 : i32
    "tpu.region"() ({
      %run_scoped3A = tpu.sem_alloc : memref<!tpu.dma_semaphore, #tpu.memory_space<semaphore_mem>>
      %dma_start3A_325 = arith.constant 0 : i32
      %dma_start3A_326 = tpu.memref_slice %arg24[%add3A_314, %dma_start3A_325] : memref<10240x128xf32, #tpu.memory_space<vmem_shared>> -> memref<32x128xf32, #tpu.memory_space<vmem_shared>>
      %dma_start3A_327 = arith.constant 0 : i32
      %dma_start3A_328 = tpu.memref_slice %arg24[%add3A_314, %dma_start3A_327] : memref<10240x128xf32, #tpu.memory_space<vmem_shared>> -> memref<32x128xf32, #tpu.memory_space<vmem_shared>>
      tpu.enqueue_dma source(%dma_start3A_328 : memref<32x128xf32, #tpu.memory_space<vmem_shared>>) target(%arg23 : memref<32x128xf32, #tpu.memory_space<vmem>>) target_semaphore(%run_scoped3A : memref<!tpu.dma_semaphore, #tpu.memory_space<semaphore_mem>>)
      %dma_wait3A_329 = arith.constant 0 : i32
      %dma_wait3A_330 = tpu.memref_slice %arg24[%add3A_314, %dma_wait3A_329] : memref<10240x128xf32, #tpu.memory_space<vmem_shared>> -> memref<32x128xf32, #tpu.memory_space<vmem_shared>>
      %dma_wait3A_331 = arith.constant 0 : i32
      %dma_wait3A_332 = tpu.memref_slice %arg24[%add3A_314, %dma_wait3A_331] : memref<10240x128xf32, #tpu.memory_space<vmem_shared>> -> memref<32x128xf32, #tpu.memory_space<vmem_shared>>
      tpu.wait_dma2 semaphore(%run_scoped3A : memref<!tpu.dma_semaphore, #tpu.memory_space<semaphore_mem>>) src(%dma_wait3A_332 : memref<32x128xf32, #tpu.memory_space<vmem_shared>>) dst(%arg23 : memref<32x128xf32, #tpu.memory_space<vmem>>)
      tpu.yield
    }) : () -> ()
    "tpu.region"() ({
      %run_scoped3A = tpu.sem_alloc : memref<!tpu.dma_semaphore, #tpu.memory_space<semaphore_mem>>
      %dma_start3A_325 = arith.constant 0 : i32
      %dma_start3A_326 = tpu.memref_slice %arg6[%arg0, %add3A_314, %dma_start3A_325] : memref<2x10240x128xf32, #tpu.memory_space<hbm>> -> memref<1x32x128xf32, #tpu.memory_space<hbm>>
      %dma_start3A_327 = tpu.memref_squeeze %dma_start3A_326 : memref<1x32x128xf32, #tpu.memory_space<hbm>> -> memref<32x128xf32, #tpu.memory_space<hbm>>
      %dma_start3A_328 = arith.constant 0 : i32
      %dma_start3A_329 = tpu.memref_slice %arg6[%arg0, %add3A_314, %dma_start3A_328] : memref<2x10240x128xf32, #tpu.memory_space<hbm>> -> memref<1x32x128xf32, #tpu.memory_space<hbm>>
      %dma_start3A_330 = tpu.memref_squeeze %dma_start3A_329 : memref<1x32x128xf32, #tpu.memory_space<hbm>> -> memref<32x128xf32, #tpu.memory_space<hbm>>
      tpu.enqueue_dma source(%arg23 : memref<32x128xf32, #tpu.memory_space<vmem>>) target(%dma_start3A_330 : memref<32x128xf32, #tpu.memory_space<hbm>>) target_semaphore(%run_scoped3A : memref<!tpu.dma_semaphore, #tpu.memory_space<semaphore_mem>>)
      %dma_wait3A_331 = arith.constant 0 : i32
      %dma_wait3A_332 = tpu.memref_slice %arg6[%arg0, %add3A_314, %dma_wait3A_331] : memref<2x10240x128xf32, #tpu.memory_space<hbm>> -> memref<1x32x128xf32, #tpu.memory_space<hbm>>
      %dma_wait3A_333 = tpu.memref_squeeze %dma_wait3A_332 : memref<1x32x128xf32, #tpu.memory_space<hbm>> -> memref<32x128xf32, #tpu.memory_space<hbm>>
      %dma_wait3A_334 = arith.constant 0 : i32
      %dma_wait3A_335 = tpu.memref_slice %arg6[%arg0, %add3A_314, %dma_wait3A_334] : memref<2x10240x128xf32, #tpu.memory_space<hbm>> -> memref<1x32x128xf32, #tpu.memory_space<hbm>>
      %dma_wait3A_336 = tpu.memref_squeeze %dma_wait3A_335 : memref<1x32x128xf32, #tpu.memory_space<hbm>> -> memref<32x128xf32, #tpu.memory_space<hbm>>
      tpu.wait_dma2 semaphore(%run_scoped3A : memref<!tpu.dma_semaphore, #tpu.memory_space<semaphore_mem>>) src(%arg23 : memref<32x128xf32, #tpu.memory_space<vmem>>) dst(%dma_wait3A_336 : memref<32x128xf32, #tpu.memory_space<hbm>>)
      tpu.yield
    }) : () -> ()
    %add3A_315 = arith.constant 480 : i32
    %add3A_316 = arith.addi %mul3A_6, %add3A_315 : i32
    "tpu.region"() ({
      %run_scoped3A = tpu.sem_alloc : memref<!tpu.dma_semaphore, #tpu.memory_space<semaphore_mem>>
      %dma_start3A_325 = arith.constant 0 : i32
      %dma_start3A_326 = tpu.memref_slice %arg24[%add3A_316, %dma_start3A_325] : memref<10240x128xf32, #tpu.memory_space<vmem_shared>> -> memref<32x128xf32, #tpu.memory_space<vmem_shared>>
      %dma_start3A_327 = arith.constant 0 : i32
      %dma_start3A_328 = tpu.memref_slice %arg24[%add3A_316, %dma_start3A_327] : memref<10240x128xf32, #tpu.memory_space<vmem_shared>> -> memref<32x128xf32, #tpu.memory_space<vmem_shared>>
      tpu.enqueue_dma source(%dma_start3A_328 : memref<32x128xf32, #tpu.memory_space<vmem_shared>>) target(%arg23 : memref<32x128xf32, #tpu.memory_space<vmem>>) target_semaphore(%run_scoped3A : memref<!tpu.dma_semaphore, #tpu.memory_space<semaphore_mem>>)
      %dma_wait3A_329 = arith.constant 0 : i32
      %dma_wait3A_330 = tpu.memref_slice %arg24[%add3A_316, %dma_wait3A_329] : memref<10240x128xf32, #tpu.memory_space<vmem_shared>> -> memref<32x128xf32, #tpu.memory_space<vmem_shared>>
      %dma_wait3A_331 = arith.constant 0 : i32
      %dma_wait3A_332 = tpu.memref_slice %arg24[%add3A_316, %dma_wait3A_331] : memref<10240x128xf32, #tpu.memory_space<vmem_shared>> -> memref<32x128xf32, #tpu.memory_space<vmem_shared>>
      tpu.wait_dma2 semaphore(%run_scoped3A : memref<!tpu.dma_semaphore, #tpu.memory_space<semaphore_mem>>) src(%dma_wait3A_332 : memref<32x128xf32, #tpu.memory_space<vmem_shared>>) dst(%arg23 : memref<32x128xf32, #tpu.memory_space<vmem>>)
      tpu.yield
    }) : () -> ()
    "tpu.region"() ({
      %run_scoped3A = tpu.sem_alloc : memref<!tpu.dma_semaphore, #tpu.memory_space<semaphore_mem>>
      %dma_start3A_325 = arith.constant 0 : i32
      %dma_start3A_326 = tpu.memref_slice %arg6[%arg0, %add3A_316, %dma_start3A_325] : memref<2x10240x128xf32, #tpu.memory_space<hbm>> -> memref<1x32x128xf32, #tpu.memory_space<hbm>>
      %dma_start3A_327 = tpu.memref_squeeze %dma_start3A_326 : memref<1x32x128xf32, #tpu.memory_space<hbm>> -> memref<32x128xf32, #tpu.memory_space<hbm>>
      %dma_start3A_328 = arith.constant 0 : i32
      %dma_start3A_329 = tpu.memref_slice %arg6[%arg0, %add3A_316, %dma_start3A_328] : memref<2x10240x128xf32, #tpu.memory_space<hbm>> -> memref<1x32x128xf32, #tpu.memory_space<hbm>>
      %dma_start3A_330 = tpu.memref_squeeze %dma_start3A_329 : memref<1x32x128xf32, #tpu.memory_space<hbm>> -> memref<32x128xf32, #tpu.memory_space<hbm>>
      tpu.enqueue_dma source(%arg23 : memref<32x128xf32, #tpu.memory_space<vmem>>) target(%dma_start3A_330 : memref<32x128xf32, #tpu.memory_space<hbm>>) target_semaphore(%run_scoped3A : memref<!tpu.dma_semaphore, #tpu.memory_space<semaphore_mem>>)
      %dma_wait3A_331 = arith.constant 0 : i32
      %dma_wait3A_332 = tpu.memref_slice %arg6[%arg0, %add3A_316, %dma_wait3A_331] : memref<2x10240x128xf32, #tpu.memory_space<hbm>> -> memref<1x32x128xf32, #tpu.memory_space<hbm>>
      %dma_wait3A_333 = tpu.memref_squeeze %dma_wait3A_332 : memref<1x32x128xf32, #tpu.memory_space<hbm>> -> memref<32x128xf32, #tpu.memory_space<hbm>>
      %dma_wait3A_334 = arith.constant 0 : i32
      %dma_wait3A_335 = tpu.memref_slice %arg6[%arg0, %add3A_316, %dma_wait3A_334] : memref<2x10240x128xf32, #tpu.memory_space<hbm>> -> memref<1x32x128xf32, #tpu.memory_space<hbm>>
      %dma_wait3A_336 = tpu.memref_squeeze %dma_wait3A_335 : memref<1x32x128xf32, #tpu.memory_space<hbm>> -> memref<32x128xf32, #tpu.memory_space<hbm>>
      tpu.wait_dma2 semaphore(%run_scoped3A : memref<!tpu.dma_semaphore, #tpu.memory_space<semaphore_mem>>) src(%arg23 : memref<32x128xf32, #tpu.memory_space<vmem>>) dst(%dma_wait3A_336 : memref<32x128xf32, #tpu.memory_space<hbm>>)
      tpu.yield
    }) : () -> ()
    %add3A_317 = arith.constant 512 : i32
    %add3A_318 = arith.addi %mul3A_6, %add3A_317 : i32
    "tpu.region"() ({
      %run_scoped3A = tpu.sem_alloc : memref<!tpu.dma_semaphore, #tpu.memory_space<semaphore_mem>>
      %dma_start3A_325 = arith.constant 0 : i32
      %dma_start3A_326 = tpu.memref_slice %arg24[%add3A_318, %dma_start3A_325] : memref<10240x128xf32, #tpu.memory_space<vmem_shared>> -> memref<32x128xf32, #tpu.memory_space<vmem_shared>>
      %dma_start3A_327 = arith.constant 0 : i32
      %dma_start3A_328 = tpu.memref_slice %arg24[%add3A_318, %dma_start3A_327] : memref<10240x128xf32, #tpu.memory_space<vmem_shared>> -> memref<32x128xf32, #tpu.memory_space<vmem_shared>>
      tpu.enqueue_dma source(%dma_start3A_328 : memref<32x128xf32, #tpu.memory_space<vmem_shared>>) target(%arg23 : memref<32x128xf32, #tpu.memory_space<vmem>>) target_semaphore(%run_scoped3A : memref<!tpu.dma_semaphore, #tpu.memory_space<semaphore_mem>>)
      %dma_wait3A_329 = arith.constant 0 : i32
      %dma_wait3A_330 = tpu.memref_slice %arg24[%add3A_318, %dma_wait3A_329] : memref<10240x128xf32, #tpu.memory_space<vmem_shared>> -> memref<32x128xf32, #tpu.memory_space<vmem_shared>>
      %dma_wait3A_331 = arith.constant 0 : i32
      %dma_wait3A_332 = tpu.memref_slice %arg24[%add3A_318, %dma_wait3A_331] : memref<10240x128xf32, #tpu.memory_space<vmem_shared>> -> memref<32x128xf32, #tpu.memory_space<vmem_shared>>
      tpu.wait_dma2 semaphore(%run_scoped3A : memref<!tpu.dma_semaphore, #tpu.memory_space<semaphore_mem>>) src(%dma_wait3A_332 : memref<32x128xf32, #tpu.memory_space<vmem_shared>>) dst(%arg23 : memref<32x128xf32, #tpu.memory_space<vmem>>)
      tpu.yield
    }) : () -> ()
    "tpu.region"() ({
      %run_scoped3A = tpu.sem_alloc : memref<!tpu.dma_semaphore, #tpu.memory_space<semaphore_mem>>
      %dma_start3A_325 = arith.constant 0 : i32
      %dma_start3A_326 = tpu.memref_slice %arg6[%arg0, %add3A_318, %dma_start3A_325] : memref<2x10240x128xf32, #tpu.memory_space<hbm>> -> memref<1x32x128xf32, #tpu.memory_space<hbm>>
      %dma_start3A_327 = tpu.memref_squeeze %dma_start3A_326 : memref<1x32x128xf32, #tpu.memory_space<hbm>> -> memref<32x128xf32, #tpu.memory_space<hbm>>
      %dma_start3A_328 = arith.constant 0 : i32
      %dma_start3A_329 = tpu.memref_slice %arg6[%arg0, %add3A_318, %dma_start3A_328] : memref<2x10240x128xf32, #tpu.memory_space<hbm>> -> memref<1x32x128xf32, #tpu.memory_space<hbm>>
      %dma_start3A_330 = tpu.memref_squeeze %dma_start3A_329 : memref<1x32x128xf32, #tpu.memory_space<hbm>> -> memref<32x128xf32, #tpu.memory_space<hbm>>
      tpu.enqueue_dma source(%arg23 : memref<32x128xf32, #tpu.memory_space<vmem>>) target(%dma_start3A_330 : memref<32x128xf32, #tpu.memory_space<hbm>>) target_semaphore(%run_scoped3A : memref<!tpu.dma_semaphore, #tpu.memory_space<semaphore_mem>>)
      %dma_wait3A_331 = arith.constant 0 : i32
      %dma_wait3A_332 = tpu.memref_slice %arg6[%arg0, %add3A_318, %dma_wait3A_331] : memref<2x10240x128xf32, #tpu.memory_space<hbm>> -> memref<1x32x128xf32, #tpu.memory_space<hbm>>
      %dma_wait3A_333 = tpu.memref_squeeze %dma_wait3A_332 : memref<1x32x128xf32, #tpu.memory_space<hbm>> -> memref<32x128xf32, #tpu.memory_space<hbm>>
      %dma_wait3A_334 = arith.constant 0 : i32
      %dma_wait3A_335 = tpu.memref_slice %arg6[%arg0, %add3A_318, %dma_wait3A_334] : memref<2x10240x128xf32, #tpu.memory_space<hbm>> -> memref<1x32x128xf32, #tpu.memory_space<hbm>>
      %dma_wait3A_336 = tpu.memref_squeeze %dma_wait3A_335 : memref<1x32x128xf32, #tpu.memory_space<hbm>> -> memref<32x128xf32, #tpu.memory_space<hbm>>
      tpu.wait_dma2 semaphore(%run_scoped3A : memref<!tpu.dma_semaphore, #tpu.memory_space<semaphore_mem>>) src(%arg23 : memref<32x128xf32, #tpu.memory_space<vmem>>) dst(%dma_wait3A_336 : memref<32x128xf32, #tpu.memory_space<hbm>>)
      tpu.yield
    }) : () -> ()
    %add3A_319 = arith.constant 544 : i32
    %add3A_320 = arith.addi %mul3A_6, %add3A_319 : i32
    "tpu.region"() ({
      %run_scoped3A = tpu.sem_alloc : memref<!tpu.dma_semaphore, #tpu.memory_space<semaphore_mem>>
      %dma_start3A_325 = arith.constant 0 : i32
      %dma_start3A_326 = tpu.memref_slice %arg24[%add3A_320, %dma_start3A_325] : memref<10240x128xf32, #tpu.memory_space<vmem_shared>> -> memref<32x128xf32, #tpu.memory_space<vmem_shared>>
      %dma_start3A_327 = arith.constant 0 : i32
      %dma_start3A_328 = tpu.memref_slice %arg24[%add3A_320, %dma_start3A_327] : memref<10240x128xf32, #tpu.memory_space<vmem_shared>> -> memref<32x128xf32, #tpu.memory_space<vmem_shared>>
      tpu.enqueue_dma source(%dma_start3A_328 : memref<32x128xf32, #tpu.memory_space<vmem_shared>>) target(%arg23 : memref<32x128xf32, #tpu.memory_space<vmem>>) target_semaphore(%run_scoped3A : memref<!tpu.dma_semaphore, #tpu.memory_space<semaphore_mem>>)
      %dma_wait3A_329 = arith.constant 0 : i32
      %dma_wait3A_330 = tpu.memref_slice %arg24[%add3A_320, %dma_wait3A_329] : memref<10240x128xf32, #tpu.memory_space<vmem_shared>> -> memref<32x128xf32, #tpu.memory_space<vmem_shared>>
      %dma_wait3A_331 = arith.constant 0 : i32
      %dma_wait3A_332 = tpu.memref_slice %arg24[%add3A_320, %dma_wait3A_331] : memref<10240x128xf32, #tpu.memory_space<vmem_shared>> -> memref<32x128xf32, #tpu.memory_space<vmem_shared>>
      tpu.wait_dma2 semaphore(%run_scoped3A : memref<!tpu.dma_semaphore, #tpu.memory_space<semaphore_mem>>) src(%dma_wait3A_332 : memref<32x128xf32, #tpu.memory_space<vmem_shared>>) dst(%arg23 : memref<32x128xf32, #tpu.memory_space<vmem>>)
      tpu.yield
    }) : () -> ()
    "tpu.region"() ({
      %run_scoped3A = tpu.sem_alloc : memref<!tpu.dma_semaphore, #tpu.memory_space<semaphore_mem>>
      %dma_start3A_325 = arith.constant 0 : i32
      %dma_start3A_326 = tpu.memref_slice %arg6[%arg0, %add3A_320, %dma_start3A_325] : memref<2x10240x128xf32, #tpu.memory_space<hbm>> -> memref<1x32x128xf32, #tpu.memory_space<hbm>>
      %dma_start3A_327 = tpu.memref_squeeze %dma_start3A_326 : memref<1x32x128xf32, #tpu.memory_space<hbm>> -> memref<32x128xf32, #tpu.memory_space<hbm>>
      %dma_start3A_328 = arith.constant 0 : i32
      %dma_start3A_329 = tpu.memref_slice %arg6[%arg0, %add3A_320, %dma_start3A_328] : memref<2x10240x128xf32, #tpu.memory_space<hbm>> -> memref<1x32x128xf32, #tpu.memory_space<hbm>>
      %dma_start3A_330 = tpu.memref_squeeze %dma_start3A_329 : memref<1x32x128xf32, #tpu.memory_space<hbm>> -> memref<32x128xf32, #tpu.memory_space<hbm>>
      tpu.enqueue_dma source(%arg23 : memref<32x128xf32, #tpu.memory_space<vmem>>) target(%dma_start3A_330 : memref<32x128xf32, #tpu.memory_space<hbm>>) target_semaphore(%run_scoped3A : memref<!tpu.dma_semaphore, #tpu.memory_space<semaphore_mem>>)
      %dma_wait3A_331 = arith.constant 0 : i32
      %dma_wait3A_332 = tpu.memref_slice %arg6[%arg0, %add3A_320, %dma_wait3A_331] : memref<2x10240x128xf32, #tpu.memory_space<hbm>> -> memref<1x32x128xf32, #tpu.memory_space<hbm>>
      %dma_wait3A_333 = tpu.memref_squeeze %dma_wait3A_332 : memref<1x32x128xf32, #tpu.memory_space<hbm>> -> memref<32x128xf32, #tpu.memory_space<hbm>>
      %dma_wait3A_334 = arith.constant 0 : i32
      %dma_wait3A_335 = tpu.memref_slice %arg6[%arg0, %add3A_320, %dma_wait3A_334] : memref<2x10240x128xf32, #tpu.memory_space<hbm>> -> memref<1x32x128xf32, #tpu.memory_space<hbm>>
      %dma_wait3A_336 = tpu.memref_squeeze %dma_wait3A_335 : memref<1x32x128xf32, #tpu.memory_space<hbm>> -> memref<32x128xf32, #tpu.memory_space<hbm>>
      tpu.wait_dma2 semaphore(%run_scoped3A : memref<!tpu.dma_semaphore, #tpu.memory_space<semaphore_mem>>) src(%arg23 : memref<32x128xf32, #tpu.memory_space<vmem>>) dst(%dma_wait3A_336 : memref<32x128xf32, #tpu.memory_space<hbm>>)
      tpu.yield
    }) : () -> ()
    %add3A_321 = arith.constant 576 : i32
    %add3A_322 = arith.addi %mul3A_6, %add3A_321 : i32
    "tpu.region"() ({
      %run_scoped3A = tpu.sem_alloc : memref<!tpu.dma_semaphore, #tpu.memory_space<semaphore_mem>>
      %dma_start3A_325 = arith.constant 0 : i32
      %dma_start3A_326 = tpu.memref_slice %arg24[%add3A_322, %dma_start3A_325] : memref<10240x128xf32, #tpu.memory_space<vmem_shared>> -> memref<32x128xf32, #tpu.memory_space<vmem_shared>>
      %dma_start3A_327 = arith.constant 0 : i32
      %dma_start3A_328 = tpu.memref_slice %arg24[%add3A_322, %dma_start3A_327] : memref<10240x128xf32, #tpu.memory_space<vmem_shared>> -> memref<32x128xf32, #tpu.memory_space<vmem_shared>>
      tpu.enqueue_dma source(%dma_start3A_328 : memref<32x128xf32, #tpu.memory_space<vmem_shared>>) target(%arg23 : memref<32x128xf32, #tpu.memory_space<vmem>>) target_semaphore(%run_scoped3A : memref<!tpu.dma_semaphore, #tpu.memory_space<semaphore_mem>>)
      %dma_wait3A_329 = arith.constant 0 : i32
      %dma_wait3A_330 = tpu.memref_slice %arg24[%add3A_322, %dma_wait3A_329] : memref<10240x128xf32, #tpu.memory_space<vmem_shared>> -> memref<32x128xf32, #tpu.memory_space<vmem_shared>>
      %dma_wait3A_331 = arith.constant 0 : i32
      %dma_wait3A_332 = tpu.memref_slice %arg24[%add3A_322, %dma_wait3A_331] : memref<10240x128xf32, #tpu.memory_space<vmem_shared>> -> memref<32x128xf32, #tpu.memory_space<vmem_shared>>
      tpu.wait_dma2 semaphore(%run_scoped3A : memref<!tpu.dma_semaphore, #tpu.memory_space<semaphore_mem>>) src(%dma_wait3A_332 : memref<32x128xf32, #tpu.memory_space<vmem_shared>>) dst(%arg23 : memref<32x128xf32, #tpu.memory_space<vmem>>)
      tpu.yield
    }) : () -> ()
    "tpu.region"() ({
      %run_scoped3A = tpu.sem_alloc : memref<!tpu.dma_semaphore, #tpu.memory_space<semaphore_mem>>
      %dma_start3A_325 = arith.constant 0 : i32
      %dma_start3A_326 = tpu.memref_slice %arg6[%arg0, %add3A_322, %dma_start3A_325] : memref<2x10240x128xf32, #tpu.memory_space<hbm>> -> memref<1x32x128xf32, #tpu.memory_space<hbm>>
      %dma_start3A_327 = tpu.memref_squeeze %dma_start3A_326 : memref<1x32x128xf32, #tpu.memory_space<hbm>> -> memref<32x128xf32, #tpu.memory_space<hbm>>
      %dma_start3A_328 = arith.constant 0 : i32
      %dma_start3A_329 = tpu.memref_slice %arg6[%arg0, %add3A_322, %dma_start3A_328] : memref<2x10240x128xf32, #tpu.memory_space<hbm>> -> memref<1x32x128xf32, #tpu.memory_space<hbm>>
      %dma_start3A_330 = tpu.memref_squeeze %dma_start3A_329 : memref<1x32x128xf32, #tpu.memory_space<hbm>> -> memref<32x128xf32, #tpu.memory_space<hbm>>
      tpu.enqueue_dma source(%arg23 : memref<32x128xf32, #tpu.memory_space<vmem>>) target(%dma_start3A_330 : memref<32x128xf32, #tpu.memory_space<hbm>>) target_semaphore(%run_scoped3A : memref<!tpu.dma_semaphore, #tpu.memory_space<semaphore_mem>>)
      %dma_wait3A_331 = arith.constant 0 : i32
      %dma_wait3A_332 = tpu.memref_slice %arg6[%arg0, %add3A_322, %dma_wait3A_331] : memref<2x10240x128xf32, #tpu.memory_space<hbm>> -> memref<1x32x128xf32, #tpu.memory_space<hbm>>
      %dma_wait3A_333 = tpu.memref_squeeze %dma_wait3A_332 : memref<1x32x128xf32, #tpu.memory_space<hbm>> -> memref<32x128xf32, #tpu.memory_space<hbm>>
      %dma_wait3A_334 = arith.constant 0 : i32
      %dma_wait3A_335 = tpu.memref_slice %arg6[%arg0, %add3A_322, %dma_wait3A_334] : memref<2x10240x128xf32, #tpu.memory_space<hbm>> -> memref<1x32x128xf32, #tpu.memory_space<hbm>>
      %dma_wait3A_336 = tpu.memref_squeeze %dma_wait3A_335 : memref<1x32x128xf32, #tpu.memory_space<hbm>> -> memref<32x128xf32, #tpu.memory_space<hbm>>
      tpu.wait_dma2 semaphore(%run_scoped3A : memref<!tpu.dma_semaphore, #tpu.memory_space<semaphore_mem>>) src(%arg23 : memref<32x128xf32, #tpu.memory_space<vmem>>) dst(%dma_wait3A_336 : memref<32x128xf32, #tpu.memory_space<hbm>>)
      tpu.yield
    }) : () -> ()
    %add3A_323 = arith.constant 608 : i32
    %add3A_324 = arith.addi %mul3A_6, %add3A_323 : i32
    "tpu.region"() ({
      %run_scoped3A = tpu.sem_alloc : memref<!tpu.dma_semaphore, #tpu.memory_space<semaphore_mem>>
      %dma_start3A_325 = arith.constant 0 : i32
      %dma_start3A_326 = tpu.memref_slice %arg24[%add3A_324, %dma_start3A_325] : memref<10240x128xf32, #tpu.memory_space<vmem_shared>> -> memref<32x128xf32, #tpu.memory_space<vmem_shared>>
      %dma_start3A_327 = arith.constant 0 : i32
      %dma_start3A_328 = tpu.memref_slice %arg24[%add3A_324, %dma_start3A_327] : memref<10240x128xf32, #tpu.memory_space<vmem_shared>> -> memref<32x128xf32, #tpu.memory_space<vmem_shared>>
      tpu.enqueue_dma source(%dma_start3A_328 : memref<32x128xf32, #tpu.memory_space<vmem_shared>>) target(%arg23 : memref<32x128xf32, #tpu.memory_space<vmem>>) target_semaphore(%run_scoped3A : memref<!tpu.dma_semaphore, #tpu.memory_space<semaphore_mem>>)
      %dma_wait3A_329 = arith.constant 0 : i32
      %dma_wait3A_330 = tpu.memref_slice %arg24[%add3A_324, %dma_wait3A_329] : memref<10240x128xf32, #tpu.memory_space<vmem_shared>> -> memref<32x128xf32, #tpu.memory_space<vmem_shared>>
      %dma_wait3A_331 = arith.constant 0 : i32
      %dma_wait3A_332 = tpu.memref_slice %arg24[%add3A_324, %dma_wait3A_331] : memref<10240x128xf32, #tpu.memory_space<vmem_shared>> -> memref<32x128xf32, #tpu.memory_space<vmem_shared>>
      tpu.wait_dma2 semaphore(%run_scoped3A : memref<!tpu.dma_semaphore, #tpu.memory_space<semaphore_mem>>) src(%dma_wait3A_332 : memref<32x128xf32, #tpu.memory_space<vmem_shared>>) dst(%arg23 : memref<32x128xf32, #tpu.memory_space<vmem>>)
      tpu.yield
    }) : () -> ()
    "tpu.region"() ({
      %run_scoped3A = tpu.sem_alloc : memref<!tpu.dma_semaphore, #tpu.memory_space<semaphore_mem>>
      %dma_start3A_325 = arith.constant 0 : i32
      %dma_start3A_326 = tpu.memref_slice %arg6[%arg0, %add3A_324, %dma_start3A_325] : memref<2x10240x128xf32, #tpu.memory_space<hbm>> -> memref<1x32x128xf32, #tpu.memory_space<hbm>>
      %dma_start3A_327 = tpu.memref_squeeze %dma_start3A_326 : memref<1x32x128xf32, #tpu.memory_space<hbm>> -> memref<32x128xf32, #tpu.memory_space<hbm>>
      %dma_start3A_328 = arith.constant 0 : i32
      %dma_start3A_329 = tpu.memref_slice %arg6[%arg0, %add3A_324, %dma_start3A_328] : memref<2x10240x128xf32, #tpu.memory_space<hbm>> -> memref<1x32x128xf32, #tpu.memory_space<hbm>>
      %dma_start3A_330 = tpu.memref_squeeze %dma_start3A_329 : memref<1x32x128xf32, #tpu.memory_space<hbm>> -> memref<32x128xf32, #tpu.memory_space<hbm>>
      tpu.enqueue_dma source(%arg23 : memref<32x128xf32, #tpu.memory_space<vmem>>) target(%dma_start3A_330 : memref<32x128xf32, #tpu.memory_space<hbm>>) target_semaphore(%run_scoped3A : memref<!tpu.dma_semaphore, #tpu.memory_space<semaphore_mem>>)
      %dma_wait3A_331 = arith.constant 0 : i32
      %dma_wait3A_332 = tpu.memref_slice %arg6[%arg0, %add3A_324, %dma_wait3A_331] : memref<2x10240x128xf32, #tpu.memory_space<hbm>> -> memref<1x32x128xf32, #tpu.memory_space<hbm>>
      %dma_wait3A_333 = tpu.memref_squeeze %dma_wait3A_332 : memref<1x32x128xf32, #tpu.memory_space<hbm>> -> memref<32x128xf32, #tpu.memory_space<hbm>>
      %dma_wait3A_334 = arith.constant 0 : i32
      %dma_wait3A_335 = tpu.memref_slice %arg6[%arg0, %add3A_324, %dma_wait3A_334] : memref<2x10240x128xf32, #tpu.memory_space<hbm>> -> memref<1x32x128xf32, #tpu.memory_space<hbm>>
      %dma_wait3A_336 = tpu.memref_squeeze %dma_wait3A_335 : memref<1x32x128xf32, #tpu.memory_space<hbm>> -> memref<32x128xf32, #tpu.memory_space<hbm>>
      tpu.wait_dma2 semaphore(%run_scoped3A : memref<!tpu.dma_semaphore, #tpu.memory_space<semaphore_mem>>) src(%arg23 : memref<32x128xf32, #tpu.memory_space<vmem>>) dst(%dma_wait3A_336 : memref<32x128xf32, #tpu.memory_space<hbm>>)
      tpu.yield
    }) : () -> ()
    return
  }
}

module attributes {stable_mosaic.version = 14 : i64} {
  func.func @_p_body(%arg0: i32, %arg1: memref<2000x128xf32, #tpu.memory_space<vmem>>, %arg2: memref<128x128xf32, #tpu.memory_space<vmem>>, %arg3: memref<2000x128xf32, #tpu.memory_space<vmem>>) attributes {dimension_semantics = [#tpu.dimension_semantics<arbitrary>], iteration_bounds = array<i64: 5>, scalar_prefetch = 0 : i64, scratch_operands = 0 : i64, tpu.core_type = #tpu.core_type<tc>, window_params = [{transform_indices = @transform_0, window_bounds = array<i64: 2000, 128>}, {pipeline_mode = #tpu.pipeline_mode<synchronous>, transform_indices = @transform_1, window_bounds = array<i64: 128, 128>}, {transform_indices = @transform_2, window_bounds = array<i64: 2000, 128>}]} {
    %get3A = arith.constant 0 : index
    %get3A_0 = arith.constant 0 : index
    %get3A_1 = vector.load %arg1[%get3A, %get3A_0] : memref<2000x128xf32, #tpu.memory_space<vmem>>, vector<2000x128xf32>
    %get3A_2 = arith.constant 0 : index
    %get3A_3 = arith.constant 0 : index
    %get3A_4 = vector.load %arg2[%get3A_2, %get3A_3] : memref<128x128xf32, #tpu.memory_space<vmem>>, vector<128x128xf32>
    %dot_general3A = arith.constant dense<0.000000e+00> : vector<2000x128xf32>
    %dot_general3A_5 = tpu.matmul %get3A_1, %get3A_4, %dot_general3A {dimension_numbers = #tpu.dot_dimension_numbers<[1], [0], [0], [1], [0, 0, 1, 1], [], []>, transpose_lhs_hint = false} : vector<2000x128xf32>, vector<128x128xf32>, vector<2000x128xf32> -> vector<2000x128xf32>
    %swap3A = arith.constant 0 : index
    %swap3A_6 = arith.constant 0 : index
    %swap3A_7 = vector.load %arg3[%swap3A, %swap3A_6] : memref<2000x128xf32, #tpu.memory_space<vmem>>, vector<2000x128xf32>
    tpu.vector_store %arg3[%swap3A, %swap3A_6], %dot_general3A_5 {strides = array<i32>} : memref<2000x128xf32, #tpu.memory_space<vmem>>, vector<2000x128xf32>,
    return
  }
  func.func @transform_0(%arg0: i32) -> (i32, i32) {
    %c0_i32 = arith.constant 0 : i32
    %c0_i32_0 = arith.constant 0 : i32
    return %arg0, %c0_i32 : i32, i32
  }
  func.func @transform_1(%arg0: i32) -> (i32, i32) {
    %c0_i32 = arith.constant 0 : i32
    %c0_i32_0 = arith.constant 0 : i32
    %c0_i32_1 = arith.constant 0 : i32
    return %c0_i32, %c0_i32_0 : i32, i32
  }
  func.func @transform_2(%arg0: i32) -> (i32, i32) {
    %c0_i32 = arith.constant 0 : i32
    %c0_i32_0 = arith.constant 0 : i32
    return %arg0, %c0_i32 : i32, i32
  }
}

module attributes {stable_mosaic.version = 14 : i64} {
  func.func @_q_body(%arg0: i32, %arg1: memref<16x16000xbf16, #tpu.memory_space<vmem>>, %arg2: memref<16x128xbf16, #tpu.memory_space<vmem>>, %arg3: memref<1x128xf32, #tpu.memory_space<vmem>>, %arg4: memref<16000x128xf32, #tpu.memory_space<vmem>>) attributes {dimension_semantics = [#tpu.dimension_semantics<arbitrary>], iteration_bounds = array<i64: 20>, scalar_prefetch = 0 : i64, scratch_operands = 0 : i64, tpu.core_type = #tpu.core_type<tc>, window_params = [{transform_indices = @transform_0, window_bounds = array<i64: 16, 16000>}, {pipeline_mode = #tpu.pipeline_mode<synchronous>, transform_indices = @transform_1, window_bounds = array<i64: 16, 128>}, {pipeline_mode = #tpu.pipeline_mode<synchronous>, transform_indices = @transform_2, window_bounds = array<i64: 1, 128>}, {transform_indices = @transform_3, window_bounds = array<i64: 16000, 128>}]} {
    %get3A = arith.constant 0 : index
    %get3A_0 = arith.constant 0 : index
    %get3A_1 = vector.load %arg1[%get3A, %get3A_0] : memref<16x16000xbf16, #tpu.memory_space<vmem>>, vector<16x16000xbf16>
    %get3A_2 = arith.constant 0 : index
    %get3A_3 = arith.constant 0 : index
    %get3A_4 = vector.load %arg2[%get3A_2, %get3A_3] : memref<16x128xbf16, #tpu.memory_space<vmem>>, vector<16x128xbf16>
    %dot_general3A = arith.constant dense<0.000000e+00> : vector<16000x128xf32>
    %dot_general3A_5 = tpu.matmul %get3A_1, %get3A_4, %dot_general3A {dimension_numbers = #tpu.dot_dimension_numbers<[0], [0], [1], [1], [0, 1, 1, 1], [], []>, transpose_lhs_hint = false} : vector<16x16000xbf16>, vector<16x128xbf16>, vector<16000x128xf32> -> vector<16000x128xf32>
    %get3A_6 = arith.constant 0 : index
    %get3A_7 = arith.constant 0 : index
    %get3A_8 = vector.load %arg3[%get3A_6, %get3A_7] : memref<1x128xf32, #tpu.memory_space<vmem>>, vector<1x128xf32>
    %add3A = vector.broadcast %get3A_8 : vector<1x128xf32> to vector<16000x128xf32>
    %add3A_9 = arith.addf %dot_general3A_5, %add3A : vector<16000x128xf32>
    %swap3A = arith.constant 0 : index
    %swap3A_10 = arith.constant 0 : index
    %swap3A_11 = vector.load %arg4[%swap3A, %swap3A_10] : memref<16000x128xf32, #tpu.memory_space<vmem>>, vector<16000x128xf32>
    tpu.vector_store %arg4[%swap3A, %swap3A_10], %add3A_9 {strides = array<i32>} : memref<16000x128xf32, #tpu.memory_space<vmem>>, vector<16000x128xf32>,
    return
  }
  func.func @transform_0(%arg0: i32) -> (i32, i32) {
    %c0_i32 = arith.constant 0 : i32
    %c0_i32_0 = arith.constant 0 : i32
    return %c0_i32, %arg0 : i32, i32
  }
  func.func @transform_1(%arg0: i32) -> (i32, i32) {
    %c0_i32 = arith.constant 0 : i32
    %c0_i32_0 = arith.constant 0 : i32
    %c0_i32_1 = arith.constant 0 : i32
    return %c0_i32, %c0_i32_0 : i32, i32
  }
  func.func @transform_2(%arg0: i32) -> (i32, i32) {
    %c0_i32 = arith.constant 0 : i32
    %c0_i32_0 = arith.constant 0 : i32
    %c0_i32_1 = arith.constant 0 : i32
    return %c0_i32, %c0_i32_0 : i32, i32
  }
  func.func @transform_3(%arg0: i32) -> (i32, i32) {
    %c0_i32 = arith.constant 0 : i32
    %c0_i32_0 = arith.constant 0 : i32
    return %arg0, %c0_i32 : i32, i32
  }
}

module attributes {stable_mosaic.version = 14 : i64} {
  func.func @_upd_body(%arg0: i32, %arg1: memref<2000x128xf32, #tpu.memory_space<vmem>>, %arg2: memref<2x2000x128xf32, #tpu.memory_space<vmem>>, %arg3: memref<128x128xf32, #tpu.memory_space<vmem>>, %arg4: memref<128x128xf32, #tpu.memory_space<vmem>>, %arg5: memref<1x128xf32, #tpu.memory_space<vmem>>, %arg6: memref<2000x128xf32, #tpu.memory_space<vmem>>) attributes {dimension_semantics = [#tpu.dimension_semantics<arbitrary>], iteration_bounds = array<i64: 5>, scalar_prefetch = 0 : i64, scratch_operands = 0 : i64, tpu.core_type = #tpu.core_type<tc>, window_params = [{transform_indices = @transform_0, window_bounds = array<i64: 2000, 128>}, {transform_indices = @transform_1, window_bounds = array<i64: 2, 2000, 128>}, {pipeline_mode = #tpu.pipeline_mode<synchronous>, transform_indices = @transform_2, window_bounds = array<i64: 128, 128>}, {pipeline_mode = #tpu.pipeline_mode<synchronous>, transform_indices = @transform_3, window_bounds = array<i64: 128, 128>}, {pipeline_mode = #tpu.pipeline_mode<synchronous>, transform_indices = @transform_4, window_bounds = array<i64: 1, 128>}, {transform_indices = @transform_5, window_bounds = array<i64: 2000, 128>}]} {
    %get3A = arith.constant 0 : index
    %get3A_0 = arith.constant 0 : index
    %get3A_1 = arith.constant 0 : index
    %get3A_2 = vector.load %arg2[%get3A, %get3A_0, %get3A_1] : memref<2x2000x128xf32, #tpu.memory_space<vmem>>, vector<1x2000x128xf32>
    %get3A_3 = vector.shape_cast %get3A_2 : vector<1x2000x128xf32> to vector<2000x128xf32>
    %get3A_4 = arith.constant 1 : index
    %get3A_5 = arith.constant 0 : index
    %get3A_6 = arith.constant 0 : index
    %get3A_7 = vector.load %arg2[%get3A_4, %get3A_5, %get3A_6] : memref<2x2000x128xf32, #tpu.memory_space<vmem>>, vector<1x2000x128xf32>
    %get3A_8 = vector.shape_cast %get3A_7 : vector<1x2000x128xf32> to vector<2000x128xf32>
    %add3A = arith.addf %get3A_3, %get3A_8 : vector<2000x128xf32>
    %get3A_9 = arith.constant 0 : index
    %get3A_10 = arith.constant 0 : index
    %get3A_11 = vector.load %arg1[%get3A_9, %get3A_10] : memref<2000x128xf32, #tpu.memory_space<vmem>>, vector<2000x128xf32>
    %get3A_12 = arith.constant 0 : index
    %get3A_13 = arith.constant 0 : index
    %get3A_14 = vector.load %arg3[%get3A_12, %get3A_13] : memref<128x128xf32, #tpu.memory_space<vmem>>, vector<128x128xf32>
    %dot_general3A = arith.constant dense<0.000000e+00> : vector<2000x128xf32>
    %dot_general3A_15 = tpu.matmul %get3A_11, %get3A_14, %dot_general3A {dimension_numbers = #tpu.dot_dimension_numbers<[1], [0], [0], [1], [0, 0, 1, 1], [], []>, transpose_lhs_hint = false} : vector<2000x128xf32>, vector<128x128xf32>, vector<2000x128xf32> -> vector<2000x128xf32>
    %get3A_16 = arith.constant 0 : index
    %get3A_17 = arith.constant 0 : index
    %get3A_18 = vector.load %arg4[%get3A_16, %get3A_17] : memref<128x128xf32, #tpu.memory_space<vmem>>, vector<128x128xf32>
    %dot_general3A_19 = arith.constant dense<0.000000e+00> : vector<2000x128xf32>
    %dot_general3A_20 = tpu.matmul %add3A, %get3A_18, %dot_general3A_19 {dimension_numbers = #tpu.dot_dimension_numbers<[1], [0], [0], [1], [0, 0, 1, 1], [], []>, transpose_lhs_hint = false} : vector<2000x128xf32>, vector<128x128xf32>, vector<2000x128xf32> -> vector<2000x128xf32>
    %add3A_21 = arith.addf %dot_general3A_15, %dot_general3A_20 : vector<2000x128xf32>
    %get3A_22 = arith.constant 0 : index
    %get3A_23 = arith.constant 0 : index
    %get3A_24 = vector.load %arg5[%get3A_22, %get3A_23] : memref<1x128xf32, #tpu.memory_space<vmem>>, vector<1x128xf32>
    %add3A_25 = vector.broadcast %get3A_24 : vector<1x128xf32> to vector<2000x128xf32>
    %add3A_26 = arith.addf %add3A_21, %add3A_25 : vector<2000x128xf32>
    %swap3A = arith.constant 0 : index
    %swap3A_27 = arith.constant 0 : index
    %swap3A_28 = vector.load %arg6[%swap3A, %swap3A_27] : memref<2000x128xf32, #tpu.memory_space<vmem>>, vector<2000x128xf32>
    tpu.vector_store %arg6[%swap3A, %swap3A_27], %add3A_26 {strides = array<i32>} : memref<2000x128xf32, #tpu.memory_space<vmem>>, vector<2000x128xf32>,
    return
  }
  func.func @transform_0(%arg0: i32) -> (i32, i32) {
    %c0_i32 = arith.constant 0 : i32
    %c0_i32_0 = arith.constant 0 : i32
    return %arg0, %c0_i32 : i32, i32
  }
  func.func @transform_1(%arg0: i32) -> (i32, i32, i32) {
    %c0_i32 = arith.constant 0 : i32
    %c0_i32_0 = arith.constant 0 : i32
    %c0_i32_1 = arith.constant 0 : i32
    return %c0_i32, %arg0, %c0_i32_0 : i32, i32, i32
  }
  func.func @transform_2(%arg0: i32) -> (i32, i32) {
    %c0_i32 = arith.constant 0 : i32
    %c0_i32_0 = arith.constant 0 : i32
    %c0_i32_1 = arith.constant 0 : i32
    return %c0_i32, %c0_i32_0 : i32, i32
  }
  func.func @transform_3(%arg0: i32) -> (i32, i32) {
    %c0_i32 = arith.constant 0 : i32
    %c0_i32_0 = arith.constant 0 : i32
    %c0_i32_1 = arith.constant 0 : i32
    return %c0_i32, %c0_i32_0 : i32, i32
  }
  func.func @transform_4(%arg0: i32) -> (i32, i32) {
    %c0_i32 = arith.constant 0 : i32
    %c0_i32_0 = arith.constant 0 : i32
    %c0_i32_1 = arith.constant 0 : i32
    return %c0_i32, %c0_i32_0 : i32, i32
  }
  func.func @transform_5(%arg0: i32) -> (i32, i32) {
    %c0_i32 = arith.constant 0 : i32
    %c0_i32_0 = arith.constant 0 : i32
    return %arg0, %c0_i32 : i32, i32
  }
}

</mosaic_0001>

<sc_bundles>
// kernel: kernel.6.cloned.1.call-start
scs
__scs_entry_jumppad:
0x0: {  	(pc) =	sbr.rel $0x88, $3  }
0x1: {  	(tag) =	ssettag $0x0;
	lr =	simm.s32 $0x1  }
0x2: {  	[smem:$0x3F9A] =	sst lr;
	_ =	strace $0xD0000000  }
0x3: {  	_ = 	snop  }
0x4: {  	_ = 	snop  }
0x5: {  	_ = 	snop  }
0x6: {  	_ = 	snop  }
0x7: {  	_ = 	snop  }
__scs_overlays_trampoline_lowered:
0x8: {  	[smem:$0x3FA9] =	sst s0  }
0x9: {  	[smem:$0x3FAA] =	sst s1  }
0xa: {  	[smem:$0x3FAB] =	sst s2  }
0xb: {  	[smem:$0x3FAC] =	sst s3  }
0xc: {  	[smem:$0x3FAD] =	sst s4  }
0xd: {  	[smem:$0x3FAE] =	sst s5  }
0xe: {  	[smem:$0x3FAF] =	sst s6  }
0xf: {  	[smem:$0x3FB0] =	sst s7  }
0x10: {  	[smem:$0x3FB1] =	sst s8  }
0x11: {  	[smem:$0x3FB2] =	sst s9;
	s0 =	simm.s32 @!p0 $0x0  }
0x12: {  	s1 =	sld [smem:$0x3F98];
	s0 =	simm.s32 @p0 $0x1  }
0x13: {  	[smem:$0x3FB3] =	sst s0;
	s0 =	simm.s32 @!p1 $0x0  }
0x14: {  	s2 =	sld [smem:$0x3F97];
	s0 =	simm.s32 @p1 $0x1  }
0x15: {  	[smem:$0x3FB4] =	sst s0;
	s0 =	simm.s32 @!p2 $0x0  }
0x16: {  	s3 =	sld [smem:$0x3FDB];
	s0 =	simm.s32 @p2 $0x1  }
0x17: {  	s4 =	simm.s32 $0x1BF5;
	[smem:$0x3FB6] =	sst s0  }
0x18: {  	s0 =	sld [smem:$0x3F99];
	_ =	swait.ge [sflag:s4], $0x0  }
0x19: {  	s7 =	sld [smem:$0x3F9A]  }
0x1a: {  	s8 =	sadd.s32 $0xFFFFE003, lr  }
0x1b: {  	s9 =	sadd.s32 $0xFFFFFEF7, lr;
	s5 =	simm.s32 $0xFFFFFFFF;
	p2 =	slt.u32 s8, $0xFFFFF086  }
0x1c: {  	p1 =	slt.u32 s9, $0xF7A;
	s5 =	simm.s32 @!p2 $0x0  }
0x1d: {  	s5 =	simm.s32 @p1 $0x1;
	p0 =	seq.s32 s7, s2  }
0x1e: {  	s7 =	smul.u32 @!p0 $0xF7A, s2;
	p2 =	seq.s32 @!p0 s5, $0x0  }
0x1f: {  	s9 =	smul.u32 $0xF7A, s1;
	s8 =	simm.s32 @!p0 $0x1BF5;
	p2 =	por !p2, p0  }
0x20: {  	[sflag:s8] =	ssyncset.s32 @!p0 $0xFFFFF086;
	s6 =	sadd.s32 @!p0 s3, s7;
	s7 =	simm.s32 @!p0 $0x108  }
0x21: {  	s3 =	sadd.s32 s3, s9;
	s6 =	sadd.s32 @!p0 $0x88, s6;
	s7 =	simm.s32 @p2 $0x1082  }
0x22: {  	[simem:s7], [sflag:s8] =	dma.local @!p0 [hbm:s6], $0xF7A  }
0x23: {  	s9 =	sor.u32 $0xD0000000, s2;
	s6 =	simm.s32 $0x108;
	_ =	swait.ge @!p0 [sflag:s8], $0x0  }
0x24: {  	s3 =	sadd.s32 $0x88, s3;
	s6 =	simm.s32 @!p1 $0x1082;
	[sflag:s4] =	ssyncset.s32 $0xFFFFF086  }
0x25: {  	[simem:s6], [sflag:s4] =	dma.local [hbm:s3], $0xF7A  }
0x26: {  	[smem:$0x3F9A] =	sst s1;
	(tag) =	ssettag s2;
	_ =	strace s9  }
0x27: {  	s1 =	sld [smem:$0x3FAA]  }
0x28: {  	s2 =	sld [smem:$0x3FAB]  }
0x29: {  	s4 =	sld [smem:$0x3FAD]  }
0x2a: {  	p0 =	seq.s32 s5, $0x0;
	s5 =	sld [smem:$0x3FAE]  }
0x2b: {  	s6 =	sld [smem:$0x3FAF]  }
0x2c: {  	s7 =	sld [smem:$0x3FB0]  }
0x2d: {  	s3 =	simm.s32 $0x108;
	s8 =	sld [smem:$0x3FB1]  }
0x2e: {  	s3 =	simm.s32 @!p0 $0x1082;
	s9 =	sld [smem:$0x3FB2]  }
0x2f: {  	lr =	sadd.s32 s0, s3;
	s0 =	sld [smem:$0x3FA9]  }
0x30: {  	s3 =	sld [smem:$0x3FAC]  }
0x31: {  	[smem:$0x3FB5] =	sst s10  }
0x32: {  	s10 =	sld [smem:$0x3FB3];
	_ =	sdelay $0x3  }
0x33: {  	p0 =	seq.s32 s10, $0x1;
	s10 =	sld [smem:$0x3FB5];
	_ =	sdelay $0x3  }
0x34: {  	[smem:$0x3FB5] =	sst s10  }
0x35: {  	s10 =	sld [smem:$0x3FB4];
	_ =	sdelay $0x3  }
0x36: {  	p1 =	seq.s32 s10, $0x1;
	s10 =	sld [smem:$0x3FB5];
	_ =	sdelay $0x3  }
0x37: {  	[smem:$0x3FB5] =	sst s10  }
0x38: {  	s10 =	sld [smem:$0x3FB6]  }
0x39: {  	_ = 	snop;
	(pc) =	sbr.ind lr, $3  }
0x3a: {  	_ = 	snop  }
0x3b: {  	_ = 	snop  }
0x3c: {  	p2 =	seq.s32 s10, $0x1;
	s10 =	sld [smem:$0x3FB5]  }
0x3d: {  	_ =	shalt  }
0x3e: {  	_ =	shalt  }
0x3f: {  	_ =	shalt  }
0x40: {  	_ =	shalt  }
0x41: {  	_ =	shalt  }
0x42: {  	_ =	shalt  }
0x43: {  	_ =	shalt  }
0x44: {  	_ =	shalt  }
0x45: {  	_ =	shalt  }
0x46: {  	_ =	shalt  }
0x47: {  	_ =	shalt  }
0x48: {  	_ =	shalt  }
0x49: {  	_ =	shalt  }
0x4a: {  	_ =	shalt  }
0x4b: {  	_ =	shalt  }
0x4c: {  	_ =	shalt  }
0x4d: {  	_ =	shalt  }
0x4e: {  	_ =	shalt  }
0x4f: {  	_ =	shalt  }
0x50: {  	_ =	shalt  }
0x51: {  	_ =	shalt  }
0x52: {  	_ =	shalt  }
0x53: {  	_ =	shalt  }
0x54: {  	_ =	shalt  }
0x55: {  	_ =	shalt  }
0x56: {  	_ =	shalt  }
0x57: {  	_ =	shalt  }
0x58: {  	_ =	shalt  }
0x59: {  	_ =	shalt  }
0x5a: {  	_ =	shalt  }
0x5b: {  	_ =	shalt  }
0x5c: {  	_ =	shalt  }
0x5d: {  	_ =	shalt  }
0x5e: {  	_ =	shalt  }
0x5f: {  	_ =	shalt  }
0x60: {  	_ =	shalt  }
0x61: {  	_ =	shalt  }
0x62: {  	_ =	shalt  }
0x63: {  	_ =	shalt  }
0x64: {  	_ =	shalt  }
0x65: {  	_ =	shalt  }
0x66: {  	_ =	shalt  }
0x67: {  	_ =	shalt  }
0x68: {  	_ =	shalt  }
0x69: {  	_ =	shalt  }
0x6a: {  	_ =	shalt  }
0x6b: {  	_ =	shalt  }
0x6c: {  	_ =	shalt  }
0x6d: {  	_ =	shalt  }
0x6e: {  	_ =	shalt  }
0x6f: {  	_ =	shalt  }
0x70: {  	_ =	shalt  }
0x71: {  	_ =	shalt  }
0x72: {  	_ =	shalt  }
0x73: {  	_ =	shalt  }
0x74: {  	_ =	shalt  }
0x75: {  	_ =	shalt  }
0x76: {  	_ =	shalt  }
0x77: {  	_ =	shalt  }
0x78: {  	_ =	shalt  }
0x79: {  	_ =	shalt  }
0x7a: {  	_ =	shalt  }
0x7b: {  	_ =	shalt  }
0x7c: {  	_ =	shalt  }
0x7d: {  	_ =	shalt  }
0x7e: {  	_ =	shalt  }
0x7f: {  	_ =	shalt  }
0x80: {  	_ =	shalt  }
0x81: {  	_ =	shalt  }
0x82: {  	_ =	shalt  }
0x83: {  	_ =	shalt  }
0x84: {  	_ =	shalt  }
0x85: {  	_ =	shalt  }
0x86: {  	_ =	shalt  }
0x87: {  	_ =	shalt  }
.Lfunc_end0:
.L_simem_size_0:
called_computation_lowered:
.L_overlay_start_0:
0x88: {  	s2 =	sld [smem:$0x3FD9]  }
0x89: {  	s3 =	sld [smem:$0x3FFE];
	_ =	sdelay $0x1  }
0x8a: {  	s1 =	srdreg.scid  }
0x8b: {  	s0 =	sand.u32 $0x1, s1  }
0x8c: {  	s14 =	sshll.u32 s0, $0xA;
	s2 =	sadd.s32 s3, s2  }
0x8d: {  	s2 =	sadd.s32 s2, s14  }
0x8e: {  	[smem:$0x3FC1] =	sst s2  }
0x8f: {  	_ = 	snop  }
0x90: {  	s2 =	sld [smem:$0x3FD0];
	_ =	sdelay $0x2  }
0x91: {  	s15 =	simm.s32 $0xA;
	s4 =	simm.s32 $0x10  }
0x92: {  	[smem:s4], [sflag:s15] =	dma.local [hbm:s2], $0x1  }
0x93: {  	_ =	swait.eq [sflag:s15], $0x1  }
0x94: {  	[sflag:s15] =	ssyncset.done $0x0  }
0x95: {  	s16 =	sld [smem:$0x10];
	[sflag:s15] =	ssyncadd.s32 $0xFFFFFFFF  }
0x96: {  	s17 =	sld [smem:$0x11];
	(tm) =	ssettm $0x1  }
0x97: {  	s18 =	sld [smem:$0x3FFB];
	_ =	sdelay $0x3  }
0x98: {  	_ =	strace s18  }
0x99: {  	s4 =	sld [smem:$0x3FFC];
	_ =	sdelay $0x3  }
0x9a: {  	_ =	strace s4  }
0x9b: {  	s4 =	sld [smem:$0x3FFD];
	_ =	sdelay $0x3  }
0x9c: {  	_ =	strace s4  }
0x9d: {  	_ =	strace $0x8FFFFFFF  }
0x9e: {  	s19 =	sld [smem:$0x3FDB];
	_ =	sdelay $0x1  }
0x9f: {  	s5 =	simm.s32 $_scs_section_size  }
0xa0: {  	s6 =	simm.s32 $_size__tile_overlayer_lowered;
	s7 =	simm.s32 $_tile_overlayer_lowered  }
0xa1: {  	s22 =	simm.s32 $0x1BFF;
	s21 =	sshll.u32 s7, $0x1;
	s4 =	sadd.s32 s5, s19  }
0xa2: {  	s8 =	simm.s32 $0x0;
	s20 =	sshll.u32 s6, $0x1;
	s6 =	sadd.s32 s21, s4  }
0xa3: {  	[timem:s8], [sflag:s22] =	dma.local [hbm:s6], s20  }
0xa4: {  	_ =	swait.ge [sflag:s22], s20  }
0xa5: {  	s5 =	ssub.s32 $0x0, s20;
	[sflag:s22] =	ssyncset.done $0x0  }
0xa6: {  	[sflag:s22] =	ssyncadd.s32 s5;
	_ =	sdelay $0x1  }
0xa7: {  	s23 =	simm.s32 $0x1B8B  }
0xa8: {  	_ =	swait.ge [sflag:s23], $0x1  }
0xa9: {  	[sflag:s23] =	ssyncset.done $0x0  }
0xaa: {  	s25 =	simm.s32 $0x1B8E;
	s24 =	sld [smem:$0x3FFE];
	[sflag:s23] =	ssyncadd.s32 $0xFFFFFFFF  }
0xab: {  	s26 =	simm.s32 $execute0_lowered;
	[smem:$0x3FD2] =	sst s25  }
0xac: {  	s6 =	sshll.u32 s26, $0x1;
	_ =	strace $0x80000046;
	[dreg:$0x1] =	wrdreg $0xFFFFFFFF  }
0xad: {  	s28 =	simm.s32 $_size_execute0_lowered;
	s4 =	sadd.s32 s4, s6;
	[dreg:$0x0] =	wrdreg $0x0  }
0xae: {  	s6 =	sshll.u32 s28, $0x1;
	[dreg:$0x2] =	wrdreg s4  }
0xaf: {  	[dreg:$0x3] =	wrdreg s6  }
0xb0: {  	[dreg:$0x4] =	wrdreg $0xC0  }
0xb1: {  	_ =	task [dreg:s8], $0x5FFFF  }
0xb2: {  	[dreg:$0x1] =	wrdreg $0xFFFFFFFF  }
0xb3: {  	[dreg:$0x0] =	wrdreg $0x60  }
0xb4: {  	[dreg:$0x2] =	wrdreg s24  }
0xb5: {  	[dreg:$0x3] =	wrdreg s16  }
0xb6: {  	[dreg:$0x4] =	wrdreg s17  }
0xb7: {  	[dreg:$0x5] =	wrdreg $0xB4000  }
0xb8: {  	[dreg:$0x6] =	wrdreg $0x9  }
0xb9: {  	_ =	task.clear_ibuf [dreg:s8], $0x7FFFF;
	_ =	strace $0x90000046  }
0xba: {  	s29 =	simm.s32 $0x9;
	_ =	strace $0x80000048  }
0xbb: {  	_ =	swait.ge [sflag:s29], $0x1  }
0xbc: {  	[sflag:s29] =	ssyncadd.s32 $0xFFFFFFFF  }
0xbd: {  	_ =	strace $0x90000048  }
0xbe: {  	_ =	sfence  }
0xbf: {  	s30 =	sld [smem:$0x0];
	_ =	sdelay $0x2  }
0xc0: {  	s31 =	sshll.u32 s1, $0xD;
	s1 =	sshrl.u32 s1, $0x2  }
0xc1: {  	s3 =	sand.u32 $0x4000, s31;
	s1 =	sadd.s32 s1, s30  }
0xc2: {  	s0 =	sor.u32 s3, s0;
	s1 =	sshll.u32 s1, $0x11  }
0xc3: {  	s0 =	sor.u32 s1, s0  }
0xc4: {  	s0 =	sadd.s32 $0x8F2B, s0  }
0xc5: {  	[sflag:s0] =	ssyncadd.remote.s32 $0x1  }
0xc6: {  	_ =	sfence.sel $0xFFFF  }
0xc7: {  	[dreg:$0x0] =	wrdreg $0xFFFFFFFF;
	(pc) =	sbr.abs _section_cstart, $3  }
0xc8: {  	[dreg:$0x1] =	wrdreg $0xFFFFFFFF  }
0xc9: {  	_ =	task.clear_ibuf [dreg:s8], $0x2FFFF;
	_ =	strace $0x9FFFFFFF  }
0xca: {  	(tm) =	ssettm $0x7FFFFFFF  }
0xcb: {  	_ =	shalt  }
tec
execute0_lowered:
.L_overlay_start_1:
0x0: {  	(tag) =	ssettag $0x1  }
0x1: {  	s0 =	srdreg.scid  }
0x2: {  	s30 =	stileid.u32;
	s4 =	sand.u32 $0x1, s0  }
0x3: {  	s1 =	simm.s32 $0x0;
	s21 =	smul.u32 $0x14000, s30;
	s0 =	ssub.s32 $0x2, s4  }
0x4: {  	s25 =	rddreg [dreg:$0x2];
	s23 =	smul.u32 $0x140000, s4;
	s2 =	sshrl.u32 s0, $0x1  }
0x5: {  	s5 =	sor.u32 $0x1000, s21;
	s6 =	sor.u32 $0x2000, s21;
	s7 =	sor.u32 $0x3000, s21  }
0x6: {  	s8 =	sadd.s32 $0x4000, s21;
	s9 =	sadd.s32 $0x5000, s21;
	s10 =	sadd.s32 $0x6000, s21  }
0x7: {  	s11 =	sadd.s32 $0x7000, s21;
	s12 =	sadd.s32 $0x8000, s21;
	s13 =	sadd.s32 $0x9000, s21  }
0x8: {  	s14 =	sadd.s32 $0xA000, s21;
	s15 =	sadd.s32 $0xB000, s21;
	s16 =	sadd.s32 $0xC000, s21  }
0x9: {  	s17 =	sadd.s32 $0xD000, s21;
	s18 =	sadd.s32 $0xE000, s21;
	s3 =	sadd.s32 $0xF000, s21  }
0xa: {  	s19 =	sadd.s32 $0x10000, s21;
	s20 =	sadd.s32 $0x11000, s21;
	s22 =	sadd.s32 $0x12000, s21  }
0xb: {  	s0 =	ssub.s32 s0, s2;
	s2 =	sadd.s32 $0x13000, s21;
	s21 =	sadd.s32 s21, s23  }
0xc: {  	[smem:$0x7FF] =	sst s1;
	s24 =	sadd.s32 s23, s5;
	s21 =	sshrl.u32 s21, $0x3  }
0xd: {  	s28 =	smul.u32 $0x50000, s30;
	s24 =	sshrl.u32 s24, $0x3;
	s21 =	sadd.s32 s25, s21  }
0xe: {  	s26 =	sadd.s32 s23, s6;
	s24 =	sadd.s32 s25, s24;
	[dreg:$0x5] =	wrdreg s21  }
0xf: {  	[dreg:$0x6] =	wrdreg s24;
	s21 =	sshrl.u32 s26, $0x3;
	s24 =	sadd.s32 s23, s7  }
0x10: {  	s26 =	sadd.s32 s23, s8;
	s21 =	sadd.s32 s25, s21;
	s24 =	sshrl.u32 s24, $0x3  }
0x11: {  	s26 =	sshrl.u32 s26, $0x3;
	[dreg:$0x7] =	wrdreg s21;
	s21 =	sadd.s32 s25, s24  }
0x12: {  	s24 =	sadd.s32 s25, s26;
	s26 =	sadd.s32 s23, s9;
	[dreg:$0x8] =	wrdreg s21  }
0x13: {  	[dreg:$0x9] =	wrdreg s24;
	s21 =	sshrl.u32 s26, $0x3;
	s24 =	sadd.s32 s23, s10  }
0x14: {  	s26 =	sadd.s32 s23, s11;
	s21 =	sadd.s32 s25, s21;
	s24 =	sshrl.u32 s24, $0x3  }
0x15: {  	s26 =	sshrl.u32 s26, $0x3;
	[dreg:$0xa] =	wrdreg s21;
	s21 =	sadd.s32 s25, s24  }
0x16: {  	s24 =	sadd.s32 s25, s26;
	s26 =	sadd.s32 s23, s12;
	[dreg:$0xb] =	wrdreg s21  }
0x17: {  	[dreg:$0xc] =	wrdreg s24;
	s21 =	sshrl.u32 s26, $0x3;
	s24 =	sadd.s32 s23, s13  }
0x18: {  	s26 =	sadd.s32 s23, s14;
	s21 =	sadd.s32 s25, s21;
	s24 =	sshrl.u32 s24, $0x3  }
0x19: {  	s26 =	sshrl.u32 s26, $0x3;
	[dreg:$0xd] =	wrdreg s21;
	s21 =	sadd.s32 s25, s24  }
0x1a: {  	s24 =	sadd.s32 s25, s26;
	s26 =	sadd.s32 s23, s15;
	[dreg:$0xe] =	wrdreg s21  }
0x1b: {  	[dreg:$0xf] =	wrdreg s24;
	s21 =	sshrl.u32 s26, $0x3;
	s24 =	sadd.s32 s23, s16  }
0x1c: {  	s26 =	sadd.s32 s23, s17;
	s21 =	sadd.s32 s25, s21;
	s24 =	sshrl.u32 s24, $0x3  }
0x1d: {  	s26 =	sshrl.u32 s26, $0x3;
	[dreg:$0x10] =	wrdreg s21;
	s21 =	sadd.s32 s25, s24  }
0x1e: {  	s24 =	sadd.s32 s25, s26;
	s26 =	sadd.s32 s23, s18;
	[dreg:$0x11] =	wrdreg s21  }
0x1f: {  	[dreg:$0x12] =	wrdreg s24;
	s21 =	sshrl.u32 s26, $0x3;
	s24 =	sadd.s32 s23, s3  }
0x20: {  	s26 =	sadd.s32 s23, s19;
	s21 =	sadd.s32 s25, s21;
	s24 =	sshrl.u32 s24, $0x3  }
0x21: {  	s26 =	sshrl.u32 s26, $0x3;
	[dreg:$0x13] =	wrdreg s21;
	s21 =	sadd.s32 s25, s24  }
0x22: {  	s24 =	sadd.s32 s25, s26;
	s26 =	sadd.s32 s23, s20;
	[dreg:$0x14] =	wrdreg s21  }
0x23: {  	[dreg:$0x15] =	wrdreg s24;
	s21 =	sshrl.u32 s26, $0x3;
	s26 =	sadd.s32 s23, s22  }
0x24: {  	s24 =	rddreg [dreg:$0x0];
	s21 =	sadd.s32 s25, s21;
	s26 =	sshrl.u32 s26, $0x3  }
0x25: {  	[dreg:$0x16] =	wrdreg s21;
	s26 =	sadd.s32 s25, s26  }
0x26: {  	s29 =	sshrl.u32 s28, $0x2;
	[dreg:$0x17] =	wrdreg s26;
	s26 =	sadd.s32 s23, s2  }
0x27: {  	s28 =	sadd.s32 $0x1200, s24;
	s21 =	rddreg [dreg:$0x1];
	s26 =	sshrl.u32 s26, $0x3  }
0x28: {  	s23 =	rddreg [dreg:$0x3];
	s25 =	sadd.s32 s25, s26;
	s26 =	sadd.s32 $0x33000, s24  }
0x29: {  	[dreg:$0x18] =	wrdreg s25;
	s25 =	sadd.s32 $0xB000, s24;
	s24 =	sadd.s32 s29, s23  }
0x2a: {  	s5 =	sadd.s32 s5, s23;
	_ =	strace $0x80000047;
	[dreg:$0x19] =	wrdreg s24  }
0x2b: {  	s6 =	sadd.s32 s6, s23;
	[dreg:$0x1a] =	wrdreg s5  }
0x2c: {  	s7 =	sadd.s32 s7, s23;
	[dreg:$0x1b] =	wrdreg s6  }
0x2d: {  	s8 =	sadd.s32 s8, s23;
	[dreg:$0x1c] =	wrdreg s7  }
0x2e: {  	s9 =	sadd.s32 s9, s23;
	[dreg:$0x1d] =	wrdreg s8  }
0x2f: {  	s10 =	sadd.s32 s10, s23;
	[dreg:$0x1e] =	wrdreg s9  }
0x30: {  	s11 =	sadd.s32 s11, s23;
	[dreg:$0x1f] =	wrdreg s10  }
0x31: {  	s12 =	sadd.s32 s12, s23;
	[smem:$0x7D8] =	sst s11  }
0x32: {  	s13 =	sadd.s32 s13, s23;
	[smem:$0x7D9] =	sst s12  }
0x33: {  	s14 =	sadd.s32 s14, s23;
	[smem:$0x7DA] =	sst s13  }
0x34: {  	s15 =	sadd.s32 s15, s23;
	[smem:$0x7DB] =	sst s14  }
0x35: {  	s3 =	sadd.s32 s3, s23;
	[smem:$0x7DC] =	sst s15  }
0x36: {  	s2 =	sadd.s32 s2, s23;
	[smem:$0x7E0] =	sst s3  }
0x37: {  	s0 =	smax.u32 s0, $0x1;
	[smem:$0x7E2] =	sst s2  }
0x38: {  	s24 =	sadd.s32 s16, s23;
	[smem:$0x7FB] =	sst s0  }
0x39: {  	s6 =	sadd.s32 s17, s23;
	[smem:$0x7DD] =	sst s24  }
0x3a: {  	s4 =	sshll.u32 s4, $0x4;
	s7 =	sadd.s32 s18, s23;
	[smem:$0x7DE] =	sst s6  }
0x3b: {  	s4 =	sor.u32 s30, s4;
	s8 =	sadd.s32 s22, s23;
	[smem:$0x7DF] =	sst s7  }
0x3c: {  	s5 =	smul.u32 $0x2710, s4;
	s12 =	sadd.s32 s19, s23;
	[smem:$0x7E1] =	sst s8  }
0x3d: {  	s31 =	simm.s32 $0x11;
	s19 =	sadd.s32 s20, s23;
	[smem:$0x7FC] =	sst s12  }
0x3e: {  	s20 =	smul.u32 $0x27100, s4;
	[smem:$0x7FD] =	sst s19;
	s15 =	sadd.s32 $0x50, s5  }
0x3f: {  	s30 =	simm.s32 $0xA;
	s17 =	sadd.s32 $0x78, s5;
	[smem:$0x7E7] =	sst s15  }
0x40: {  	s29 =	simm.s32 $0xF;
	s6 =	sadd.s32 s26, s20;
	[smem:$0x7E9] =	sst s17  }
0x41: {  	s9 =	sshrl.u32 s5, $0x3;
	s8 =	sadd.s32 $0xA0, s5;
	[smem:$0x7ED] =	sst s6  }
0x42: {  	s10 =	sadd.s32 $0x28, s5;
	s11 =	sadd.s32 s28, s9;
	[smem:$0x7EF] =	sst s8  }
0x43: {  	s13 =	sshrl.u32 s10, $0x3;
	s3 =	sadd.s32 s21, s9;
	[smem:$0x7E3] =	sst s11  }
0x44: {  	s22 =	sshll.u32 s10, $0x4;
	s10 =	sadd.s32 $0xC8, s5;
	[smem:$0x7E4] =	sst s3  }
0x45: {  	s7 =	smul.u32 $0x138800, s4;
	s14 =	sadd.s32 s28, s13;
	[smem:$0x7F0] =	sst s10  }
0x46: {  	s16 =	sshrl.u32 s15, $0x3;
	s2 =	sadd.s32 s21, s13;
	[smem:$0x7E5] =	sst s14  }
0x47: {  	s9 =	sadd.s32 $0x26C0, s5;
	s18 =	sadd.s32 s28, s16;
	[smem:$0x7E6] =	sst s2  }
0x48: {  	s8 =	simm.s32 $0x28;
	s11 =	sadd.s32 $0xF0, s5;
	[smem:$0x7E8] =	sst s18  }
0x49: {  	s3 =	sshrl.u32 s17, $0x3;
	s2 =	sadd.s32 s21, s16;
	[smem:$0x7F1] =	sst s11  }
0x4a: {  	s6 =	simm.s32 $0x8;
	s24 =	sadd.s32 s28, s3;
	[smem:$0x7EA] =	sst s2  }
0x4b: {  	s13 =	sshrl.u32 s9, $0x3;
	s3 =	sadd.s32 s21, s3;
	[smem:$0x7EB] =	sst s24  }
0x4c: {  	s10 =	simm.s32 $0x80;
	s14 =	sadd.s32 $0x118, s5;
	[smem:$0x7EC] =	sst s3  }
0x4d: {  	s5 =	sadd.s32 $0x26E8, s5;
	s15 =	sadd.s32 s28, s13;
	[smem:$0x7F2] =	sst s14  }
0x4e: {  	s4 =	sadd.s32 s21, s13;
	s11 =	simm.s32 $0x2;
	[smem:$0x7F3] =	sst s15  }
0x4f: {  	s2 =	sadd.s32 s26, s22;
	[smem:$0x7F4] =	sst s4;
	s16 =	sshrl.u32 s5, $0x3  }
0x50: {  	s3 =	sshll.u32 s9, $0x4;
	s18 =	sshll.u32 s5, $0x4;
	s14 =	simm.s32 $0x9  }
0x51: {  	s15 =	simm.s32 $0xD;
	s5 =	simm.s32 $0x10;
	[smem:$0x7EE] =	sst s2  }
0x52: {  	s2 =	sshrl.u32 s7, $0x3;
	s17 =	sadd.s32 s28, s16;
	s4 =	sadd.s32 s21, s16  }
0x53: {  	s22 =	sadd.s32 s26, s3;
	s24 =	sadd.s32 s26, s18;
	[smem:$0x7F5] =	sst s17  }
0x54: {  	s18 =	simm.s32 $0x100;
	s7 =	simm.s32 $0x1;
	[smem:$0x7F6] =	sst s4  }
0x55: {  	s16 =	simm.s32 $0x5;
	s3 =	simm.s32 $0x7;
	[smem:$0x7F9] =	sst s22  }
0x56: {  	s2 =	sadd.s32 s26, s2;
	[smem:$0x7FA] =	sst s24;
	s24 =	simm.s32 $0x180  }
0x57: {  	s22 =	simm.s32 $0xE;
	s17 =	simm.s32 $0x6;
	s20 =	sadd.s32 $0x26700, s2  }
0x58: {  	s4 =	simm.s32 $0xC;
	s2 =	sadd.s32 $0x26980, s2;
	[smem:$0x7F7] =	sst s20  }
0x59: {  	v0 =	vimm.f32 $0.0e+00;
	[smem:$0x7F8] =	sst s2;
	s20 =	simm.s32 $0x380;
	s2 =	simm.s32 $0x0  }
.LBB2_1:
0x5a: {  	s0 =	sand.u32 $0x3E00, s1  }
0x5b: {  	[smem:$0x7D7] =	sst s2;
	s13 =	sand.u32 $0x70, s1;
	s9 =	sshrl.u32 s0, $0x2  }
0x5c: {  	s2 =	simm.s32 $0x0;
	s0 =	simm.s32 $0x40;
	s9 =	sor.u32 s13, s9  }
.LBB2_2:
0x5d: {  	p0 =	sne.s32 s0, $0x3FC0  }
0x5e: {  	[tilespmem:s9+$0xA400] =	vst v0;
	s2 =	sadd.s32 $0x10, s2;
	s9 =	smov.u32 s0;
	s0 =	sadd.s32 $0x40, s0  }
.Ltmp0:
0x5f: {  	(pc) =	sbr.rel @p0 .LBB2_2-.Ltmp0, $4  }
0x60: {  	_ = 	snop  }
0x61: {  	s9 =	sand.u32 $0x3E00, s9  }
0x62: {  	s13 =	sand.u32 $0x70, s2;
	s9 =	sshrl.u32 s9, $0x2  }
0x63: {  	s9 =	sor.u32 s13, s9  }
0x64: {  	[tilespmem:s9+$0xA400] =	vst v0;
	s0 =	rddreg [dreg:$0x19];
	s2 =	simm.s32 $0xA400  }
0x65: {  	[spmem:s0] =	stream.linear.scatter [tilespmem:s2], [sflag:$0x11], $0x1000, $0x38;
	[tilespmem:$0x1F400] =	vst v63  }
0x66: {  	_ =	swait.ge [sflag:s31], $0x1000  }
0x67: {  	[sflag:s31] =	ssyncset.done $0x0  }
0x68: {  	s9 =	rddreg [dreg:$0x1a];
	[sflag:s31] =	ssyncadd.s32 $0xFFFFF000  }
0x69: {  	[spmem:s9] =	stream.linear.scatter [tilespmem:s2], [sflag:$0x11], $0x1000, $0x38;
	[tilespmem:$0x1F400] =	vst v63  }
0x6a: {  	_ =	swait.ge [sflag:s31], $0x1000  }
0x6b: {  	[sflag:s31] =	ssyncset.done $0x0  }
0x6c: {  	s13 =	rddreg [dreg:$0x1b];
	[sflag:s31] =	ssyncadd.s32 $0xFFFFF000  }
0x6d: {  	[spmem:s13] =	stream.linear.scatter [tilespmem:s2], [sflag:$0x11], $0x1000, $0x38;
	[tilespmem:$0x1F400] =	vst v63  }
0x6e: {  	_ =	swait.ge [sflag:s31], $0x1000  }
0x6f: {  	[sflag:s31] =	ssyncset.done $0x0  }
0x70: {  	s9 =	rddreg [dreg:$0x1c];
	[sflag:s31] =	ssyncadd.s32 $0xFFFFF000  }
0x71: {  	[spmem:s9] =	stream.linear.scatter [tilespmem:s2], [sflag:$0x11], $0x1000, $0x38;
	[tilespmem:$0x1F400] =	vst v63  }
0x72: {  	_ =	swait.ge [sflag:s31], $0x1000  }
0x73: {  	[sflag:s31] =	ssyncset.done $0x0  }
0x74: {  	s13 =	rddreg [dreg:$0x1d];
	[sflag:s31] =	ssyncadd.s32 $0xFFFFF000  }
0x75: {  	[spmem:s13] =	stream.linear.scatter [tilespmem:s2], [sflag:$0x11], $0x1000, $0x38;
	[tilespmem:$0x1F400] =	vst v63  }
0x76: {  	_ =	swait.ge [sflag:s31], $0x1000  }
0x77: {  	[sflag:s31] =	ssyncset.done $0x0  }
0x78: {  	s9 =	rddreg [dreg:$0x1e];
	[sflag:s31] =	ssyncadd.s32 $0xFFFFF000  }
0x79: {  	[spmem:s9] =	stream.linear.scatter [tilespmem:s2], [sflag:$0x11], $0x1000, $0x38;
	[tilespmem:$0x1F400] =	vst v63  }
0x7a: {  	_ =	swait.ge [sflag:s31], $0x1000  }
0x7b: {  	[sflag:s31] =	ssyncset.done $0x0  }
0x7c: {  	s13 =	rddreg [dreg:$0x1f];
	[sflag:s31] =	ssyncadd.s32 $0xFFFFF000  }
0x7d: {  	[spmem:s13] =	stream.linear.scatter [tilespmem:s2], [sflag:$0x11], $0x1000, $0x38;
	[tilespmem:$0x1F400] =	vst v63  }
0x7e: {  	_ =	swait.ge [sflag:s31], $0x1000  }
0x7f: {  	s9 =	sld [smem:$0x7D8]  }
0x80: {  	[sflag:s31] =	ssyncset.done $0x0  }
0x81: {  	[sflag:s31] =	ssyncadd.s32 $0xFFFFF000  }
0x82: {  	[spmem:s9] =	stream.linear.scatter [tilespmem:s2], [sflag:$0x11], $0x1000, $0x38;
	[tilespmem:$0x1F400] =	vst v63  }
0x83: {  	_ =	swait.ge [sflag:s31], $0x1000  }
0x84: {  	s13 =	sld [smem:$0x7D9]  }
0x85: {  	[sflag:s31] =	ssyncset.done $0x0  }
0x86: {  	[sflag:s31] =	ssyncadd.s32 $0xFFFFF000  }
0x87: {  	[spmem:s13] =	stream.linear.scatter [tilespmem:s2], [sflag:$0x11], $0x1000, $0x38;
	[tilespmem:$0x1F400] =	vst v63  }
0x88: {  	_ =	swait.ge [sflag:s31], $0x1000  }
0x89: {  	s9 =	sld [smem:$0x7DA]  }
0x8a: {  	[sflag:s31] =	ssyncset.done $0x0  }
0x8b: {  	[sflag:s31] =	ssyncadd.s32 $0xFFFFF000  }
0x8c: {  	[spmem:s9] =	stream.linear.scatter [tilespmem:s2], [sflag:$0x11], $0x1000, $0x38;
	[tilespmem:$0x1F400] =	vst v63  }
0x8d: {  	_ =	swait.ge [sflag:s31], $0x1000  }
0x8e: {  	s13 =	sld [smem:$0x7DB]  }
0x8f: {  	[sflag:s31] =	ssyncset.done $0x0  }
0x90: {  	[sflag:s31] =	ssyncadd.s32 $0xFFFFF000  }
0x91: {  	[spmem:s13] =	stream.linear.scatter [tilespmem:s2], [sflag:$0x11], $0x1000, $0x38;
	[tilespmem:$0x1F400] =	vst v63  }
0x92: {  	_ =	swait.ge [sflag:s31], $0x1000  }
0x93: {  	s9 =	sld [smem:$0x7DC]  }
0x94: {  	[sflag:s31] =	ssyncset.done $0x0  }
0x95: {  	[sflag:s31] =	ssyncadd.s32 $0xFFFFF000  }
0x96: {  	[spmem:s9] =	stream.linear.scatter [tilespmem:s2], [sflag:$0x11], $0x1000, $0x38;
	[tilespmem:$0x1F400] =	vst v63  }
0x97: {  	_ =	swait.ge [sflag:s31], $0x1000  }
0x98: {  	s13 =	sld [smem:$0x7DD]  }
0x99: {  	[sflag:s31] =	ssyncset.done $0x0  }
0x9a: {  	[sflag:s31] =	ssyncadd.s32 $0xFFFFF000  }
0x9b: {  	[spmem:s13] =	stream.linear.scatter [tilespmem:s2], [sflag:$0x11], $0x1000, $0x38;
	[tilespmem:$0x1F400] =	vst v63  }
0x9c: {  	_ =	swait.ge [sflag:s31], $0x1000  }
0x9d: {  	s9 =	sld [smem:$0x7DE]  }
0x9e: {  	[sflag:s31] =	ssyncset.done $0x0  }
0x9f: {  	[sflag:s31] =	ssyncadd.s32 $0xFFFFF000  }
0xa0: {  	[spmem:s9] =	stream.linear.scatter [tilespmem:s2], [sflag:$0x11], $0x1000, $0x38;
	[tilespmem:$0x1F400] =	vst v63  }
0xa1: {  	_ =	swait.ge [sflag:s31], $0x1000  }
0xa2: {  	s13 =	sld [smem:$0x7DF]  }
0xa3: {  	[sflag:s31] =	ssyncset.done $0x0  }
0xa4: {  	[sflag:s31] =	ssyncadd.s32 $0xFFFFF000  }
0xa5: {  	[spmem:s13] =	stream.linear.scatter [tilespmem:s2], [sflag:$0x11], $0x1000, $0x38;
	[tilespmem:$0x1F400] =	vst v63  }
0xa6: {  	_ =	swait.ge [sflag:s31], $0x1000  }
0xa7: {  	s9 =	sld [smem:$0x7E0]  }
0xa8: {  	[sflag:s31] =	ssyncset.done $0x0  }
0xa9: {  	[sflag:s31] =	ssyncadd.s32 $0xFFFFF000  }
0xaa: {  	[spmem:s9] =	stream.linear.scatter [tilespmem:s2], [sflag:$0x11], $0x1000, $0x38;
	[tilespmem:$0x1F400] =	vst v63  }
0xab: {  	_ =	swait.ge [sflag:s31], $0x1000  }
0xac: {  	[sflag:s31] =	ssyncset.done $0x0  }
0xad: {  	[sflag:s31] =	ssyncadd.s32 $0xFFFFF000  }
0xae: {  	[spmem:s12] =	stream.linear.scatter [tilespmem:s2], [sflag:$0x11], $0x1000, $0x38;
	[tilespmem:$0x1F400] =	vst v63  }
0xaf: {  	_ =	swait.ge [sflag:s31], $0x1000  }
0xb0: {  	[sflag:s31] =	ssyncset.done $0x0  }
0xb1: {  	[sflag:s31] =	ssyncadd.s32 $0xFFFFF000  }
0xb2: {  	[spmem:s19] =	stream.linear.scatter [tilespmem:s2], [sflag:$0x11], $0x1000, $0x38;
	[tilespmem:$0x1F400] =	vst v63  }
0xb3: {  	_ =	swait.ge [sflag:s31], $0x1000  }
0xb4: {  	s13 =	sld [smem:$0x7E1]  }
0xb5: {  	[sflag:s31] =	ssyncset.done $0x0  }
0xb6: {  	[sflag:s31] =	ssyncadd.s32 $0xFFFFF000  }
0xb7: {  	[spmem:s13] =	stream.linear.scatter [tilespmem:s2], [sflag:$0x11], $0x1000, $0x38;
	[tilespmem:$0x1F400] =	vst v63  }
0xb8: {  	_ =	swait.ge [sflag:s31], $0x1000  }
0xb9: {  	s19 =	sld [smem:$0x7E2]  }
0xba: {  	[sflag:s31] =	ssyncset.done $0x0  }
0xbb: {  	[sflag:s31] =	ssyncadd.s32 $0xFFFFF000  }
0xbc: {  	[spmem:s19] =	stream.linear.scatter [tilespmem:s2], [sflag:$0x11], $0x1000, $0x38;
	[tilespmem:$0x1F400] =	vst v63  }
0xbd: {  	_ =	swait.ge [sflag:s31], $0x1000  }
0xbe: {  	[sflag:s31] =	ssyncset.done $0x0  }
0xbf: {  	[sflag:s31] =	ssyncadd.s32 $0xFFFFF000  }
0xc0: {  	[bflag:$0x0] =	sbarrier.arrive $0xFFFF  }
0xc1: {  	s2 =	sld [smem:$0x7E3];
	_ =	sdelay $0x1  }
0xc2: {  	s13 =	simm.s32 $0x0;
	s9 =	sld [smem:$0x7E4]  }
0xc3: {  	[tilespmem:s13], [sflag:$0x1] =	stream.linear.gather [hbm4b:s2+s13], $0x28, $0x38;
	[tilespmem:$0x1F400] =	vst v63  }
0xc4: {  	s12 =	simm.s32 $0x200;
	s19 =	sld [smem:$0x7E5]  }
0xc5: {  	[tilespmem:s12], [sflag:$0x5] =	stream.linear.gather [hbm4b:s9+s13], $0x28, $0x38;
	[tilespmem:$0x1F400] =	vst v63  }
0xc6: {  	s2 =	simm.s32 $0x80;
	s9 =	sld [smem:$0x7E6]  }
0xc7: {  	[tilespmem:s2], [sflag:$0x2] =	stream.linear.gather [hbm4b:s19+s13], $0x28, $0x38;
	[tilespmem:$0x1F400] =	vst v63  }
0xc8: {  	s12 =	simm.s32 $0x280;
	s19 =	sld [smem:$0x7E8]  }
0xc9: {  	[tilespmem:s12], [sflag:$0x6] =	stream.linear.gather [hbm4b:s9+s13], $0x28, $0x38;
	[tilespmem:$0x1F400] =	vst v63  }
0xca: {  	s9 =	sld [smem:$0x7EA]  }
0xcb: {  	[tilespmem:s18], [sflag:$0x3] =	stream.linear.gather [hbm4b:s19+s13], $0x28, $0x38;
	[tilespmem:$0x1F400] =	vst v63  }
0xcc: {  	s12 =	simm.s32 $0x300;
	s19 =	sld [smem:$0x7EB]  }
0xcd: {  	[tilespmem:s12], [sflag:$0x7] =	stream.linear.gather [hbm4b:s9+s13], $0x28, $0x38;
	[tilespmem:$0x1F400] =	vst v63  }
0xce: {  	s9 =	sld [smem:$0x7EC]  }
0xcf: {  	[tilespmem:s24], [sflag:$0x4] =	stream.linear.gather [hbm4b:s19+s13], $0x28, $0x38;
	[tilespmem:$0x1F400] =	vst v63  }
0xd0: {  	_ = 	snop  }
0xd1: {  	[tilespmem:s20], [sflag:$0x8] =	stream.linear.gather [hbm4b:s9+s13], $0x28, $0x38;
	[tilespmem:$0x1F400] =	vst v63  }
0xd2: {  	_ =	swait.ge [sflag:s7], $0x28  }
0xd3: {  	[sflag:s7] =	ssyncset.done $0x0  }
0xd4: {  	s12 =	simm.s32 $0x400;
	s19 =	sld [smem:$0x7ED];
	[sflag:s7] =	ssyncadd.s32 $0xFFFFFFD8  }
0xd5: {  	[tilespmem:s12], [sflag:$0x9] =	stream.indirect.gather [hbm4b:s25+s8], $0x80, s13, s8, $0xb8;
	[tilespmem:$0x1F400] =	vst v63  }
0xd6: {  	s20 =	simm.s32 $0x5400  }
0xd7: {  	[tilespmem:s20], [sflag:$0xD] =	stream.linear.gather [hbm4b:s19+s13], $0x1400, $0x38;
	[tilespmem:$0x1F400] =	vst v63  }
0xd8: {  	_ =	swait.ge [sflag:s11], $0x28  }
0xd9: {  	[sflag:s11] =	ssyncset.done $0x0  }
0xda: {  	s12 =	simm.s32 $0x1800;
	s19 =	sld [smem:$0x7EE];
	[sflag:s11] =	ssyncadd.s32 $0xFFFFFFD8  }
0xdb: {  	[tilespmem:s12], [sflag:$0xA] =	stream.indirect.gather [hbm4b:s25+s8], $0x80, s2, s8, $0xb8;
	[tilespmem:$0x1F400] =	vst v63  }
0xdc: {  	s20 =	simm.s32 $0x6800  }
0xdd: {  	[tilespmem:s20], [sflag:$0xE] =	stream.linear.gather [hbm4b:s19+s13], $0x1400, $0x38;
	[tilespmem:$0x1F400] =	vst v63  }
.LBB2_4:
0xde: {  	_ =	swait.ge [sflag:s14], $0x1400  }
0xdf: {  	[sflag:s14] =	ssyncset.done $0x0  }
0xe0: {  	[sflag:s14] =	ssyncadd.s32 $0xFFFFEC00  }
0xe1: {  	_ =	swait.ge [sflag:s15], $0x1400  }
0xe2: {  	[sflag:s15] =	ssyncset.done $0x0  }
0xe3: {  	s0 =	simm.s32 $0x0;
	[sflag:s15] =	ssyncadd.s32 $0xFFFFEC00  }
0xe4: {  	v7 =	vld [tilespmem:s0+$0x5400]  }
0xe5: {  	v12 =	vld [tilespmem:s0+$0x5410]  }
0xe6: {  	v6 =	vld [tilespmem:s0+$0x5420]  }
0xe7: {  	v5 =	vld [tilespmem:s0+$0x5430]  }
0xe8: {  	v4 =	vld [tilespmem:s0+$0x5440]  }
0xe9: {  	v3 =	vld [tilespmem:s0+$0x5450]  }
0xea: {  	v2 =	vld [tilespmem:s0+$0x5460]  }
0xeb: {  	v1 =	vld [tilespmem:s0+$0x5470]  }
0xec: {  	v13 =	vld [tilespmem:s0+$0x400]  }
0xed: {  	v14 =	vld [tilespmem:s0+$0x410]  }
0xee: {  	v11 =	vld [tilespmem:s0+$0x420]  }
0xef: {  	v10 =	vld [tilespmem:s0+$0x430]  }
0xf0: {  	v9 =	vld [tilespmem:s0+$0x440]  }
0xf1: {  	v8 =	vld [tilespmem:s0+$0x450];
	v13 =	vadd.f32 v7, v13  }
0xf2: {  	s2 =	simm.s32 $0x200;
	v12 =	vadd.f32 v12, v14;
	v7 =	vld [tilespmem:s0+$0x460]  }
.LBB2_5:
0xf3: {  	s9 =	sshra.s32 s2, $0x2;
	p0 =	sne.s32 s2, $0x4E00;
	v13 =	vmax.f32 v13, $0.0e+00;
	v6 =	vadd.f32 v6, v11;
	v11 =	vld [tilespmem:s0+$0x470]  }
0xf4: {  	v14 =	vld [tilespmem:s9+$0x5400];
	[tilespmem:s0+$0x400] =	vst v13;
	v12 =	vmax.f32 v12, $0.0e+00;
	v5 =	vadd.f32 v5, v10  }
0xf5: {  	v15 =	vld [tilespmem:s9+$0x5410];
	[tilespmem:s0+$0x410] =	vst v12;
	v10 =	vmax.f32 v6, $0.0e+00;
	v4 =	vadd.f32 v4, v9  }
0xf6: {  	v6 =	vld [tilespmem:s9+$0x5420];
	[tilespmem:s0+$0x420] =	vst v10;
	v9 =	vmax.f32 v5, $0.0e+00;
	v3 =	vadd.f32 v3, v8  }
0xf7: {  	v5 =	vld [tilespmem:s9+$0x5430];
	[tilespmem:s0+$0x430] =	vst v9;
	v8 =	vmax.f32 v4, $0.0e+00;
	v2 =	vadd.f32 v2, v7  }
0xf8: {  	v4 =	vld [tilespmem:s9+$0x5440];
	[tilespmem:s0+$0x440] =	vst v8;
	v7 =	vmax.f32 v3, $0.0e+00;
	v1 =	vadd.f32 v1, v11  }
0xf9: {  	v3 =	vld [tilespmem:s9+$0x5450];
	[tilespmem:s0+$0x450] =	vst v7;
	v7 =	vmax.f32 v2, $0.0e+00  }
0xfa: {  	v2 =	vld [tilespmem:s9+$0x5460];
	[tilespmem:s0+$0x460] =	vst v7;
	v7 =	vmax.f32 v1, $0.0e+00  }
0xfb: {  	v1 =	vld [tilespmem:s9+$0x5470];
	[tilespmem:s0+$0x470] =	vst v7;
	s0 =	smov.u32 s9  }
0xfc: {  	v7 =	vld [tilespmem:s0+$0x400]  }
0xfd: {  	v12 =	vld [tilespmem:s0+$0x410]  }
.Ltmp1:
0xfe: {  	v11 =	vld [tilespmem:s0+$0x420];
	(pc) =	sbr.rel @p0 .LBB2_5-.Ltmp1, $4  }
0xff: {  	v10 =	vld [tilespmem:s0+$0x430]  }
0x100: {  	v9 =	vld [tilespmem:s0+$0x440]  }
0x101: {  	v13 =	vadd.f32 v14, v7;
	v8 =	vld [tilespmem:s0+$0x450]  }
0x102: {  	s2 =	sadd.s32 $0x200, s2;
	v12 =	vadd.f32 v15, v12;
	v7 =	vld [tilespmem:s0+$0x460]  }
0x103: {  	v13 =	vmax.f32 v13, $0.0e+00;
	v6 =	vadd.f32 v6, v11;
	v11 =	vld [tilespmem:s0+$0x470]  }
0x104: {  	[tilespmem:s0+$0x400] =	vst v13;
	v12 =	vmax.f32 v12, $0.0e+00;
	v5 =	vadd.f32 v5, v10  }
0x105: {  	[tilespmem:s0+$0x410] =	vst v12;
	v6 =	vmax.f32 v6, $0.0e+00;
	v4 =	vadd.f32 v4, v9  }
0x106: {  	[tilespmem:s0+$0x420] =	vst v6;
	v5 =	vmax.f32 v5, $0.0e+00;
	v3 =	vadd.f32 v3, v8  }
0x107: {  	[tilespmem:s0+$0x430] =	vst v5;
	v4 =	vmax.f32 v4, $0.0e+00;
	v2 =	vadd.f32 v2, v7  }
0x108: {  	[tilespmem:s0+$0x440] =	vst v4;
	v3 =	vmax.f32 v3, $0.0e+00;
	v1 =	vadd.f32 v1, v11  }
0x109: {  	[tilespmem:s0+$0x450] =	vst v3;
	v2 =	vmax.f32 v2, $0.0e+00  }
0x10a: {  	[tilespmem:s0+$0x460] =	vst v2;
	v1 =	vmax.f32 v1, $0.0e+00  }
0x10b: {  	[tilespmem:s0+$0x470] =	vst v1  }
0x10c: {  	_ =	swait.ge [sflag:s16], $0x28  }
0x10d: {  	[sflag:s16] =	ssyncset.done $0x0  }
0x10e: {  	s12 =	simm.s32 $0x200;
	s2 =	simm.s32 $0x400;
	[sflag:s16] =	ssyncadd.s32 $0xFFFFFFD8  }
0x10f: {  	[spmem:s23] =	stream.indirect.scatter.add.f32 [tilespmem:s2], [sflag:$0x11], $0x80, s12, s8, $0xb8;
	[tilespmem:$0x1F400] =	vst v63  }
0x110: {  	_ =	swait.ge [sflag:s31], $0x1400  }
0x111: {  	s9 =	sld [smem:$0x7EF]  }
0x112: {  	s19 =	smul.u32 $0xA0, s13;
	_ =	sdelay $0x1  }
0x113: {  	s20 =	sadd.s32 s19, s9  }
0x114: {  	[sflag:s31] =	ssyncset.done $0x0;
	s0 =	sshrl.u32 s20, $0x3  }
0x115: {  	[sflag:s31] =	ssyncadd.s32 $0xFFFFEC00;
	s9 =	simm.s32 $0x0;
	s2 =	sadd.s32 s28, s0  }
0x116: {  	[tilespmem:s9], [sflag:$0x1] =	stream.linear.gather [hbm4b:s2+s9], $0x28, $0x38;
	[tilespmem:$0x1F400] =	vst v63  }
0x117: {  	s0 =	sadd.s32 s21, s0  }
0x118: {  	[tilespmem:s12], [sflag:$0x5] =	stream.linear.gather [hbm4b:s0+s9], $0x28, $0x38;
	[tilespmem:$0x1F400] =	vst v63  }
0x119: {  	s12 =	simm.s32 $0x3  }
0x11a: {  	_ =	swait.ge [sflag:s12], $0x28  }
0x11b: {  	[sflag:s12] =	ssyncset.done $0x0  }
0x11c: {  	[sflag:s12] =	ssyncadd.s32 $0xFFFFFFD8;
	s12 =	sld [smem:$0x7E7]  }
0x11d: {  	s2 =	simm.s32 $0x2C00  }
0x11e: {  	[tilespmem:s2], [sflag:$0xB] =	stream.indirect.gather [hbm4b:s25+s8], $0x80, s18, s8, $0xb8;
	[tilespmem:$0x1F400] =	vst v63  }
0x11f: {  	s0 =	sadd.s32 s19, s12  }
0x120: {  	s0 =	sshll.u32 s0, $0x4  }
0x121: {  	s18 =	simm.s32 $0x7C00;
	s0 =	sadd.s32 s26, s0  }
0x122: {  	[tilespmem:s18], [sflag:$0xF] =	stream.linear.gather [hbm4b:s0+s9], $0x1400, $0x38;
	[tilespmem:$0x1F400] =	vst v63  }
0x123: {  	_ =	swait.ge [sflag:s30], $0x1400  }
0x124: {  	[sflag:s30] =	ssyncset.done $0x0  }
0x125: {  	[sflag:s30] =	ssyncadd.s32 $0xFFFFEC00  }
0x126: {  	_ =	swait.ge [sflag:s22], $0x1400  }
0x127: {  	[sflag:s22] =	ssyncset.done $0x0  }
0x128: {  	s0 =	simm.s32 $0x0;
	[sflag:s22] =	ssyncadd.s32 $0xFFFFEC00  }
0x129: {  	v7 =	vld [tilespmem:s0+$0x6800]  }
0x12a: {  	v12 =	vld [tilespmem:s0+$0x6810]  }
0x12b: {  	v6 =	vld [tilespmem:s0+$0x6820]  }
0x12c: {  	v5 =	vld [tilespmem:s0+$0x6830]  }
0x12d: {  	v4 =	vld [tilespmem:s0+$0x6840]  }
0x12e: {  	v3 =	vld [tilespmem:s0+$0x6850]  }
0x12f: {  	v2 =	vld [tilespmem:s0+$0x6860]  }
0x130: {  	v1 =	vld [tilespmem:s0+$0x6870]  }
0x131: {  	v13 =	vld [tilespmem:s0+$0x1800]  }
0x132: {  	v14 =	vld [tilespmem:s0+$0x1810]  }
0x133: {  	v11 =	vld [tilespmem:s0+$0x1820]  }
0x134: {  	v10 =	vld [tilespmem:s0+$0x1830]  }
0x135: {  	v9 =	vld [tilespmem:s0+$0x1840]  }
0x136: {  	v8 =	vld [tilespmem:s0+$0x1850];
	v13 =	vadd.f32 v7, v13  }
0x137: {  	s2 =	simm.s32 $0x200;
	v12 =	vadd.f32 v12, v14;
	v7 =	vld [tilespmem:s0+$0x1860]  }
.LBB2_7:
0x138: {  	s9 =	sshra.s32 s2, $0x2;
	p0 =	sne.s32 s2, $0x4E00;
	v13 =	vmax.f32 v13, $0.0e+00;
	v6 =	vadd.f32 v6, v11;
	v11 =	vld [tilespmem:s0+$0x1870]  }
0x139: {  	v14 =	vld [tilespmem:s9+$0x6800];
	[tilespmem:s0+$0x1800] =	vst v13;
	v12 =	vmax.f32 v12, $0.0e+00;
	v5 =	vadd.f32 v5, v10  }
0x13a: {  	v15 =	vld [tilespmem:s9+$0x6810];
	[tilespmem:s0+$0x1810] =	vst v12;
	v10 =	vmax.f32 v6, $0.0e+00;
	v4 =	vadd.f32 v4, v9  }
0x13b: {  	v6 =	vld [tilespmem:s9+$0x6820];
	[tilespmem:s0+$0x1820] =	vst v10;
	v9 =	vmax.f32 v5, $0.0e+00;
	v3 =	vadd.f32 v3, v8  }
0x13c: {  	v5 =	vld [tilespmem:s9+$0x6830];
	[tilespmem:s0+$0x1830] =	vst v9;
	v8 =	vmax.f32 v4, $0.0e+00;
	v2 =	vadd.f32 v2, v7  }
0x13d: {  	v4 =	vld [tilespmem:s9+$0x6840];
	[tilespmem:s0+$0x1840] =	vst v8;
	v7 =	vmax.f32 v3, $0.0e+00;
	v1 =	vadd.f32 v1, v11  }
0x13e: {  	v3 =	vld [tilespmem:s9+$0x6850];
	[tilespmem:s0+$0x1850] =	vst v7;
	v7 =	vmax.f32 v2, $0.0e+00  }
0x13f: {  	v2 =	vld [tilespmem:s9+$0x6860];
	[tilespmem:s0+$0x1860] =	vst v7;
	v7 =	vmax.f32 v1, $0.0e+00  }
0x140: {  	v1 =	vld [tilespmem:s9+$0x6870];
	[tilespmem:s0+$0x1870] =	vst v7;
	s0 =	smov.u32 s9  }
0x141: {  	v7 =	vld [tilespmem:s0+$0x1800]  }
0x142: {  	v12 =	vld [tilespmem:s0+$0x1810]  }
.Ltmp2:
0x143: {  	v11 =	vld [tilespmem:s0+$0x1820];
	(pc) =	sbr.rel @p0 .LBB2_7-.Ltmp2, $4  }
0x144: {  	v10 =	vld [tilespmem:s0+$0x1830]  }
0x145: {  	v9 =	vld [tilespmem:s0+$0x1840]  }
0x146: {  	v13 =	vadd.f32 v14, v7;
	v8 =	vld [tilespmem:s0+$0x1850]  }
0x147: {  	s2 =	sadd.s32 $0x200, s2;
	v12 =	vadd.f32 v15, v12;
	v7 =	vld [tilespmem:s0+$0x1860]  }
0x148: {  	v13 =	vmax.f32 v13, $0.0e+00;
	v6 =	vadd.f32 v6, v11;
	v11 =	vld [tilespmem:s0+$0x1870]  }
0x149: {  	[tilespmem:s0+$0x1800] =	vst v13;
	v12 =	vmax.f32 v12, $0.0e+00;
	v5 =	vadd.f32 v5, v10  }
0x14a: {  	[tilespmem:s0+$0x1810] =	vst v12;
	v6 =	vmax.f32 v6, $0.0e+00;
	v4 =	vadd.f32 v4, v9  }
0x14b: {  	[tilespmem:s0+$0x1820] =	vst v6;
	v5 =	vmax.f32 v5, $0.0e+00;
	v3 =	vadd.f32 v3, v8  }
0x14c: {  	[tilespmem:s0+$0x1830] =	vst v5;
	v4 =	vmax.f32 v4, $0.0e+00;
	v2 =	vadd.f32 v2, v7  }
0x14d: {  	[tilespmem:s0+$0x1840] =	vst v4;
	v3 =	vmax.f32 v3, $0.0e+00;
	v1 =	vadd.f32 v1, v11  }
0x14e: {  	[tilespmem:s0+$0x1850] =	vst v3;
	v2 =	vmax.f32 v2, $0.0e+00  }
0x14f: {  	[tilespmem:s0+$0x1860] =	vst v2;
	v1 =	vmax.f32 v1, $0.0e+00  }
0x150: {  	[tilespmem:s0+$0x1870] =	vst v1  }
0x151: {  	_ =	swait.ge [sflag:s17], $0x28  }
0x152: {  	[sflag:s17] =	ssyncset.done $0x0  }
0x153: {  	s18 =	simm.s32 $0x280;
	s12 =	simm.s32 $0x1800;
	[sflag:s17] =	ssyncadd.s32 $0xFFFFFFD8  }
0x154: {  	[spmem:s23] =	stream.indirect.scatter.add.f32 [tilespmem:s12], [sflag:$0x11], $0x80, s18, s8, $0xb8;
	[tilespmem:$0x1F400] =	vst v63  }
0x155: {  	_ =	swait.ge [sflag:s31], $0x1400  }
0x156: {  	s2 =	sld [smem:$0x7F0];
	_ =	sdelay $0x2  }
0x157: {  	s0 =	sadd.s32 s19, s2  }
0x158: {  	[sflag:s31] =	ssyncset.done $0x0;
	s2 =	sshrl.u32 s0, $0x3  }
0x159: {  	s12 =	simm.s32 $0x0;
	[sflag:s31] =	ssyncadd.s32 $0xFFFFEC00;
	s9 =	sadd.s32 s28, s2  }
0x15a: {  	[tilespmem:s10], [sflag:$0x2] =	stream.linear.gather [hbm4b:s9+s12], $0x28, $0x38;
	[tilespmem:$0x1F400] =	vst v63  }
0x15b: {  	s2 =	sadd.s32 s21, s2;
	s9 =	simm.s32 $0x4  }
0x15c: {  	[tilespmem:s18], [sflag:$0x6] =	stream.linear.gather [hbm4b:s2+s12], $0x28, $0x38;
	[tilespmem:$0x1F400] =	vst v63  }
0x15d: {  	_ =	swait.ge [sflag:s9], $0x28  }
0x15e: {  	[sflag:s9] =	ssyncset.done $0x0  }
0x15f: {  	[sflag:s9] =	ssyncadd.s32 $0xFFFFFFD8;
	s9 =	sld [smem:$0x7E9]  }
0x160: {  	s18 =	simm.s32 $0x4000  }
0x161: {  	[tilespmem:s18], [sflag:$0xC] =	stream.indirect.gather [hbm4b:s25+s8], $0x80, s24, s8, $0xb8;
	[tilespmem:$0x1F400] =	vst v63  }
0x162: {  	s2 =	sadd.s32 s19, s9  }
0x163: {  	s2 =	sshll.u32 s2, $0x4  }
0x164: {  	s18 =	simm.s32 $0x9000;
	s24 =	simm.s32 $0xB;
	s2 =	sadd.s32 s26, s2  }
0x165: {  	[tilespmem:s18], [sflag:$0x10] =	stream.linear.gather [hbm4b:s2+s12], $0x1400, $0x38;
	[tilespmem:$0x1F400] =	vst v63  }
0x166: {  	_ =	swait.ge [sflag:s24], $0x1400  }
0x167: {  	[sflag:s24] =	ssyncset.done $0x0  }
0x168: {  	[sflag:s24] =	ssyncadd.s32 $0xFFFFEC00  }
0x169: {  	_ =	swait.ge [sflag:s29], $0x1400  }
0x16a: {  	[sflag:s29] =	ssyncset.done $0x0  }
0x16b: {  	s2 =	simm.s32 $0x0;
	[sflag:s29] =	ssyncadd.s32 $0xFFFFEC00  }
0x16c: {  	v7 =	vld [tilespmem:s2+$0x7C00]  }
0x16d: {  	v12 =	vld [tilespmem:s2+$0x7C10]  }
0x16e: {  	v6 =	vld [tilespmem:s2+$0x7C20]  }
0x16f: {  	v5 =	vld [tilespmem:s2+$0x7C30]  }
0x170: {  	v4 =	vld [tilespmem:s2+$0x7C40]  }
0x171: {  	v3 =	vld [tilespmem:s2+$0x7C50]  }
0x172: {  	v2 =	vld [tilespmem:s2+$0x7C60]  }
0x173: {  	v1 =	vld [tilespmem:s2+$0x7C70]  }
0x174: {  	v13 =	vld [tilespmem:s2+$0x2C00]  }
0x175: {  	v14 =	vld [tilespmem:s2+$0x2C10]  }
0x176: {  	v11 =	vld [tilespmem:s2+$0x2C20]  }
0x177: {  	v10 =	vld [tilespmem:s2+$0x2C30]  }
0x178: {  	v9 =	vld [tilespmem:s2+$0x2C40]  }
0x179: {  	v8 =	vld [tilespmem:s2+$0x2C50];
	v13 =	vadd.f32 v7, v13  }
0x17a: {  	s9 =	simm.s32 $0x200;
	v12 =	vadd.f32 v12, v14;
	v7 =	vld [tilespmem:s2+$0x2C60]  }
.LBB2_9:
0x17b: {  	s12 =	sshra.s32 s9, $0x2;
	p0 =	sne.s32 s9, $0x4E00;
	v13 =	vmax.f32 v13, $0.0e+00;
	v6 =	vadd.f32 v6, v11;
	v11 =	vld [tilespmem:s2+$0x2C70]  }
0x17c: {  	v14 =	vld [tilespmem:s12+$0x7C00];
	[tilespmem:s2+$0x2C00] =	vst v13;
	v12 =	vmax.f32 v12, $0.0e+00;
	v5 =	vadd.f32 v5, v10  }
0x17d: {  	v15 =	vld [tilespmem:s12+$0x7C10];
	[tilespmem:s2+$0x2C10] =	vst v12;
	v10 =	vmax.f32 v6, $0.0e+00;
	v4 =	vadd.f32 v4, v9  }
0x17e: {  	v6 =	vld [tilespmem:s12+$0x7C20];
	[tilespmem:s2+$0x2C20] =	vst v10;
	v9 =	vmax.f32 v5, $0.0e+00;
	v3 =	vadd.f32 v3, v8  }
0x17f: {  	v5 =	vld [tilespmem:s12+$0x7C30];
	[tilespmem:s2+$0x2C30] =	vst v9;
	v8 =	vmax.f32 v4, $0.0e+00;
	v2 =	vadd.f32 v2, v7  }
0x180: {  	v4 =	vld [tilespmem:s12+$0x7C40];
	[tilespmem:s2+$0x2C40] =	vst v8;
	v7 =	vmax.f32 v3, $0.0e+00;
	v1 =	vadd.f32 v1, v11  }
0x181: {  	v3 =	vld [tilespmem:s12+$0x7C50];
	[tilespmem:s2+$0x2C50] =	vst v7;
	v7 =	vmax.f32 v2, $0.0e+00  }
0x182: {  	v2 =	vld [tilespmem:s12+$0x7C60];
	[tilespmem:s2+$0x2C60] =	vst v7;
	v7 =	vmax.f32 v1, $0.0e+00  }
0x183: {  	v1 =	vld [tilespmem:s12+$0x7C70];
	[tilespmem:s2+$0x2C70] =	vst v7;
	s2 =	smov.u32 s12  }
0x184: {  	v7 =	vld [tilespmem:s2+$0x2C00]  }
0x185: {  	v12 =	vld [tilespmem:s2+$0x2C10]  }
.Ltmp3:
0x186: {  	v11 =	vld [tilespmem:s2+$0x2C20];
	(pc) =	sbr.rel @p0 .LBB2_9-.Ltmp3, $4  }
0x187: {  	v10 =	vld [tilespmem:s2+$0x2C30]  }
0x188: {  	v9 =	vld [tilespmem:s2+$0x2C40]  }
0x189: {  	v13 =	vadd.f32 v14, v7;
	v8 =	vld [tilespmem:s2+$0x2C50]  }
0x18a: {  	s9 =	sadd.s32 $0x200, s9;
	v12 =	vadd.f32 v15, v12;
	v7 =	vld [tilespmem:s2+$0x2C60]  }
0x18b: {  	v13 =	vmax.f32 v13, $0.0e+00;
	v6 =	vadd.f32 v6, v11;
	v11 =	vld [tilespmem:s2+$0x2C70]  }
0x18c: {  	[tilespmem:s2+$0x2C00] =	vst v13;
	v12 =	vmax.f32 v12, $0.0e+00;
	v5 =	vadd.f32 v5, v10  }
0x18d: {  	[tilespmem:s2+$0x2C10] =	vst v12;
	v6 =	vmax.f32 v6, $0.0e+00;
	v4 =	vadd.f32 v4, v9  }
0x18e: {  	[tilespmem:s2+$0x2C20] =	vst v6;
	v5 =	vmax.f32 v5, $0.0e+00;
	v3 =	vadd.f32 v3, v8  }
0x18f: {  	[tilespmem:s2+$0x2C30] =	vst v5;
	v4 =	vmax.f32 v4, $0.0e+00;
	v2 =	vadd.f32 v2, v7  }
0x190: {  	[tilespmem:s2+$0x2C40] =	vst v4;
	v3 =	vmax.f32 v3, $0.0e+00;
	v1 =	vadd.f32 v1, v11  }
0x191: {  	[tilespmem:s2+$0x2C50] =	vst v3;
	v2 =	vmax.f32 v2, $0.0e+00  }
0x192: {  	[tilespmem:s2+$0x2C60] =	vst v2;
	v1 =	vmax.f32 v1, $0.0e+00  }
0x193: {  	[tilespmem:s2+$0x2C70] =	vst v1  }
0x194: {  	_ =	swait.ge [sflag:s3], $0x28  }
0x195: {  	[sflag:s3] =	ssyncset.done $0x0  }
0x196: {  	s24 =	simm.s32 $0x300;
	s12 =	simm.s32 $0x2C00;
	[sflag:s3] =	ssyncadd.s32 $0xFFFFFFD8  }
0x197: {  	[spmem:s23] =	stream.indirect.scatter.add.f32 [tilespmem:s12], [sflag:$0x11], $0x80, s24, s8, $0xb8;
	[tilespmem:$0x1F400] =	vst v63  }
0x198: {  	_ =	swait.ge [sflag:s31], $0x1400  }
0x199: {  	s18 =	sld [smem:$0x7F1];
	_ =	sdelay $0x2  }
0x19a: {  	s2 =	sadd.s32 s19, s18  }
0x19b: {  	s12 =	simm.s32 $0x0;
	[sflag:s31] =	ssyncset.done $0x0;
	s2 =	sshrl.u32 s2, $0x3  }
0x19c: {  	[sflag:s31] =	ssyncadd.s32 $0xFFFFEC00;
	s18 =	simm.s32 $0x100;
	s9 =	sadd.s32 s28, s2  }
0x19d: {  	[tilespmem:s18], [sflag:$0x3] =	stream.linear.gather [hbm4b:s9+s12], $0x28, $0x38;
	[tilespmem:$0x1F400] =	vst v63  }
0x19e: {  	s2 =	sadd.s32 s21, s2  }
0x19f: {  	[tilespmem:s24], [sflag:$0x7] =	stream.linear.gather [hbm4b:s2+s12], $0x28, $0x38;
	[tilespmem:$0x1F400] =	vst v63  }
0x1a0: {  	_ =	swait.ge [sflag:s7], $0x28  }
0x1a1: {  	[sflag:s7] =	ssyncset.done $0x0  }
0x1a2: {  	s20 =	sshll.u32 s20, $0x4;
	s9 =	simm.s32 $0x400;
	[sflag:s7] =	ssyncadd.s32 $0xFFFFFFD8  }
0x1a3: {  	[tilespmem:s9], [sflag:$0x9] =	stream.indirect.gather [hbm4b:s25+s8], $0x80, s12, s8, $0xb8;
	[tilespmem:$0x1F400] =	vst v63  }
0x1a4: {  	s2 =	sadd.s32 s26, s20;
	s24 =	simm.s32 $0x5400  }
0x1a5: {  	[tilespmem:s24], [sflag:$0xD] =	stream.linear.gather [hbm4b:s2+s12], $0x1400, $0x38;
	[tilespmem:$0x1F400] =	vst v63  }
0x1a6: {  	_ =	swait.ge [sflag:s4], $0x1400  }
0x1a7: {  	[sflag:s4] =	ssyncset.done $0x0  }
0x1a8: {  	[sflag:s4] =	ssyncadd.s32 $0xFFFFEC00  }
0x1a9: {  	_ =	swait.ge [sflag:s5], $0x1400  }
0x1aa: {  	[sflag:s5] =	ssyncset.done $0x0  }
0x1ab: {  	s2 =	simm.s32 $0x0;
	[sflag:s5] =	ssyncadd.s32 $0xFFFFEC00  }
0x1ac: {  	v7 =	vld [tilespmem:s2+$0x9000]  }
0x1ad: {  	v12 =	vld [tilespmem:s2+$0x9010]  }
0x1ae: {  	v6 =	vld [tilespmem:s2+$0x9020]  }
0x1af: {  	v5 =	vld [tilespmem:s2+$0x9030]  }
0x1b0: {  	v4 =	vld [tilespmem:s2+$0x9040]  }
0x1b1: {  	v3 =	vld [tilespmem:s2+$0x9050]  }
0x1b2: {  	v2 =	vld [tilespmem:s2+$0x9060]  }
0x1b3: {  	v1 =	vld [tilespmem:s2+$0x9070]  }
0x1b4: {  	v13 =	vld [tilespmem:s2+$0x4000]  }
0x1b5: {  	v14 =	vld [tilespmem:s2+$0x4010]  }
0x1b6: {  	v11 =	vld [tilespmem:s2+$0x4020]  }
0x1b7: {  	v10 =	vld [tilespmem:s2+$0x4030]  }
0x1b8: {  	v9 =	vld [tilespmem:s2+$0x4040]  }
0x1b9: {  	v8 =	vld [tilespmem:s2+$0x4050];
	v13 =	vadd.f32 v7, v13  }
0x1ba: {  	s9 =	simm.s32 $0x200;
	v12 =	vadd.f32 v12, v14;
	v7 =	vld [tilespmem:s2+$0x4060]  }
.LBB2_11:
0x1bb: {  	s12 =	sshra.s32 s9, $0x2;
	p0 =	sne.s32 s9, $0x4E00;
	v13 =	vmax.f32 v13, $0.0e+00;
	v6 =	vadd.f32 v6, v11;
	v11 =	vld [tilespmem:s2+$0x4070]  }
0x1bc: {  	v14 =	vld [tilespmem:s12+$0x9000];
	[tilespmem:s2+$0x4000] =	vst v13;
	v12 =	vmax.f32 v12, $0.0e+00;
	v5 =	vadd.f32 v5, v10  }
0x1bd: {  	v15 =	vld [tilespmem:s12+$0x9010];
	[tilespmem:s2+$0x4010] =	vst v12;
	v10 =	vmax.f32 v6, $0.0e+00;
	v4 =	vadd.f32 v4, v9  }
0x1be: {  	v6 =	vld [tilespmem:s12+$0x9020];
	[tilespmem:s2+$0x4020] =	vst v10;
	v9 =	vmax.f32 v5, $0.0e+00;
	v3 =	vadd.f32 v3, v8  }
0x1bf: {  	v5 =	vld [tilespmem:s12+$0x9030];
	[tilespmem:s2+$0x4030] =	vst v9;
	v8 =	vmax.f32 v4, $0.0e+00;
	v2 =	vadd.f32 v2, v7  }
0x1c0: {  	v4 =	vld [tilespmem:s12+$0x9040];
	[tilespmem:s2+$0x4040] =	vst v8;
	v7 =	vmax.f32 v3, $0.0e+00;
	v1 =	vadd.f32 v1, v11  }
0x1c1: {  	v3 =	vld [tilespmem:s12+$0x9050];
	[tilespmem:s2+$0x4050] =	vst v7;
	v7 =	vmax.f32 v2, $0.0e+00  }
0x1c2: {  	v2 =	vld [tilespmem:s12+$0x9060];
	[tilespmem:s2+$0x4060] =	vst v7;
	v7 =	vmax.f32 v1, $0.0e+00  }
0x1c3: {  	v1 =	vld [tilespmem:s12+$0x9070];
	[tilespmem:s2+$0x4070] =	vst v7;
	s2 =	smov.u32 s12  }
0x1c4: {  	v7 =	vld [tilespmem:s2+$0x4000]  }
0x1c5: {  	v12 =	vld [tilespmem:s2+$0x4010]  }
.Ltmp4:
0x1c6: {  	v11 =	vld [tilespmem:s2+$0x4020];
	(pc) =	sbr.rel @p0 .LBB2_11-.Ltmp4, $4  }
0x1c7: {  	v10 =	vld [tilespmem:s2+$0x4030]  }
0x1c8: {  	v9 =	vld [tilespmem:s2+$0x4040]  }
0x1c9: {  	v13 =	vadd.f32 v14, v7;
	v8 =	vld [tilespmem:s2+$0x4050]  }
0x1ca: {  	s9 =	sadd.s32 $0x200, s9;
	v12 =	vadd.f32 v15, v12;
	v7 =	vld [tilespmem:s2+$0x4060]  }
0x1cb: {  	v13 =	vmax.f32 v13, $0.0e+00;
	v6 =	vadd.f32 v6, v11;
	v63 =	vld [tilespmem:s2+$0x4070]  }
0x1cc: {  	[tilespmem:s2+$0x4000] =	vst v13;
	v12 =	vmax.f32 v12, $0.0e+00;
	v5 =	vadd.f32 v5, v10  }
0x1cd: {  	[tilespmem:s2+$0x4010] =	vst v12;
	v6 =	vmax.f32 v6, $0.0e+00;
	v4 =	vadd.f32 v4, v9  }
0x1ce: {  	[tilespmem:s2+$0x4020] =	vst v6;
	v5 =	vmax.f32 v5, $0.0e+00;
	v3 =	vadd.f32 v3, v8  }
0x1cf: {  	[tilespmem:s2+$0x4030] =	vst v5;
	v4 =	vmax.f32 v4, $0.0e+00;
	v2 =	vadd.f32 v2, v7  }
0x1d0: {  	[tilespmem:s2+$0x4040] =	vst v4;
	v3 =	vmax.f32 v3, $0.0e+00;
	v1 =	vadd.f32 v1, v63  }
0x1d1: {  	[tilespmem:s2+$0x4050] =	vst v3;
	v2 =	vmax.f32 v2, $0.0e+00  }
0x1d2: {  	[tilespmem:s2+$0x4060] =	vst v2;
	v1 =	vmax.f32 v1, $0.0e+00  }
0x1d3: {  	[tilespmem:s2+$0x4070] =	vst v1  }
0x1d4: {  	_ =	swait.ge [sflag:s6], $0x28  }
0x1d5: {  	[sflag:s6] =	ssyncset.done $0x0  }
0x1d6: {  	s12 =	simm.s32 $0x380;
	s24 =	simm.s32 $0x4000;
	[sflag:s6] =	ssyncadd.s32 $0xFFFFFFD8  }
0x1d7: {  	[spmem:s23] =	stream.indirect.scatter.add.f32 [tilespmem:s24], [sflag:$0x11], $0x80, s12, s8, $0xb8;
	[tilespmem:$0x1F400] =	vst v63  }
0x1d8: {  	_ =	swait.ge [sflag:s31], $0x1400  }
0x1d9: {  	s9 =	sld [smem:$0x7F2];
	_ =	sdelay $0x2  }
0x1da: {  	s2 =	sadd.s32 s19, s9  }
0x1db: {  	[sflag:s31] =	ssyncset.done $0x0;
	s2 =	sshrl.u32 s2, $0x3  }
0x1dc: {  	s24 =	simm.s32 $0x180;
	[sflag:s31] =	ssyncadd.s32 $0xFFFFEC00;
	s9 =	sadd.s32 s28, s2  }
0x1dd: {  	[tilespmem:s24], [sflag:$0x4] =	stream.linear.gather [hbm4b:s9+s1], $0x28, $0x38;
	[tilespmem:$0x1F400] =	vst v63  }
0x1de: {  	s13 =	sadd.s32 $0x1, s13;
	s2 =	sadd.s32 s21, s2  }
0x1df: {  	[tilespmem:s12], [sflag:$0x8] =	stream.linear.gather [hbm4b:s2+s1], $0x28, $0x38;
	[tilespmem:$0x1F400] =	vst v63  }
0x1e0: {  	p0 =	sne.s32 s13, $0x3D;
	_ =	swait.ge [sflag:s11], $0x28  }
.Ltmp5:
0x1e1: {  	[sflag:s11] =	ssyncset.done $0x0;
	(pc) =	sbr.rel @p0 .LBB2_4-.Ltmp5, $4  }
0x1e2: {  	s0 =	sshll.u32 s0, $0x4;
	s12 =	simm.s32 $0x1800;
	[sflag:s11] =	ssyncadd.s32 $0xFFFFFFD8  }
0x1e3: {  	[tilespmem:s12], [sflag:$0xA] =	stream.indirect.gather [hbm4b:s25+s8], $0x80, s10, s8, $0xb8;
	[tilespmem:$0x1F400] =	vst v63  }
0x1e4: {  	s20 =	simm.s32 $0x380;
	s0 =	sadd.s32 s26, s0;
	s19 =	simm.s32 $0x6800  }
0x1e5: {  	[tilespmem:s19], [sflag:$0xE] =	stream.linear.gather [hbm4b:s0+s1], $0x1400, $0x38;
	[tilespmem:$0x1F400] =	vst v63  }
0x1e6: {  	_ =	swait.ge [sflag:s14], $0x1400  }
0x1e7: {  	[sflag:s14] =	ssyncset.done $0x0  }
0x1e8: {  	[sflag:s14] =	ssyncadd.s32 $0xFFFFEC00  }
0x1e9: {  	_ =	swait.ge [sflag:s15], $0x1400  }
0x1ea: {  	[sflag:s15] =	ssyncset.done $0x0  }
0x1eb: {  	s0 =	simm.s32 $0x0;
	[sflag:s15] =	ssyncadd.s32 $0xFFFFEC00  }
0x1ec: {  	v7 =	vld [tilespmem:s0+$0x5400]  }
0x1ed: {  	v12 =	vld [tilespmem:s0+$0x5410]  }
0x1ee: {  	v6 =	vld [tilespmem:s0+$0x5420]  }
0x1ef: {  	v5 =	vld [tilespmem:s0+$0x5430]  }
0x1f0: {  	v4 =	vld [tilespmem:s0+$0x5440]  }
0x1f1: {  	v3 =	vld [tilespmem:s0+$0x5450]  }
0x1f2: {  	v2 =	vld [tilespmem:s0+$0x5460]  }
0x1f3: {  	v1 =	vld [tilespmem:s0+$0x5470]  }
0x1f4: {  	v13 =	vld [tilespmem:s0+$0x400]  }
0x1f5: {  	v14 =	vld [tilespmem:s0+$0x410]  }
0x1f6: {  	v11 =	vld [tilespmem:s0+$0x420]  }
0x1f7: {  	v10 =	vld [tilespmem:s0+$0x430]  }
0x1f8: {  	v9 =	vld [tilespmem:s0+$0x440]  }
0x1f9: {  	v8 =	vld [tilespmem:s0+$0x450];
	v13 =	vadd.f32 v7, v13  }
0x1fa: {  	s2 =	simm.s32 $0x200;
	v12 =	vadd.f32 v12, v14;
	v7 =	vld [tilespmem:s0+$0x460]  }
.LBB2_14:
0x1fb: {  	s9 =	sshra.s32 s2, $0x2;
	p0 =	sne.s32 s2, $0x4E00;
	v13 =	vmax.f32 v13, $0.0e+00;
	v6 =	vadd.f32 v6, v11;
	v11 =	vld [tilespmem:s0+$0x470]  }
0x1fc: {  	v14 =	vld [tilespmem:s9+$0x5400];
	[tilespmem:s0+$0x400] =	vst v13;
	v12 =	vmax.f32 v12, $0.0e+00;
	v5 =	vadd.f32 v5, v10  }
0x1fd: {  	v15 =	vld [tilespmem:s9+$0x5410];
	[tilespmem:s0+$0x410] =	vst v12;
	v10 =	vmax.f32 v6, $0.0e+00;
	v4 =	vadd.f32 v4, v9  }
0x1fe: {  	v6 =	vld [tilespmem:s9+$0x5420];
	[tilespmem:s0+$0x420] =	vst v10;
	v9 =	vmax.f32 v5, $0.0e+00;
	v3 =	vadd.f32 v3, v8  }
0x1ff: {  	v5 =	vld [tilespmem:s9+$0x5430];
	[tilespmem:s0+$0x430] =	vst v9;
	v8 =	vmax.f32 v4, $0.0e+00;
	v2 =	vadd.f32 v2, v7  }
0x200: {  	v4 =	vld [tilespmem:s9+$0x5440];
	[tilespmem:s0+$0x440] =	vst v8;
	v7 =	vmax.f32 v3, $0.0e+00;
	v1 =	vadd.f32 v1, v11  }
0x201: {  	v3 =	vld [tilespmem:s9+$0x5450];
	[tilespmem:s0+$0x450] =	vst v7;
	v7 =	vmax.f32 v2, $0.0e+00  }
0x202: {  	v2 =	vld [tilespmem:s9+$0x5460];
	[tilespmem:s0+$0x460] =	vst v7;
	v7 =	vmax.f32 v1, $0.0e+00  }
0x203: {  	v1 =	vld [tilespmem:s9+$0x5470];
	[tilespmem:s0+$0x470] =	vst v7;
	s0 =	smov.u32 s9  }
0x204: {  	v7 =	vld [tilespmem:s0+$0x400]  }
0x205: {  	v12 =	vld [tilespmem:s0+$0x410]  }
.Ltmp6:
0x206: {  	v11 =	vld [tilespmem:s0+$0x420];
	(pc) =	sbr.rel @p0 .LBB2_14-.Ltmp6, $4  }
0x207: {  	v10 =	vld [tilespmem:s0+$0x430]  }
0x208: {  	v9 =	vld [tilespmem:s0+$0x440]  }
0x209: {  	v13 =	vadd.f32 v14, v7;
	v8 =	vld [tilespmem:s0+$0x450]  }
0x20a: {  	s2 =	sadd.s32 $0x200, s2;
	v12 =	vadd.f32 v15, v12;
	v7 =	vld [tilespmem:s0+$0x460]  }
0x20b: {  	v13 =	vmax.f32 v13, $0.0e+00;
	v6 =	vadd.f32 v6, v11;
	v11 =	vld [tilespmem:s0+$0x470]  }
0x20c: {  	[tilespmem:s0+$0x400] =	vst v13;
	v12 =	vmax.f32 v12, $0.0e+00;
	v5 =	vadd.f32 v5, v10  }
0x20d: {  	[tilespmem:s0+$0x410] =	vst v12;
	v6 =	vmax.f32 v6, $0.0e+00;
	v4 =	vadd.f32 v4, v9  }
0x20e: {  	[tilespmem:s0+$0x420] =	vst v6;
	v5 =	vmax.f32 v5, $0.0e+00;
	v3 =	vadd.f32 v3, v8  }
0x20f: {  	[tilespmem:s0+$0x430] =	vst v5;
	v4 =	vmax.f32 v4, $0.0e+00;
	v2 =	vadd.f32 v2, v7  }
0x210: {  	[tilespmem:s0+$0x440] =	vst v4;
	v3 =	vmax.f32 v3, $0.0e+00;
	v1 =	vadd.f32 v1, v11  }
0x211: {  	[tilespmem:s0+$0x450] =	vst v3;
	v2 =	vmax.f32 v2, $0.0e+00  }
0x212: {  	[tilespmem:s0+$0x460] =	vst v2;
	v1 =	vmax.f32 v1, $0.0e+00  }
0x213: {  	[tilespmem:s0+$0x470] =	vst v1  }
0x214: {  	_ =	swait.ge [sflag:s16], $0x28  }
0x215: {  	[sflag:s16] =	ssyncset.done $0x0  }
0x216: {  	s9 =	simm.s32 $0x200;
	s13 =	simm.s32 $0x400;
	[sflag:s16] =	ssyncadd.s32 $0xFFFFFFD8  }
0x217: {  	[spmem:s23] =	stream.indirect.scatter.add.f32 [tilespmem:s13], [sflag:$0x11], $0x80, s9, s8, $0xb8;
	[tilespmem:$0x1F400] =	vst v63  }
0x218: {  	_ =	swait.ge [sflag:s31], $0x1400  }
0x219: {  	s2 =	sld [smem:$0x7F3]  }
0x21a: {  	[sflag:s31] =	ssyncset.done $0x0  }
0x21b: {  	s0 =	simm.s32 $0x0;
	s19 =	sld [smem:$0x7F4];
	[sflag:s31] =	ssyncadd.s32 $0xFFFFEC00  }
0x21c: {  	[tilespmem:s0], [sflag:$0x1] =	stream.linear.gather [hbm4b:s2+s0], $0x28, $0x38;
	[tilespmem:$0x1F400] =	vst v63  }
0x21d: {  	_ = 	snop  }
0x21e: {  	[tilespmem:s9], [sflag:$0x5] =	stream.linear.gather [hbm4b:s19+s0], $0x28, $0x38;
	[tilespmem:$0x1F400] =	vst v63  }
0x21f: {  	s9 =	simm.s32 $0x3  }
0x220: {  	_ =	swait.ge [sflag:s9], $0x28  }
0x221: {  	[sflag:s9] =	ssyncset.done $0x0  }
0x222: {  	s12 =	simm.s32 $0x2C00;
	s13 =	sld [smem:$0x7F7];
	[sflag:s9] =	ssyncadd.s32 $0xFFFFFFD8  }
0x223: {  	[tilespmem:s12], [sflag:$0xB] =	stream.indirect.gather [hbm4b:s25+s8], $0x80, s18, s8, $0xb8;
	[tilespmem:$0x1F400] =	vst v63  }
0x224: {  	s19 =	simm.s32 $0x7C00  }
0x225: {  	[tilespmem:s19], [sflag:$0xF] =	stream.linear.gather [hbm4b:s13+s0], $0x1400, $0x38;
	[tilespmem:$0x1F400] =	vst v63  }
0x226: {  	_ =	swait.ge [sflag:s30], $0x1400  }
0x227: {  	[sflag:s30] =	ssyncset.done $0x0  }
0x228: {  	[sflag:s30] =	ssyncadd.s32 $0xFFFFEC00  }
0x229: {  	_ =	swait.ge [sflag:s22], $0x1400  }
0x22a: {  	[sflag:s22] =	ssyncset.done $0x0  }
0x22b: {  	s0 =	simm.s32 $0x0;
	[sflag:s22] =	ssyncadd.s32 $0xFFFFEC00  }
0x22c: {  	v7 =	vld [tilespmem:s0+$0x6800]  }
0x22d: {  	v12 =	vld [tilespmem:s0+$0x6810]  }
0x22e: {  	v6 =	vld [tilespmem:s0+$0x6820]  }
0x22f: {  	v5 =	vld [tilespmem:s0+$0x6830]  }
0x230: {  	v4 =	vld [tilespmem:s0+$0x6840]  }
0x231: {  	v3 =	vld [tilespmem:s0+$0x6850]  }
0x232: {  	v2 =	vld [tilespmem:s0+$0x6860]  }
0x233: {  	v1 =	vld [tilespmem:s0+$0x6870]  }
0x234: {  	v13 =	vld [tilespmem:s0+$0x1800]  }
0x235: {  	v14 =	vld [tilespmem:s0+$0x1810]  }
0x236: {  	v11 =	vld [tilespmem:s0+$0x1820]  }
0x237: {  	v10 =	vld [tilespmem:s0+$0x1830]  }
0x238: {  	v9 =	vld [tilespmem:s0+$0x1840]  }
0x239: {  	s12 =	sld [smem:$0x7FC];
	v8 =	vld [tilespmem:s0+$0x1850];
	v13 =	vadd.f32 v7, v13  }
0x23a: {  	s2 =	simm.s32 $0x200;
	s19 =	sld [smem:$0x7FD];
	v12 =	vadd.f32 v12, v14;
	v7 =	vld [tilespmem:s0+$0x1860]  }
.LBB2_16:
0x23b: {  	s9 =	sshra.s32 s2, $0x2;
	p0 =	sne.s32 s2, $0x4E00;
	v13 =	vmax.f32 v13, $0.0e+00;
	v6 =	vadd.f32 v6, v11;
	v11 =	vld [tilespmem:s0+$0x1870]  }
0x23c: {  	v14 =	vld [tilespmem:s9+$0x6800];
	[tilespmem:s0+$0x1800] =	vst v13;
	v12 =	vmax.f32 v12, $0.0e+00;
	v5 =	vadd.f32 v5, v10  }
0x23d: {  	v15 =	vld [tilespmem:s9+$0x6810];
	[tilespmem:s0+$0x1810] =	vst v12;
	v10 =	vmax.f32 v6, $0.0e+00;
	v4 =	vadd.f32 v4, v9  }
0x23e: {  	v6 =	vld [tilespmem:s9+$0x6820];
	[tilespmem:s0+$0x1820] =	vst v10;
	v9 =	vmax.f32 v5, $0.0e+00;
	v3 =	vadd.f32 v3, v8  }
0x23f: {  	v5 =	vld [tilespmem:s9+$0x6830];
	[tilespmem:s0+$0x1830] =	vst v9;
	v8 =	vmax.f32 v4, $0.0e+00;
	v2 =	vadd.f32 v2, v7  }
0x240: {  	v4 =	vld [tilespmem:s9+$0x6840];
	[tilespmem:s0+$0x1840] =	vst v8;
	v7 =	vmax.f32 v3, $0.0e+00;
	v1 =	vadd.f32 v1, v11  }
0x241: {  	v3 =	vld [tilespmem:s9+$0x6850];
	[tilespmem:s0+$0x1850] =	vst v7;
	v7 =	vmax.f32 v2, $0.0e+00  }
0x242: {  	v2 =	vld [tilespmem:s9+$0x6860];
	[tilespmem:s0+$0x1860] =	vst v7;
	v7 =	vmax.f32 v1, $0.0e+00  }
0x243: {  	v1 =	vld [tilespmem:s9+$0x6870];
	[tilespmem:s0+$0x1870] =	vst v7;
	s0 =	smov.u32 s9  }
0x244: {  	v7 =	vld [tilespmem:s0+$0x1800]  }
0x245: {  	v12 =	vld [tilespmem:s0+$0x1810]  }
.Ltmp7:
0x246: {  	v11 =	vld [tilespmem:s0+$0x1820];
	(pc) =	sbr.rel @p0 .LBB2_16-.Ltmp7, $4  }
0x247: {  	v10 =	vld [tilespmem:s0+$0x1830]  }
0x248: {  	v9 =	vld [tilespmem:s0+$0x1840]  }
0x249: {  	v13 =	vadd.f32 v14, v7;
	v8 =	vld [tilespmem:s0+$0x1850]  }
0x24a: {  	s2 =	sadd.s32 $0x200, s2;
	v12 =	vadd.f32 v15, v12;
	v7 =	vld [tilespmem:s0+$0x1860]  }
0x24b: {  	v13 =	vmax.f32 v13, $0.0e+00;
	v6 =	vadd.f32 v6, v11;
	v11 =	vld [tilespmem:s0+$0x1870]  }
0x24c: {  	[tilespmem:s0+$0x1800] =	vst v13;
	v12 =	vmax.f32 v12, $0.0e+00;
	v5 =	vadd.f32 v5, v10  }
0x24d: {  	[tilespmem:s0+$0x1810] =	vst v12;
	v6 =	vmax.f32 v6, $0.0e+00;
	v4 =	vadd.f32 v4, v9  }
0x24e: {  	[tilespmem:s0+$0x1820] =	vst v6;
	v5 =	vmax.f32 v5, $0.0e+00;
	v3 =	vadd.f32 v3, v8  }
0x24f: {  	[tilespmem:s0+$0x1830] =	vst v5;
	v4 =	vmax.f32 v4, $0.0e+00;
	v2 =	vadd.f32 v2, v7  }
0x250: {  	[tilespmem:s0+$0x1840] =	vst v4;
	v3 =	vmax.f32 v3, $0.0e+00;
	v1 =	vadd.f32 v1, v11  }
0x251: {  	[tilespmem:s0+$0x1850] =	vst v3;
	v2 =	vmax.f32 v2, $0.0e+00  }
0x252: {  	[tilespmem:s0+$0x1860] =	vst v2;
	v1 =	vmax.f32 v1, $0.0e+00  }
0x253: {  	[tilespmem:s0+$0x1870] =	vst v1  }
0x254: {  	_ =	swait.ge [sflag:s17], $0x28  }
0x255: {  	[sflag:s17] =	ssyncset.done $0x0  }
0x256: {  	s9 =	simm.s32 $0x280;
	s2 =	simm.s32 $0x1800;
	[sflag:s17] =	ssyncadd.s32 $0xFFFFFFD8  }
0x257: {  	[spmem:s23] =	stream.indirect.scatter.add.f32 [tilespmem:s2], [sflag:$0x11], $0x80, s9, s8, $0xb8;
	[tilespmem:$0x1F400] =	vst v63  }
0x258: {  	_ =	swait.ge [sflag:s31], $0x1400  }
0x259: {  	s2 =	sld [smem:$0x7F5]  }
0x25a: {  	[sflag:s31] =	ssyncset.done $0x0  }
0x25b: {  	s0 =	simm.s32 $0x0;
	s13 =	sld [smem:$0x7F6];
	[sflag:s31] =	ssyncadd.s32 $0xFFFFEC00  }
0x25c: {  	[tilespmem:s10], [sflag:$0x2] =	stream.linear.gather [hbm4b:s2+s0], $0x28, $0x38;
	[tilespmem:$0x1F400] =	vst v63  }
0x25d: {  	_ = 	snop  }
0x25e: {  	[tilespmem:s9], [sflag:$0x6] =	stream.linear.gather [hbm4b:s13+s0], $0x28, $0x38;
	[tilespmem:$0x1F400] =	vst v63  }
0x25f: {  	s9 =	simm.s32 $0x4  }
0x260: {  	_ =	swait.ge [sflag:s9], $0x28  }
0x261: {  	[sflag:s9] =	ssyncset.done $0x0  }
0x262: {  	s13 =	simm.s32 $0x4000;
	[sflag:s9] =	ssyncadd.s32 $0xFFFFFFD8;
	s9 =	sld [smem:$0x7F8]  }
0x263: {  	[tilespmem:s13], [sflag:$0xC] =	stream.indirect.gather [hbm4b:s25+s8], $0x80, s24, s8, $0xb8;
	[tilespmem:$0x1F400] =	vst v63  }
0x264: {  	s13 =	simm.s32 $0x9000  }
0x265: {  	[tilespmem:s13], [sflag:$0x10] =	stream.linear.gather [hbm4b:s9+s0], $0x1400, $0x38;
	[tilespmem:$0x1F400] =	vst v63  }
0x266: {  	s13 =	simm.s32 $0xB  }
0x267: {  	_ =	swait.ge [sflag:s13], $0x1400  }
0x268: {  	[sflag:s13] =	ssyncset.done $0x0  }
0x269: {  	[sflag:s13] =	ssyncadd.s32 $0xFFFFEC00  }
0x26a: {  	_ =	swait.ge [sflag:s29], $0x1400  }
0x26b: {  	[sflag:s29] =	ssyncset.done $0x0  }
0x26c: {  	s0 =	simm.s32 $0x0;
	[sflag:s29] =	ssyncadd.s32 $0xFFFFEC00  }
0x26d: {  	v7 =	vld [tilespmem:s0+$0x7C00]  }
0x26e: {  	v12 =	vld [tilespmem:s0+$0x7C10]  }
0x26f: {  	v6 =	vld [tilespmem:s0+$0x7C20]  }
0x270: {  	v5 =	vld [tilespmem:s0+$0x7C30]  }
0x271: {  	v4 =	vld [tilespmem:s0+$0x7C40]  }
0x272: {  	v3 =	vld [tilespmem:s0+$0x7C50]  }
0x273: {  	v2 =	vld [tilespmem:s0+$0x7C60]  }
0x274: {  	v1 =	vld [tilespmem:s0+$0x7C70]  }
0x275: {  	v13 =	vld [tilespmem:s0+$0x2C00]  }
0x276: {  	v14 =	vld [tilespmem:s0+$0x2C10]  }
0x277: {  	v11 =	vld [tilespmem:s0+$0x2C20]  }
0x278: {  	v10 =	vld [tilespmem:s0+$0x2C30]  }
0x279: {  	v9 =	vld [tilespmem:s0+$0x2C40]  }
0x27a: {  	v8 =	vld [tilespmem:s0+$0x2C50];
	v13 =	vadd.f32 v7, v13  }
0x27b: {  	s2 =	simm.s32 $0x200;
	v12 =	vadd.f32 v12, v14;
	v7 =	vld [tilespmem:s0+$0x2C60]  }
.LBB2_18:
0x27c: {  	s9 =	sshra.s32 s2, $0x2;
	p0 =	sne.s32 s2, $0x4E00;
	v13 =	vmax.f32 v13, $0.0e+00;
	v6 =	vadd.f32 v6, v11;
	v11 =	vld [tilespmem:s0+$0x2C70]  }
0x27d: {  	v14 =	vld [tilespmem:s9+$0x7C00];
	[tilespmem:s0+$0x2C00] =	vst v13;
	v12 =	vmax.f32 v12, $0.0e+00;
	v5 =	vadd.f32 v5, v10  }
0x27e: {  	v15 =	vld [tilespmem:s9+$0x7C10];
	[tilespmem:s0+$0x2C10] =	vst v12;
	v10 =	vmax.f32 v6, $0.0e+00;
	v4 =	vadd.f32 v4, v9  }
0x27f: {  	v6 =	vld [tilespmem:s9+$0x7C20];
	[tilespmem:s0+$0x2C20] =	vst v10;
	v9 =	vmax.f32 v5, $0.0e+00;
	v3 =	vadd.f32 v3, v8  }
0x280: {  	v5 =	vld [tilespmem:s9+$0x7C30];
	[tilespmem:s0+$0x2C30] =	vst v9;
	v8 =	vmax.f32 v4, $0.0e+00;
	v2 =	vadd.f32 v2, v7  }
0x281: {  	v4 =	vld [tilespmem:s9+$0x7C40];
	[tilespmem:s0+$0x2C40] =	vst v8;
	v7 =	vmax.f32 v3, $0.0e+00;
	v1 =	vadd.f32 v1, v11  }
0x282: {  	v3 =	vld [tilespmem:s9+$0x7C50];
	[tilespmem:s0+$0x2C50] =	vst v7;
	v7 =	vmax.f32 v2, $0.0e+00  }
0x283: {  	v2 =	vld [tilespmem:s9+$0x7C60];
	[tilespmem:s0+$0x2C60] =	vst v7;
	v7 =	vmax.f32 v1, $0.0e+00  }
0x284: {  	v1 =	vld [tilespmem:s9+$0x7C70];
	[tilespmem:s0+$0x2C70] =	vst v7;
	s0 =	smov.u32 s9  }
0x285: {  	v7 =	vld [tilespmem:s0+$0x2C00]  }
0x286: {  	v12 =	vld [tilespmem:s0+$0x2C10]  }
.Ltmp8:
0x287: {  	v11 =	vld [tilespmem:s0+$0x2C20];
	(pc) =	sbr.rel @p0 .LBB2_18-.Ltmp8, $4  }
0x288: {  	v10 =	vld [tilespmem:s0+$0x2C30]  }
0x289: {  	v9 =	vld [tilespmem:s0+$0x2C40]  }
0x28a: {  	v13 =	vadd.f32 v14, v7;
	v8 =	vld [tilespmem:s0+$0x2C50]  }
0x28b: {  	s2 =	sadd.s32 $0x200, s2;
	v12 =	vadd.f32 v15, v12;
	v7 =	vld [tilespmem:s0+$0x2C60]  }
0x28c: {  	v13 =	vmax.f32 v13, $0.0e+00;
	v6 =	vadd.f32 v6, v11;
	v11 =	vld [tilespmem:s0+$0x2C70]  }
0x28d: {  	[tilespmem:s0+$0x2C00] =	vst v13;
	v12 =	vmax.f32 v12, $0.0e+00;
	v5 =	vadd.f32 v5, v10  }
0x28e: {  	[tilespmem:s0+$0x2C10] =	vst v12;
	v6 =	vmax.f32 v6, $0.0e+00;
	v4 =	vadd.f32 v4, v9  }
0x28f: {  	[tilespmem:s0+$0x2C20] =	vst v6;
	v5 =	vmax.f32 v5, $0.0e+00;
	v3 =	vadd.f32 v3, v8  }
0x290: {  	[tilespmem:s0+$0x2C30] =	vst v5;
	v4 =	vmax.f32 v4, $0.0e+00;
	v2 =	vadd.f32 v2, v7  }
0x291: {  	[tilespmem:s0+$0x2C40] =	vst v4;
	v3 =	vmax.f32 v3, $0.0e+00;
	v1 =	vadd.f32 v1, v11  }
0x292: {  	[tilespmem:s0+$0x2C50] =	vst v3;
	v2 =	vmax.f32 v2, $0.0e+00  }
0x293: {  	[tilespmem:s0+$0x2C60] =	vst v2;
	v1 =	vmax.f32 v1, $0.0e+00  }
0x294: {  	[tilespmem:s0+$0x2C70] =	vst v1  }
0x295: {  	_ =	swait.ge [sflag:s3], $0x28  }
0x296: {  	[sflag:s3] =	ssyncset.done $0x0  }
0x297: {  	s13 =	simm.s32 $0x300;
	s2 =	simm.s32 $0x2C00;
	[sflag:s3] =	ssyncadd.s32 $0xFFFFFFD8  }
0x298: {  	[spmem:s23] =	stream.indirect.scatter.add.f32 [tilespmem:s2], [sflag:$0x11], $0x80, s13, s8, $0xb8;
	[tilespmem:$0x1F400] =	vst v63  }
0x299: {  	_ =	swait.ge [sflag:s31], $0x1400  }
0x29a: {  	[sflag:s31] =	ssyncset.done $0x0  }
0x29b: {  	[sflag:s31] =	ssyncadd.s32 $0xFFFFEC00  }
0x29c: {  	_ =	swait.ge [sflag:s7], $0x28  }
0x29d: {  	s9 =	simm.s32 $0x400;
	[sflag:s7] =	ssyncset.done $0x0  }
0x29e: {  	s0 =	simm.s32 $0x0;
	s13 =	sld [smem:$0x7F9];
	[sflag:s7] =	ssyncadd.s32 $0xFFFFFFD8  }
0x29f: {  	[tilespmem:s9], [sflag:$0x9] =	stream.indirect.gather [hbm4b:s25+s8], $0x80, s0, s8, $0xb8;
	[tilespmem:$0x1F400] =	vst v63  }
0x2a0: {  	s9 =	simm.s32 $0x5400  }
0x2a1: {  	[tilespmem:s9], [sflag:$0xD] =	stream.linear.gather [hbm4b:s13+s0], $0x1400, $0x38;
	[tilespmem:$0x1F400] =	vst v63  }
0x2a2: {  	_ =	swait.ge [sflag:s4], $0x1400  }
0x2a3: {  	[sflag:s4] =	ssyncset.done $0x0  }
0x2a4: {  	[sflag:s4] =	ssyncadd.s32 $0xFFFFEC00  }
0x2a5: {  	_ =	swait.ge [sflag:s5], $0x1400  }
0x2a6: {  	[sflag:s5] =	ssyncset.done $0x0  }
0x2a7: {  	s0 =	simm.s32 $0x0;
	[sflag:s5] =	ssyncadd.s32 $0xFFFFEC00  }
0x2a8: {  	v7 =	vld [tilespmem:s0+$0x9000]  }
0x2a9: {  	v12 =	vld [tilespmem:s0+$0x9010]  }
0x2aa: {  	v6 =	vld [tilespmem:s0+$0x9020]  }
0x2ab: {  	v5 =	vld [tilespmem:s0+$0x9030]  }
0x2ac: {  	v4 =	vld [tilespmem:s0+$0x9040]  }
0x2ad: {  	v3 =	vld [tilespmem:s0+$0x9050]  }
0x2ae: {  	v2 =	vld [tilespmem:s0+$0x9060]  }
0x2af: {  	v1 =	vld [tilespmem:s0+$0x9070]  }
0x2b0: {  	v13 =	vld [tilespmem:s0+$0x4000]  }
0x2b1: {  	v14 =	vld [tilespmem:s0+$0x4010]  }
0x2b2: {  	v11 =	vld [tilespmem:s0+$0x4020]  }
0x2b3: {  	v10 =	vld [tilespmem:s0+$0x4030]  }
0x2b4: {  	v9 =	vld [tilespmem:s0+$0x4040]  }
0x2b5: {  	v8 =	vld [tilespmem:s0+$0x4050];
	v13 =	vadd.f32 v7, v13  }
0x2b6: {  	s2 =	simm.s32 $0x200;
	v12 =	vadd.f32 v12, v14;
	v7 =	vld [tilespmem:s0+$0x4060]  }
.LBB2_20:
0x2b7: {  	s9 =	sshra.s32 s2, $0x2;
	p0 =	sne.s32 s2, $0x4E00;
	v13 =	vmax.f32 v13, $0.0e+00;
	v6 =	vadd.f32 v6, v11;
	v11 =	vld [tilespmem:s0+$0x4070]  }
0x2b8: {  	v14 =	vld [tilespmem:s9+$0x9000];
	[tilespmem:s0+$0x4000] =	vst v13;
	v12 =	vmax.f32 v12, $0.0e+00;
	v5 =	vadd.f32 v5, v10  }
0x2b9: {  	v15 =	vld [tilespmem:s9+$0x9010];
	[tilespmem:s0+$0x4010] =	vst v12;
	v10 =	vmax.f32 v6, $0.0e+00;
	v4 =	vadd.f32 v4, v9  }
0x2ba: {  	v6 =	vld [tilespmem:s9+$0x9020];
	[tilespmem:s0+$0x4020] =	vst v10;
	v9 =	vmax.f32 v5, $0.0e+00;
	v3 =	vadd.f32 v3, v8  }
0x2bb: {  	v5 =	vld [tilespmem:s9+$0x9030];
	[tilespmem:s0+$0x4030] =	vst v9;
	v8 =	vmax.f32 v4, $0.0e+00;
	v2 =	vadd.f32 v2, v7  }
0x2bc: {  	v4 =	vld [tilespmem:s9+$0x9040];
	[tilespmem:s0+$0x4040] =	vst v8;
	v7 =	vmax.f32 v3, $0.0e+00;
	v1 =	vadd.f32 v1, v11  }
0x2bd: {  	v3 =	vld [tilespmem:s9+$0x9050];
	[tilespmem:s0+$0x4050] =	vst v7;
	v7 =	vmax.f32 v2, $0.0e+00  }
0x2be: {  	v2 =	vld [tilespmem:s9+$0x9060];
	[tilespmem:s0+$0x4060] =	vst v7;
	v7 =	vmax.f32 v1, $0.0e+00  }
0x2bf: {  	v1 =	vld [tilespmem:s9+$0x9070];
	[tilespmem:s0+$0x4070] =	vst v7;
	s0 =	smov.u32 s9  }
0x2c0: {  	v7 =	vld [tilespmem:s0+$0x4000]  }
0x2c1: {  	v12 =	vld [tilespmem:s0+$0x4010]  }
.Ltmp9:
0x2c2: {  	v11 =	vld [tilespmem:s0+$0x4020];
	(pc) =	sbr.rel @p0 .LBB2_20-.Ltmp9, $4  }
0x2c3: {  	v10 =	vld [tilespmem:s0+$0x4030]  }
0x2c4: {  	v9 =	vld [tilespmem:s0+$0x4040]  }
0x2c5: {  	v13 =	vadd.f32 v14, v7;
	v8 =	vld [tilespmem:s0+$0x4050]  }
0x2c6: {  	s2 =	sadd.s32 $0x200, s2;
	v12 =	vadd.f32 v15, v12;
	v7 =	vld [tilespmem:s0+$0x4060]  }
0x2c7: {  	v13 =	vmax.f32 v13, $0.0e+00;
	v6 =	vadd.f32 v6, v11;
	v11 =	vld [tilespmem:s0+$0x4070]  }
0x2c8: {  	[tilespmem:s0+$0x4000] =	vst v13;
	v12 =	vmax.f32 v12, $0.0e+00;
	v5 =	vadd.f32 v5, v10  }
0x2c9: {  	[tilespmem:s0+$0x4010] =	vst v12;
	v6 =	vmax.f32 v6, $0.0e+00;
	v4 =	vadd.f32 v4, v9  }
0x2ca: {  	[tilespmem:s0+$0x4020] =	vst v6;
	v5 =	vmax.f32 v5, $0.0e+00;
	v3 =	vadd.f32 v3, v8  }
0x2cb: {  	[tilespmem:s0+$0x4030] =	vst v5;
	v4 =	vmax.f32 v4, $0.0e+00;
	v2 =	vadd.f32 v2, v7  }
0x2cc: {  	[tilespmem:s0+$0x4040] =	vst v4;
	v3 =	vmax.f32 v3, $0.0e+00;
	v1 =	vadd.f32 v1, v11  }
0x2cd: {  	[tilespmem:s0+$0x4050] =	vst v3;
	v2 =	vmax.f32 v2, $0.0e+00  }
0x2ce: {  	[tilespmem:s0+$0x4060] =	vst v2;
	v1 =	vmax.f32 v1, $0.0e+00  }
0x2cf: {  	[tilespmem:s0+$0x4070] =	vst v1  }
0x2d0: {  	_ =	swait.ge [sflag:s6], $0x28  }
0x2d1: {  	[sflag:s6] =	ssyncset.done $0x0  }
0x2d2: {  	s2 =	simm.s32 $0x4000;
	[sflag:s6] =	ssyncadd.s32 $0xFFFFFFD8  }
0x2d3: {  	[spmem:s23] =	stream.indirect.scatter.add.f32 [tilespmem:s2], [sflag:$0x11], $0x80, s20, s8, $0xb8;
	[tilespmem:$0x1F400] =	vst v63  }
0x2d4: {  	_ =	swait.ge [sflag:s31], $0x1400  }
0x2d5: {  	[sflag:s31] =	ssyncset.done $0x0  }
0x2d6: {  	[sflag:s31] =	ssyncadd.s32 $0xFFFFEC00  }
0x2d7: {  	_ =	swait.ge [sflag:s11], $0x28  }
0x2d8: {  	[sflag:s11] =	ssyncset.done $0x0  }
0x2d9: {  	s9 =	simm.s32 $0x1800;
	s2 =	sld [smem:$0x7FA];
	[sflag:s11] =	ssyncadd.s32 $0xFFFFFFD8  }
0x2da: {  	[tilespmem:s9], [sflag:$0xA] =	stream.indirect.gather [hbm4b:s25+s8], $0x80, s10, s8, $0xb8;
	[tilespmem:$0x1F400] =	vst v63  }
0x2db: {  	s13 =	simm.s32 $0x0;
	s9 =	simm.s32 $0x6800  }
0x2dc: {  	[tilespmem:s9], [sflag:$0xE] =	stream.linear.gather [hbm4b:s2+s13], $0x1400, $0x38;
	[tilespmem:$0x1F400] =	vst v63  }
0x2dd: {  	_ =	swait.ge [sflag:s14], $0x1400  }
0x2de: {  	[sflag:s14] =	ssyncset.done $0x0  }
0x2df: {  	[sflag:s14] =	ssyncadd.s32 $0xFFFFEC00  }
0x2e0: {  	_ =	swait.ge [sflag:s15], $0x1400  }
0x2e1: {  	[sflag:s15] =	ssyncset.done $0x0  }
0x2e2: {  	s0 =	simm.s32 $0x0;
	[sflag:s15] =	ssyncadd.s32 $0xFFFFEC00  }
0x2e3: {  	v7 =	vld [tilespmem:s0+$0x5400]  }
0x2e4: {  	v12 =	vld [tilespmem:s0+$0x5410]  }
0x2e5: {  	v6 =	vld [tilespmem:s0+$0x5420]  }
0x2e6: {  	v5 =	vld [tilespmem:s0+$0x5430]  }
0x2e7: {  	v4 =	vld [tilespmem:s0+$0x5440]  }
0x2e8: {  	v3 =	vld [tilespmem:s0+$0x5450]  }
0x2e9: {  	v2 =	vld [tilespmem:s0+$0x5460]  }
0x2ea: {  	v1 =	vld [tilespmem:s0+$0x5470]  }
0x2eb: {  	v13 =	vld [tilespmem:s0+$0x400]  }
0x2ec: {  	v14 =	vld [tilespmem:s0+$0x410]  }
0x2ed: {  	v11 =	vld [tilespmem:s0+$0x420]  }
0x2ee: {  	v10 =	vld [tilespmem:s0+$0x430]  }
0x2ef: {  	v9 =	vld [tilespmem:s0+$0x440]  }
0x2f0: {  	v8 =	vld [tilespmem:s0+$0x450];
	v13 =	vadd.f32 v7, v13  }
0x2f1: {  	s2 =	simm.s32 $0x200;
	v12 =	vadd.f32 v12, v14;
	v7 =	vld [tilespmem:s0+$0x460]  }
.LBB2_22:
0x2f2: {  	s9 =	sshra.s32 s2, $0x2;
	p0 =	sne.s32 s2, $0x4E00;
	v13 =	vmax.f32 v13, $0.0e+00;
	v6 =	vadd.f32 v6, v11;
	v11 =	vld [tilespmem:s0+$0x470]  }
0x2f3: {  	v14 =	vld [tilespmem:s9+$0x5400];
	[tilespmem:s0+$0x400] =	vst v13;
	v12 =	vmax.f32 v12, $0.0e+00;
	v5 =	vadd.f32 v5, v10  }
0x2f4: {  	v15 =	vld [tilespmem:s9+$0x5410];
	[tilespmem:s0+$0x410] =	vst v12;
	v10 =	vmax.f32 v6, $0.0e+00;
	v4 =	vadd.f32 v4, v9  }
0x2f5: {  	v6 =	vld [tilespmem:s9+$0x5420];
	[tilespmem:s0+$0x420] =	vst v10;
	v9 =	vmax.f32 v5, $0.0e+00;
	v3 =	vadd.f32 v3, v8  }
0x2f6: {  	v5 =	vld [tilespmem:s9+$0x5430];
	[tilespmem:s0+$0x430] =	vst v9;
	v8 =	vmax.f32 v4, $0.0e+00;
	v2 =	vadd.f32 v2, v7  }
0x2f7: {  	v4 =	vld [tilespmem:s9+$0x5440];
	[tilespmem:s0+$0x440] =	vst v8;
	v7 =	vmax.f32 v3, $0.0e+00;
	v1 =	vadd.f32 v1, v11  }
0x2f8: {  	v3 =	vld [tilespmem:s9+$0x5450];
	[tilespmem:s0+$0x450] =	vst v7;
	v7 =	vmax.f32 v2, $0.0e+00  }
0x2f9: {  	v2 =	vld [tilespmem:s9+$0x5460];
	[tilespmem:s0+$0x460] =	vst v7;
	v7 =	vmax.f32 v1, $0.0e+00  }
0x2fa: {  	v1 =	vld [tilespmem:s9+$0x5470];
	[tilespmem:s0+$0x470] =	vst v7;
	s0 =	smov.u32 s9  }
0x2fb: {  	v7 =	vld [tilespmem:s0+$0x400]  }
0x2fc: {  	v12 =	vld [tilespmem:s0+$0x410]  }
.Ltmp10:
0x2fd: {  	v11 =	vld [tilespmem:s0+$0x420];
	(pc) =	sbr.rel @p0 .LBB2_22-.Ltmp10, $4  }
0x2fe: {  	v10 =	vld [tilespmem:s0+$0x430]  }
0x2ff: {  	v9 =	vld [tilespmem:s0+$0x440]  }
0x300: {  	v13 =	vadd.f32 v14, v7;
	v8 =	vld [tilespmem:s0+$0x450]  }
0x301: {  	s2 =	sadd.s32 $0x200, s2;
	v12 =	vadd.f32 v15, v12;
	v7 =	vld [tilespmem:s0+$0x460]  }
0x302: {  	v13 =	vmax.f32 v13, $0.0e+00;
	v6 =	vadd.f32 v6, v11;
	v11 =	vld [tilespmem:s0+$0x470]  }
0x303: {  	[tilespmem:s0+$0x400] =	vst v13;
	v12 =	vmax.f32 v12, $0.0e+00;
	v5 =	vadd.f32 v5, v10  }
0x304: {  	[tilespmem:s0+$0x410] =	vst v12;
	v6 =	vmax.f32 v6, $0.0e+00;
	v4 =	vadd.f32 v4, v9  }
0x305: {  	[tilespmem:s0+$0x420] =	vst v6;
	v5 =	vmax.f32 v5, $0.0e+00;
	v3 =	vadd.f32 v3, v8  }
0x306: {  	[tilespmem:s0+$0x430] =	vst v5;
	v4 =	vmax.f32 v4, $0.0e+00;
	v2 =	vadd.f32 v2, v7  }
0x307: {  	[tilespmem:s0+$0x440] =	vst v4;
	v3 =	vmax.f32 v3, $0.0e+00;
	v1 =	vadd.f32 v1, v11  }
0x308: {  	[tilespmem:s0+$0x450] =	vst v3;
	v2 =	vmax.f32 v2, $0.0e+00  }
0x309: {  	[tilespmem:s0+$0x460] =	vst v2;
	v1 =	vmax.f32 v1, $0.0e+00  }
0x30a: {  	[tilespmem:s0+$0x470] =	vst v1  }
0x30b: {  	_ =	swait.ge [sflag:s16], $0x28  }
0x30c: {  	[sflag:s16] =	ssyncset.done $0x0  }
0x30d: {  	s13 =	simm.s32 $0x200;
	s2 =	simm.s32 $0x400;
	[sflag:s16] =	ssyncadd.s32 $0xFFFFFFD8  }
0x30e: {  	[spmem:s23] =	stream.indirect.scatter.add.f32 [tilespmem:s2], [sflag:$0x11], $0x80, s13, s8, $0xb8;
	[tilespmem:$0x1F400] =	vst v63  }
0x30f: {  	_ =	swait.ge [sflag:s31], $0x1400  }
0x310: {  	[sflag:s31] =	ssyncset.done $0x0  }
0x311: {  	[sflag:s31] =	ssyncadd.s32 $0xFFFFEC00  }
0x312: {  	_ =	swait.ge [sflag:s30], $0x1400  }
0x313: {  	[sflag:s30] =	ssyncset.done $0x0  }
0x314: {  	[sflag:s30] =	ssyncadd.s32 $0xFFFFEC00  }
0x315: {  	_ =	swait.ge [sflag:s22], $0x1400  }
0x316: {  	[sflag:s22] =	ssyncset.done $0x0  }
0x317: {  	s0 =	simm.s32 $0x0;
	[sflag:s22] =	ssyncadd.s32 $0xFFFFEC00  }
0x318: {  	v7 =	vld [tilespmem:s0+$0x6800]  }
0x319: {  	v12 =	vld [tilespmem:s0+$0x6810]  }
0x31a: {  	v6 =	vld [tilespmem:s0+$0x6820]  }
0x31b: {  	v5 =	vld [tilespmem:s0+$0x6830]  }
0x31c: {  	v4 =	vld [tilespmem:s0+$0x6840]  }
0x31d: {  	v3 =	vld [tilespmem:s0+$0x6850]  }
0x31e: {  	v2 =	vld [tilespmem:s0+$0x6860]  }
0x31f: {  	v1 =	vld [tilespmem:s0+$0x6870]  }
0x320: {  	v13 =	vld [tilespmem:s0+$0x1800]  }
0x321: {  	v14 =	vld [tilespmem:s0+$0x1810]  }
0x322: {  	v11 =	vld [tilespmem:s0+$0x1820]  }
0x323: {  	v10 =	vld [tilespmem:s0+$0x1830]  }
0x324: {  	v9 =	vld [tilespmem:s0+$0x1840]  }
0x325: {  	v8 =	vld [tilespmem:s0+$0x1850];
	v13 =	vadd.f32 v7, v13  }
0x326: {  	s2 =	simm.s32 $0x200;
	v12 =	vadd.f32 v12, v14;
	v7 =	vld [tilespmem:s0+$0x1860]  }
.LBB2_24:
0x327: {  	s9 =	sshra.s32 s2, $0x2;
	p0 =	sne.s32 s2, $0x4E00;
	v13 =	vmax.f32 v13, $0.0e+00;
	v6 =	vadd.f32 v6, v11;
	v11 =	vld [tilespmem:s0+$0x1870]  }
0x328: {  	v14 =	vld [tilespmem:s9+$0x6800];
	[tilespmem:s0+$0x1800] =	vst v13;
	v12 =	vmax.f32 v12, $0.0e+00;
	v5 =	vadd.f32 v5, v10  }
0x329: {  	v15 =	vld [tilespmem:s9+$0x6810];
	[tilespmem:s0+$0x1810] =	vst v12;
	v10 =	vmax.f32 v6, $0.0e+00;
	v4 =	vadd.f32 v4, v9  }
0x32a: {  	v6 =	vld [tilespmem:s9+$0x6820];
	[tilespmem:s0+$0x1820] =	vst v10;
	v9 =	vmax.f32 v5, $0.0e+00;
	v3 =	vadd.f32 v3, v8  }
0x32b: {  	v5 =	vld [tilespmem:s9+$0x6830];
	[tilespmem:s0+$0x1830] =	vst v9;
	v8 =	vmax.f32 v4, $0.0e+00;
	v2 =	vadd.f32 v2, v7  }
0x32c: {  	v4 =	vld [tilespmem:s9+$0x6840];
	[tilespmem:s0+$0x1840] =	vst v8;
	v7 =	vmax.f32 v3, $0.0e+00;
	v1 =	vadd.f32 v1, v11  }
0x32d: {  	v3 =	vld [tilespmem:s9+$0x6850];
	[tilespmem:s0+$0x1850] =	vst v7;
	v7 =	vmax.f32 v2, $0.0e+00  }
0x32e: {  	v2 =	vld [tilespmem:s9+$0x6860];
	[tilespmem:s0+$0x1860] =	vst v7;
	v7 =	vmax.f32 v1, $0.0e+00  }
0x32f: {  	v1 =	vld [tilespmem:s9+$0x6870];
	[tilespmem:s0+$0x1870] =	vst v7;
	s0 =	smov.u32 s9  }
0x330: {  	v7 =	vld [tilespmem:s0+$0x1800]  }
0x331: {  	v12 =	vld [tilespmem:s0+$0x1810]  }
.Ltmp11:
0x332: {  	v11 =	vld [tilespmem:s0+$0x1820];
	(pc) =	sbr.rel @p0 .LBB2_24-.Ltmp11, $4  }
0x333: {  	v10 =	vld [tilespmem:s0+$0x1830]  }
0x334: {  	v9 =	vld [tilespmem:s0+$0x1840]  }
0x335: {  	v13 =	vadd.f32 v14, v7;
	v8 =	vld [tilespmem:s0+$0x1850]  }
0x336: {  	s2 =	sadd.s32 $0x200, s2;
	v12 =	vadd.f32 v15, v12;
	v7 =	vld [tilespmem:s0+$0x1860]  }
0x337: {  	v13 =	vmax.f32 v13, $0.0e+00;
	v6 =	vadd.f32 v6, v11;
	v63 =	vld [tilespmem:s0+$0x1870]  }
0x338: {  	[tilespmem:s0+$0x1800] =	vst v13;
	v12 =	vmax.f32 v12, $0.0e+00;
	v5 =	vadd.f32 v5, v10  }
0x339: {  	[tilespmem:s0+$0x1810] =	vst v12;
	v6 =	vmax.f32 v6, $0.0e+00;
	v4 =	vadd.f32 v4, v9  }
0x33a: {  	[tilespmem:s0+$0x1820] =	vst v6;
	v5 =	vmax.f32 v5, $0.0e+00;
	v3 =	vadd.f32 v3, v8  }
0x33b: {  	[tilespmem:s0+$0x1830] =	vst v5;
	v4 =	vmax.f32 v4, $0.0e+00;
	v2 =	vadd.f32 v2, v7  }
0x33c: {  	[tilespmem:s0+$0x1840] =	vst v4;
	v3 =	vmax.f32 v3, $0.0e+00;
	v1 =	vadd.f32 v1, v63  }
0x33d: {  	[tilespmem:s0+$0x1850] =	vst v3;
	v2 =	vmax.f32 v2, $0.0e+00  }
0x33e: {  	[tilespmem:s0+$0x1860] =	vst v2;
	v1 =	vmax.f32 v1, $0.0e+00  }
0x33f: {  	[tilespmem:s0+$0x1870] =	vst v1  }
0x340: {  	_ =	swait.ge [sflag:s17], $0x28  }
0x341: {  	[sflag:s17] =	ssyncset.done $0x0  }
0x342: {  	s13 =	simm.s32 $0x280;
	s2 =	simm.s32 $0x1800;
	[sflag:s17] =	ssyncadd.s32 $0xFFFFFFD8  }
0x343: {  	[spmem:s23] =	stream.indirect.scatter.add.f32 [tilespmem:s2], [sflag:$0x11], $0x80, s13, s8, $0xb8;
	[tilespmem:$0x1F400] =	vst v63  }
0x344: {  	_ =	swait.ge [sflag:s31], $0x1400  }
0x345: {  	[sflag:s31] =	ssyncset.done $0x0  }
0x346: {  	[sflag:s31] =	ssyncadd.s32 $0xFFFFEC00  }
0x347: {  	[bflag:$0x0] =	sbarrier.arrive $0xFFFF  }
0x348: {  	s2 =	simm.s32 $0xA400;
	s9 =	rddreg [dreg:$0x19]  }
0x349: {  	[tilespmem:s2], [sflag:$0x11] =	stream.linear.gather [spmem:s9], $0x1000, $0x38;
	[tilespmem:$0x1F400] =	vst v63  }
0x34a: {  	_ =	swait.ge [sflag:s31], $0x1000  }
0x34b: {  	[sflag:s31] =	ssyncset.done $0x0  }
0x34c: {  	s13 =	rddreg [dreg:$0x5];
	[sflag:s31] =	ssyncadd.s32 $0xFFFFF000  }
0x34d: {  	[hbm4b:s13+s1] =	stream.linear.scatter [tilespmem:s2], [sflag:$0x11], $0x1000, $0x38;
	[tilespmem:$0x1F400] =	vst v63  }
0x34e: {  	_ =	swait.ge [sflag:s31], $0x1000  }
0x34f: {  	[sflag:s31] =	ssyncset.done $0x0  }
0x350: {  	s9 =	rddreg [dreg:$0x1a];
	[sflag:s31] =	ssyncadd.s32 $0xFFFFF000  }
0x351: {  	[tilespmem:s2], [sflag:$0x11] =	stream.linear.gather [spmem:s9], $0x1000, $0x38;
	[tilespmem:$0x1F400] =	vst v63  }
0x352: {  	_ =	swait.ge [sflag:s31], $0x1000  }
0x353: {  	[sflag:s31] =	ssyncset.done $0x0  }
0x354: {  	s13 =	rddreg [dreg:$0x6];
	[sflag:s31] =	ssyncadd.s32 $0xFFFFF000  }
0x355: {  	[hbm4b:s13+s1] =	stream.linear.scatter [tilespmem:s2], [sflag:$0x11], $0x1000, $0x38;
	[tilespmem:$0x1F400] =	vst v63  }
0x356: {  	_ =	swait.ge [sflag:s31], $0x1000  }
0x357: {  	[sflag:s31] =	ssyncset.done $0x0  }
0x358: {  	s9 =	rddreg [dreg:$0x1b];
	[sflag:s31] =	ssyncadd.s32 $0xFFFFF000  }
0x359: {  	[tilespmem:s2], [sflag:$0x11] =	stream.linear.gather [spmem:s9], $0x1000, $0x38;
	[tilespmem:$0x1F400] =	vst v63  }
0x35a: {  	_ =	swait.ge [sflag:s31], $0x1000  }
0x35b: {  	[sflag:s31] =	ssyncset.done $0x0  }
0x35c: {  	s13 =	rddreg [dreg:$0x7];
	[sflag:s31] =	ssyncadd.s32 $0xFFFFF000  }
0x35d: {  	[hbm4b:s13+s1] =	stream.linear.scatter [tilespmem:s2], [sflag:$0x11], $0x1000, $0x38;
	[tilespmem:$0x1F400] =	vst v63  }
0x35e: {  	_ =	swait.ge [sflag:s31], $0x1000  }
0x35f: {  	[sflag:s31] =	ssyncset.done $0x0  }
0x360: {  	s9 =	rddreg [dreg:$0x1c];
	[sflag:s31] =	ssyncadd.s32 $0xFFFFF000  }
0x361: {  	[tilespmem:s2], [sflag:$0x11] =	stream.linear.gather [spmem:s9], $0x1000, $0x38;
	[tilespmem:$0x1F400] =	vst v63  }
0x362: {  	_ =	swait.ge [sflag:s31], $0x1000  }
0x363: {  	[sflag:s31] =	ssyncset.done $0x0  }
0x364: {  	s13 =	rddreg [dreg:$0x8];
	[sflag:s31] =	ssyncadd.s32 $0xFFFFF000  }
0x365: {  	[hbm4b:s13+s1] =	stream.linear.scatter [tilespmem:s2], [sflag:$0x11], $0x1000, $0x38;
	[tilespmem:$0x1F400] =	vst v63  }
0x366: {  	_ =	swait.ge [sflag:s31], $0x1000  }
0x367: {  	[sflag:s31] =	ssyncset.done $0x0  }
0x368: {  	s9 =	rddreg [dreg:$0x1d];
	[sflag:s31] =	ssyncadd.s32 $0xFFFFF000  }
0x369: {  	[tilespmem:s2], [sflag:$0x11] =	stream.linear.gather [spmem:s9], $0x1000, $0x38;
	[tilespmem:$0x1F400] =	vst v63  }
0x36a: {  	_ =	swait.ge [sflag:s31], $0x1000  }
0x36b: {  	[sflag:s31] =	ssyncset.done $0x0  }
0x36c: {  	s13 =	rddreg [dreg:$0x9];
	[sflag:s31] =	ssyncadd.s32 $0xFFFFF000  }
0x36d: {  	[hbm4b:s13+s1] =	stream.linear.scatter [tilespmem:s2], [sflag:$0x11], $0x1000, $0x38;
	[tilespmem:$0x1F400] =	vst v63  }
0x36e: {  	_ =	swait.ge [sflag:s31], $0x1000  }
0x36f: {  	[sflag:s31] =	ssyncset.done $0x0  }
0x370: {  	s9 =	rddreg [dreg:$0x1e];
	[sflag:s31] =	ssyncadd.s32 $0xFFFFF000  }
0x371: {  	[tilespmem:s2], [sflag:$0x11] =	stream.linear.gather [spmem:s9], $0x1000, $0x38;
	[tilespmem:$0x1F400] =	vst v63  }
0x372: {  	_ =	swait.ge [sflag:s31], $0x1000  }
0x373: {  	[sflag:s31] =	ssyncset.done $0x0  }
0x374: {  	s13 =	rddreg [dreg:$0xa];
	[sflag:s31] =	ssyncadd.s32 $0xFFFFF000  }
0x375: {  	[hbm4b:s13+s1] =	stream.linear.scatter [tilespmem:s2], [sflag:$0x11], $0x1000, $0x38;
	[tilespmem:$0x1F400] =	vst v63  }
0x376: {  	_ =	swait.ge [sflag:s31], $0x1000  }
0x377: {  	[sflag:s31] =	ssyncset.done $0x0  }
0x378: {  	s9 =	rddreg [dreg:$0x1f];
	[sflag:s31] =	ssyncadd.s32 $0xFFFFF000  }
0x379: {  	[tilespmem:s2], [sflag:$0x11] =	stream.linear.gather [spmem:s9], $0x1000, $0x38;
	[tilespmem:$0x1F400] =	vst v63  }
0x37a: {  	_ =	swait.ge [sflag:s31], $0x1000  }
0x37b: {  	[sflag:s31] =	ssyncset.done $0x0  }
0x37c: {  	s13 =	rddreg [dreg:$0xb];
	[sflag:s31] =	ssyncadd.s32 $0xFFFFF000  }
0x37d: {  	[hbm4b:s13+s1] =	stream.linear.scatter [tilespmem:s2], [sflag:$0x11], $0x1000, $0x38;
	[tilespmem:$0x1F400] =	vst v63  }
0x37e: {  	_ =	swait.ge [sflag:s31], $0x1000  }
0x37f: {  	s9 =	sld [smem:$0x7D8]  }
0x380: {  	[sflag:s31] =	ssyncset.done $0x0  }
0x381: {  	[sflag:s31] =	ssyncadd.s32 $0xFFFFF000  }
0x382: {  	[tilespmem:s2], [sflag:$0x11] =	stream.linear.gather [spmem:s9], $0x1000, $0x38;
	[tilespmem:$0x1F400] =	vst v63  }
0x383: {  	_ =	swait.ge [sflag:s31], $0x1000  }
0x384: {  	[sflag:s31] =	ssyncset.done $0x0  }
0x385: {  	s13 =	rddreg [dreg:$0xc];
	[sflag:s31] =	ssyncadd.s32 $0xFFFFF000  }
0x386: {  	[hbm4b:s13+s1] =	stream.linear.scatter [tilespmem:s2], [sflag:$0x11], $0x1000, $0x38;
	[tilespmem:$0x1F400] =	vst v63  }
0x387: {  	_ =	swait.ge [sflag:s31], $0x1000  }
0x388: {  	s9 =	sld [smem:$0x7D9]  }
0x389: {  	[sflag:s31] =	ssyncset.done $0x0  }
0x38a: {  	[sflag:s31] =	ssyncadd.s32 $0xFFFFF000  }
0x38b: {  	[tilespmem:s2], [sflag:$0x11] =	stream.linear.gather [spmem:s9], $0x1000, $0x38;
	[tilespmem:$0x1F400] =	vst v63  }
0x38c: {  	_ =	swait.ge [sflag:s31], $0x1000  }
0x38d: {  	[sflag:s31] =	ssyncset.done $0x0  }
0x38e: {  	s13 =	rddreg [dreg:$0xd];
	[sflag:s31] =	ssyncadd.s32 $0xFFFFF000  }
0x38f: {  	[hbm4b:s13+s1] =	stream.linear.scatter [tilespmem:s2], [sflag:$0x11], $0x1000, $0x38;
	[tilespmem:$0x1F400] =	vst v63  }
0x390: {  	_ =	swait.ge [sflag:s31], $0x1000  }
0x391: {  	s9 =	sld [smem:$0x7DA]  }
0x392: {  	[sflag:s31] =	ssyncset.done $0x0  }
0x393: {  	[sflag:s31] =	ssyncadd.s32 $0xFFFFF000  }
0x394: {  	[tilespmem:s2], [sflag:$0x11] =	stream.linear.gather [spmem:s9], $0x1000, $0x38;
	[tilespmem:$0x1F400] =	vst v63  }
0x395: {  	_ =	swait.ge [sflag:s31], $0x1000  }
0x396: {  	[sflag:s31] =	ssyncset.done $0x0  }
0x397: {  	s13 =	rddreg [dreg:$0xe];
	[sflag:s31] =	ssyncadd.s32 $0xFFFFF000  }
0x398: {  	[hbm4b:s13+s1] =	stream.linear.scatter [tilespmem:s2], [sflag:$0x11], $0x1000, $0x38;
	[tilespmem:$0x1F400] =	vst v63  }
0x399: {  	_ =	swait.ge [sflag:s31], $0x1000  }
0x39a: {  	s9 =	sld [smem:$0x7DB]  }
0x39b: {  	[sflag:s31] =	ssyncset.done $0x0  }
0x39c: {  	[sflag:s31] =	ssyncadd.s32 $0xFFFFF000  }
0x39d: {  	[tilespmem:s2], [sflag:$0x11] =	stream.linear.gather [spmem:s9], $0x1000, $0x38;
	[tilespmem:$0x1F400] =	vst v63  }
0x39e: {  	_ =	swait.ge [sflag:s31], $0x1000  }
0x39f: {  	[sflag:s31] =	ssyncset.done $0x0  }
0x3a0: {  	s13 =	rddreg [dreg:$0xf];
	[sflag:s31] =	ssyncadd.s32 $0xFFFFF000  }
0x3a1: {  	[hbm4b:s13+s1] =	stream.linear.scatter [tilespmem:s2], [sflag:$0x11], $0x1000, $0x38;
	[tilespmem:$0x1F400] =	vst v63  }
0x3a2: {  	_ =	swait.ge [sflag:s31], $0x1000  }
0x3a3: {  	s9 =	sld [smem:$0x7DC]  }
0x3a4: {  	[sflag:s31] =	ssyncset.done $0x0  }
0x3a5: {  	[sflag:s31] =	ssyncadd.s32 $0xFFFFF000  }
0x3a6: {  	[tilespmem:s2], [sflag:$0x11] =	stream.linear.gather [spmem:s9], $0x1000, $0x38;
	[tilespmem:$0x1F400] =	vst v63  }
0x3a7: {  	_ =	swait.ge [sflag:s31], $0x1000  }
0x3a8: {  	[sflag:s31] =	ssyncset.done $0x0  }
0x3a9: {  	s13 =	rddreg [dreg:$0x10];
	[sflag:s31] =	ssyncadd.s32 $0xFFFFF000  }
0x3aa: {  	[hbm4b:s13+s1] =	stream.linear.scatter [tilespmem:s2], [sflag:$0x11], $0x1000, $0x38;
	[tilespmem:$0x1F400] =	vst v63  }
0x3ab: {  	_ =	swait.ge [sflag:s31], $0x1000  }
0x3ac: {  	s9 =	sld [smem:$0x7DD]  }
0x3ad: {  	[sflag:s31] =	ssyncset.done $0x0  }
0x3ae: {  	[sflag:s31] =	ssyncadd.s32 $0xFFFFF000  }
0x3af: {  	[tilespmem:s2], [sflag:$0x11] =	stream.linear.gather [spmem:s9], $0x1000, $0x38;
	[tilespmem:$0x1F400] =	vst v63  }
0x3b0: {  	_ =	swait.ge [sflag:s31], $0x1000  }
0x3b1: {  	[sflag:s31] =	ssyncset.done $0x0  }
0x3b2: {  	s13 =	rddreg [dreg:$0x11];
	[sflag:s31] =	ssyncadd.s32 $0xFFFFF000  }
0x3b3: {  	[hbm4b:s13+s1] =	stream.linear.scatter [tilespmem:s2], [sflag:$0x11], $0x1000, $0x38;
	[tilespmem:$0x1F400] =	vst v63  }
0x3b4: {  	_ =	swait.ge [sflag:s31], $0x1000  }
0x3b5: {  	s9 =	sld [smem:$0x7DE]  }
0x3b6: {  	[sflag:s31] =	ssyncset.done $0x0  }
0x3b7: {  	[sflag:s31] =	ssyncadd.s32 $0xFFFFF000  }
0x3b8: {  	[tilespmem:s2], [sflag:$0x11] =	stream.linear.gather [spmem:s9], $0x1000, $0x38;
	[tilespmem:$0x1F400] =	vst v63  }
0x3b9: {  	_ =	swait.ge [sflag:s31], $0x1000  }
0x3ba: {  	[sflag:s31] =	ssyncset.done $0x0  }
0x3bb: {  	s13 =	rddreg [dreg:$0x12];
	[sflag:s31] =	ssyncadd.s32 $0xFFFFF000  }
0x3bc: {  	[hbm4b:s13+s1] =	stream.linear.scatter [tilespmem:s2], [sflag:$0x11], $0x1000, $0x38;
	[tilespmem:$0x1F400] =	vst v63  }
0x3bd: {  	_ =	swait.ge [sflag:s31], $0x1000  }
0x3be: {  	s9 =	sld [smem:$0x7DF]  }
0x3bf: {  	[sflag:s31] =	ssyncset.done $0x0  }
0x3c0: {  	[sflag:s31] =	ssyncadd.s32 $0xFFFFF000  }
0x3c1: {  	[tilespmem:s2], [sflag:$0x11] =	stream.linear.gather [spmem:s9], $0x1000, $0x38;
	[tilespmem:$0x1F400] =	vst v63  }
0x3c2: {  	_ =	swait.ge [sflag:s31], $0x1000  }
0x3c3: {  	[sflag:s31] =	ssyncset.done $0x0  }
0x3c4: {  	s13 =	rddreg [dreg:$0x13];
	[sflag:s31] =	ssyncadd.s32 $0xFFFFF000  }
0x3c5: {  	[hbm4b:s13+s1] =	stream.linear.scatter [tilespmem:s2], [sflag:$0x11], $0x1000, $0x38;
	[tilespmem:$0x1F400] =	vst v63  }
0x3c6: {  	_ =	swait.ge [sflag:s31], $0x1000  }
0x3c7: {  	s9 =	sld [smem:$0x7E0]  }
0x3c8: {  	[sflag:s31] =	ssyncset.done $0x0  }
0x3c9: {  	[sflag:s31] =	ssyncadd.s32 $0xFFFFF000  }
0x3ca: {  	[tilespmem:s2], [sflag:$0x11] =	stream.linear.gather [spmem:s9], $0x1000, $0x38;
	[tilespmem:$0x1F400] =	vst v63  }
0x3cb: {  	_ =	swait.ge [sflag:s31], $0x1000  }
0x3cc: {  	[sflag:s31] =	ssyncset.done $0x0  }
0x3cd: {  	s13 =	rddreg [dreg:$0x14];
	[sflag:s31] =	ssyncadd.s32 $0xFFFFF000  }
0x3ce: {  	[hbm4b:s13+s1] =	stream.linear.scatter [tilespmem:s2], [sflag:$0x11], $0x1000, $0x38;
	[tilespmem:$0x1F400] =	vst v63  }
0x3cf: {  	_ =	swait.ge [sflag:s31], $0x1000  }
0x3d0: {  	[sflag:s31] =	ssyncset.done $0x0  }
0x3d1: {  	[sflag:s31] =	ssyncadd.s32 $0xFFFFF000  }
0x3d2: {  	[tilespmem:s2], [sflag:$0x11] =	stream.linear.gather [spmem:s12], $0x1000, $0x38;
	[tilespmem:$0x1F400] =	vst v63  }
0x3d3: {  	_ =	swait.ge [sflag:s31], $0x1000  }
0x3d4: {  	[sflag:s31] =	ssyncset.done $0x0  }
0x3d5: {  	s9 =	rddreg [dreg:$0x15];
	[sflag:s31] =	ssyncadd.s32 $0xFFFFF000  }
0x3d6: {  	[hbm4b:s9+s1] =	stream.linear.scatter [tilespmem:s2], [sflag:$0x11], $0x1000, $0x38;
	[tilespmem:$0x1F400] =	vst v63  }
0x3d7: {  	_ =	swait.ge [sflag:s31], $0x1000  }
0x3d8: {  	[sflag:s31] =	ssyncset.done $0x0  }
0x3d9: {  	[sflag:s31] =	ssyncadd.s32 $0xFFFFF000  }
0x3da: {  	[tilespmem:s2], [sflag:$0x11] =	stream.linear.gather [spmem:s19], $0x1000, $0x38;
	[tilespmem:$0x1F400] =	vst v63  }
0x3db: {  	_ =	swait.ge [sflag:s31], $0x1000  }
0x3dc: {  	[sflag:s31] =	ssyncset.done $0x0  }
0x3dd: {  	s13 =	rddreg [dreg:$0x16];
	[sflag:s31] =	ssyncadd.s32 $0xFFFFF000  }
0x3de: {  	[hbm4b:s13+s1] =	stream.linear.scatter [tilespmem:s2], [sflag:$0x11], $0x1000, $0x38;
	[tilespmem:$0x1F400] =	vst v63  }
0x3df: {  	_ =	swait.ge [sflag:s31], $0x1000  }
0x3e0: {  	s9 =	sld [smem:$0x7E1]  }
0x3e1: {  	[sflag:s31] =	ssyncset.done $0x0  }
0x3e2: {  	[sflag:s31] =	ssyncadd.s32 $0xFFFFF000  }
0x3e3: {  	[tilespmem:s2], [sflag:$0x11] =	stream.linear.gather [spmem:s9], $0x1000, $0x38;
	[tilespmem:$0x1F400] =	vst v63  }
0x3e4: {  	_ =	swait.ge [sflag:s31], $0x1000  }
0x3e5: {  	[sflag:s31] =	ssyncset.done $0x0  }
0x3e6: {  	s13 =	rddreg [dreg:$0x17];
	[sflag:s31] =	ssyncadd.s32 $0xFFFFF000  }
0x3e7: {  	[hbm4b:s13+s1] =	stream.linear.scatter [tilespmem:s2], [sflag:$0x11], $0x1000, $0x38;
	[tilespmem:$0x1F400] =	vst v63  }
0x3e8: {  	_ =	swait.ge [sflag:s31], $0x1000  }
0x3e9: {  	s9 =	sld [smem:$0x7E2]  }
0x3ea: {  	[sflag:s31] =	ssyncset.done $0x0  }
0x3eb: {  	[sflag:s31] =	ssyncadd.s32 $0xFFFFF000  }
0x3ec: {  	[tilespmem:s2], [sflag:$0x11] =	stream.linear.gather [spmem:s9], $0x1000, $0x38;
	[tilespmem:$0x1F400] =	vst v63  }
0x3ed: {  	_ =	swait.ge [sflag:s31], $0x1000  }
0x3ee: {  	[sflag:s31] =	ssyncset.done $0x0  }
0x3ef: {  	s13 =	rddreg [dreg:$0x18];
	[sflag:s31] =	ssyncadd.s32 $0xFFFFF000  }
0x3f0: {  	[hbm4b:s13+s1] =	stream.linear.scatter [tilespmem:s2], [sflag:$0x11], $0x1000, $0x38;
	[tilespmem:$0x1F400] =	vst v63  }
0x3f1: {  	_ =	swait.ge [sflag:s31], $0x1000  }
0x3f2: {  	s9 =	sld [smem:$0x7D7]  }
0x3f3: {  	s13 =	sld [smem:$0x7FB];
	_ =	sdelay $0x1  }
0x3f4: {  	s2 =	sadd.s32 $0x1, s9  }
0x3f5: {  	p0 =	sne.s32 s2, s13  }
.Ltmp12:
0x3f6: {  	_ = 	snop;
	(pc) =	sbr.rel @p0 .LBB2_1-.Ltmp12, $3  }
0x3f7: {  	_ =	sdelay $0x1  }
0x3f8: {  	[sflag:s31] =	ssyncset.done $0x0  }
0x3f9: {  	[sflag:s31] =	ssyncadd.s32 $0xFFFFF000  }
0x3fa: {  	_ =	sfence.sel $0x180000  }
0x3fb: {  	[bflag:$0x0] =	sbarrier.arrive $0xFFFF  }
0x3fc: {  	_ =	strace $0x90000047  }
0x3fd: {  	s0 =	stileid.u32;
	[bflag:$0x2] =	sbarrier.arrive $0xFFFF  }
0x3fe: {  	p0 =	sne.s32 s0, $0x0;
	s0 =	rddreg [dreg:$0x4]  }
0x3ff: {  	s0 =	sadd.s32 @!p0 $0x100000, s0  }
0x400: {  	[sflag:s0] =	ssyncadd.tile.s32 @!p0 $0x1;
	_ =	shalt  }
.Lfunc_end2:
_tile_overlayer_lowered:
.L_overlay_start_2:
0x401: {  	(tag) =	ssettag $0x2  }
0x402: {  	s0 =	rddreg [dreg:$0x0];
	s2 =	stileid.u32  }
0x403: {  	s1 =	rddreg [dreg:$0x1];
	p0 =	sne.s32 s2, $0x0  }
0x404: {  	s3 =	rddreg [dreg:$0x2];
	[bflag:$0x3] =	sbarrier.arrive $0xFFFF;
	s2 =	simm.s32 @!p0 $0x1C11  }
0x405: {  	[timem:s3], [sflag:s2] =	dma.local @!p0 [hbm:s0], s1  }
0x406: {  	s0 =	simm.s32 @!p0 $0x11  }
0x407: {  	_ =	swait.ge @!p0 [sflag:s0], s1  }
0x408: {  	s1 =	ssub.s32 @!p0 $0x0, s1;
	[sflag:s0] =	ssyncset.done @!p0 $0x0  }
0x409: {  	[sflag:s0] =	ssyncadd.s32 @!p0 s1  }
0x40a: {  	[bflag:$0x3] =	sbarrier.arrive $0xFFFF  }
0x40b: {  	_ =	shalt  }

</sc_bundles>
